<compile_context>
chip_gen: v7x
topology: tpu7x:2x2x1
jax: 0.10.2.dev20260603
libtpu: 0.0.44.dev20260713+nightly
codegen_flags: <defaults>
</compile_context>

<pallas_src>
import functools

import jax
import jax.numpy as jnp
from jax import lax
from jax.experimental import pallas as pl
from jax.experimental.pallas import tpu as pltpu
from jax.experimental.pallas import tpu_sc as plsc

_INFO = plsc.get_sparse_core_info()
_NC = _INFO.num_cores
_NS = _INFO.num_subcores
_NW = _NC * _NS
_LANES = _INFO.num_lanes


def _make_sc_kernel(V, D, B, L):
    assert L % 2 == 0
    half = L // 2
    assert B % (8 * _NW) == 0 and D % _LANES == 0
    bpw = B // _NW
    ncol = D // _LANES

    mesh = plsc.VectorSubcoreMesh(core_axis_name="c", subcore_axis_name="s")

    @functools.partial(
        pl.kernel,
        mesh=mesh,
        out_type=jax.ShapeDtypeStruct((B, D), jnp.float32),
        scratch_types=[
            pltpu.VMEM((bpw, 2, half), jnp.int32),
            pltpu.VMEM((half, D), jnp.float32),
            pltpu.VMEM((half, D), jnp.float32),
            pltpu.VMEM((half, D), jnp.float32),
            pltpu.VMEM((half, D), jnp.float32),
            pltpu.VMEM((half, D), jnp.float32),
            pltpu.VMEM((half, D), jnp.float32),
            pltpu.VMEM((bpw, D), jnp.float32),
            pltpu.SemaphoreType.DMA,
            pltpu.SemaphoreType.DMA,
            pltpu.SemaphoreType.DMA,
            pltpu.SemaphoreType.DMA,
            pltpu.SemaphoreType.DMA,
            pltpu.SemaphoreType.DMA,
            pltpu.SemaphoreType.DMA,
        ],
    )
    def k(table_hbm, idx_hbm, out_hbm, idx_v,
          buf0, buf1, buf2, buf3, buf4, buf5, out_v,
          sem0, sem1, sem2, sem3, sem4, sem5, sem_idx):
        wid = lax.axis_index("s") * _NC + lax.axis_index("c")
        base = wid * bpw

        bufs = ((buf0, sem0), (buf1, sem1), (buf2, sem2),
                (buf3, sem3), (buf4, sem4), (buf5, sem5))
        nbuf = len(bufs)
        nprime = nbuf // 2

        pltpu.sync_copy(idx_hbm.at[pl.ds(base, nprime)],
                        idx_v.at[pl.ds(0, nprime)])
        idx_rest = pltpu.make_async_copy(
            idx_hbm.at[pl.ds(base + nprime, bpw - nprime)],
            idx_v.at[pl.ds(nprime, bpw - nprime)],
            sem_idx,
        )
        idx_rest.start()

        def start_half(i, h, buf, sem):
            pltpu.async_copy(table_hbm.at[idx_v.at[i, h]], buf, sem)

        def wait_half(i, h, buf, sem):
            pltpu.make_async_copy(
                table_hbm.at[idx_v.at[i, h]], buf, sem
            ).wait()

        UNROLL = 4
        assert half % UNROLL == 0

        acc_init = tuple(
            jnp.full((_LANES,), -jnp.inf, jnp.float32) for _ in range(ncol)
        )

        def compute_half(buf, acc_in):
            def row_body(jb, acc):
                j = jb * UNROLL
                out = []
                for c in range(ncol):
                    s = pl.ds(c * _LANES, _LANES)
                    m = [buf[j + u, s] for u in range(UNROLL)]
                    while len(m) > 1:
                        m = [jnp.maximum(m[2 * t], m[2 * t + 1])
                             for t in range(len(m) // 2)] + m[len(m) - len(m) % 2:]
                    out.append(jnp.maximum(acc[c], m[0]))
                return tuple(out)

            return lax.fori_loop(0, half // UNROLL, row_body, acc_in)

        def store(i, acc):
            for c in range(ncol):
                out_v[i, pl.ds(c * _LANES, _LANES)] = acc[c]

        for s in range(nbuf):
            start_half(s // 2, s % 2, bufs[s][0], bufs[s][1])
        idx_rest.wait()

        total_halves = 2 * bpw
        main_halves = (total_halves // nbuf) * nbuf
        assert nbuf % 2 == 0

        def loop_body(step, _):
            ebase = step * (nbuf // 2)
            acc = acc_init
            for b in range(nbuf):
                i = ebase + b // 2
                h = b % 2
                buf, sem = bufs[b]
                wait_half(i, h, buf, sem)
                acc = compute_half(buf, acc_init if h == 0 else acc)
                if h == 1:
                    store(i, acc)

                @pl.when(i + nbuf // 2 < bpw)
                def _():
                    start_half(i + nbuf // 2, h, buf, sem)

            return ()

        lax.fori_loop(0, main_halves // nbuf, loop_body, ())

        acc = acc_init
        for s in range(main_halves, total_halves):
            i, h = s // 2, s % 2
            buf, sem = bufs[s % nbuf]
            wait_half(i, h, buf, sem)
            acc = compute_half(buf, acc_init if h == 0 else acc)
            if h == 1:
                store(i, acc)
        pltpu.sync_copy(out_v, out_hbm.at[pl.ds(base, bpw)])

    return k


def kernel(input, table):
    B, L = input.shape
    V, D = table.shape
    idx3 = input.astype(jnp.int32).reshape(B, 2, L // 2)
    return _make_sc_kernel(V, D, B, L)(table, idx3)

# --- scband reference (transcript-rebuilt; emitter-appended) ---
"""Pipeline reference for scband-encoder-bow-65644280152286 (READ-ONLY COPY).

The authoritative reference and input builder live on the scoring server;
editing this copy changes nothing except your own understanding.
"""

import jax, jax.numpy as jnp
import numpy as np

VOCAB = 100000
EMBED_DIM = 128
BATCH = 4096
HIST = 200
DROPOUT = 0.1  # eval mode -> identity

def setup_inputs(seed: int = 0) -> dict:
    key = jax.random.key(seed)
    k1, k2 = jax.random.split(key)
    input_ids = jax.random.randint(k1, (BATCH, HIST), 0, VOCAB)
    table = jax.random.normal(k2, (VOCAB, EMBED_DIM), dtype=jnp.float32)
    return {"input": input_ids, "table": table}

def reference(input, table):
    # embedding lookup: [B, L] -> [B, L, D]
    embedded = jnp.take(table, input, axis=0)
    # F.dropout with training=False is identity
    out = embedded
    # max_pool1d over full length == max over the L axis -> [B, D]
    out = jnp.max(out, axis=1)
    return out

if __name__ == "__main__":
    import jax
    _d = setup_inputs()
    print(jax.jit(kernel)(*tuple(_d.values())))

</pallas_src>

<mosaic_0001>
#map = affine_map<(d0, d1) -> (0, 0)>
#map1 = affine_map<(d0, d1) -> (0, 0, 0)>
module attributes {stable_mosaic.version = 14 : i64} {
  func.func @k(%arg0: i32, %arg1: i32, %arg2: memref<100000x128xf32, #tpu.memory_space<hbm>>, %arg3: memref<4096x2x100xi32, #tpu.memory_space<hbm>>, %arg4: memref<4096x128xf32, #tpu.memory_space<hbm>>, %arg5: memref<128x2x100xi32, #tpu.memory_space<vmem>>, %arg6: memref<100x128xf32, #tpu.memory_space<vmem>>, %arg7: memref<100x128xf32, #tpu.memory_space<vmem>>, %arg8: memref<100x128xf32, #tpu.memory_space<vmem>>, %arg9: memref<100x128xf32, #tpu.memory_space<vmem>>, %arg10: memref<100x128xf32, #tpu.memory_space<vmem>>, %arg11: memref<100x128xf32, #tpu.memory_space<vmem>>, %arg12: memref<128x128xf32, #tpu.memory_space<vmem>>, %arg13: memref<!tpu.dma_semaphore, #tpu.memory_space<semaphore_mem>>, %arg14: memref<!tpu.dma_semaphore, #tpu.memory_space<semaphore_mem>>, %arg15: memref<!tpu.dma_semaphore, #tpu.memory_space<semaphore_mem>>, %arg16: memref<!tpu.dma_semaphore, #tpu.memory_space<semaphore_mem>>, %arg17: memref<!tpu.dma_semaphore, #tpu.memory_space<semaphore_mem>>, %arg18: memref<!tpu.dma_semaphore, #tpu.memory_space<semaphore_mem>>, %arg19: memref<!tpu.dma_semaphore, #tpu.memory_space<semaphore_mem>>) attributes {dimension_semantics = [#tpu.dimension_semantics<core_parallel>, #tpu.dimension_semantics<subcore_parallel>], iteration_bounds = array<i64: 2, 16>, scalar_prefetch = 0 : i64, scratch_operands = 15 : i64, tpu.core_type = #tpu.core_type<sc_vector_subcore>, window_params = [{transform_indices = #map}, {transform_indices = #map1}, {transform_indices = #map}]} {
    %mul3A = arith.constant 2 : i32
    %mul3A_0 = arith.muli %arg1, %mul3A : i32
    %add3A = arith.addi %mul3A_0, %arg0 : i32
    %mul3A_1 = arith.constant 128 : i32
    %mul3A_2 = arith.muli %add3A, %mul3A_1 : i32
    "tpu.region"() ({
      %run_scoped3A = tpu.sem_alloc : memref<!tpu.dma_semaphore, #tpu.memory_space<semaphore_mem>>
      %dma_start3A_249 = arith.constant 0 : i32
      %dma_start3A_250 = arith.constant 0 : i32
      %dma_start3A_251 = arith.constant 0 : i32
      %dma_start3A_252 = tpu.memref_slice %arg5[%dma_start3A_249, %dma_start3A_250, %dma_start3A_251] : memref<128x2x100xi32, #tpu.memory_space<vmem>> -> memref<3x2x100xi32, #tpu.memory_space<vmem>>
      %dma_start3A_253 = arith.constant 0 : i32
      %dma_start3A_254 = arith.constant 0 : i32
      %dma_start3A_255 = tpu.memref_slice %arg3[%mul3A_2, %dma_start3A_253, %dma_start3A_254] : memref<4096x2x100xi32, #tpu.memory_space<hbm>> -> memref<3x2x100xi32, #tpu.memory_space<hbm>>
      %dma_start3A_256 = arith.constant 0 : i32
      %dma_start3A_257 = arith.constant 0 : i32
      %dma_start3A_258 = arith.constant 0 : i32
      %dma_start3A_259 = tpu.memref_slice %arg5[%dma_start3A_256, %dma_start3A_257, %dma_start3A_258] : memref<128x2x100xi32, #tpu.memory_space<vmem>> -> memref<3x2x100xi32, #tpu.memory_space<vmem>>
      %dma_start3A_260 = arith.constant 0 : i32
      %dma_start3A_261 = arith.constant 0 : i32
      %dma_start3A_262 = tpu.memref_slice %arg3[%mul3A_2, %dma_start3A_260, %dma_start3A_261] : memref<4096x2x100xi32, #tpu.memory_space<hbm>> -> memref<3x2x100xi32, #tpu.memory_space<hbm>>
      tpu.enqueue_dma source(%dma_start3A_262 : memref<3x2x100xi32, #tpu.memory_space<hbm>>) target(%dma_start3A_259 : memref<3x2x100xi32, #tpu.memory_space<vmem>>) target_semaphore(%run_scoped3A : memref<!tpu.dma_semaphore, #tpu.memory_space<semaphore_mem>>)
      %dma_wait3A_263 = arith.constant 0 : i32
      %dma_wait3A_264 = arith.constant 0 : i32
      %dma_wait3A_265 = arith.constant 0 : i32
      %dma_wait3A_266 = tpu.memref_slice %arg5[%dma_wait3A_263, %dma_wait3A_264, %dma_wait3A_265] : memref<128x2x100xi32, #tpu.memory_space<vmem>> -> memref<3x2x100xi32, #tpu.memory_space<vmem>>
      %dma_wait3A_267 = arith.constant 0 : i32
      %dma_wait3A_268 = arith.constant 0 : i32
      %dma_wait3A_269 = tpu.memref_slice %arg3[%mul3A_2, %dma_wait3A_267, %dma_wait3A_268] : memref<4096x2x100xi32, #tpu.memory_space<hbm>> -> memref<3x2x100xi32, #tpu.memory_space<hbm>>
      %dma_wait3A_270 = arith.constant 0 : i32
      %dma_wait3A_271 = arith.constant 0 : i32
      %dma_wait3A_272 = arith.constant 0 : i32
      %dma_wait3A_273 = tpu.memref_slice %arg5[%dma_wait3A_270, %dma_wait3A_271, %dma_wait3A_272] : memref<128x2x100xi32, #tpu.memory_space<vmem>> -> memref<3x2x100xi32, #tpu.memory_space<vmem>>
      %dma_wait3A_274 = arith.constant 0 : i32
      %dma_wait3A_275 = arith.constant 0 : i32
      %dma_wait3A_276 = tpu.memref_slice %arg3[%mul3A_2, %dma_wait3A_274, %dma_wait3A_275] : memref<4096x2x100xi32, #tpu.memory_space<hbm>> -> memref<3x2x100xi32, #tpu.memory_space<hbm>>
      tpu.wait_dma2 semaphore(%run_scoped3A : memref<!tpu.dma_semaphore, #tpu.memory_space<semaphore_mem>>) src(%dma_wait3A_276 : memref<3x2x100xi32, #tpu.memory_space<hbm>>) dst(%dma_wait3A_273 : memref<3x2x100xi32, #tpu.memory_space<vmem>>)
      tpu.yield
    }) : () -> ()
    %add3A_3 = arith.constant 3 : i32
    %add3A_4 = arith.addi %mul3A_2, %add3A_3 : i32
    %dma_start3A = arith.constant 3 : i32
    %dma_start3A_5 = arith.constant 0 : i32
    %dma_start3A_6 = arith.constant 0 : i32
    %dma_start3A_7 = tpu.memref_slice %arg5[%dma_start3A, %dma_start3A_5, %dma_start3A_6] : memref<128x2x100xi32, #tpu.memory_space<vmem>> -> memref<125x2x100xi32, #tpu.memory_space<vmem>>
    %dma_start3A_8 = arith.constant 0 : i32
    %dma_start3A_9 = arith.constant 0 : i32
    %dma_start3A_10 = tpu.memref_slice %arg3[%add3A_4, %dma_start3A_8, %dma_start3A_9] : memref<4096x2x100xi32, #tpu.memory_space<hbm>> -> memref<125x2x100xi32, #tpu.memory_space<hbm>>
    %dma_start3A_11 = arith.constant 3 : i32
    %dma_start3A_12 = arith.constant 0 : i32
    %dma_start3A_13 = arith.constant 0 : i32
    %dma_start3A_14 = tpu.memref_slice %arg5[%dma_start3A_11, %dma_start3A_12, %dma_start3A_13] : memref<128x2x100xi32, #tpu.memory_space<vmem>> -> memref<125x2x100xi32, #tpu.memory_space<vmem>>
    %dma_start3A_15 = arith.constant 0 : i32
    %dma_start3A_16 = arith.constant 0 : i32
    %dma_start3A_17 = tpu.memref_slice %arg3[%add3A_4, %dma_start3A_15, %dma_start3A_16] : memref<4096x2x100xi32, #tpu.memory_space<hbm>> -> memref<125x2x100xi32, #tpu.memory_space<hbm>>
    tpu.enqueue_dma source(%dma_start3A_17 : memref<125x2x100xi32, #tpu.memory_space<hbm>>) target(%dma_start3A_14 : memref<125x2x100xi32, #tpu.memory_space<vmem>>) target_semaphore(%arg19 : memref<!tpu.dma_semaphore, #tpu.memory_space<semaphore_mem>>)
    %broadcast_in_dim3A = arith.constant 0xFF800000 : f32
    %broadcast_in_dim3A_18 = vector.broadcast %broadcast_in_dim3A : f32 to vector<16xf32>
    %broadcast_in_dim3A_19 = arith.constant 0xFF800000 : f32
    %broadcast_in_dim3A_20 = vector.broadcast %broadcast_in_dim3A_19 : f32 to vector<16xf32>
    %broadcast_in_dim3A_21 = arith.constant 0xFF800000 : f32
    %broadcast_in_dim3A_22 = vector.broadcast %broadcast_in_dim3A_21 : f32 to vector<16xf32>
    %broadcast_in_dim3A_23 = arith.constant 0xFF800000 : f32
    %broadcast_in_dim3A_24 = vector.broadcast %broadcast_in_dim3A_23 : f32 to vector<16xf32>
    %broadcast_in_dim3A_25 = arith.constant 0xFF800000 : f32
    %broadcast_in_dim3A_26 = vector.broadcast %broadcast_in_dim3A_25 : f32 to vector<16xf32>
    %broadcast_in_dim3A_27 = arith.constant 0xFF800000 : f32
    %broadcast_in_dim3A_28 = vector.broadcast %broadcast_in_dim3A_27 : f32 to vector<16xf32>
    %broadcast_in_dim3A_29 = arith.constant 0xFF800000 : f32
    %broadcast_in_dim3A_30 = vector.broadcast %broadcast_in_dim3A_29 : f32 to vector<16xf32>
    %broadcast_in_dim3A_31 = arith.constant 0xFF800000 : f32
    %broadcast_in_dim3A_32 = vector.broadcast %broadcast_in_dim3A_31 : f32 to vector<16xf32>
    %dma_start3A_33 = arith.constant 0 : i32
    %dma_start3A_34 = arith.constant 0 : i32
    %dma_start3A_35 = arith.constant 0 : i32
    %dma_start3A_36 = tpu.memref_slice %arg5[%dma_start3A_33, %dma_start3A_34, %dma_start3A_35] : memref<128x2x100xi32, #tpu.memory_space<vmem>> -> memref<1x1x100xi32, #tpu.memory_space<vmem>>
    %dma_start3A_37 = tpu.memref_squeeze %dma_start3A_36 : memref<1x1x100xi32, #tpu.memory_space<vmem>> -> memref<100xi32, #tpu.memory_space<vmem>>
    %dma_start3A_38 = arith.constant 0 : i32
    %dma_start3A_39 = arith.constant 0 : i32
    %dma_start3A_40 = tpu.memref_slice %arg2[%dma_start3A_38, %dma_start3A_39] : memref<100000x128xf32, #tpu.memory_space<hbm>> -> memref<100000x128xf32, #tpu.memory_space<hbm>>
    tpu.enqueue_indirect_dma source(%dma_start3A_40 : memref<100000x128xf32, #tpu.memory_space<hbm>>) target(%arg6 : memref<100x128xf32, #tpu.memory_space<vmem>>) offsets(%dma_start3A_37 : memref<100xi32, #tpu.memory_space<vmem>>) semaphore(%arg13 : memref<!tpu.dma_semaphore, #tpu.memory_space<semaphore_mem>>)
    %dma_start3A_41 = arith.constant 0 : i32
    %dma_start3A_42 = arith.constant 1 : i32
    %dma_start3A_43 = arith.constant 0 : i32
    %dma_start3A_44 = tpu.memref_slice %arg5[%dma_start3A_41, %dma_start3A_42, %dma_start3A_43] : memref<128x2x100xi32, #tpu.memory_space<vmem>> -> memref<1x1x100xi32, #tpu.memory_space<vmem>>
    %dma_start3A_45 = tpu.memref_squeeze %dma_start3A_44 : memref<1x1x100xi32, #tpu.memory_space<vmem>> -> memref<100xi32, #tpu.memory_space<vmem>>
    %dma_start3A_46 = arith.constant 0 : i32
    %dma_start3A_47 = arith.constant 0 : i32
    %dma_start3A_48 = tpu.memref_slice %arg2[%dma_start3A_46, %dma_start3A_47] : memref<100000x128xf32, #tpu.memory_space<hbm>> -> memref<100000x128xf32, #tpu.memory_space<hbm>>
    tpu.enqueue_indirect_dma source(%dma_start3A_48 : memref<100000x128xf32, #tpu.memory_space<hbm>>) target(%arg7 : memref<100x128xf32, #tpu.memory_space<vmem>>) offsets(%dma_start3A_45 : memref<100xi32, #tpu.memory_space<vmem>>) semaphore(%arg14 : memref<!tpu.dma_semaphore, #tpu.memory_space<semaphore_mem>>)
    %dma_start3A_49 = arith.constant 1 : i32
    %dma_start3A_50 = arith.constant 0 : i32
    %dma_start3A_51 = arith.constant 0 : i32
    %dma_start3A_52 = tpu.memref_slice %arg5[%dma_start3A_49, %dma_start3A_50, %dma_start3A_51] : memref<128x2x100xi32, #tpu.memory_space<vmem>> -> memref<1x1x100xi32, #tpu.memory_space<vmem>>
    %dma_start3A_53 = tpu.memref_squeeze %dma_start3A_52 : memref<1x1x100xi32, #tpu.memory_space<vmem>> -> memref<100xi32, #tpu.memory_space<vmem>>
    %dma_start3A_54 = arith.constant 0 : i32
    %dma_start3A_55 = arith.constant 0 : i32
    %dma_start3A_56 = tpu.memref_slice %arg2[%dma_start3A_54, %dma_start3A_55] : memref<100000x128xf32, #tpu.memory_space<hbm>> -> memref<100000x128xf32, #tpu.memory_space<hbm>>
    tpu.enqueue_indirect_dma source(%dma_start3A_56 : memref<100000x128xf32, #tpu.memory_space<hbm>>) target(%arg8 : memref<100x128xf32, #tpu.memory_space<vmem>>) offsets(%dma_start3A_53 : memref<100xi32, #tpu.memory_space<vmem>>) semaphore(%arg15 : memref<!tpu.dma_semaphore, #tpu.memory_space<semaphore_mem>>)
    %dma_start3A_57 = arith.constant 1 : i32
    %dma_start3A_58 = arith.constant 1 : i32
    %dma_start3A_59 = arith.constant 0 : i32
    %dma_start3A_60 = tpu.memref_slice %arg5[%dma_start3A_57, %dma_start3A_58, %dma_start3A_59] : memref<128x2x100xi32, #tpu.memory_space<vmem>> -> memref<1x1x100xi32, #tpu.memory_space<vmem>>
    %dma_start3A_61 = tpu.memref_squeeze %dma_start3A_60 : memref<1x1x100xi32, #tpu.memory_space<vmem>> -> memref<100xi32, #tpu.memory_space<vmem>>
    %dma_start3A_62 = arith.constant 0 : i32
    %dma_start3A_63 = arith.constant 0 : i32
    %dma_start3A_64 = tpu.memref_slice %arg2[%dma_start3A_62, %dma_start3A_63] : memref<100000x128xf32, #tpu.memory_space<hbm>> -> memref<100000x128xf32, #tpu.memory_space<hbm>>
    tpu.enqueue_indirect_dma source(%dma_start3A_64 : memref<100000x128xf32, #tpu.memory_space<hbm>>) target(%arg9 : memref<100x128xf32, #tpu.memory_space<vmem>>) offsets(%dma_start3A_61 : memref<100xi32, #tpu.memory_space<vmem>>) semaphore(%arg16 : memref<!tpu.dma_semaphore, #tpu.memory_space<semaphore_mem>>)
    %dma_start3A_65 = arith.constant 2 : i32
    %dma_start3A_66 = arith.constant 0 : i32
    %dma_start3A_67 = arith.constant 0 : i32
    %dma_start3A_68 = tpu.memref_slice %arg5[%dma_start3A_65, %dma_start3A_66, %dma_start3A_67] : memref<128x2x100xi32, #tpu.memory_space<vmem>> -> memref<1x1x100xi32, #tpu.memory_space<vmem>>
    %dma_start3A_69 = tpu.memref_squeeze %dma_start3A_68 : memref<1x1x100xi32, #tpu.memory_space<vmem>> -> memref<100xi32, #tpu.memory_space<vmem>>
    %dma_start3A_70 = arith.constant 0 : i32
    %dma_start3A_71 = arith.constant 0 : i32
    %dma_start3A_72 = tpu.memref_slice %arg2[%dma_start3A_70, %dma_start3A_71] : memref<100000x128xf32, #tpu.memory_space<hbm>> -> memref<100000x128xf32, #tpu.memory_space<hbm>>
    tpu.enqueue_indirect_dma source(%dma_start3A_72 : memref<100000x128xf32, #tpu.memory_space<hbm>>) target(%arg10 : memref<100x128xf32, #tpu.memory_space<vmem>>) offsets(%dma_start3A_69 : memref<100xi32, #tpu.memory_space<vmem>>) semaphore(%arg17 : memref<!tpu.dma_semaphore, #tpu.memory_space<semaphore_mem>>)
    %dma_start3A_73 = arith.constant 2 : i32
    %dma_start3A_74 = arith.constant 1 : i32
    %dma_start3A_75 = arith.constant 0 : i32
    %dma_start3A_76 = tpu.memref_slice %arg5[%dma_start3A_73, %dma_start3A_74, %dma_start3A_75] : memref<128x2x100xi32, #tpu.memory_space<vmem>> -> memref<1x1x100xi32, #tpu.memory_space<vmem>>
    %dma_start3A_77 = tpu.memref_squeeze %dma_start3A_76 : memref<1x1x100xi32, #tpu.memory_space<vmem>> -> memref<100xi32, #tpu.memory_space<vmem>>
    %dma_start3A_78 = arith.constant 0 : i32
    %dma_start3A_79 = arith.constant 0 : i32
    %dma_start3A_80 = tpu.memref_slice %arg2[%dma_start3A_78, %dma_start3A_79] : memref<100000x128xf32, #tpu.memory_space<hbm>> -> memref<100000x128xf32, #tpu.memory_space<hbm>>
    tpu.enqueue_indirect_dma source(%dma_start3A_80 : memref<100000x128xf32, #tpu.memory_space<hbm>>) target(%arg11 : memref<100x128xf32, #tpu.memory_space<vmem>>) offsets(%dma_start3A_77 : memref<100xi32, #tpu.memory_space<vmem>>) semaphore(%arg18 : memref<!tpu.dma_semaphore, #tpu.memory_space<semaphore_mem>>)
    %dma_wait3A = arith.constant 3 : i32
    %dma_wait3A_81 = arith.constant 0 : i32
    %dma_wait3A_82 = arith.constant 0 : i32
    %dma_wait3A_83 = tpu.memref_slice %arg5[%dma_wait3A, %dma_wait3A_81, %dma_wait3A_82] : memref<128x2x100xi32, #tpu.memory_space<vmem>> -> memref<125x2x100xi32, #tpu.memory_space<vmem>>
    %dma_wait3A_84 = arith.constant 0 : i32
    %dma_wait3A_85 = arith.constant 0 : i32
    %dma_wait3A_86 = tpu.memref_slice %arg3[%add3A_4, %dma_wait3A_84, %dma_wait3A_85] : memref<4096x2x100xi32, #tpu.memory_space<hbm>> -> memref<125x2x100xi32, #tpu.memory_space<hbm>>
    %dma_wait3A_87 = arith.constant 3 : i32
    %dma_wait3A_88 = arith.constant 0 : i32
    %dma_wait3A_89 = arith.constant 0 : i32
    %dma_wait3A_90 = tpu.memref_slice %arg5[%dma_wait3A_87, %dma_wait3A_88, %dma_wait3A_89] : memref<128x2x100xi32, #tpu.memory_space<vmem>> -> memref<125x2x100xi32, #tpu.memory_space<vmem>>
    %dma_wait3A_91 = arith.constant 0 : i32
    %dma_wait3A_92 = arith.constant 0 : i32
    %dma_wait3A_93 = tpu.memref_slice %arg3[%add3A_4, %dma_wait3A_91, %dma_wait3A_92] : memref<4096x2x100xi32, #tpu.memory_space<hbm>> -> memref<125x2x100xi32, #tpu.memory_space<hbm>>
    tpu.wait_dma2 semaphore(%arg19 : memref<!tpu.dma_semaphore, #tpu.memory_space<semaphore_mem>>) src(%dma_wait3A_93 : memref<125x2x100xi32, #tpu.memory_space<hbm>>) dst(%dma_wait3A_90 : memref<125x2x100xi32, #tpu.memory_space<vmem>>)
    %scan3A = arith.constant 0 : i32
    %scan3A_94 = arith.constant 42 : i32
    %scan3A_95 = arith.addi %scan3A, %scan3A_94 : i32
    %scan3A_96 = arith.constant 1 : i32
    scf.for %scan3A_249 = %scan3A to %scan3A_95 step %scan3A_96  : i32 {
      %mul3A_250 = arith.constant 3 : i32
      %mul3A_251 = arith.muli %scan3A_249, %mul3A_250 : i32
      %add3A_252 = arith.constant 0 : i32
      %add3A_253 = arith.addi %mul3A_251, %add3A_252 : i32
      %dma_wait3A_254 = arith.constant 0 : i32
      %dma_wait3A_255 = arith.constant 0 : i32
      %dma_wait3A_256 = tpu.memref_slice %arg5[%add3A_253, %dma_wait3A_254, %dma_wait3A_255] : memref<128x2x100xi32, #tpu.memory_space<vmem>> -> memref<1x1x100xi32, #tpu.memory_space<vmem>>
      %dma_wait3A_257 = tpu.memref_squeeze %dma_wait3A_256 : memref<1x1x100xi32, #tpu.memory_space<vmem>> -> memref<100xi32, #tpu.memory_space<vmem>>
      %dma_wait3A_258 = arith.constant 0 : i32
      %dma_wait3A_259 = arith.constant 0 : i32
      %dma_wait3A_260 = tpu.memref_slice %arg2[%dma_wait3A_258, %dma_wait3A_259] : memref<100000x128xf32, #tpu.memory_space<hbm>> -> memref<100000x128xf32, #tpu.memory_space<hbm>>
      tpu.wait_indirect_dma semaphore(%arg13 : memref<!tpu.dma_semaphore, #tpu.memory_space<semaphore_mem>>) src(%dma_wait3A_260 : memref<100000x128xf32, #tpu.memory_space<hbm>>) dst(%arg6 : memref<100x128xf32, #tpu.memory_space<vmem>>)
      %scan3A_261 = arith.constant 0 : i32
      %scan3A_262 = arith.constant 25 : i32
      %scan3A_263 = arith.addi %scan3A_261, %scan3A_262 : i32
      %scan3A_264 = arith.constant 1 : i32
      %scan3A_265:8 = scf.for %scan3A_501 = %scan3A_261 to %scan3A_263 step %scan3A_264 iter_args(%scan3A_502 = %broadcast_in_dim3A_18, %scan3A_503 = %broadcast_in_dim3A_20, %scan3A_504 = %broadcast_in_dim3A_22, %scan3A_505 = %broadcast_in_dim3A_24, %scan3A_506 = %broadcast_in_dim3A_26, %scan3A_507 = %broadcast_in_dim3A_28, %scan3A_508 = %broadcast_in_dim3A_30, %scan3A_509 = %broadcast_in_dim3A_32) -> (vector<16xf32>, vector<16xf32>, vector<16xf32>, vector<16xf32>, vector<16xf32>, vector<16xf32>, vector<16xf32>, vector<16xf32>)  : i32 {
        %mul3A_510 = arith.constant 4 : i32
        %mul3A_511 = arith.muli %scan3A_501, %mul3A_510 : i32
        %add3A_512 = arith.constant 0 : i32
        %add3A_513 = arith.addi %mul3A_511, %add3A_512 : i32
        %get3A = arith.index_cast %add3A_513 : i32 to index
        %get3A_514 = arith.constant 0 : index
        %get3A_515 = tpu.vector_load %arg6[%get3A, %get3A_514] {strides = array<i32>} : memref<100x128xf32, #tpu.memory_space<vmem>>, vector<1x16xf32>,
        %get3A_516 = vector.shape_cast %get3A_515 : vector<1x16xf32> to vector<16xf32>
        %add3A_517 = arith.constant 1 : i32
        %add3A_518 = arith.addi %mul3A_511, %add3A_517 : i32
        %get3A_519 = arith.index_cast %add3A_518 : i32 to index
        %get3A_520 = arith.constant 0 : index
        %get3A_521 = tpu.vector_load %arg6[%get3A_519, %get3A_520] {strides = array<i32>} : memref<100x128xf32, #tpu.memory_space<vmem>>, vector<1x16xf32>,
        %get3A_522 = vector.shape_cast %get3A_521 : vector<1x16xf32> to vector<16xf32>
        %add3A_523 = arith.constant 2 : i32
        %add3A_524 = arith.addi %mul3A_511, %add3A_523 : i32
        %get3A_525 = arith.index_cast %add3A_524 : i32 to index
        %get3A_526 = arith.constant 0 : index
        %get3A_527 = tpu.vector_load %arg6[%get3A_525, %get3A_526] {strides = array<i32>} : memref<100x128xf32, #tpu.memory_space<vmem>>, vector<1x16xf32>,
        %get3A_528 = vector.shape_cast %get3A_527 : vector<1x16xf32> to vector<16xf32>
        %add3A_529 = arith.constant 3 : i32
        %add3A_530 = arith.addi %mul3A_511, %add3A_529 : i32
        %get3A_531 = arith.index_cast %add3A_530 : i32 to index
        %get3A_532 = arith.constant 0 : index
        %get3A_533 = tpu.vector_load %arg6[%get3A_531, %get3A_532] {strides = array<i32>} : memref<100x128xf32, #tpu.memory_space<vmem>>, vector<1x16xf32>,
        %get3A_534 = vector.shape_cast %get3A_533 : vector<1x16xf32> to vector<16xf32>
        %max3A = arith.maximumf %get3A_516, %get3A_522 : vector<16xf32>
        %max3A_535 = arith.maximumf %get3A_528, %get3A_534 : vector<16xf32>
        %max3A_536 = arith.maximumf %max3A, %max3A_535 : vector<16xf32>
        %max3A_537 = arith.maximumf %scan3A_502, %max3A_536 : vector<16xf32>
        %add3A_538 = arith.constant 0 : i32
        %add3A_539 = arith.addi %mul3A_511, %add3A_538 : i32
        %get3A_540 = arith.index_cast %add3A_539 : i32 to index
        %get3A_541 = arith.constant 16 : index
        %get3A_542 = tpu.vector_load %arg6[%get3A_540, %get3A_541] {strides = array<i32>} : memref<100x128xf32, #tpu.memory_space<vmem>>, vector<1x16xf32>,
        %get3A_543 = vector.shape_cast %get3A_542 : vector<1x16xf32> to vector<16xf32>
        %add3A_544 = arith.constant 1 : i32
        %add3A_545 = arith.addi %mul3A_511, %add3A_544 : i32
        %get3A_546 = arith.index_cast %add3A_545 : i32 to index
        %get3A_547 = arith.constant 16 : index
        %get3A_548 = tpu.vector_load %arg6[%get3A_546, %get3A_547] {strides = array<i32>} : memref<100x128xf32, #tpu.memory_space<vmem>>, vector<1x16xf32>,
        %get3A_549 = vector.shape_cast %get3A_548 : vector<1x16xf32> to vector<16xf32>
        %add3A_550 = arith.constant 2 : i32
        %add3A_551 = arith.addi %mul3A_511, %add3A_550 : i32
        %get3A_552 = arith.index_cast %add3A_551 : i32 to index
        %get3A_553 = arith.constant 16 : index
        %get3A_554 = tpu.vector_load %arg6[%get3A_552, %get3A_553] {strides = array<i32>} : memref<100x128xf32, #tpu.memory_space<vmem>>, vector<1x16xf32>,
        %get3A_555 = vector.shape_cast %get3A_554 : vector<1x16xf32> to vector<16xf32>
        %add3A_556 = arith.constant 3 : i32
        %add3A_557 = arith.addi %mul3A_511, %add3A_556 : i32
        %get3A_558 = arith.index_cast %add3A_557 : i32 to index
        %get3A_559 = arith.constant 16 : index
        %get3A_560 = tpu.vector_load %arg6[%get3A_558, %get3A_559] {strides = array<i32>} : memref<100x128xf32, #tpu.memory_space<vmem>>, vector<1x16xf32>,
        %get3A_561 = vector.shape_cast %get3A_560 : vector<1x16xf32> to vector<16xf32>
        %max3A_562 = arith.maximumf %get3A_543, %get3A_549 : vector<16xf32>
        %max3A_563 = arith.maximumf %get3A_555, %get3A_561 : vector<16xf32>
        %max3A_564 = arith.maximumf %max3A_562, %max3A_563 : vector<16xf32>
        %max3A_565 = arith.maximumf %scan3A_503, %max3A_564 : vector<16xf32>
        %add3A_566 = arith.constant 0 : i32
        %add3A_567 = arith.addi %mul3A_511, %add3A_566 : i32
        %get3A_568 = arith.index_cast %add3A_567 : i32 to index
        %get3A_569 = arith.constant 32 : index
        %get3A_570 = tpu.vector_load %arg6[%get3A_568, %get3A_569] {strides = array<i32>} : memref<100x128xf32, #tpu.memory_space<vmem>>, vector<1x16xf32>,
        %get3A_571 = vector.shape_cast %get3A_570 : vector<1x16xf32> to vector<16xf32>
        %add3A_572 = arith.constant 1 : i32
        %add3A_573 = arith.addi %mul3A_511, %add3A_572 : i32
        %get3A_574 = arith.index_cast %add3A_573 : i32 to index
        %get3A_575 = arith.constant 32 : index
        %get3A_576 = tpu.vector_load %arg6[%get3A_574, %get3A_575] {strides = array<i32>} : memref<100x128xf32, #tpu.memory_space<vmem>>, vector<1x16xf32>,
        %get3A_577 = vector.shape_cast %get3A_576 : vector<1x16xf32> to vector<16xf32>
        %add3A_578 = arith.constant 2 : i32
        %add3A_579 = arith.addi %mul3A_511, %add3A_578 : i32
        %get3A_580 = arith.index_cast %add3A_579 : i32 to index
        %get3A_581 = arith.constant 32 : index
        %get3A_582 = tpu.vector_load %arg6[%get3A_580, %get3A_581] {strides = array<i32>} : memref<100x128xf32, #tpu.memory_space<vmem>>, vector<1x16xf32>,
        %get3A_583 = vector.shape_cast %get3A_582 : vector<1x16xf32> to vector<16xf32>
        %add3A_584 = arith.constant 3 : i32
        %add3A_585 = arith.addi %mul3A_511, %add3A_584 : i32
        %get3A_586 = arith.index_cast %add3A_585 : i32 to index
        %get3A_587 = arith.constant 32 : index
        %get3A_588 = tpu.vector_load %arg6[%get3A_586, %get3A_587] {strides = array<i32>} : memref<100x128xf32, #tpu.memory_space<vmem>>, vector<1x16xf32>,
        %get3A_589 = vector.shape_cast %get3A_588 : vector<1x16xf32> to vector<16xf32>
        %max3A_590 = arith.maximumf %get3A_571, %get3A_577 : vector<16xf32>
        %max3A_591 = arith.maximumf %get3A_583, %get3A_589 : vector<16xf32>
        %max3A_592 = arith.maximumf %max3A_590, %max3A_591 : vector<16xf32>
        %max3A_593 = arith.maximumf %scan3A_504, %max3A_592 : vector<16xf32>
        %add3A_594 = arith.constant 0 : i32
        %add3A_595 = arith.addi %mul3A_511, %add3A_594 : i32
        %get3A_596 = arith.index_cast %add3A_595 : i32 to index
        %get3A_597 = arith.constant 48 : index
        %get3A_598 = tpu.vector_load %arg6[%get3A_596, %get3A_597] {strides = array<i32>} : memref<100x128xf32, #tpu.memory_space<vmem>>, vector<1x16xf32>,
        %get3A_599 = vector.shape_cast %get3A_598 : vector<1x16xf32> to vector<16xf32>
        %add3A_600 = arith.constant 1 : i32
        %add3A_601 = arith.addi %mul3A_511, %add3A_600 : i32
        %get3A_602 = arith.index_cast %add3A_601 : i32 to index
        %get3A_603 = arith.constant 48 : index
        %get3A_604 = tpu.vector_load %arg6[%get3A_602, %get3A_603] {strides = array<i32>} : memref<100x128xf32, #tpu.memory_space<vmem>>, vector<1x16xf32>,
        %get3A_605 = vector.shape_cast %get3A_604 : vector<1x16xf32> to vector<16xf32>
        %add3A_606 = arith.constant 2 : i32
        %add3A_607 = arith.addi %mul3A_511, %add3A_606 : i32
        %get3A_608 = arith.index_cast %add3A_607 : i32 to index
        %get3A_609 = arith.constant 48 : index
        %get3A_610 = tpu.vector_load %arg6[%get3A_608, %get3A_609] {strides = array<i32>} : memref<100x128xf32, #tpu.memory_space<vmem>>, vector<1x16xf32>,
        %get3A_611 = vector.shape_cast %get3A_610 : vector<1x16xf32> to vector<16xf32>
        %add3A_612 = arith.constant 3 : i32
        %add3A_613 = arith.addi %mul3A_511, %add3A_612 : i32
        %get3A_614 = arith.index_cast %add3A_613 : i32 to index
        %get3A_615 = arith.constant 48 : index
        %get3A_616 = tpu.vector_load %arg6[%get3A_614, %get3A_615] {strides = array<i32>} : memref<100x128xf32, #tpu.memory_space<vmem>>, vector<1x16xf32>,
        %get3A_617 = vector.shape_cast %get3A_616 : vector<1x16xf32> to vector<16xf32>
        %max3A_618 = arith.maximumf %get3A_599, %get3A_605 : vector<16xf32>
        %max3A_619 = arith.maximumf %get3A_611, %get3A_617 : vector<16xf32>
        %max3A_620 = arith.maximumf %max3A_618, %max3A_619 : vector<16xf32>
        %max3A_621 = arith.maximumf %scan3A_505, %max3A_620 : vector<16xf32>
        %add3A_622 = arith.constant 0 : i32
        %add3A_623 = arith.addi %mul3A_511, %add3A_622 : i32
        %get3A_624 = arith.index_cast %add3A_623 : i32 to index
        %get3A_625 = arith.constant 64 : index
        %get3A_626 = tpu.vector_load %arg6[%get3A_624, %get3A_625] {strides = array<i32>} : memref<100x128xf32, #tpu.memory_space<vmem>>, vector<1x16xf32>,
        %get3A_627 = vector.shape_cast %get3A_626 : vector<1x16xf32> to vector<16xf32>
        %add3A_628 = arith.constant 1 : i32
        %add3A_629 = arith.addi %mul3A_511, %add3A_628 : i32
        %get3A_630 = arith.index_cast %add3A_629 : i32 to index
        %get3A_631 = arith.constant 64 : index
        %get3A_632 = tpu.vector_load %arg6[%get3A_630, %get3A_631] {strides = array<i32>} : memref<100x128xf32, #tpu.memory_space<vmem>>, vector<1x16xf32>,
        %get3A_633 = vector.shape_cast %get3A_632 : vector<1x16xf32> to vector<16xf32>
        %add3A_634 = arith.constant 2 : i32
        %add3A_635 = arith.addi %mul3A_511, %add3A_634 : i32
        %get3A_636 = arith.index_cast %add3A_635 : i32 to index
        %get3A_637 = arith.constant 64 : index
        %get3A_638 = tpu.vector_load %arg6[%get3A_636, %get3A_637] {strides = array<i32>} : memref<100x128xf32, #tpu.memory_space<vmem>>, vector<1x16xf32>,
        %get3A_639 = vector.shape_cast %get3A_638 : vector<1x16xf32> to vector<16xf32>
        %add3A_640 = arith.constant 3 : i32
        %add3A_641 = arith.addi %mul3A_511, %add3A_640 : i32
        %get3A_642 = arith.index_cast %add3A_641 : i32 to index
        %get3A_643 = arith.constant 64 : index
        %get3A_644 = tpu.vector_load %arg6[%get3A_642, %get3A_643] {strides = array<i32>} : memref<100x128xf32, #tpu.memory_space<vmem>>, vector<1x16xf32>,
        %get3A_645 = vector.shape_cast %get3A_644 : vector<1x16xf32> to vector<16xf32>
        %max3A_646 = arith.maximumf %get3A_627, %get3A_633 : vector<16xf32>
        %max3A_647 = arith.maximumf %get3A_639, %get3A_645 : vector<16xf32>
        %max3A_648 = arith.maximumf %max3A_646, %max3A_647 : vector<16xf32>
        %max3A_649 = arith.maximumf %scan3A_506, %max3A_648 : vector<16xf32>
        %add3A_650 = arith.constant 0 : i32
        %add3A_651 = arith.addi %mul3A_511, %add3A_650 : i32
        %get3A_652 = arith.index_cast %add3A_651 : i32 to index
        %get3A_653 = arith.constant 80 : index
        %get3A_654 = tpu.vector_load %arg6[%get3A_652, %get3A_653] {strides = array<i32>} : memref<100x128xf32, #tpu.memory_space<vmem>>, vector<1x16xf32>,
        %get3A_655 = vector.shape_cast %get3A_654 : vector<1x16xf32> to vector<16xf32>
        %add3A_656 = arith.constant 1 : i32
        %add3A_657 = arith.addi %mul3A_511, %add3A_656 : i32
        %get3A_658 = arith.index_cast %add3A_657 : i32 to index
        %get3A_659 = arith.constant 80 : index
        %get3A_660 = tpu.vector_load %arg6[%get3A_658, %get3A_659] {strides = array<i32>} : memref<100x128xf32, #tpu.memory_space<vmem>>, vector<1x16xf32>,
        %get3A_661 = vector.shape_cast %get3A_660 : vector<1x16xf32> to vector<16xf32>
        %add3A_662 = arith.constant 2 : i32
        %add3A_663 = arith.addi %mul3A_511, %add3A_662 : i32
        %get3A_664 = arith.index_cast %add3A_663 : i32 to index
        %get3A_665 = arith.constant 80 : index
        %get3A_666 = tpu.vector_load %arg6[%get3A_664, %get3A_665] {strides = array<i32>} : memref<100x128xf32, #tpu.memory_space<vmem>>, vector<1x16xf32>,
        %get3A_667 = vector.shape_cast %get3A_666 : vector<1x16xf32> to vector<16xf32>
        %add3A_668 = arith.constant 3 : i32
        %add3A_669 = arith.addi %mul3A_511, %add3A_668 : i32
        %get3A_670 = arith.index_cast %add3A_669 : i32 to index
        %get3A_671 = arith.constant 80 : index
        %get3A_672 = tpu.vector_load %arg6[%get3A_670, %get3A_671] {strides = array<i32>} : memref<100x128xf32, #tpu.memory_space<vmem>>, vector<1x16xf32>,
        %get3A_673 = vector.shape_cast %get3A_672 : vector<1x16xf32> to vector<16xf32>
        %max3A_674 = arith.maximumf %get3A_655, %get3A_661 : vector<16xf32>
        %max3A_675 = arith.maximumf %get3A_667, %get3A_673 : vector<16xf32>
        %max3A_676 = arith.maximumf %max3A_674, %max3A_675 : vector<16xf32>
        %max3A_677 = arith.maximumf %scan3A_507, %max3A_676 : vector<16xf32>
        %add3A_678 = arith.constant 0 : i32
        %add3A_679 = arith.addi %mul3A_511, %add3A_678 : i32
        %get3A_680 = arith.index_cast %add3A_679 : i32 to index
        %get3A_681 = arith.constant 96 : index
        %get3A_682 = tpu.vector_load %arg6[%get3A_680, %get3A_681] {strides = array<i32>} : memref<100x128xf32, #tpu.memory_space<vmem>>, vector<1x16xf32>,
        %get3A_683 = vector.shape_cast %get3A_682 : vector<1x16xf32> to vector<16xf32>
        %add3A_684 = arith.constant 1 : i32
        %add3A_685 = arith.addi %mul3A_511, %add3A_684 : i32
        %get3A_686 = arith.index_cast %add3A_685 : i32 to index
        %get3A_687 = arith.constant 96 : index
        %get3A_688 = tpu.vector_load %arg6[%get3A_686, %get3A_687] {strides = array<i32>} : memref<100x128xf32, #tpu.memory_space<vmem>>, vector<1x16xf32>,
        %get3A_689 = vector.shape_cast %get3A_688 : vector<1x16xf32> to vector<16xf32>
        %add3A_690 = arith.constant 2 : i32
        %add3A_691 = arith.addi %mul3A_511, %add3A_690 : i32
        %get3A_692 = arith.index_cast %add3A_691 : i32 to index
        %get3A_693 = arith.constant 96 : index
        %get3A_694 = tpu.vector_load %arg6[%get3A_692, %get3A_693] {strides = array<i32>} : memref<100x128xf32, #tpu.memory_space<vmem>>, vector<1x16xf32>,
        %get3A_695 = vector.shape_cast %get3A_694 : vector<1x16xf32> to vector<16xf32>
        %add3A_696 = arith.constant 3 : i32
        %add3A_697 = arith.addi %mul3A_511, %add3A_696 : i32
        %get3A_698 = arith.index_cast %add3A_697 : i32 to index
        %get3A_699 = arith.constant 96 : index
        %get3A_700 = tpu.vector_load %arg6[%get3A_698, %get3A_699] {strides = array<i32>} : memref<100x128xf32, #tpu.memory_space<vmem>>, vector<1x16xf32>,
        %get3A_701 = vector.shape_cast %get3A_700 : vector<1x16xf32> to vector<16xf32>
        %max3A_702 = arith.maximumf %get3A_683, %get3A_689 : vector<16xf32>
        %max3A_703 = arith.maximumf %get3A_695, %get3A_701 : vector<16xf32>
        %max3A_704 = arith.maximumf %max3A_702, %max3A_703 : vector<16xf32>
        %max3A_705 = arith.maximumf %scan3A_508, %max3A_704 : vector<16xf32>
        %add3A_706 = arith.constant 0 : i32
        %add3A_707 = arith.addi %mul3A_511, %add3A_706 : i32
        %get3A_708 = arith.index_cast %add3A_707 : i32 to index
        %get3A_709 = arith.constant 112 : index
        %get3A_710 = tpu.vector_load %arg6[%get3A_708, %get3A_709] {strides = array<i32>} : memref<100x128xf32, #tpu.memory_space<vmem>>, vector<1x16xf32>,
        %get3A_711 = vector.shape_cast %get3A_710 : vector<1x16xf32> to vector<16xf32>
        %add3A_712 = arith.constant 1 : i32
        %add3A_713 = arith.addi %mul3A_511, %add3A_712 : i32
        %get3A_714 = arith.index_cast %add3A_713 : i32 to index
        %get3A_715 = arith.constant 112 : index
        %get3A_716 = tpu.vector_load %arg6[%get3A_714, %get3A_715] {strides = array<i32>} : memref<100x128xf32, #tpu.memory_space<vmem>>, vector<1x16xf32>,
        %get3A_717 = vector.shape_cast %get3A_716 : vector<1x16xf32> to vector<16xf32>
        %add3A_718 = arith.constant 2 : i32
        %add3A_719 = arith.addi %mul3A_511, %add3A_718 : i32
        %get3A_720 = arith.index_cast %add3A_719 : i32 to index
        %get3A_721 = arith.constant 112 : index
        %get3A_722 = tpu.vector_load %arg6[%get3A_720, %get3A_721] {strides = array<i32>} : memref<100x128xf32, #tpu.memory_space<vmem>>, vector<1x16xf32>,
        %get3A_723 = vector.shape_cast %get3A_722 : vector<1x16xf32> to vector<16xf32>
        %add3A_724 = arith.constant 3 : i32
        %add3A_725 = arith.addi %mul3A_511, %add3A_724 : i32
        %get3A_726 = arith.index_cast %add3A_725 : i32 to index
        %get3A_727 = arith.constant 112 : index
        %get3A_728 = tpu.vector_load %arg6[%get3A_726, %get3A_727] {strides = array<i32>} : memref<100x128xf32, #tpu.memory_space<vmem>>, vector<1x16xf32>,
        %get3A_729 = vector.shape_cast %get3A_728 : vector<1x16xf32> to vector<16xf32>
        %max3A_730 = arith.maximumf %get3A_711, %get3A_717 : vector<16xf32>
        %max3A_731 = arith.maximumf %get3A_723, %get3A_729 : vector<16xf32>
        %max3A_732 = arith.maximumf %max3A_730, %max3A_731 : vector<16xf32>
        %max3A_733 = arith.maximumf %scan3A_509, %max3A_732 : vector<16xf32>
        scf.yield %max3A_537, %max3A_565, %max3A_593, %max3A_621, %max3A_649, %max3A_677, %max3A_705, %max3A_733 : vector<16xf32>, vector<16xf32>, vector<16xf32>, vector<16xf32>, vector<16xf32>, vector<16xf32>, vector<16xf32>, vector<16xf32>
      }
      %scan3A_266 = arith.constant 25 : i32
      %add3A_267 = arith.constant 3 : i32
      %add3A_268 = arith.addi %add3A_253, %add3A_267 : i32
      %lt3A = arith.constant 128 : i32
      %lt3A_269 = arith.cmpi slt, %add3A_268, %lt3A : i32
      %convert_element_type3A = arith.extui %lt3A_269 : i1 to i32
      %cond3A = arith.constant 0 : i32
      %cond3A_270 = arith.cmpi ne, %convert_element_type3A, %cond3A : i32
      scf.if %cond3A_270 {
        %add3A_501 = arith.constant 3 : i32
        %add3A_502 = arith.addi %add3A_253, %add3A_501 : i32
        %dma_start3A_503 = arith.constant 0 : i32
        %dma_start3A_504 = arith.constant 0 : i32
        %dma_start3A_505 = tpu.memref_slice %arg5[%add3A_502, %dma_start3A_503, %dma_start3A_504] : memref<128x2x100xi32, #tpu.memory_space<vmem>> -> memref<1x1x100xi32, #tpu.memory_space<vmem>>
        %dma_start3A_506 = tpu.memref_squeeze %dma_start3A_505 : memref<1x1x100xi32, #tpu.memory_space<vmem>> -> memref<100xi32, #tpu.memory_space<vmem>>
        %dma_start3A_507 = arith.constant 0 : i32
        %dma_start3A_508 = arith.constant 0 : i32
        %dma_start3A_509 = tpu.memref_slice %arg2[%dma_start3A_507, %dma_start3A_508] : memref<100000x128xf32, #tpu.memory_space<hbm>> -> memref<100000x128xf32, #tpu.memory_space<hbm>>
        tpu.enqueue_indirect_dma source(%dma_start3A_509 : memref<100000x128xf32, #tpu.memory_space<hbm>>) target(%arg6 : memref<100x128xf32, #tpu.memory_space<vmem>>) offsets(%dma_start3A_506 : memref<100xi32, #tpu.memory_space<vmem>>) semaphore(%arg13 : memref<!tpu.dma_semaphore, #tpu.memory_space<semaphore_mem>>)
      } else {
      }
      %add3A_271 = arith.constant 0 : i32
      %add3A_272 = arith.addi %mul3A_251, %add3A_271 : i32
      %dma_wait3A_273 = arith.constant 1 : i32
      %dma_wait3A_274 = arith.constant 0 : i32
      %dma_wait3A_275 = tpu.memref_slice %arg5[%add3A_272, %dma_wait3A_273, %dma_wait3A_274] : memref<128x2x100xi32, #tpu.memory_space<vmem>> -> memref<1x1x100xi32, #tpu.memory_space<vmem>>
      %dma_wait3A_276 = tpu.memref_squeeze %dma_wait3A_275 : memref<1x1x100xi32, #tpu.memory_space<vmem>> -> memref<100xi32, #tpu.memory_space<vmem>>
      %dma_wait3A_277 = arith.constant 0 : i32
      %dma_wait3A_278 = arith.constant 0 : i32
      %dma_wait3A_279 = tpu.memref_slice %arg2[%dma_wait3A_277, %dma_wait3A_278] : memref<100000x128xf32, #tpu.memory_space<hbm>> -> memref<100000x128xf32, #tpu.memory_space<hbm>>
      tpu.wait_indirect_dma semaphore(%arg14 : memref<!tpu.dma_semaphore, #tpu.memory_space<semaphore_mem>>) src(%dma_wait3A_279 : memref<100000x128xf32, #tpu.memory_space<hbm>>) dst(%arg7 : memref<100x128xf32, #tpu.memory_space<vmem>>)
      %scan3A_280 = arith.constant 0 : i32
      %scan3A_281 = arith.constant 25 : i32
      %scan3A_282 = arith.addi %scan3A_280, %scan3A_281 : i32
      %scan3A_283 = arith.constant 1 : i32
      %scan3A_284:8 = scf.for %scan3A_501 = %scan3A_280 to %scan3A_282 step %scan3A_283 iter_args(%scan3A_502 = %scan3A_265#0, %scan3A_503 = %scan3A_265#1, %scan3A_504 = %scan3A_265#2, %scan3A_505 = %scan3A_265#3, %scan3A_506 = %scan3A_265#4, %scan3A_507 = %scan3A_265#5, %scan3A_508 = %scan3A_265#6, %scan3A_509 = %scan3A_265#7) -> (vector<16xf32>, vector<16xf32>, vector<16xf32>, vector<16xf32>, vector<16xf32>, vector<16xf32>, vector<16xf32>, vector<16xf32>)  : i32 {
        %mul3A_510 = arith.constant 4 : i32
        %mul3A_511 = arith.muli %scan3A_501, %mul3A_510 : i32
        %add3A_512 = arith.constant 0 : i32
        %add3A_513 = arith.addi %mul3A_511, %add3A_512 : i32
        %get3A = arith.index_cast %add3A_513 : i32 to index
        %get3A_514 = arith.constant 0 : index
        %get3A_515 = tpu.vector_load %arg7[%get3A, %get3A_514] {strides = array<i32>} : memref<100x128xf32, #tpu.memory_space<vmem>>, vector<1x16xf32>,
        %get3A_516 = vector.shape_cast %get3A_515 : vector<1x16xf32> to vector<16xf32>
        %add3A_517 = arith.constant 1 : i32
        %add3A_518 = arith.addi %mul3A_511, %add3A_517 : i32
        %get3A_519 = arith.index_cast %add3A_518 : i32 to index
        %get3A_520 = arith.constant 0 : index
        %get3A_521 = tpu.vector_load %arg7[%get3A_519, %get3A_520] {strides = array<i32>} : memref<100x128xf32, #tpu.memory_space<vmem>>, vector<1x16xf32>,
        %get3A_522 = vector.shape_cast %get3A_521 : vector<1x16xf32> to vector<16xf32>
        %add3A_523 = arith.constant 2 : i32
        %add3A_524 = arith.addi %mul3A_511, %add3A_523 : i32
        %get3A_525 = arith.index_cast %add3A_524 : i32 to index
        %get3A_526 = arith.constant 0 : index
        %get3A_527 = tpu.vector_load %arg7[%get3A_525, %get3A_526] {strides = array<i32>} : memref<100x128xf32, #tpu.memory_space<vmem>>, vector<1x16xf32>,
        %get3A_528 = vector.shape_cast %get3A_527 : vector<1x16xf32> to vector<16xf32>
        %add3A_529 = arith.constant 3 : i32
        %add3A_530 = arith.addi %mul3A_511, %add3A_529 : i32
        %get3A_531 = arith.index_cast %add3A_530 : i32 to index
        %get3A_532 = arith.constant 0 : index
        %get3A_533 = tpu.vector_load %arg7[%get3A_531, %get3A_532] {strides = array<i32>} : memref<100x128xf32, #tpu.memory_space<vmem>>, vector<1x16xf32>,
        %get3A_534 = vector.shape_cast %get3A_533 : vector<1x16xf32> to vector<16xf32>
        %max3A = arith.maximumf %get3A_516, %get3A_522 : vector<16xf32>
        %max3A_535 = arith.maximumf %get3A_528, %get3A_534 : vector<16xf32>
        %max3A_536 = arith.maximumf %max3A, %max3A_535 : vector<16xf32>
        %max3A_537 = arith.maximumf %scan3A_502, %max3A_536 : vector<16xf32>
        %add3A_538 = arith.constant 0 : i32
        %add3A_539 = arith.addi %mul3A_511, %add3A_538 : i32
        %get3A_540 = arith.index_cast %add3A_539 : i32 to index
        %get3A_541 = arith.constant 16 : index
        %get3A_542 = tpu.vector_load %arg7[%get3A_540, %get3A_541] {strides = array<i32>} : memref<100x128xf32, #tpu.memory_space<vmem>>, vector<1x16xf32>,
        %get3A_543 = vector.shape_cast %get3A_542 : vector<1x16xf32> to vector<16xf32>
        %add3A_544 = arith.constant 1 : i32
        %add3A_545 = arith.addi %mul3A_511, %add3A_544 : i32
        %get3A_546 = arith.index_cast %add3A_545 : i32 to index
        %get3A_547 = arith.constant 16 : index
        %get3A_548 = tpu.vector_load %arg7[%get3A_546, %get3A_547] {strides = array<i32>} : memref<100x128xf32, #tpu.memory_space<vmem>>, vector<1x16xf32>,
        %get3A_549 = vector.shape_cast %get3A_548 : vector<1x16xf32> to vector<16xf32>
        %add3A_550 = arith.constant 2 : i32
        %add3A_551 = arith.addi %mul3A_511, %add3A_550 : i32
        %get3A_552 = arith.index_cast %add3A_551 : i32 to index
        %get3A_553 = arith.constant 16 : index
        %get3A_554 = tpu.vector_load %arg7[%get3A_552, %get3A_553] {strides = array<i32>} : memref<100x128xf32, #tpu.memory_space<vmem>>, vector<1x16xf32>,
        %get3A_555 = vector.shape_cast %get3A_554 : vector<1x16xf32> to vector<16xf32>
        %add3A_556 = arith.constant 3 : i32
        %add3A_557 = arith.addi %mul3A_511, %add3A_556 : i32
        %get3A_558 = arith.index_cast %add3A_557 : i32 to index
        %get3A_559 = arith.constant 16 : index
        %get3A_560 = tpu.vector_load %arg7[%get3A_558, %get3A_559] {strides = array<i32>} : memref<100x128xf32, #tpu.memory_space<vmem>>, vector<1x16xf32>,
        %get3A_561 = vector.shape_cast %get3A_560 : vector<1x16xf32> to vector<16xf32>
        %max3A_562 = arith.maximumf %get3A_543, %get3A_549 : vector<16xf32>
        %max3A_563 = arith.maximumf %get3A_555, %get3A_561 : vector<16xf32>
        %max3A_564 = arith.maximumf %max3A_562, %max3A_563 : vector<16xf32>
        %max3A_565 = arith.maximumf %scan3A_503, %max3A_564 : vector<16xf32>
        %add3A_566 = arith.constant 0 : i32
        %add3A_567 = arith.addi %mul3A_511, %add3A_566 : i32
        %get3A_568 = arith.index_cast %add3A_567 : i32 to index
        %get3A_569 = arith.constant 32 : index
        %get3A_570 = tpu.vector_load %arg7[%get3A_568, %get3A_569] {strides = array<i32>} : memref<100x128xf32, #tpu.memory_space<vmem>>, vector<1x16xf32>,
        %get3A_571 = vector.shape_cast %get3A_570 : vector<1x16xf32> to vector<16xf32>
        %add3A_572 = arith.constant 1 : i32
        %add3A_573 = arith.addi %mul3A_511, %add3A_572 : i32
        %get3A_574 = arith.index_cast %add3A_573 : i32 to index
        %get3A_575 = arith.constant 32 : index
        %get3A_576 = tpu.vector_load %arg7[%get3A_574, %get3A_575] {strides = array<i32>} : memref<100x128xf32, #tpu.memory_space<vmem>>, vector<1x16xf32>,
        %get3A_577 = vector.shape_cast %get3A_576 : vector<1x16xf32> to vector<16xf32>
        %add3A_578 = arith.constant 2 : i32
        %add3A_579 = arith.addi %mul3A_511, %add3A_578 : i32
        %get3A_580 = arith.index_cast %add3A_579 : i32 to index
        %get3A_581 = arith.constant 32 : index
        %get3A_582 = tpu.vector_load %arg7[%get3A_580, %get3A_581] {strides = array<i32>} : memref<100x128xf32, #tpu.memory_space<vmem>>, vector<1x16xf32>,
        %get3A_583 = vector.shape_cast %get3A_582 : vector<1x16xf32> to vector<16xf32>
        %add3A_584 = arith.constant 3 : i32
        %add3A_585 = arith.addi %mul3A_511, %add3A_584 : i32
        %get3A_586 = arith.index_cast %add3A_585 : i32 to index
        %get3A_587 = arith.constant 32 : index
        %get3A_588 = tpu.vector_load %arg7[%get3A_586, %get3A_587] {strides = array<i32>} : memref<100x128xf32, #tpu.memory_space<vmem>>, vector<1x16xf32>,
        %get3A_589 = vector.shape_cast %get3A_588 : vector<1x16xf32> to vector<16xf32>
        %max3A_590 = arith.maximumf %get3A_571, %get3A_577 : vector<16xf32>
        %max3A_591 = arith.maximumf %get3A_583, %get3A_589 : vector<16xf32>
        %max3A_592 = arith.maximumf %max3A_590, %max3A_591 : vector<16xf32>
        %max3A_593 = arith.maximumf %scan3A_504, %max3A_592 : vector<16xf32>
        %add3A_594 = arith.constant 0 : i32
        %add3A_595 = arith.addi %mul3A_511, %add3A_594 : i32
        %get3A_596 = arith.index_cast %add3A_595 : i32 to index
        %get3A_597 = arith.constant 48 : index
        %get3A_598 = tpu.vector_load %arg7[%get3A_596, %get3A_597] {strides = array<i32>} : memref<100x128xf32, #tpu.memory_space<vmem>>, vector<1x16xf32>,
        %get3A_599 = vector.shape_cast %get3A_598 : vector<1x16xf32> to vector<16xf32>
        %add3A_600 = arith.constant 1 : i32
        %add3A_601 = arith.addi %mul3A_511, %add3A_600 : i32
        %get3A_602 = arith.index_cast %add3A_601 : i32 to index
        %get3A_603 = arith.constant 48 : index
        %get3A_604 = tpu.vector_load %arg7[%get3A_602, %get3A_603] {strides = array<i32>} : memref<100x128xf32, #tpu.memory_space<vmem>>, vector<1x16xf32>,
        %get3A_605 = vector.shape_cast %get3A_604 : vector<1x16xf32> to vector<16xf32>
        %add3A_606 = arith.constant 2 : i32
        %add3A_607 = arith.addi %mul3A_511, %add3A_606 : i32
        %get3A_608 = arith.index_cast %add3A_607 : i32 to index
        %get3A_609 = arith.constant 48 : index
        %get3A_610 = tpu.vector_load %arg7[%get3A_608, %get3A_609] {strides = array<i32>} : memref<100x128xf32, #tpu.memory_space<vmem>>, vector<1x16xf32>,
        %get3A_611 = vector.shape_cast %get3A_610 : vector<1x16xf32> to vector<16xf32>
        %add3A_612 = arith.constant 3 : i32
        %add3A_613 = arith.addi %mul3A_511, %add3A_612 : i32
        %get3A_614 = arith.index_cast %add3A_613 : i32 to index
        %get3A_615 = arith.constant 48 : index
        %get3A_616 = tpu.vector_load %arg7[%get3A_614, %get3A_615] {strides = array<i32>} : memref<100x128xf32, #tpu.memory_space<vmem>>, vector<1x16xf32>,
        %get3A_617 = vector.shape_cast %get3A_616 : vector<1x16xf32> to vector<16xf32>
        %max3A_618 = arith.maximumf %get3A_599, %get3A_605 : vector<16xf32>
        %max3A_619 = arith.maximumf %get3A_611, %get3A_617 : vector<16xf32>
        %max3A_620 = arith.maximumf %max3A_618, %max3A_619 : vector<16xf32>
        %max3A_621 = arith.maximumf %scan3A_505, %max3A_620 : vector<16xf32>
        %add3A_622 = arith.constant 0 : i32
        %add3A_623 = arith.addi %mul3A_511, %add3A_622 : i32
        %get3A_624 = arith.index_cast %add3A_623 : i32 to index
        %get3A_625 = arith.constant 64 : index
        %get3A_626 = tpu.vector_load %arg7[%get3A_624, %get3A_625] {strides = array<i32>} : memref<100x128xf32, #tpu.memory_space<vmem>>, vector<1x16xf32>,
        %get3A_627 = vector.shape_cast %get3A_626 : vector<1x16xf32> to vector<16xf32>
        %add3A_628 = arith.constant 1 : i32
        %add3A_629 = arith.addi %mul3A_511, %add3A_628 : i32
        %get3A_630 = arith.index_cast %add3A_629 : i32 to index
        %get3A_631 = arith.constant 64 : index
        %get3A_632 = tpu.vector_load %arg7[%get3A_630, %get3A_631] {strides = array<i32>} : memref<100x128xf32, #tpu.memory_space<vmem>>, vector<1x16xf32>,
        %get3A_633 = vector.shape_cast %get3A_632 : vector<1x16xf32> to vector<16xf32>
        %add3A_634 = arith.constant 2 : i32
        %add3A_635 = arith.addi %mul3A_511, %add3A_634 : i32
        %get3A_636 = arith.index_cast %add3A_635 : i32 to index
        %get3A_637 = arith.constant 64 : index
        %get3A_638 = tpu.vector_load %arg7[%get3A_636, %get3A_637] {strides = array<i32>} : memref<100x128xf32, #tpu.memory_space<vmem>>, vector<1x16xf32>,
        %get3A_639 = vector.shape_cast %get3A_638 : vector<1x16xf32> to vector<16xf32>
        %add3A_640 = arith.constant 3 : i32
        %add3A_641 = arith.addi %mul3A_511, %add3A_640 : i32
        %get3A_642 = arith.index_cast %add3A_641 : i32 to index
        %get3A_643 = arith.constant 64 : index
        %get3A_644 = tpu.vector_load %arg7[%get3A_642, %get3A_643] {strides = array<i32>} : memref<100x128xf32, #tpu.memory_space<vmem>>, vector<1x16xf32>,
        %get3A_645 = vector.shape_cast %get3A_644 : vector<1x16xf32> to vector<16xf32>
        %max3A_646 = arith.maximumf %get3A_627, %get3A_633 : vector<16xf32>
        %max3A_647 = arith.maximumf %get3A_639, %get3A_645 : vector<16xf32>
        %max3A_648 = arith.maximumf %max3A_646, %max3A_647 : vector<16xf32>
        %max3A_649 = arith.maximumf %scan3A_506, %max3A_648 : vector<16xf32>
        %add3A_650 = arith.constant 0 : i32
        %add3A_651 = arith.addi %mul3A_511, %add3A_650 : i32
        %get3A_652 = arith.index_cast %add3A_651 : i32 to index
        %get3A_653 = arith.constant 80 : index
        %get3A_654 = tpu.vector_load %arg7[%get3A_652, %get3A_653] {strides = array<i32>} : memref<100x128xf32, #tpu.memory_space<vmem>>, vector<1x16xf32>,
        %get3A_655 = vector.shape_cast %get3A_654 : vector<1x16xf32> to vector<16xf32>
        %add3A_656 = arith.constant 1 : i32
        %add3A_657 = arith.addi %mul3A_511, %add3A_656 : i32
        %get3A_658 = arith.index_cast %add3A_657 : i32 to index
        %get3A_659 = arith.constant 80 : index
        %get3A_660 = tpu.vector_load %arg7[%get3A_658, %get3A_659] {strides = array<i32>} : memref<100x128xf32, #tpu.memory_space<vmem>>, vector<1x16xf32>,
        %get3A_661 = vector.shape_cast %get3A_660 : vector<1x16xf32> to vector<16xf32>
        %add3A_662 = arith.constant 2 : i32
        %add3A_663 = arith.addi %mul3A_511, %add3A_662 : i32
        %get3A_664 = arith.index_cast %add3A_663 : i32 to index
        %get3A_665 = arith.constant 80 : index
        %get3A_666 = tpu.vector_load %arg7[%get3A_664, %get3A_665] {strides = array<i32>} : memref<100x128xf32, #tpu.memory_space<vmem>>, vector<1x16xf32>,
        %get3A_667 = vector.shape_cast %get3A_666 : vector<1x16xf32> to vector<16xf32>
        %add3A_668 = arith.constant 3 : i32
        %add3A_669 = arith.addi %mul3A_511, %add3A_668 : i32
        %get3A_670 = arith.index_cast %add3A_669 : i32 to index
        %get3A_671 = arith.constant 80 : index
        %get3A_672 = tpu.vector_load %arg7[%get3A_670, %get3A_671] {strides = array<i32>} : memref<100x128xf32, #tpu.memory_space<vmem>>, vector<1x16xf32>,
        %get3A_673 = vector.shape_cast %get3A_672 : vector<1x16xf32> to vector<16xf32>
        %max3A_674 = arith.maximumf %get3A_655, %get3A_661 : vector<16xf32>
        %max3A_675 = arith.maximumf %get3A_667, %get3A_673 : vector<16xf32>
        %max3A_676 = arith.maximumf %max3A_674, %max3A_675 : vector<16xf32>
        %max3A_677 = arith.maximumf %scan3A_507, %max3A_676 : vector<16xf32>
        %add3A_678 = arith.constant 0 : i32
        %add3A_679 = arith.addi %mul3A_511, %add3A_678 : i32
        %get3A_680 = arith.index_cast %add3A_679 : i32 to index
        %get3A_681 = arith.constant 96 : index
        %get3A_682 = tpu.vector_load %arg7[%get3A_680, %get3A_681] {strides = array<i32>} : memref<100x128xf32, #tpu.memory_space<vmem>>, vector<1x16xf32>,
        %get3A_683 = vector.shape_cast %get3A_682 : vector<1x16xf32> to vector<16xf32>
        %add3A_684 = arith.constant 1 : i32
        %add3A_685 = arith.addi %mul3A_511, %add3A_684 : i32
        %get3A_686 = arith.index_cast %add3A_685 : i32 to index
        %get3A_687 = arith.constant 96 : index
        %get3A_688 = tpu.vector_load %arg7[%get3A_686, %get3A_687] {strides = array<i32>} : memref<100x128xf32, #tpu.memory_space<vmem>>, vector<1x16xf32>,
        %get3A_689 = vector.shape_cast %get3A_688 : vector<1x16xf32> to vector<16xf32>
        %add3A_690 = arith.constant 2 : i32
        %add3A_691 = arith.addi %mul3A_511, %add3A_690 : i32
        %get3A_692 = arith.index_cast %add3A_691 : i32 to index
        %get3A_693 = arith.constant 96 : index
        %get3A_694 = tpu.vector_load %arg7[%get3A_692, %get3A_693] {strides = array<i32>} : memref<100x128xf32, #tpu.memory_space<vmem>>, vector<1x16xf32>,
        %get3A_695 = vector.shape_cast %get3A_694 : vector<1x16xf32> to vector<16xf32>
        %add3A_696 = arith.constant 3 : i32
        %add3A_697 = arith.addi %mul3A_511, %add3A_696 : i32
        %get3A_698 = arith.index_cast %add3A_697 : i32 to index
        %get3A_699 = arith.constant 96 : index
        %get3A_700 = tpu.vector_load %arg7[%get3A_698, %get3A_699] {strides = array<i32>} : memref<100x128xf32, #tpu.memory_space<vmem>>, vector<1x16xf32>,
        %get3A_701 = vector.shape_cast %get3A_700 : vector<1x16xf32> to vector<16xf32>
        %max3A_702 = arith.maximumf %get3A_683, %get3A_689 : vector<16xf32>
        %max3A_703 = arith.maximumf %get3A_695, %get3A_701 : vector<16xf32>
        %max3A_704 = arith.maximumf %max3A_702, %max3A_703 : vector<16xf32>
        %max3A_705 = arith.maximumf %scan3A_508, %max3A_704 : vector<16xf32>
        %add3A_706 = arith.constant 0 : i32
        %add3A_707 = arith.addi %mul3A_511, %add3A_706 : i32
        %get3A_708 = arith.index_cast %add3A_707 : i32 to index
        %get3A_709 = arith.constant 112 : index
        %get3A_710 = tpu.vector_load %arg7[%get3A_708, %get3A_709] {strides = array<i32>} : memref<100x128xf32, #tpu.memory_space<vmem>>, vector<1x16xf32>,
        %get3A_711 = vector.shape_cast %get3A_710 : vector<1x16xf32> to vector<16xf32>
        %add3A_712 = arith.constant 1 : i32
        %add3A_713 = arith.addi %mul3A_511, %add3A_712 : i32
        %get3A_714 = arith.index_cast %add3A_713 : i32 to index
        %get3A_715 = arith.constant 112 : index
        %get3A_716 = tpu.vector_load %arg7[%get3A_714, %get3A_715] {strides = array<i32>} : memref<100x128xf32, #tpu.memory_space<vmem>>, vector<1x16xf32>,
        %get3A_717 = vector.shape_cast %get3A_716 : vector<1x16xf32> to vector<16xf32>
        %add3A_718 = arith.constant 2 : i32
        %add3A_719 = arith.addi %mul3A_511, %add3A_718 : i32
        %get3A_720 = arith.index_cast %add3A_719 : i32 to index
        %get3A_721 = arith.constant 112 : index
        %get3A_722 = tpu.vector_load %arg7[%get3A_720, %get3A_721] {strides = array<i32>} : memref<100x128xf32, #tpu.memory_space<vmem>>, vector<1x16xf32>,
        %get3A_723 = vector.shape_cast %get3A_722 : vector<1x16xf32> to vector<16xf32>
        %add3A_724 = arith.constant 3 : i32
        %add3A_725 = arith.addi %mul3A_511, %add3A_724 : i32
        %get3A_726 = arith.index_cast %add3A_725 : i32 to index
        %get3A_727 = arith.constant 112 : index
        %get3A_728 = tpu.vector_load %arg7[%get3A_726, %get3A_727] {strides = array<i32>} : memref<100x128xf32, #tpu.memory_space<vmem>>, vector<1x16xf32>,
        %get3A_729 = vector.shape_cast %get3A_728 : vector<1x16xf32> to vector<16xf32>
        %max3A_730 = arith.maximumf %get3A_711, %get3A_717 : vector<16xf32>
        %max3A_731 = arith.maximumf %get3A_723, %get3A_729 : vector<16xf32>
        %max3A_732 = arith.maximumf %max3A_730, %max3A_731 : vector<16xf32>
        %max3A_733 = arith.maximumf %scan3A_509, %max3A_732 : vector<16xf32>
        scf.yield %max3A_537, %max3A_565, %max3A_593, %max3A_621, %max3A_649, %max3A_677, %max3A_705, %max3A_733 : vector<16xf32>, vector<16xf32>, vector<16xf32>, vector<16xf32>, vector<16xf32>, vector<16xf32>, vector<16xf32>, vector<16xf32>
      }
      %scan3A_285 = arith.constant 25 : i32
      %swap3A_286 = arith.index_cast %add3A_272 : i32 to index
      %swap3A_287 = arith.constant 0 : index
      %swap3A_288 = tpu.vector_load %arg12[%swap3A_286, %swap3A_287] {strides = array<i32>} : memref<128x128xf32, #tpu.memory_space<vmem>>, vector<1x16xf32>,
      %swap3A_289 = vector.shape_cast %swap3A_288 : vector<1x16xf32> to vector<16xf32>
      %swap3A_290 = vector.shape_cast %scan3A_284#0 : vector<16xf32> to vector<1x16xf32>
      tpu.vector_store %arg12[%swap3A_286, %swap3A_287], %swap3A_290 {strides = array<i32>} : memref<128x128xf32, #tpu.memory_space<vmem>>, vector<1x16xf32>,
      %swap3A_291 = arith.index_cast %add3A_272 : i32 to index
      %swap3A_292 = arith.constant 16 : index
      %swap3A_293 = tpu.vector_load %arg12[%swap3A_291, %swap3A_292] {strides = array<i32>} : memref<128x128xf32, #tpu.memory_space<vmem>>, vector<1x16xf32>,
      %swap3A_294 = vector.shape_cast %swap3A_293 : vector<1x16xf32> to vector<16xf32>
      %swap3A_295 = vector.shape_cast %scan3A_284#1 : vector<16xf32> to vector<1x16xf32>
      tpu.vector_store %arg12[%swap3A_291, %swap3A_292], %swap3A_295 {strides = array<i32>} : memref<128x128xf32, #tpu.memory_space<vmem>>, vector<1x16xf32>,
      %swap3A_296 = arith.index_cast %add3A_272 : i32 to index
      %swap3A_297 = arith.constant 32 : index
      %swap3A_298 = tpu.vector_load %arg12[%swap3A_296, %swap3A_297] {strides = array<i32>} : memref<128x128xf32, #tpu.memory_space<vmem>>, vector<1x16xf32>,
      %swap3A_299 = vector.shape_cast %swap3A_298 : vector<1x16xf32> to vector<16xf32>
      %swap3A_300 = vector.shape_cast %scan3A_284#2 : vector<16xf32> to vector<1x16xf32>
      tpu.vector_store %arg12[%swap3A_296, %swap3A_297], %swap3A_300 {strides = array<i32>} : memref<128x128xf32, #tpu.memory_space<vmem>>, vector<1x16xf32>,
      %swap3A_301 = arith.index_cast %add3A_272 : i32 to index
      %swap3A_302 = arith.constant 48 : index
      %swap3A_303 = tpu.vector_load %arg12[%swap3A_301, %swap3A_302] {strides = array<i32>} : memref<128x128xf32, #tpu.memory_space<vmem>>, vector<1x16xf32>,
      %swap3A_304 = vector.shape_cast %swap3A_303 : vector<1x16xf32> to vector<16xf32>
      %swap3A_305 = vector.shape_cast %scan3A_284#3 : vector<16xf32> to vector<1x16xf32>
      tpu.vector_store %arg12[%swap3A_301, %swap3A_302], %swap3A_305 {strides = array<i32>} : memref<128x128xf32, #tpu.memory_space<vmem>>, vector<1x16xf32>,
      %swap3A_306 = arith.index_cast %add3A_272 : i32 to index
      %swap3A_307 = arith.constant 64 : index
      %swap3A_308 = tpu.vector_load %arg12[%swap3A_306, %swap3A_307] {strides = array<i32>} : memref<128x128xf32, #tpu.memory_space<vmem>>, vector<1x16xf32>,
      %swap3A_309 = vector.shape_cast %swap3A_308 : vector<1x16xf32> to vector<16xf32>
      %swap3A_310 = vector.shape_cast %scan3A_284#4 : vector<16xf32> to vector<1x16xf32>
      tpu.vector_store %arg12[%swap3A_306, %swap3A_307], %swap3A_310 {strides = array<i32>} : memref<128x128xf32, #tpu.memory_space<vmem>>, vector<1x16xf32>,
      %swap3A_311 = arith.index_cast %add3A_272 : i32 to index
      %swap3A_312 = arith.constant 80 : index
      %swap3A_313 = tpu.vector_load %arg12[%swap3A_311, %swap3A_312] {strides = array<i32>} : memref<128x128xf32, #tpu.memory_space<vmem>>, vector<1x16xf32>,
      %swap3A_314 = vector.shape_cast %swap3A_313 : vector<1x16xf32> to vector<16xf32>
      %swap3A_315 = vector.shape_cast %scan3A_284#5 : vector<16xf32> to vector<1x16xf32>
      tpu.vector_store %arg12[%swap3A_311, %swap3A_312], %swap3A_315 {strides = array<i32>} : memref<128x128xf32, #tpu.memory_space<vmem>>, vector<1x16xf32>,
      %swap3A_316 = arith.index_cast %add3A_272 : i32 to index
      %swap3A_317 = arith.constant 96 : index
      %swap3A_318 = tpu.vector_load %arg12[%swap3A_316, %swap3A_317] {strides = array<i32>} : memref<128x128xf32, #tpu.memory_space<vmem>>, vector<1x16xf32>,
      %swap3A_319 = vector.shape_cast %swap3A_318 : vector<1x16xf32> to vector<16xf32>
      %swap3A_320 = vector.shape_cast %scan3A_284#6 : vector<16xf32> to vector<1x16xf32>
      tpu.vector_store %arg12[%swap3A_316, %swap3A_317], %swap3A_320 {strides = array<i32>} : memref<128x128xf32, #tpu.memory_space<vmem>>, vector<1x16xf32>,
      %swap3A_321 = arith.index_cast %add3A_272 : i32 to index
      %swap3A_322 = arith.constant 112 : index
      %swap3A_323 = tpu.vector_load %arg12[%swap3A_321, %swap3A_322] {strides = array<i32>} : memref<128x128xf32, #tpu.memory_space<vmem>>, vector<1x16xf32>,
      %swap3A_324 = vector.shape_cast %swap3A_323 : vector<1x16xf32> to vector<16xf32>
      %swap3A_325 = vector.shape_cast %scan3A_284#7 : vector<16xf32> to vector<1x16xf32>
      tpu.vector_store %arg12[%swap3A_321, %swap3A_322], %swap3A_325 {strides = array<i32>} : memref<128x128xf32, #tpu.memory_space<vmem>>, vector<1x16xf32>,
      %add3A_326 = arith.constant 3 : i32
      %add3A_327 = arith.addi %add3A_272, %add3A_326 : i32
      %lt3A_328 = arith.constant 128 : i32
      %lt3A_329 = arith.cmpi slt, %add3A_327, %lt3A_328 : i32
      %convert_element_type3A_330 = arith.extui %lt3A_329 : i1 to i32
      %cond3A_331 = arith.constant 0 : i32
      %cond3A_332 = arith.cmpi ne, %convert_element_type3A_330, %cond3A_331 : i32
      scf.if %cond3A_332 {
        %add3A_501 = arith.constant 3 : i32
        %add3A_502 = arith.addi %add3A_272, %add3A_501 : i32
        %dma_start3A_503 = arith.constant 1 : i32
        %dma_start3A_504 = arith.constant 0 : i32
        %dma_start3A_505 = tpu.memref_slice %arg5[%add3A_502, %dma_start3A_503, %dma_start3A_504] : memref<128x2x100xi32, #tpu.memory_space<vmem>> -> memref<1x1x100xi32, #tpu.memory_space<vmem>>
        %dma_start3A_506 = tpu.memref_squeeze %dma_start3A_505 : memref<1x1x100xi32, #tpu.memory_space<vmem>> -> memref<100xi32, #tpu.memory_space<vmem>>
        %dma_start3A_507 = arith.constant 0 : i32
        %dma_start3A_508 = arith.constant 0 : i32
        %dma_start3A_509 = tpu.memref_slice %arg2[%dma_start3A_507, %dma_start3A_508] : memref<100000x128xf32, #tpu.memory_space<hbm>> -> memref<100000x128xf32, #tpu.memory_space<hbm>>
        tpu.enqueue_indirect_dma source(%dma_start3A_509 : memref<100000x128xf32, #tpu.memory_space<hbm>>) target(%arg7 : memref<100x128xf32, #tpu.memory_space<vmem>>) offsets(%dma_start3A_506 : memref<100xi32, #tpu.memory_space<vmem>>) semaphore(%arg14 : memref<!tpu.dma_semaphore, #tpu.memory_space<semaphore_mem>>)
      } else {
      }
      %add3A_333 = arith.constant 1 : i32
      %add3A_334 = arith.addi %mul3A_251, %add3A_333 : i32
      %dma_wait3A_335 = arith.constant 0 : i32
      %dma_wait3A_336 = arith.constant 0 : i32
      %dma_wait3A_337 = tpu.memref_slice %arg5[%add3A_334, %dma_wait3A_335, %dma_wait3A_336] : memref<128x2x100xi32, #tpu.memory_space<vmem>> -> memref<1x1x100xi32, #tpu.memory_space<vmem>>
      %dma_wait3A_338 = tpu.memref_squeeze %dma_wait3A_337 : memref<1x1x100xi32, #tpu.memory_space<vmem>> -> memref<100xi32, #tpu.memory_space<vmem>>
      %dma_wait3A_339 = arith.constant 0 : i32
      %dma_wait3A_340 = arith.constant 0 : i32
      %dma_wait3A_341 = tpu.memref_slice %arg2[%dma_wait3A_339, %dma_wait3A_340] : memref<100000x128xf32, #tpu.memory_space<hbm>> -> memref<100000x128xf32, #tpu.memory_space<hbm>>
      tpu.wait_indirect_dma semaphore(%arg15 : memref<!tpu.dma_semaphore, #tpu.memory_space<semaphore_mem>>) src(%dma_wait3A_341 : memref<100000x128xf32, #tpu.memory_space<hbm>>) dst(%arg8 : memref<100x128xf32, #tpu.memory_space<vmem>>)
      %scan3A_342 = arith.constant 0 : i32
      %scan3A_343 = arith.constant 25 : i32
      %scan3A_344 = arith.addi %scan3A_342, %scan3A_343 : i32
      %scan3A_345 = arith.constant 1 : i32
      %scan3A_346:8 = scf.for %scan3A_501 = %scan3A_342 to %scan3A_344 step %scan3A_345 iter_args(%scan3A_502 = %broadcast_in_dim3A_18, %scan3A_503 = %broadcast_in_dim3A_20, %scan3A_504 = %broadcast_in_dim3A_22, %scan3A_505 = %broadcast_in_dim3A_24, %scan3A_506 = %broadcast_in_dim3A_26, %scan3A_507 = %broadcast_in_dim3A_28, %scan3A_508 = %broadcast_in_dim3A_30, %scan3A_509 = %broadcast_in_dim3A_32) -> (vector<16xf32>, vector<16xf32>, vector<16xf32>, vector<16xf32>, vector<16xf32>, vector<16xf32>, vector<16xf32>, vector<16xf32>)  : i32 {
        %mul3A_510 = arith.constant 4 : i32
        %mul3A_511 = arith.muli %scan3A_501, %mul3A_510 : i32
        %add3A_512 = arith.constant 0 : i32
        %add3A_513 = arith.addi %mul3A_511, %add3A_512 : i32
        %get3A = arith.index_cast %add3A_513 : i32 to index
        %get3A_514 = arith.constant 0 : index
        %get3A_515 = tpu.vector_load %arg8[%get3A, %get3A_514] {strides = array<i32>} : memref<100x128xf32, #tpu.memory_space<vmem>>, vector<1x16xf32>,
        %get3A_516 = vector.shape_cast %get3A_515 : vector<1x16xf32> to vector<16xf32>
        %add3A_517 = arith.constant 1 : i32
        %add3A_518 = arith.addi %mul3A_511, %add3A_517 : i32
        %get3A_519 = arith.index_cast %add3A_518 : i32 to index
        %get3A_520 = arith.constant 0 : index
        %get3A_521 = tpu.vector_load %arg8[%get3A_519, %get3A_520] {strides = array<i32>} : memref<100x128xf32, #tpu.memory_space<vmem>>, vector<1x16xf32>,
        %get3A_522 = vector.shape_cast %get3A_521 : vector<1x16xf32> to vector<16xf32>
        %add3A_523 = arith.constant 2 : i32
        %add3A_524 = arith.addi %mul3A_511, %add3A_523 : i32
        %get3A_525 = arith.index_cast %add3A_524 : i32 to index
        %get3A_526 = arith.constant 0 : index
        %get3A_527 = tpu.vector_load %arg8[%get3A_525, %get3A_526] {strides = array<i32>} : memref<100x128xf32, #tpu.memory_space<vmem>>, vector<1x16xf32>,
        %get3A_528 = vector.shape_cast %get3A_527 : vector<1x16xf32> to vector<16xf32>
        %add3A_529 = arith.constant 3 : i32
        %add3A_530 = arith.addi %mul3A_511, %add3A_529 : i32
        %get3A_531 = arith.index_cast %add3A_530 : i32 to index
        %get3A_532 = arith.constant 0 : index
        %get3A_533 = tpu.vector_load %arg8[%get3A_531, %get3A_532] {strides = array<i32>} : memref<100x128xf32, #tpu.memory_space<vmem>>, vector<1x16xf32>,
        %get3A_534 = vector.shape_cast %get3A_533 : vector<1x16xf32> to vector<16xf32>
        %max3A = arith.maximumf %get3A_516, %get3A_522 : vector<16xf32>
        %max3A_535 = arith.maximumf %get3A_528, %get3A_534 : vector<16xf32>
        %max3A_536 = arith.maximumf %max3A, %max3A_535 : vector<16xf32>
        %max3A_537 = arith.maximumf %scan3A_502, %max3A_536 : vector<16xf32>
        %add3A_538 = arith.constant 0 : i32
        %add3A_539 = arith.addi %mul3A_511, %add3A_538 : i32
        %get3A_540 = arith.index_cast %add3A_539 : i32 to index
        %get3A_541 = arith.constant 16 : index
        %get3A_542 = tpu.vector_load %arg8[%get3A_540, %get3A_541] {strides = array<i32>} : memref<100x128xf32, #tpu.memory_space<vmem>>, vector<1x16xf32>,
        %get3A_543 = vector.shape_cast %get3A_542 : vector<1x16xf32> to vector<16xf32>
        %add3A_544 = arith.constant 1 : i32
        %add3A_545 = arith.addi %mul3A_511, %add3A_544 : i32
        %get3A_546 = arith.index_cast %add3A_545 : i32 to index
        %get3A_547 = arith.constant 16 : index
        %get3A_548 = tpu.vector_load %arg8[%get3A_546, %get3A_547] {strides = array<i32>} : memref<100x128xf32, #tpu.memory_space<vmem>>, vector<1x16xf32>,
        %get3A_549 = vector.shape_cast %get3A_548 : vector<1x16xf32> to vector<16xf32>
        %add3A_550 = arith.constant 2 : i32
        %add3A_551 = arith.addi %mul3A_511, %add3A_550 : i32
        %get3A_552 = arith.index_cast %add3A_551 : i32 to index
        %get3A_553 = arith.constant 16 : index
        %get3A_554 = tpu.vector_load %arg8[%get3A_552, %get3A_553] {strides = array<i32>} : memref<100x128xf32, #tpu.memory_space<vmem>>, vector<1x16xf32>,
        %get3A_555 = vector.shape_cast %get3A_554 : vector<1x16xf32> to vector<16xf32>
        %add3A_556 = arith.constant 3 : i32
        %add3A_557 = arith.addi %mul3A_511, %add3A_556 : i32
        %get3A_558 = arith.index_cast %add3A_557 : i32 to index
        %get3A_559 = arith.constant 16 : index
        %get3A_560 = tpu.vector_load %arg8[%get3A_558, %get3A_559] {strides = array<i32>} : memref<100x128xf32, #tpu.memory_space<vmem>>, vector<1x16xf32>,
        %get3A_561 = vector.shape_cast %get3A_560 : vector<1x16xf32> to vector<16xf32>
        %max3A_562 = arith.maximumf %get3A_543, %get3A_549 : vector<16xf32>
        %max3A_563 = arith.maximumf %get3A_555, %get3A_561 : vector<16xf32>
        %max3A_564 = arith.maximumf %max3A_562, %max3A_563 : vector<16xf32>
        %max3A_565 = arith.maximumf %scan3A_503, %max3A_564 : vector<16xf32>
        %add3A_566 = arith.constant 0 : i32
        %add3A_567 = arith.addi %mul3A_511, %add3A_566 : i32
        %get3A_568 = arith.index_cast %add3A_567 : i32 to index
        %get3A_569 = arith.constant 32 : index
        %get3A_570 = tpu.vector_load %arg8[%get3A_568, %get3A_569] {strides = array<i32>} : memref<100x128xf32, #tpu.memory_space<vmem>>, vector<1x16xf32>,
        %get3A_571 = vector.shape_cast %get3A_570 : vector<1x16xf32> to vector<16xf32>
        %add3A_572 = arith.constant 1 : i32
        %add3A_573 = arith.addi %mul3A_511, %add3A_572 : i32
        %get3A_574 = arith.index_cast %add3A_573 : i32 to index
        %get3A_575 = arith.constant 32 : index
        %get3A_576 = tpu.vector_load %arg8[%get3A_574, %get3A_575] {strides = array<i32>} : memref<100x128xf32, #tpu.memory_space<vmem>>, vector<1x16xf32>,
        %get3A_577 = vector.shape_cast %get3A_576 : vector<1x16xf32> to vector<16xf32>
        %add3A_578 = arith.constant 2 : i32
        %add3A_579 = arith.addi %mul3A_511, %add3A_578 : i32
        %get3A_580 = arith.index_cast %add3A_579 : i32 to index
        %get3A_581 = arith.constant 32 : index
        %get3A_582 = tpu.vector_load %arg8[%get3A_580, %get3A_581] {strides = array<i32>} : memref<100x128xf32, #tpu.memory_space<vmem>>, vector<1x16xf32>,
        %get3A_583 = vector.shape_cast %get3A_582 : vector<1x16xf32> to vector<16xf32>
        %add3A_584 = arith.constant 3 : i32
        %add3A_585 = arith.addi %mul3A_511, %add3A_584 : i32
        %get3A_586 = arith.index_cast %add3A_585 : i32 to index
        %get3A_587 = arith.constant 32 : index
        %get3A_588 = tpu.vector_load %arg8[%get3A_586, %get3A_587] {strides = array<i32>} : memref<100x128xf32, #tpu.memory_space<vmem>>, vector<1x16xf32>,
        %get3A_589 = vector.shape_cast %get3A_588 : vector<1x16xf32> to vector<16xf32>
        %max3A_590 = arith.maximumf %get3A_571, %get3A_577 : vector<16xf32>
        %max3A_591 = arith.maximumf %get3A_583, %get3A_589 : vector<16xf32>
        %max3A_592 = arith.maximumf %max3A_590, %max3A_591 : vector<16xf32>
        %max3A_593 = arith.maximumf %scan3A_504, %max3A_592 : vector<16xf32>
        %add3A_594 = arith.constant 0 : i32
        %add3A_595 = arith.addi %mul3A_511, %add3A_594 : i32
        %get3A_596 = arith.index_cast %add3A_595 : i32 to index
        %get3A_597 = arith.constant 48 : index
        %get3A_598 = tpu.vector_load %arg8[%get3A_596, %get3A_597] {strides = array<i32>} : memref<100x128xf32, #tpu.memory_space<vmem>>, vector<1x16xf32>,
        %get3A_599 = vector.shape_cast %get3A_598 : vector<1x16xf32> to vector<16xf32>
        %add3A_600 = arith.constant 1 : i32
        %add3A_601 = arith.addi %mul3A_511, %add3A_600 : i32
        %get3A_602 = arith.index_cast %add3A_601 : i32 to index
        %get3A_603 = arith.constant 48 : index
        %get3A_604 = tpu.vector_load %arg8[%get3A_602, %get3A_603] {strides = array<i32>} : memref<100x128xf32, #tpu.memory_space<vmem>>, vector<1x16xf32>,
        %get3A_605 = vector.shape_cast %get3A_604 : vector<1x16xf32> to vector<16xf32>
        %add3A_606 = arith.constant 2 : i32
        %add3A_607 = arith.addi %mul3A_511, %add3A_606 : i32
        %get3A_608 = arith.index_cast %add3A_607 : i32 to index
        %get3A_609 = arith.constant 48 : index
        %get3A_610 = tpu.vector_load %arg8[%get3A_608, %get3A_609] {strides = array<i32>} : memref<100x128xf32, #tpu.memory_space<vmem>>, vector<1x16xf32>,
        %get3A_611 = vector.shape_cast %get3A_610 : vector<1x16xf32> to vector<16xf32>
        %add3A_612 = arith.constant 3 : i32
        %add3A_613 = arith.addi %mul3A_511, %add3A_612 : i32
        %get3A_614 = arith.index_cast %add3A_613 : i32 to index
        %get3A_615 = arith.constant 48 : index
        %get3A_616 = tpu.vector_load %arg8[%get3A_614, %get3A_615] {strides = array<i32>} : memref<100x128xf32, #tpu.memory_space<vmem>>, vector<1x16xf32>,
        %get3A_617 = vector.shape_cast %get3A_616 : vector<1x16xf32> to vector<16xf32>
        %max3A_618 = arith.maximumf %get3A_599, %get3A_605 : vector<16xf32>
        %max3A_619 = arith.maximumf %get3A_611, %get3A_617 : vector<16xf32>
        %max3A_620 = arith.maximumf %max3A_618, %max3A_619 : vector<16xf32>
        %max3A_621 = arith.maximumf %scan3A_505, %max3A_620 : vector<16xf32>
        %add3A_622 = arith.constant 0 : i32
        %add3A_623 = arith.addi %mul3A_511, %add3A_622 : i32
        %get3A_624 = arith.index_cast %add3A_623 : i32 to index
        %get3A_625 = arith.constant 64 : index
        %get3A_626 = tpu.vector_load %arg8[%get3A_624, %get3A_625] {strides = array<i32>} : memref<100x128xf32, #tpu.memory_space<vmem>>, vector<1x16xf32>,
        %get3A_627 = vector.shape_cast %get3A_626 : vector<1x16xf32> to vector<16xf32>
        %add3A_628 = arith.constant 1 : i32
        %add3A_629 = arith.addi %mul3A_511, %add3A_628 : i32
        %get3A_630 = arith.index_cast %add3A_629 : i32 to index
        %get3A_631 = arith.constant 64 : index
        %get3A_632 = tpu.vector_load %arg8[%get3A_630, %get3A_631] {strides = array<i32>} : memref<100x128xf32, #tpu.memory_space<vmem>>, vector<1x16xf32>,
        %get3A_633 = vector.shape_cast %get3A_632 : vector<1x16xf32> to vector<16xf32>
        %add3A_634 = arith.constant 2 : i32
        %add3A_635 = arith.addi %mul3A_511, %add3A_634 : i32
        %get3A_636 = arith.index_cast %add3A_635 : i32 to index
        %get3A_637 = arith.constant 64 : index
        %get3A_638 = tpu.vector_load %arg8[%get3A_636, %get3A_637] {strides = array<i32>} : memref<100x128xf32, #tpu.memory_space<vmem>>, vector<1x16xf32>,
        %get3A_639 = vector.shape_cast %get3A_638 : vector<1x16xf32> to vector<16xf32>
        %add3A_640 = arith.constant 3 : i32
        %add3A_641 = arith.addi %mul3A_511, %add3A_640 : i32
        %get3A_642 = arith.index_cast %add3A_641 : i32 to index
        %get3A_643 = arith.constant 64 : index
        %get3A_644 = tpu.vector_load %arg8[%get3A_642, %get3A_643] {strides = array<i32>} : memref<100x128xf32, #tpu.memory_space<vmem>>, vector<1x16xf32>,
        %get3A_645 = vector.shape_cast %get3A_644 : vector<1x16xf32> to vector<16xf32>
        %max3A_646 = arith.maximumf %get3A_627, %get3A_633 : vector<16xf32>
        %max3A_647 = arith.maximumf %get3A_639, %get3A_645 : vector<16xf32>
        %max3A_648 = arith.maximumf %max3A_646, %max3A_647 : vector<16xf32>
        %max3A_649 = arith.maximumf %scan3A_506, %max3A_648 : vector<16xf32>
        %add3A_650 = arith.constant 0 : i32
        %add3A_651 = arith.addi %mul3A_511, %add3A_650 : i32
        %get3A_652 = arith.index_cast %add3A_651 : i32 to index
        %get3A_653 = arith.constant 80 : index
        %get3A_654 = tpu.vector_load %arg8[%get3A_652, %get3A_653] {strides = array<i32>} : memref<100x128xf32, #tpu.memory_space<vmem>>, vector<1x16xf32>,
        %get3A_655 = vector.shape_cast %get3A_654 : vector<1x16xf32> to vector<16xf32>
        %add3A_656 = arith.constant 1 : i32
        %add3A_657 = arith.addi %mul3A_511, %add3A_656 : i32
        %get3A_658 = arith.index_cast %add3A_657 : i32 to index
        %get3A_659 = arith.constant 80 : index
        %get3A_660 = tpu.vector_load %arg8[%get3A_658, %get3A_659] {strides = array<i32>} : memref<100x128xf32, #tpu.memory_space<vmem>>, vector<1x16xf32>,
        %get3A_661 = vector.shape_cast %get3A_660 : vector<1x16xf32> to vector<16xf32>
        %add3A_662 = arith.constant 2 : i32
        %add3A_663 = arith.addi %mul3A_511, %add3A_662 : i32
        %get3A_664 = arith.index_cast %add3A_663 : i32 to index
        %get3A_665 = arith.constant 80 : index
        %get3A_666 = tpu.vector_load %arg8[%get3A_664, %get3A_665] {strides = array<i32>} : memref<100x128xf32, #tpu.memory_space<vmem>>, vector<1x16xf32>,
        %get3A_667 = vector.shape_cast %get3A_666 : vector<1x16xf32> to vector<16xf32>
        %add3A_668 = arith.constant 3 : i32
        %add3A_669 = arith.addi %mul3A_511, %add3A_668 : i32
        %get3A_670 = arith.index_cast %add3A_669 : i32 to index
        %get3A_671 = arith.constant 80 : index
        %get3A_672 = tpu.vector_load %arg8[%get3A_670, %get3A_671] {strides = array<i32>} : memref<100x128xf32, #tpu.memory_space<vmem>>, vector<1x16xf32>,
        %get3A_673 = vector.shape_cast %get3A_672 : vector<1x16xf32> to vector<16xf32>
        %max3A_674 = arith.maximumf %get3A_655, %get3A_661 : vector<16xf32>
        %max3A_675 = arith.maximumf %get3A_667, %get3A_673 : vector<16xf32>
        %max3A_676 = arith.maximumf %max3A_674, %max3A_675 : vector<16xf32>
        %max3A_677 = arith.maximumf %scan3A_507, %max3A_676 : vector<16xf32>
        %add3A_678 = arith.constant 0 : i32
        %add3A_679 = arith.addi %mul3A_511, %add3A_678 : i32
        %get3A_680 = arith.index_cast %add3A_679 : i32 to index
        %get3A_681 = arith.constant 96 : index
        %get3A_682 = tpu.vector_load %arg8[%get3A_680, %get3A_681] {strides = array<i32>} : memref<100x128xf32, #tpu.memory_space<vmem>>, vector<1x16xf32>,
        %get3A_683 = vector.shape_cast %get3A_682 : vector<1x16xf32> to vector<16xf32>
        %add3A_684 = arith.constant 1 : i32
        %add3A_685 = arith.addi %mul3A_511, %add3A_684 : i32
        %get3A_686 = arith.index_cast %add3A_685 : i32 to index
        %get3A_687 = arith.constant 96 : index
        %get3A_688 = tpu.vector_load %arg8[%get3A_686, %get3A_687] {strides = array<i32>} : memref<100x128xf32, #tpu.memory_space<vmem>>, vector<1x16xf32>,
        %get3A_689 = vector.shape_cast %get3A_688 : vector<1x16xf32> to vector<16xf32>
        %add3A_690 = arith.constant 2 : i32
        %add3A_691 = arith.addi %mul3A_511, %add3A_690 : i32
        %get3A_692 = arith.index_cast %add3A_691 : i32 to index
        %get3A_693 = arith.constant 96 : index
        %get3A_694 = tpu.vector_load %arg8[%get3A_692, %get3A_693] {strides = array<i32>} : memref<100x128xf32, #tpu.memory_space<vmem>>, vector<1x16xf32>,
        %get3A_695 = vector.shape_cast %get3A_694 : vector<1x16xf32> to vector<16xf32>
        %add3A_696 = arith.constant 3 : i32
        %add3A_697 = arith.addi %mul3A_511, %add3A_696 : i32
        %get3A_698 = arith.index_cast %add3A_697 : i32 to index
        %get3A_699 = arith.constant 96 : index
        %get3A_700 = tpu.vector_load %arg8[%get3A_698, %get3A_699] {strides = array<i32>} : memref<100x128xf32, #tpu.memory_space<vmem>>, vector<1x16xf32>,
        %get3A_701 = vector.shape_cast %get3A_700 : vector<1x16xf32> to vector<16xf32>
        %max3A_702 = arith.maximumf %get3A_683, %get3A_689 : vector<16xf32>
        %max3A_703 = arith.maximumf %get3A_695, %get3A_701 : vector<16xf32>
        %max3A_704 = arith.maximumf %max3A_702, %max3A_703 : vector<16xf32>
        %max3A_705 = arith.maximumf %scan3A_508, %max3A_704 : vector<16xf32>
        %add3A_706 = arith.constant 0 : i32
        %add3A_707 = arith.addi %mul3A_511, %add3A_706 : i32
        %get3A_708 = arith.index_cast %add3A_707 : i32 to index
        %get3A_709 = arith.constant 112 : index
        %get3A_710 = tpu.vector_load %arg8[%get3A_708, %get3A_709] {strides = array<i32>} : memref<100x128xf32, #tpu.memory_space<vmem>>, vector<1x16xf32>,
        %get3A_711 = vector.shape_cast %get3A_710 : vector<1x16xf32> to vector<16xf32>
        %add3A_712 = arith.constant 1 : i32
        %add3A_713 = arith.addi %mul3A_511, %add3A_712 : i32
        %get3A_714 = arith.index_cast %add3A_713 : i32 to index
        %get3A_715 = arith.constant 112 : index
        %get3A_716 = tpu.vector_load %arg8[%get3A_714, %get3A_715] {strides = array<i32>} : memref<100x128xf32, #tpu.memory_space<vmem>>, vector<1x16xf32>,
        %get3A_717 = vector.shape_cast %get3A_716 : vector<1x16xf32> to vector<16xf32>
        %add3A_718 = arith.constant 2 : i32
        %add3A_719 = arith.addi %mul3A_511, %add3A_718 : i32
        %get3A_720 = arith.index_cast %add3A_719 : i32 to index
        %get3A_721 = arith.constant 112 : index
        %get3A_722 = tpu.vector_load %arg8[%get3A_720, %get3A_721] {strides = array<i32>} : memref<100x128xf32, #tpu.memory_space<vmem>>, vector<1x16xf32>,
        %get3A_723 = vector.shape_cast %get3A_722 : vector<1x16xf32> to vector<16xf32>
        %add3A_724 = arith.constant 3 : i32
        %add3A_725 = arith.addi %mul3A_511, %add3A_724 : i32
        %get3A_726 = arith.index_cast %add3A_725 : i32 to index
        %get3A_727 = arith.constant 112 : index
        %get3A_728 = tpu.vector_load %arg8[%get3A_726, %get3A_727] {strides = array<i32>} : memref<100x128xf32, #tpu.memory_space<vmem>>, vector<1x16xf32>,
        %get3A_729 = vector.shape_cast %get3A_728 : vector<1x16xf32> to vector<16xf32>
        %max3A_730 = arith.maximumf %get3A_711, %get3A_717 : vector<16xf32>
        %max3A_731 = arith.maximumf %get3A_723, %get3A_729 : vector<16xf32>
        %max3A_732 = arith.maximumf %max3A_730, %max3A_731 : vector<16xf32>
        %max3A_733 = arith.maximumf %scan3A_509, %max3A_732 : vector<16xf32>
        scf.yield %max3A_537, %max3A_565, %max3A_593, %max3A_621, %max3A_649, %max3A_677, %max3A_705, %max3A_733 : vector<16xf32>, vector<16xf32>, vector<16xf32>, vector<16xf32>, vector<16xf32>, vector<16xf32>, vector<16xf32>, vector<16xf32>
      }
      %scan3A_347 = arith.constant 25 : i32
      %add3A_348 = arith.constant 3 : i32
      %add3A_349 = arith.addi %add3A_334, %add3A_348 : i32
      %lt3A_350 = arith.constant 128 : i32
      %lt3A_351 = arith.cmpi slt, %add3A_349, %lt3A_350 : i32
      %convert_element_type3A_352 = arith.extui %lt3A_351 : i1 to i32
      %cond3A_353 = arith.constant 0 : i32
      %cond3A_354 = arith.cmpi ne, %convert_element_type3A_352, %cond3A_353 : i32
      scf.if %cond3A_354 {
        %add3A_501 = arith.constant 3 : i32
        %add3A_502 = arith.addi %add3A_334, %add3A_501 : i32
        %dma_start3A_503 = arith.constant 0 : i32
        %dma_start3A_504 = arith.constant 0 : i32
        %dma_start3A_505 = tpu.memref_slice %arg5[%add3A_502, %dma_start3A_503, %dma_start3A_504] : memref<128x2x100xi32, #tpu.memory_space<vmem>> -> memref<1x1x100xi32, #tpu.memory_space<vmem>>
        %dma_start3A_506 = tpu.memref_squeeze %dma_start3A_505 : memref<1x1x100xi32, #tpu.memory_space<vmem>> -> memref<100xi32, #tpu.memory_space<vmem>>
        %dma_start3A_507 = arith.constant 0 : i32
        %dma_start3A_508 = arith.constant 0 : i32
        %dma_start3A_509 = tpu.memref_slice %arg2[%dma_start3A_507, %dma_start3A_508] : memref<100000x128xf32, #tpu.memory_space<hbm>> -> memref<100000x128xf32, #tpu.memory_space<hbm>>
        tpu.enqueue_indirect_dma source(%dma_start3A_509 : memref<100000x128xf32, #tpu.memory_space<hbm>>) target(%arg8 : memref<100x128xf32, #tpu.memory_space<vmem>>) offsets(%dma_start3A_506 : memref<100xi32, #tpu.memory_space<vmem>>) semaphore(%arg15 : memref<!tpu.dma_semaphore, #tpu.memory_space<semaphore_mem>>)
      } else {
      }
      %add3A_355 = arith.constant 1 : i32
      %add3A_356 = arith.addi %mul3A_251, %add3A_355 : i32
      %dma_wait3A_357 = arith.constant 1 : i32
      %dma_wait3A_358 = arith.constant 0 : i32
      %dma_wait3A_359 = tpu.memref_slice %arg5[%add3A_356, %dma_wait3A_357, %dma_wait3A_358] : memref<128x2x100xi32, #tpu.memory_space<vmem>> -> memref<1x1x100xi32, #tpu.memory_space<vmem>>
      %dma_wait3A_360 = tpu.memref_squeeze %dma_wait3A_359 : memref<1x1x100xi32, #tpu.memory_space<vmem>> -> memref<100xi32, #tpu.memory_space<vmem>>
      %dma_wait3A_361 = arith.constant 0 : i32
      %dma_wait3A_362 = arith.constant 0 : i32
      %dma_wait3A_363 = tpu.memref_slice %arg2[%dma_wait3A_361, %dma_wait3A_362] : memref<100000x128xf32, #tpu.memory_space<hbm>> -> memref<100000x128xf32, #tpu.memory_space<hbm>>
      tpu.wait_indirect_dma semaphore(%arg16 : memref<!tpu.dma_semaphore, #tpu.memory_space<semaphore_mem>>) src(%dma_wait3A_363 : memref<100000x128xf32, #tpu.memory_space<hbm>>) dst(%arg9 : memref<100x128xf32, #tpu.memory_space<vmem>>)
      %scan3A_364 = arith.constant 0 : i32
      %scan3A_365 = arith.constant 25 : i32
      %scan3A_366 = arith.addi %scan3A_364, %scan3A_365 : i32
      %scan3A_367 = arith.constant 1 : i32
      %scan3A_368:8 = scf.for %scan3A_501 = %scan3A_364 to %scan3A_366 step %scan3A_367 iter_args(%scan3A_502 = %scan3A_346#0, %scan3A_503 = %scan3A_346#1, %scan3A_504 = %scan3A_346#2, %scan3A_505 = %scan3A_346#3, %scan3A_506 = %scan3A_346#4, %scan3A_507 = %scan3A_346#5, %scan3A_508 = %scan3A_346#6, %scan3A_509 = %scan3A_346#7) -> (vector<16xf32>, vector<16xf32>, vector<16xf32>, vector<16xf32>, vector<16xf32>, vector<16xf32>, vector<16xf32>, vector<16xf32>)  : i32 {
        %mul3A_510 = arith.constant 4 : i32
        %mul3A_511 = arith.muli %scan3A_501, %mul3A_510 : i32
        %add3A_512 = arith.constant 0 : i32
        %add3A_513 = arith.addi %mul3A_511, %add3A_512 : i32
        %get3A = arith.index_cast %add3A_513 : i32 to index
        %get3A_514 = arith.constant 0 : index
        %get3A_515 = tpu.vector_load %arg9[%get3A, %get3A_514] {strides = array<i32>} : memref<100x128xf32, #tpu.memory_space<vmem>>, vector<1x16xf32>,
        %get3A_516 = vector.shape_cast %get3A_515 : vector<1x16xf32> to vector<16xf32>
        %add3A_517 = arith.constant 1 : i32
        %add3A_518 = arith.addi %mul3A_511, %add3A_517 : i32
        %get3A_519 = arith.index_cast %add3A_518 : i32 to index
        %get3A_520 = arith.constant 0 : index
        %get3A_521 = tpu.vector_load %arg9[%get3A_519, %get3A_520] {strides = array<i32>} : memref<100x128xf32, #tpu.memory_space<vmem>>, vector<1x16xf32>,
        %get3A_522 = vector.shape_cast %get3A_521 : vector<1x16xf32> to vector<16xf32>
        %add3A_523 = arith.constant 2 : i32
        %add3A_524 = arith.addi %mul3A_511, %add3A_523 : i32
        %get3A_525 = arith.index_cast %add3A_524 : i32 to index
        %get3A_526 = arith.constant 0 : index
        %get3A_527 = tpu.vector_load %arg9[%get3A_525, %get3A_526] {strides = array<i32>} : memref<100x128xf32, #tpu.memory_space<vmem>>, vector<1x16xf32>,
        %get3A_528 = vector.shape_cast %get3A_527 : vector<1x16xf32> to vector<16xf32>
        %add3A_529 = arith.constant 3 : i32
        %add3A_530 = arith.addi %mul3A_511, %add3A_529 : i32
        %get3A_531 = arith.index_cast %add3A_530 : i32 to index
        %get3A_532 = arith.constant 0 : index
        %get3A_533 = tpu.vector_load %arg9[%get3A_531, %get3A_532] {strides = array<i32>} : memref<100x128xf32, #tpu.memory_space<vmem>>, vector<1x16xf32>,
        %get3A_534 = vector.shape_cast %get3A_533 : vector<1x16xf32> to vector<16xf32>
        %max3A = arith.maximumf %get3A_516, %get3A_522 : vector<16xf32>
        %max3A_535 = arith.maximumf %get3A_528, %get3A_534 : vector<16xf32>
        %max3A_536 = arith.maximumf %max3A, %max3A_535 : vector<16xf32>
        %max3A_537 = arith.maximumf %scan3A_502, %max3A_536 : vector<16xf32>
        %add3A_538 = arith.constant 0 : i32
        %add3A_539 = arith.addi %mul3A_511, %add3A_538 : i32
        %get3A_540 = arith.index_cast %add3A_539 : i32 to index
        %get3A_541 = arith.constant 16 : index
        %get3A_542 = tpu.vector_load %arg9[%get3A_540, %get3A_541] {strides = array<i32>} : memref<100x128xf32, #tpu.memory_space<vmem>>, vector<1x16xf32>,
        %get3A_543 = vector.shape_cast %get3A_542 : vector<1x16xf32> to vector<16xf32>
        %add3A_544 = arith.constant 1 : i32
        %add3A_545 = arith.addi %mul3A_511, %add3A_544 : i32
        %get3A_546 = arith.index_cast %add3A_545 : i32 to index
        %get3A_547 = arith.constant 16 : index
        %get3A_548 = tpu.vector_load %arg9[%get3A_546, %get3A_547] {strides = array<i32>} : memref<100x128xf32, #tpu.memory_space<vmem>>, vector<1x16xf32>,
        %get3A_549 = vector.shape_cast %get3A_548 : vector<1x16xf32> to vector<16xf32>
        %add3A_550 = arith.constant 2 : i32
        %add3A_551 = arith.addi %mul3A_511, %add3A_550 : i32
        %get3A_552 = arith.index_cast %add3A_551 : i32 to index
        %get3A_553 = arith.constant 16 : index
        %get3A_554 = tpu.vector_load %arg9[%get3A_552, %get3A_553] {strides = array<i32>} : memref<100x128xf32, #tpu.memory_space<vmem>>, vector<1x16xf32>,
        %get3A_555 = vector.shape_cast %get3A_554 : vector<1x16xf32> to vector<16xf32>
        %add3A_556 = arith.constant 3 : i32
        %add3A_557 = arith.addi %mul3A_511, %add3A_556 : i32
        %get3A_558 = arith.index_cast %add3A_557 : i32 to index
        %get3A_559 = arith.constant 16 : index
        %get3A_560 = tpu.vector_load %arg9[%get3A_558, %get3A_559] {strides = array<i32>} : memref<100x128xf32, #tpu.memory_space<vmem>>, vector<1x16xf32>,
        %get3A_561 = vector.shape_cast %get3A_560 : vector<1x16xf32> to vector<16xf32>
        %max3A_562 = arith.maximumf %get3A_543, %get3A_549 : vector<16xf32>
        %max3A_563 = arith.maximumf %get3A_555, %get3A_561 : vector<16xf32>
        %max3A_564 = arith.maximumf %max3A_562, %max3A_563 : vector<16xf32>
        %max3A_565 = arith.maximumf %scan3A_503, %max3A_564 : vector<16xf32>
        %add3A_566 = arith.constant 0 : i32
        %add3A_567 = arith.addi %mul3A_511, %add3A_566 : i32
        %get3A_568 = arith.index_cast %add3A_567 : i32 to index
        %get3A_569 = arith.constant 32 : index
        %get3A_570 = tpu.vector_load %arg9[%get3A_568, %get3A_569] {strides = array<i32>} : memref<100x128xf32, #tpu.memory_space<vmem>>, vector<1x16xf32>,
        %get3A_571 = vector.shape_cast %get3A_570 : vector<1x16xf32> to vector<16xf32>
        %add3A_572 = arith.constant 1 : i32
        %add3A_573 = arith.addi %mul3A_511, %add3A_572 : i32
        %get3A_574 = arith.index_cast %add3A_573 : i32 to index
        %get3A_575 = arith.constant 32 : index
        %get3A_576 = tpu.vector_load %arg9[%get3A_574, %get3A_575] {strides = array<i32>} : memref<100x128xf32, #tpu.memory_space<vmem>>, vector<1x16xf32>,
        %get3A_577 = vector.shape_cast %get3A_576 : vector<1x16xf32> to vector<16xf32>
        %add3A_578 = arith.constant 2 : i32
        %add3A_579 = arith.addi %mul3A_511, %add3A_578 : i32
        %get3A_580 = arith.index_cast %add3A_579 : i32 to index
        %get3A_581 = arith.constant 32 : index
        %get3A_582 = tpu.vector_load %arg9[%get3A_580, %get3A_581] {strides = array<i32>} : memref<100x128xf32, #tpu.memory_space<vmem>>, vector<1x16xf32>,
        %get3A_583 = vector.shape_cast %get3A_582 : vector<1x16xf32> to vector<16xf32>
        %add3A_584 = arith.constant 3 : i32
        %add3A_585 = arith.addi %mul3A_511, %add3A_584 : i32
        %get3A_586 = arith.index_cast %add3A_585 : i32 to index
        %get3A_587 = arith.constant 32 : index
        %get3A_588 = tpu.vector_load %arg9[%get3A_586, %get3A_587] {strides = array<i32>} : memref<100x128xf32, #tpu.memory_space<vmem>>, vector<1x16xf32>,
        %get3A_589 = vector.shape_cast %get3A_588 : vector<1x16xf32> to vector<16xf32>
        %max3A_590 = arith.maximumf %get3A_571, %get3A_577 : vector<16xf32>
        %max3A_591 = arith.maximumf %get3A_583, %get3A_589 : vector<16xf32>
        %max3A_592 = arith.maximumf %max3A_590, %max3A_591 : vector<16xf32>
        %max3A_593 = arith.maximumf %scan3A_504, %max3A_592 : vector<16xf32>
        %add3A_594 = arith.constant 0 : i32
        %add3A_595 = arith.addi %mul3A_511, %add3A_594 : i32
        %get3A_596 = arith.index_cast %add3A_595 : i32 to index
        %get3A_597 = arith.constant 48 : index
        %get3A_598 = tpu.vector_load %arg9[%get3A_596, %get3A_597] {strides = array<i32>} : memref<100x128xf32, #tpu.memory_space<vmem>>, vector<1x16xf32>,
        %get3A_599 = vector.shape_cast %get3A_598 : vector<1x16xf32> to vector<16xf32>
        %add3A_600 = arith.constant 1 : i32
        %add3A_601 = arith.addi %mul3A_511, %add3A_600 : i32
        %get3A_602 = arith.index_cast %add3A_601 : i32 to index
        %get3A_603 = arith.constant 48 : index
        %get3A_604 = tpu.vector_load %arg9[%get3A_602, %get3A_603] {strides = array<i32>} : memref<100x128xf32, #tpu.memory_space<vmem>>, vector<1x16xf32>,
        %get3A_605 = vector.shape_cast %get3A_604 : vector<1x16xf32> to vector<16xf32>
        %add3A_606 = arith.constant 2 : i32
        %add3A_607 = arith.addi %mul3A_511, %add3A_606 : i32
        %get3A_608 = arith.index_cast %add3A_607 : i32 to index
        %get3A_609 = arith.constant 48 : index
        %get3A_610 = tpu.vector_load %arg9[%get3A_608, %get3A_609] {strides = array<i32>} : memref<100x128xf32, #tpu.memory_space<vmem>>, vector<1x16xf32>,
        %get3A_611 = vector.shape_cast %get3A_610 : vector<1x16xf32> to vector<16xf32>
        %add3A_612 = arith.constant 3 : i32
        %add3A_613 = arith.addi %mul3A_511, %add3A_612 : i32
        %get3A_614 = arith.index_cast %add3A_613 : i32 to index
        %get3A_615 = arith.constant 48 : index
        %get3A_616 = tpu.vector_load %arg9[%get3A_614, %get3A_615] {strides = array<i32>} : memref<100x128xf32, #tpu.memory_space<vmem>>, vector<1x16xf32>,
        %get3A_617 = vector.shape_cast %get3A_616 : vector<1x16xf32> to vector<16xf32>
        %max3A_618 = arith.maximumf %get3A_599, %get3A_605 : vector<16xf32>
        %max3A_619 = arith.maximumf %get3A_611, %get3A_617 : vector<16xf32>
        %max3A_620 = arith.maximumf %max3A_618, %max3A_619 : vector<16xf32>
        %max3A_621 = arith.maximumf %scan3A_505, %max3A_620 : vector<16xf32>
        %add3A_622 = arith.constant 0 : i32
        %add3A_623 = arith.addi %mul3A_511, %add3A_622 : i32
        %get3A_624 = arith.index_cast %add3A_623 : i32 to index
        %get3A_625 = arith.constant 64 : index
        %get3A_626 = tpu.vector_load %arg9[%get3A_624, %get3A_625] {strides = array<i32>} : memref<100x128xf32, #tpu.memory_space<vmem>>, vector<1x16xf32>,
        %get3A_627 = vector.shape_cast %get3A_626 : vector<1x16xf32> to vector<16xf32>
        %add3A_628 = arith.constant 1 : i32
        %add3A_629 = arith.addi %mul3A_511, %add3A_628 : i32
        %get3A_630 = arith.index_cast %add3A_629 : i32 to index
        %get3A_631 = arith.constant 64 : index
        %get3A_632 = tpu.vector_load %arg9[%get3A_630, %get3A_631] {strides = array<i32>} : memref<100x128xf32, #tpu.memory_space<vmem>>, vector<1x16xf32>,
        %get3A_633 = vector.shape_cast %get3A_632 : vector<1x16xf32> to vector<16xf32>
        %add3A_634 = arith.constant 2 : i32
        %add3A_635 = arith.addi %mul3A_511, %add3A_634 : i32
        %get3A_636 = arith.index_cast %add3A_635 : i32 to index
        %get3A_637 = arith.constant 64 : index
        %get3A_638 = tpu.vector_load %arg9[%get3A_636, %get3A_637] {strides = array<i32>} : memref<100x128xf32, #tpu.memory_space<vmem>>, vector<1x16xf32>,
        %get3A_639 = vector.shape_cast %get3A_638 : vector<1x16xf32> to vector<16xf32>
        %add3A_640 = arith.constant 3 : i32
        %add3A_641 = arith.addi %mul3A_511, %add3A_640 : i32
        %get3A_642 = arith.index_cast %add3A_641 : i32 to index
        %get3A_643 = arith.constant 64 : index
        %get3A_644 = tpu.vector_load %arg9[%get3A_642, %get3A_643] {strides = array<i32>} : memref<100x128xf32, #tpu.memory_space<vmem>>, vector<1x16xf32>,
        %get3A_645 = vector.shape_cast %get3A_644 : vector<1x16xf32> to vector<16xf32>
        %max3A_646 = arith.maximumf %get3A_627, %get3A_633 : vector<16xf32>
        %max3A_647 = arith.maximumf %get3A_639, %get3A_645 : vector<16xf32>
        %max3A_648 = arith.maximumf %max3A_646, %max3A_647 : vector<16xf32>
        %max3A_649 = arith.maximumf %scan3A_506, %max3A_648 : vector<16xf32>
        %add3A_650 = arith.constant 0 : i32
        %add3A_651 = arith.addi %mul3A_511, %add3A_650 : i32
        %get3A_652 = arith.index_cast %add3A_651 : i32 to index
        %get3A_653 = arith.constant 80 : index
        %get3A_654 = tpu.vector_load %arg9[%get3A_652, %get3A_653] {strides = array<i32>} : memref<100x128xf32, #tpu.memory_space<vmem>>, vector<1x16xf32>,
        %get3A_655 = vector.shape_cast %get3A_654 : vector<1x16xf32> to vector<16xf32>
        %add3A_656 = arith.constant 1 : i32
        %add3A_657 = arith.addi %mul3A_511, %add3A_656 : i32
        %get3A_658 = arith.index_cast %add3A_657 : i32 to index
        %get3A_659 = arith.constant 80 : index
        %get3A_660 = tpu.vector_load %arg9[%get3A_658, %get3A_659] {strides = array<i32>} : memref<100x128xf32, #tpu.memory_space<vmem>>, vector<1x16xf32>,
        %get3A_661 = vector.shape_cast %get3A_660 : vector<1x16xf32> to vector<16xf32>
        %add3A_662 = arith.constant 2 : i32
        %add3A_663 = arith.addi %mul3A_511, %add3A_662 : i32
        %get3A_664 = arith.index_cast %add3A_663 : i32 to index
        %get3A_665 = arith.constant 80 : index
        %get3A_666 = tpu.vector_load %arg9[%get3A_664, %get3A_665] {strides = array<i32>} : memref<100x128xf32, #tpu.memory_space<vmem>>, vector<1x16xf32>,
        %get3A_667 = vector.shape_cast %get3A_666 : vector<1x16xf32> to vector<16xf32>
        %add3A_668 = arith.constant 3 : i32
        %add3A_669 = arith.addi %mul3A_511, %add3A_668 : i32
        %get3A_670 = arith.index_cast %add3A_669 : i32 to index
        %get3A_671 = arith.constant 80 : index
        %get3A_672 = tpu.vector_load %arg9[%get3A_670, %get3A_671] {strides = array<i32>} : memref<100x128xf32, #tpu.memory_space<vmem>>, vector<1x16xf32>,
        %get3A_673 = vector.shape_cast %get3A_672 : vector<1x16xf32> to vector<16xf32>
        %max3A_674 = arith.maximumf %get3A_655, %get3A_661 : vector<16xf32>
        %max3A_675 = arith.maximumf %get3A_667, %get3A_673 : vector<16xf32>
        %max3A_676 = arith.maximumf %max3A_674, %max3A_675 : vector<16xf32>
        %max3A_677 = arith.maximumf %scan3A_507, %max3A_676 : vector<16xf32>
        %add3A_678 = arith.constant 0 : i32
        %add3A_679 = arith.addi %mul3A_511, %add3A_678 : i32
        %get3A_680 = arith.index_cast %add3A_679 : i32 to index
        %get3A_681 = arith.constant 96 : index
        %get3A_682 = tpu.vector_load %arg9[%get3A_680, %get3A_681] {strides = array<i32>} : memref<100x128xf32, #tpu.memory_space<vmem>>, vector<1x16xf32>,
        %get3A_683 = vector.shape_cast %get3A_682 : vector<1x16xf32> to vector<16xf32>
        %add3A_684 = arith.constant 1 : i32
        %add3A_685 = arith.addi %mul3A_511, %add3A_684 : i32
        %get3A_686 = arith.index_cast %add3A_685 : i32 to index
        %get3A_687 = arith.constant 96 : index
        %get3A_688 = tpu.vector_load %arg9[%get3A_686, %get3A_687] {strides = array<i32>} : memref<100x128xf32, #tpu.memory_space<vmem>>, vector<1x16xf32>,
        %get3A_689 = vector.shape_cast %get3A_688 : vector<1x16xf32> to vector<16xf32>
        %add3A_690 = arith.constant 2 : i32
        %add3A_691 = arith.addi %mul3A_511, %add3A_690 : i32
        %get3A_692 = arith.index_cast %add3A_691 : i32 to index
        %get3A_693 = arith.constant 96 : index
        %get3A_694 = tpu.vector_load %arg9[%get3A_692, %get3A_693] {strides = array<i32>} : memref<100x128xf32, #tpu.memory_space<vmem>>, vector<1x16xf32>,
        %get3A_695 = vector.shape_cast %get3A_694 : vector<1x16xf32> to vector<16xf32>
        %add3A_696 = arith.constant 3 : i32
        %add3A_697 = arith.addi %mul3A_511, %add3A_696 : i32
        %get3A_698 = arith.index_cast %add3A_697 : i32 to index
        %get3A_699 = arith.constant 96 : index
        %get3A_700 = tpu.vector_load %arg9[%get3A_698, %get3A_699] {strides = array<i32>} : memref<100x128xf32, #tpu.memory_space<vmem>>, vector<1x16xf32>,
        %get3A_701 = vector.shape_cast %get3A_700 : vector<1x16xf32> to vector<16xf32>
        %max3A_702 = arith.maximumf %get3A_683, %get3A_689 : vector<16xf32>
        %max3A_703 = arith.maximumf %get3A_695, %get3A_701 : vector<16xf32>
        %max3A_704 = arith.maximumf %max3A_702, %max3A_703 : vector<16xf32>
        %max3A_705 = arith.maximumf %scan3A_508, %max3A_704 : vector<16xf32>
        %add3A_706 = arith.constant 0 : i32
        %add3A_707 = arith.addi %mul3A_511, %add3A_706 : i32
        %get3A_708 = arith.index_cast %add3A_707 : i32 to index
        %get3A_709 = arith.constant 112 : index
        %get3A_710 = tpu.vector_load %arg9[%get3A_708, %get3A_709] {strides = array<i32>} : memref<100x128xf32, #tpu.memory_space<vmem>>, vector<1x16xf32>,
        %get3A_711 = vector.shape_cast %get3A_710 : vector<1x16xf32> to vector<16xf32>
        %add3A_712 = arith.constant 1 : i32
        %add3A_713 = arith.addi %mul3A_511, %add3A_712 : i32
        %get3A_714 = arith.index_cast %add3A_713 : i32 to index
        %get3A_715 = arith.constant 112 : index
        %get3A_716 = tpu.vector_load %arg9[%get3A_714, %get3A_715] {strides = array<i32>} : memref<100x128xf32, #tpu.memory_space<vmem>>, vector<1x16xf32>,
        %get3A_717 = vector.shape_cast %get3A_716 : vector<1x16xf32> to vector<16xf32>
        %add3A_718 = arith.constant 2 : i32
        %add3A_719 = arith.addi %mul3A_511, %add3A_718 : i32
        %get3A_720 = arith.index_cast %add3A_719 : i32 to index
        %get3A_721 = arith.constant 112 : index
        %get3A_722 = tpu.vector_load %arg9[%get3A_720, %get3A_721] {strides = array<i32>} : memref<100x128xf32, #tpu.memory_space<vmem>>, vector<1x16xf32>,
        %get3A_723 = vector.shape_cast %get3A_722 : vector<1x16xf32> to vector<16xf32>
        %add3A_724 = arith.constant 3 : i32
        %add3A_725 = arith.addi %mul3A_511, %add3A_724 : i32
        %get3A_726 = arith.index_cast %add3A_725 : i32 to index
        %get3A_727 = arith.constant 112 : index
        %get3A_728 = tpu.vector_load %arg9[%get3A_726, %get3A_727] {strides = array<i32>} : memref<100x128xf32, #tpu.memory_space<vmem>>, vector<1x16xf32>,
        %get3A_729 = vector.shape_cast %get3A_728 : vector<1x16xf32> to vector<16xf32>
        %max3A_730 = arith.maximumf %get3A_711, %get3A_717 : vector<16xf32>
        %max3A_731 = arith.maximumf %get3A_723, %get3A_729 : vector<16xf32>
        %max3A_732 = arith.maximumf %max3A_730, %max3A_731 : vector<16xf32>
        %max3A_733 = arith.maximumf %scan3A_509, %max3A_732 : vector<16xf32>
        scf.yield %max3A_537, %max3A_565, %max3A_593, %max3A_621, %max3A_649, %max3A_677, %max3A_705, %max3A_733 : vector<16xf32>, vector<16xf32>, vector<16xf32>, vector<16xf32>, vector<16xf32>, vector<16xf32>, vector<16xf32>, vector<16xf32>
      }
      %scan3A_369 = arith.constant 25 : i32
      %swap3A_370 = arith.index_cast %add3A_356 : i32 to index
      %swap3A_371 = arith.constant 0 : index
      %swap3A_372 = tpu.vector_load %arg12[%swap3A_370, %swap3A_371] {strides = array<i32>} : memref<128x128xf32, #tpu.memory_space<vmem>>, vector<1x16xf32>,
      %swap3A_373 = vector.shape_cast %swap3A_372 : vector<1x16xf32> to vector<16xf32>
      %swap3A_374 = vector.shape_cast %scan3A_368#0 : vector<16xf32> to vector<1x16xf32>
      tpu.vector_store %arg12[%swap3A_370, %swap3A_371], %swap3A_374 {strides = array<i32>} : memref<128x128xf32, #tpu.memory_space<vmem>>, vector<1x16xf32>,
      %swap3A_375 = arith.index_cast %add3A_356 : i32 to index
      %swap3A_376 = arith.constant 16 : index
      %swap3A_377 = tpu.vector_load %arg12[%swap3A_375, %swap3A_376] {strides = array<i32>} : memref<128x128xf32, #tpu.memory_space<vmem>>, vector<1x16xf32>,
      %swap3A_378 = vector.shape_cast %swap3A_377 : vector<1x16xf32> to vector<16xf32>
      %swap3A_379 = vector.shape_cast %scan3A_368#1 : vector<16xf32> to vector<1x16xf32>
      tpu.vector_store %arg12[%swap3A_375, %swap3A_376], %swap3A_379 {strides = array<i32>} : memref<128x128xf32, #tpu.memory_space<vmem>>, vector<1x16xf32>,
      %swap3A_380 = arith.index_cast %add3A_356 : i32 to index
      %swap3A_381 = arith.constant 32 : index
      %swap3A_382 = tpu.vector_load %arg12[%swap3A_380, %swap3A_381] {strides = array<i32>} : memref<128x128xf32, #tpu.memory_space<vmem>>, vector<1x16xf32>,
      %swap3A_383 = vector.shape_cast %swap3A_382 : vector<1x16xf32> to vector<16xf32>
      %swap3A_384 = vector.shape_cast %scan3A_368#2 : vector<16xf32> to vector<1x16xf32>
      tpu.vector_store %arg12[%swap3A_380, %swap3A_381], %swap3A_384 {strides = array<i32>} : memref<128x128xf32, #tpu.memory_space<vmem>>, vector<1x16xf32>,
      %swap3A_385 = arith.index_cast %add3A_356 : i32 to index
      %swap3A_386 = arith.constant 48 : index
      %swap3A_387 = tpu.vector_load %arg12[%swap3A_385, %swap3A_386] {strides = array<i32>} : memref<128x128xf32, #tpu.memory_space<vmem>>, vector<1x16xf32>,
      %swap3A_388 = vector.shape_cast %swap3A_387 : vector<1x16xf32> to vector<16xf32>
      %swap3A_389 = vector.shape_cast %scan3A_368#3 : vector<16xf32> to vector<1x16xf32>
      tpu.vector_store %arg12[%swap3A_385, %swap3A_386], %swap3A_389 {strides = array<i32>} : memref<128x128xf32, #tpu.memory_space<vmem>>, vector<1x16xf32>,
      %swap3A_390 = arith.index_cast %add3A_356 : i32 to index
      %swap3A_391 = arith.constant 64 : index
      %swap3A_392 = tpu.vector_load %arg12[%swap3A_390, %swap3A_391] {strides = array<i32>} : memref<128x128xf32, #tpu.memory_space<vmem>>, vector<1x16xf32>,
      %swap3A_393 = vector.shape_cast %swap3A_392 : vector<1x16xf32> to vector<16xf32>
      %swap3A_394 = vector.shape_cast %scan3A_368#4 : vector<16xf32> to vector<1x16xf32>
      tpu.vector_store %arg12[%swap3A_390, %swap3A_391], %swap3A_394 {strides = array<i32>} : memref<128x128xf32, #tpu.memory_space<vmem>>, vector<1x16xf32>,
      %swap3A_395 = arith.index_cast %add3A_356 : i32 to index
      %swap3A_396 = arith.constant 80 : index
      %swap3A_397 = tpu.vector_load %arg12[%swap3A_395, %swap3A_396] {strides = array<i32>} : memref<128x128xf32, #tpu.memory_space<vmem>>, vector<1x16xf32>,
      %swap3A_398 = vector.shape_cast %swap3A_397 : vector<1x16xf32> to vector<16xf32>
      %swap3A_399 = vector.shape_cast %scan3A_368#5 : vector<16xf32> to vector<1x16xf32>
      tpu.vector_store %arg12[%swap3A_395, %swap3A_396], %swap3A_399 {strides = array<i32>} : memref<128x128xf32, #tpu.memory_space<vmem>>, vector<1x16xf32>,
      %swap3A_400 = arith.index_cast %add3A_356 : i32 to index
      %swap3A_401 = arith.constant 96 : index
      %swap3A_402 = tpu.vector_load %arg12[%swap3A_400, %swap3A_401] {strides = array<i32>} : memref<128x128xf32, #tpu.memory_space<vmem>>, vector<1x16xf32>,
      %swap3A_403 = vector.shape_cast %swap3A_402 : vector<1x16xf32> to vector<16xf32>
      %swap3A_404 = vector.shape_cast %scan3A_368#6 : vector<16xf32> to vector<1x16xf32>
      tpu.vector_store %arg12[%swap3A_400, %swap3A_401], %swap3A_404 {strides = array<i32>} : memref<128x128xf32, #tpu.memory_space<vmem>>, vector<1x16xf32>,
      %swap3A_405 = arith.index_cast %add3A_356 : i32 to index
      %swap3A_406 = arith.constant 112 : index
      %swap3A_407 = tpu.vector_load %arg12[%swap3A_405, %swap3A_406] {strides = array<i32>} : memref<128x128xf32, #tpu.memory_space<vmem>>, vector<1x16xf32>,
      %swap3A_408 = vector.shape_cast %swap3A_407 : vector<1x16xf32> to vector<16xf32>
      %swap3A_409 = vector.shape_cast %scan3A_368#7 : vector<16xf32> to vector<1x16xf32>
      tpu.vector_store %arg12[%swap3A_405, %swap3A_406], %swap3A_409 {strides = array<i32>} : memref<128x128xf32, #tpu.memory_space<vmem>>, vector<1x16xf32>,
      %add3A_410 = arith.constant 3 : i32
      %add3A_411 = arith.addi %add3A_356, %add3A_410 : i32
      %lt3A_412 = arith.constant 128 : i32
      %lt3A_413 = arith.cmpi slt, %add3A_411, %lt3A_412 : i32
      %convert_element_type3A_414 = arith.extui %lt3A_413 : i1 to i32
      %cond3A_415 = arith.constant 0 : i32
      %cond3A_416 = arith.cmpi ne, %convert_element_type3A_414, %cond3A_415 : i32
      scf.if %cond3A_416 {
        %add3A_501 = arith.constant 3 : i32
        %add3A_502 = arith.addi %add3A_356, %add3A_501 : i32
        %dma_start3A_503 = arith.constant 1 : i32
        %dma_start3A_504 = arith.constant 0 : i32
        %dma_start3A_505 = tpu.memref_slice %arg5[%add3A_502, %dma_start3A_503, %dma_start3A_504] : memref<128x2x100xi32, #tpu.memory_space<vmem>> -> memref<1x1x100xi32, #tpu.memory_space<vmem>>
        %dma_start3A_506 = tpu.memref_squeeze %dma_start3A_505 : memref<1x1x100xi32, #tpu.memory_space<vmem>> -> memref<100xi32, #tpu.memory_space<vmem>>
        %dma_start3A_507 = arith.constant 0 : i32
        %dma_start3A_508 = arith.constant 0 : i32
        %dma_start3A_509 = tpu.memref_slice %arg2[%dma_start3A_507, %dma_start3A_508] : memref<100000x128xf32, #tpu.memory_space<hbm>> -> memref<100000x128xf32, #tpu.memory_space<hbm>>
        tpu.enqueue_indirect_dma source(%dma_start3A_509 : memref<100000x128xf32, #tpu.memory_space<hbm>>) target(%arg9 : memref<100x128xf32, #tpu.memory_space<vmem>>) offsets(%dma_start3A_506 : memref<100xi32, #tpu.memory_space<vmem>>) semaphore(%arg16 : memref<!tpu.dma_semaphore, #tpu.memory_space<semaphore_mem>>)
      } else {
      }
      %add3A_417 = arith.constant 2 : i32
      %add3A_418 = arith.addi %mul3A_251, %add3A_417 : i32
      %dma_wait3A_419 = arith.constant 0 : i32
      %dma_wait3A_420 = arith.constant 0 : i32
      %dma_wait3A_421 = tpu.memref_slice %arg5[%add3A_418, %dma_wait3A_419, %dma_wait3A_420] : memref<128x2x100xi32, #tpu.memory_space<vmem>> -> memref<1x1x100xi32, #tpu.memory_space<vmem>>
      %dma_wait3A_422 = tpu.memref_squeeze %dma_wait3A_421 : memref<1x1x100xi32, #tpu.memory_space<vmem>> -> memref<100xi32, #tpu.memory_space<vmem>>
      %dma_wait3A_423 = arith.constant 0 : i32
      %dma_wait3A_424 = arith.constant 0 : i32
      %dma_wait3A_425 = tpu.memref_slice %arg2[%dma_wait3A_423, %dma_wait3A_424] : memref<100000x128xf32, #tpu.memory_space<hbm>> -> memref<100000x128xf32, #tpu.memory_space<hbm>>
      tpu.wait_indirect_dma semaphore(%arg17 : memref<!tpu.dma_semaphore, #tpu.memory_space<semaphore_mem>>) src(%dma_wait3A_425 : memref<100000x128xf32, #tpu.memory_space<hbm>>) dst(%arg10 : memref<100x128xf32, #tpu.memory_space<vmem>>)
      %scan3A_426 = arith.constant 0 : i32
      %scan3A_427 = arith.constant 25 : i32
      %scan3A_428 = arith.addi %scan3A_426, %scan3A_427 : i32
      %scan3A_429 = arith.constant 1 : i32
      %scan3A_430:8 = scf.for %scan3A_501 = %scan3A_426 to %scan3A_428 step %scan3A_429 iter_args(%scan3A_502 = %broadcast_in_dim3A_18, %scan3A_503 = %broadcast_in_dim3A_20, %scan3A_504 = %broadcast_in_dim3A_22, %scan3A_505 = %broadcast_in_dim3A_24, %scan3A_506 = %broadcast_in_dim3A_26, %scan3A_507 = %broadcast_in_dim3A_28, %scan3A_508 = %broadcast_in_dim3A_30, %scan3A_509 = %broadcast_in_dim3A_32) -> (vector<16xf32>, vector<16xf32>, vector<16xf32>, vector<16xf32>, vector<16xf32>, vector<16xf32>, vector<16xf32>, vector<16xf32>)  : i32 {
        %mul3A_510 = arith.constant 4 : i32
        %mul3A_511 = arith.muli %scan3A_501, %mul3A_510 : i32
        %add3A_512 = arith.constant 0 : i32
        %add3A_513 = arith.addi %mul3A_511, %add3A_512 : i32
        %get3A = arith.index_cast %add3A_513 : i32 to index
        %get3A_514 = arith.constant 0 : index
        %get3A_515 = tpu.vector_load %arg10[%get3A, %get3A_514] {strides = array<i32>} : memref<100x128xf32, #tpu.memory_space<vmem>>, vector<1x16xf32>,
        %get3A_516 = vector.shape_cast %get3A_515 : vector<1x16xf32> to vector<16xf32>
        %add3A_517 = arith.constant 1 : i32
        %add3A_518 = arith.addi %mul3A_511, %add3A_517 : i32
        %get3A_519 = arith.index_cast %add3A_518 : i32 to index
        %get3A_520 = arith.constant 0 : index
        %get3A_521 = tpu.vector_load %arg10[%get3A_519, %get3A_520] {strides = array<i32>} : memref<100x128xf32, #tpu.memory_space<vmem>>, vector<1x16xf32>,
        %get3A_522 = vector.shape_cast %get3A_521 : vector<1x16xf32> to vector<16xf32>
        %add3A_523 = arith.constant 2 : i32
        %add3A_524 = arith.addi %mul3A_511, %add3A_523 : i32
        %get3A_525 = arith.index_cast %add3A_524 : i32 to index
        %get3A_526 = arith.constant 0 : index
        %get3A_527 = tpu.vector_load %arg10[%get3A_525, %get3A_526] {strides = array<i32>} : memref<100x128xf32, #tpu.memory_space<vmem>>, vector<1x16xf32>,
        %get3A_528 = vector.shape_cast %get3A_527 : vector<1x16xf32> to vector<16xf32>
        %add3A_529 = arith.constant 3 : i32
        %add3A_530 = arith.addi %mul3A_511, %add3A_529 : i32
        %get3A_531 = arith.index_cast %add3A_530 : i32 to index
        %get3A_532 = arith.constant 0 : index
        %get3A_533 = tpu.vector_load %arg10[%get3A_531, %get3A_532] {strides = array<i32>} : memref<100x128xf32, #tpu.memory_space<vmem>>, vector<1x16xf32>,
        %get3A_534 = vector.shape_cast %get3A_533 : vector<1x16xf32> to vector<16xf32>
        %max3A = arith.maximumf %get3A_516, %get3A_522 : vector<16xf32>
        %max3A_535 = arith.maximumf %get3A_528, %get3A_534 : vector<16xf32>
        %max3A_536 = arith.maximumf %max3A, %max3A_535 : vector<16xf32>
        %max3A_537 = arith.maximumf %scan3A_502, %max3A_536 : vector<16xf32>
        %add3A_538 = arith.constant 0 : i32
        %add3A_539 = arith.addi %mul3A_511, %add3A_538 : i32
        %get3A_540 = arith.index_cast %add3A_539 : i32 to index
        %get3A_541 = arith.constant 16 : index
        %get3A_542 = tpu.vector_load %arg10[%get3A_540, %get3A_541] {strides = array<i32>} : memref<100x128xf32, #tpu.memory_space<vmem>>, vector<1x16xf32>,
        %get3A_543 = vector.shape_cast %get3A_542 : vector<1x16xf32> to vector<16xf32>
        %add3A_544 = arith.constant 1 : i32
        %add3A_545 = arith.addi %mul3A_511, %add3A_544 : i32
        %get3A_546 = arith.index_cast %add3A_545 : i32 to index
        %get3A_547 = arith.constant 16 : index
        %get3A_548 = tpu.vector_load %arg10[%get3A_546, %get3A_547] {strides = array<i32>} : memref<100x128xf32, #tpu.memory_space<vmem>>, vector<1x16xf32>,
        %get3A_549 = vector.shape_cast %get3A_548 : vector<1x16xf32> to vector<16xf32>
        %add3A_550 = arith.constant 2 : i32
        %add3A_551 = arith.addi %mul3A_511, %add3A_550 : i32
        %get3A_552 = arith.index_cast %add3A_551 : i32 to index
        %get3A_553 = arith.constant 16 : index
        %get3A_554 = tpu.vector_load %arg10[%get3A_552, %get3A_553] {strides = array<i32>} : memref<100x128xf32, #tpu.memory_space<vmem>>, vector<1x16xf32>,
        %get3A_555 = vector.shape_cast %get3A_554 : vector<1x16xf32> to vector<16xf32>
        %add3A_556 = arith.constant 3 : i32
        %add3A_557 = arith.addi %mul3A_511, %add3A_556 : i32
        %get3A_558 = arith.index_cast %add3A_557 : i32 to index
        %get3A_559 = arith.constant 16 : index
        %get3A_560 = tpu.vector_load %arg10[%get3A_558, %get3A_559] {strides = array<i32>} : memref<100x128xf32, #tpu.memory_space<vmem>>, vector<1x16xf32>,
        %get3A_561 = vector.shape_cast %get3A_560 : vector<1x16xf32> to vector<16xf32>
        %max3A_562 = arith.maximumf %get3A_543, %get3A_549 : vector<16xf32>
        %max3A_563 = arith.maximumf %get3A_555, %get3A_561 : vector<16xf32>
        %max3A_564 = arith.maximumf %max3A_562, %max3A_563 : vector<16xf32>
        %max3A_565 = arith.maximumf %scan3A_503, %max3A_564 : vector<16xf32>
        %add3A_566 = arith.constant 0 : i32
        %add3A_567 = arith.addi %mul3A_511, %add3A_566 : i32
        %get3A_568 = arith.index_cast %add3A_567 : i32 to index
        %get3A_569 = arith.constant 32 : index
        %get3A_570 = tpu.vector_load %arg10[%get3A_568, %get3A_569] {strides = array<i32>} : memref<100x128xf32, #tpu.memory_space<vmem>>, vector<1x16xf32>,
        %get3A_571 = vector.shape_cast %get3A_570 : vector<1x16xf32> to vector<16xf32>
        %add3A_572 = arith.constant 1 : i32
        %add3A_573 = arith.addi %mul3A_511, %add3A_572 : i32
        %get3A_574 = arith.index_cast %add3A_573 : i32 to index
        %get3A_575 = arith.constant 32 : index
        %get3A_576 = tpu.vector_load %arg10[%get3A_574, %get3A_575] {strides = array<i32>} : memref<100x128xf32, #tpu.memory_space<vmem>>, vector<1x16xf32>,
        %get3A_577 = vector.shape_cast %get3A_576 : vector<1x16xf32> to vector<16xf32>
        %add3A_578 = arith.constant 2 : i32
        %add3A_579 = arith.addi %mul3A_511, %add3A_578 : i32
        %get3A_580 = arith.index_cast %add3A_579 : i32 to index
        %get3A_581 = arith.constant 32 : index
        %get3A_582 = tpu.vector_load %arg10[%get3A_580, %get3A_581] {strides = array<i32>} : memref<100x128xf32, #tpu.memory_space<vmem>>, vector<1x16xf32>,
        %get3A_583 = vector.shape_cast %get3A_582 : vector<1x16xf32> to vector<16xf32>
        %add3A_584 = arith.constant 3 : i32
        %add3A_585 = arith.addi %mul3A_511, %add3A_584 : i32
        %get3A_586 = arith.index_cast %add3A_585 : i32 to index
        %get3A_587 = arith.constant 32 : index
        %get3A_588 = tpu.vector_load %arg10[%get3A_586, %get3A_587] {strides = array<i32>} : memref<100x128xf32, #tpu.memory_space<vmem>>, vector<1x16xf32>,
        %get3A_589 = vector.shape_cast %get3A_588 : vector<1x16xf32> to vector<16xf32>
        %max3A_590 = arith.maximumf %get3A_571, %get3A_577 : vector<16xf32>
        %max3A_591 = arith.maximumf %get3A_583, %get3A_589 : vector<16xf32>
        %max3A_592 = arith.maximumf %max3A_590, %max3A_591 : vector<16xf32>
        %max3A_593 = arith.maximumf %scan3A_504, %max3A_592 : vector<16xf32>
        %add3A_594 = arith.constant 0 : i32
        %add3A_595 = arith.addi %mul3A_511, %add3A_594 : i32
        %get3A_596 = arith.index_cast %add3A_595 : i32 to index
        %get3A_597 = arith.constant 48 : index
        %get3A_598 = tpu.vector_load %arg10[%get3A_596, %get3A_597] {strides = array<i32>} : memref<100x128xf32, #tpu.memory_space<vmem>>, vector<1x16xf32>,
        %get3A_599 = vector.shape_cast %get3A_598 : vector<1x16xf32> to vector<16xf32>
        %add3A_600 = arith.constant 1 : i32
        %add3A_601 = arith.addi %mul3A_511, %add3A_600 : i32
        %get3A_602 = arith.index_cast %add3A_601 : i32 to index
        %get3A_603 = arith.constant 48 : index
        %get3A_604 = tpu.vector_load %arg10[%get3A_602, %get3A_603] {strides = array<i32>} : memref<100x128xf32, #tpu.memory_space<vmem>>, vector<1x16xf32>,
        %get3A_605 = vector.shape_cast %get3A_604 : vector<1x16xf32> to vector<16xf32>
        %add3A_606 = arith.constant 2 : i32
        %add3A_607 = arith.addi %mul3A_511, %add3A_606 : i32
        %get3A_608 = arith.index_cast %add3A_607 : i32 to index
        %get3A_609 = arith.constant 48 : index
        %get3A_610 = tpu.vector_load %arg10[%get3A_608, %get3A_609] {strides = array<i32>} : memref<100x128xf32, #tpu.memory_space<vmem>>, vector<1x16xf32>,
        %get3A_611 = vector.shape_cast %get3A_610 : vector<1x16xf32> to vector<16xf32>
        %add3A_612 = arith.constant 3 : i32
        %add3A_613 = arith.addi %mul3A_511, %add3A_612 : i32
        %get3A_614 = arith.index_cast %add3A_613 : i32 to index
        %get3A_615 = arith.constant 48 : index
        %get3A_616 = tpu.vector_load %arg10[%get3A_614, %get3A_615] {strides = array<i32>} : memref<100x128xf32, #tpu.memory_space<vmem>>, vector<1x16xf32>,
        %get3A_617 = vector.shape_cast %get3A_616 : vector<1x16xf32> to vector<16xf32>
        %max3A_618 = arith.maximumf %get3A_599, %get3A_605 : vector<16xf32>
        %max3A_619 = arith.maximumf %get3A_611, %get3A_617 : vector<16xf32>
        %max3A_620 = arith.maximumf %max3A_618, %max3A_619 : vector<16xf32>
        %max3A_621 = arith.maximumf %scan3A_505, %max3A_620 : vector<16xf32>
        %add3A_622 = arith.constant 0 : i32
        %add3A_623 = arith.addi %mul3A_511, %add3A_622 : i32
        %get3A_624 = arith.index_cast %add3A_623 : i32 to index
        %get3A_625 = arith.constant 64 : index
        %get3A_626 = tpu.vector_load %arg10[%get3A_624, %get3A_625] {strides = array<i32>} : memref<100x128xf32, #tpu.memory_space<vmem>>, vector<1x16xf32>,
        %get3A_627 = vector.shape_cast %get3A_626 : vector<1x16xf32> to vector<16xf32>
        %add3A_628 = arith.constant 1 : i32
        %add3A_629 = arith.addi %mul3A_511, %add3A_628 : i32
        %get3A_630 = arith.index_cast %add3A_629 : i32 to index
        %get3A_631 = arith.constant 64 : index
        %get3A_632 = tpu.vector_load %arg10[%get3A_630, %get3A_631] {strides = array<i32>} : memref<100x128xf32, #tpu.memory_space<vmem>>, vector<1x16xf32>,
        %get3A_633 = vector.shape_cast %get3A_632 : vector<1x16xf32> to vector<16xf32>
        %add3A_634 = arith.constant 2 : i32
        %add3A_635 = arith.addi %mul3A_511, %add3A_634 : i32
        %get3A_636 = arith.index_cast %add3A_635 : i32 to index
        %get3A_637 = arith.constant 64 : index
        %get3A_638 = tpu.vector_load %arg10[%get3A_636, %get3A_637] {strides = array<i32>} : memref<100x128xf32, #tpu.memory_space<vmem>>, vector<1x16xf32>,
        %get3A_639 = vector.shape_cast %get3A_638 : vector<1x16xf32> to vector<16xf32>
        %add3A_640 = arith.constant 3 : i32
        %add3A_641 = arith.addi %mul3A_511, %add3A_640 : i32
        %get3A_642 = arith.index_cast %add3A_641 : i32 to index
        %get3A_643 = arith.constant 64 : index
        %get3A_644 = tpu.vector_load %arg10[%get3A_642, %get3A_643] {strides = array<i32>} : memref<100x128xf32, #tpu.memory_space<vmem>>, vector<1x16xf32>,
        %get3A_645 = vector.shape_cast %get3A_644 : vector<1x16xf32> to vector<16xf32>
        %max3A_646 = arith.maximumf %get3A_627, %get3A_633 : vector<16xf32>
        %max3A_647 = arith.maximumf %get3A_639, %get3A_645 : vector<16xf32>
        %max3A_648 = arith.maximumf %max3A_646, %max3A_647 : vector<16xf32>
        %max3A_649 = arith.maximumf %scan3A_506, %max3A_648 : vector<16xf32>
        %add3A_650 = arith.constant 0 : i32
        %add3A_651 = arith.addi %mul3A_511, %add3A_650 : i32
        %get3A_652 = arith.index_cast %add3A_651 : i32 to index
        %get3A_653 = arith.constant 80 : index
        %get3A_654 = tpu.vector_load %arg10[%get3A_652, %get3A_653] {strides = array<i32>} : memref<100x128xf32, #tpu.memory_space<vmem>>, vector<1x16xf32>,
        %get3A_655 = vector.shape_cast %get3A_654 : vector<1x16xf32> to vector<16xf32>
        %add3A_656 = arith.constant 1 : i32
        %add3A_657 = arith.addi %mul3A_511, %add3A_656 : i32
        %get3A_658 = arith.index_cast %add3A_657 : i32 to index
        %get3A_659 = arith.constant 80 : index
        %get3A_660 = tpu.vector_load %arg10[%get3A_658, %get3A_659] {strides = array<i32>} : memref<100x128xf32, #tpu.memory_space<vmem>>, vector<1x16xf32>,
        %get3A_661 = vector.shape_cast %get3A_660 : vector<1x16xf32> to vector<16xf32>
        %add3A_662 = arith.constant 2 : i32
        %add3A_663 = arith.addi %mul3A_511, %add3A_662 : i32
        %get3A_664 = arith.index_cast %add3A_663 : i32 to index
        %get3A_665 = arith.constant 80 : index
        %get3A_666 = tpu.vector_load %arg10[%get3A_664, %get3A_665] {strides = array<i32>} : memref<100x128xf32, #tpu.memory_space<vmem>>, vector<1x16xf32>,
        %get3A_667 = vector.shape_cast %get3A_666 : vector<1x16xf32> to vector<16xf32>
        %add3A_668 = arith.constant 3 : i32
        %add3A_669 = arith.addi %mul3A_511, %add3A_668 : i32
        %get3A_670 = arith.index_cast %add3A_669 : i32 to index
        %get3A_671 = arith.constant 80 : index
        %get3A_672 = tpu.vector_load %arg10[%get3A_670, %get3A_671] {strides = array<i32>} : memref<100x128xf32, #tpu.memory_space<vmem>>, vector<1x16xf32>,
        %get3A_673 = vector.shape_cast %get3A_672 : vector<1x16xf32> to vector<16xf32>
        %max3A_674 = arith.maximumf %get3A_655, %get3A_661 : vector<16xf32>
        %max3A_675 = arith.maximumf %get3A_667, %get3A_673 : vector<16xf32>
        %max3A_676 = arith.maximumf %max3A_674, %max3A_675 : vector<16xf32>
        %max3A_677 = arith.maximumf %scan3A_507, %max3A_676 : vector<16xf32>
        %add3A_678 = arith.constant 0 : i32
        %add3A_679 = arith.addi %mul3A_511, %add3A_678 : i32
        %get3A_680 = arith.index_cast %add3A_679 : i32 to index
        %get3A_681 = arith.constant 96 : index
        %get3A_682 = tpu.vector_load %arg10[%get3A_680, %get3A_681] {strides = array<i32>} : memref<100x128xf32, #tpu.memory_space<vmem>>, vector<1x16xf32>,
        %get3A_683 = vector.shape_cast %get3A_682 : vector<1x16xf32> to vector<16xf32>
        %add3A_684 = arith.constant 1 : i32
        %add3A_685 = arith.addi %mul3A_511, %add3A_684 : i32
        %get3A_686 = arith.index_cast %add3A_685 : i32 to index
        %get3A_687 = arith.constant 96 : index
        %get3A_688 = tpu.vector_load %arg10[%get3A_686, %get3A_687] {strides = array<i32>} : memref<100x128xf32, #tpu.memory_space<vmem>>, vector<1x16xf32>,
        %get3A_689 = vector.shape_cast %get3A_688 : vector<1x16xf32> to vector<16xf32>
        %add3A_690 = arith.constant 2 : i32
        %add3A_691 = arith.addi %mul3A_511, %add3A_690 : i32
        %get3A_692 = arith.index_cast %add3A_691 : i32 to index
        %get3A_693 = arith.constant 96 : index
        %get3A_694 = tpu.vector_load %arg10[%get3A_692, %get3A_693] {strides = array<i32>} : memref<100x128xf32, #tpu.memory_space<vmem>>, vector<1x16xf32>,
        %get3A_695 = vector.shape_cast %get3A_694 : vector<1x16xf32> to vector<16xf32>
        %add3A_696 = arith.constant 3 : i32
        %add3A_697 = arith.addi %mul3A_511, %add3A_696 : i32
        %get3A_698 = arith.index_cast %add3A_697 : i32 to index
        %get3A_699 = arith.constant 96 : index
        %get3A_700 = tpu.vector_load %arg10[%get3A_698, %get3A_699] {strides = array<i32>} : memref<100x128xf32, #tpu.memory_space<vmem>>, vector<1x16xf32>,
        %get3A_701 = vector.shape_cast %get3A_700 : vector<1x16xf32> to vector<16xf32>
        %max3A_702 = arith.maximumf %get3A_683, %get3A_689 : vector<16xf32>
        %max3A_703 = arith.maximumf %get3A_695, %get3A_701 : vector<16xf32>
        %max3A_704 = arith.maximumf %max3A_702, %max3A_703 : vector<16xf32>
        %max3A_705 = arith.maximumf %scan3A_508, %max3A_704 : vector<16xf32>
        %add3A_706 = arith.constant 0 : i32
        %add3A_707 = arith.addi %mul3A_511, %add3A_706 : i32
        %get3A_708 = arith.index_cast %add3A_707 : i32 to index
        %get3A_709 = arith.constant 112 : index
        %get3A_710 = tpu.vector_load %arg10[%get3A_708, %get3A_709] {strides = array<i32>} : memref<100x128xf32, #tpu.memory_space<vmem>>, vector<1x16xf32>,
        %get3A_711 = vector.shape_cast %get3A_710 : vector<1x16xf32> to vector<16xf32>
        %add3A_712 = arith.constant 1 : i32
        %add3A_713 = arith.addi %mul3A_511, %add3A_712 : i32
        %get3A_714 = arith.index_cast %add3A_713 : i32 to index
        %get3A_715 = arith.constant 112 : index
        %get3A_716 = tpu.vector_load %arg10[%get3A_714, %get3A_715] {strides = array<i32>} : memref<100x128xf32, #tpu.memory_space<vmem>>, vector<1x16xf32>,
        %get3A_717 = vector.shape_cast %get3A_716 : vector<1x16xf32> to vector<16xf32>
        %add3A_718 = arith.constant 2 : i32
        %add3A_719 = arith.addi %mul3A_511, %add3A_718 : i32
        %get3A_720 = arith.index_cast %add3A_719 : i32 to index
        %get3A_721 = arith.constant 112 : index
        %get3A_722 = tpu.vector_load %arg10[%get3A_720, %get3A_721] {strides = array<i32>} : memref<100x128xf32, #tpu.memory_space<vmem>>, vector<1x16xf32>,
        %get3A_723 = vector.shape_cast %get3A_722 : vector<1x16xf32> to vector<16xf32>
        %add3A_724 = arith.constant 3 : i32
        %add3A_725 = arith.addi %mul3A_511, %add3A_724 : i32
        %get3A_726 = arith.index_cast %add3A_725 : i32 to index
        %get3A_727 = arith.constant 112 : index
        %get3A_728 = tpu.vector_load %arg10[%get3A_726, %get3A_727] {strides = array<i32>} : memref<100x128xf32, #tpu.memory_space<vmem>>, vector<1x16xf32>,
        %get3A_729 = vector.shape_cast %get3A_728 : vector<1x16xf32> to vector<16xf32>
        %max3A_730 = arith.maximumf %get3A_711, %get3A_717 : vector<16xf32>
        %max3A_731 = arith.maximumf %get3A_723, %get3A_729 : vector<16xf32>
        %max3A_732 = arith.maximumf %max3A_730, %max3A_731 : vector<16xf32>
        %max3A_733 = arith.maximumf %scan3A_509, %max3A_732 : vector<16xf32>
        scf.yield %max3A_537, %max3A_565, %max3A_593, %max3A_621, %max3A_649, %max3A_677, %max3A_705, %max3A_733 : vector<16xf32>, vector<16xf32>, vector<16xf32>, vector<16xf32>, vector<16xf32>, vector<16xf32>, vector<16xf32>, vector<16xf32>
      }
      %scan3A_431 = arith.constant 25 : i32
      %add3A_432 = arith.constant 3 : i32
      %add3A_433 = arith.addi %add3A_418, %add3A_432 : i32
      %lt3A_434 = arith.constant 128 : i32
      %lt3A_435 = arith.cmpi slt, %add3A_433, %lt3A_434 : i32
      %convert_element_type3A_436 = arith.extui %lt3A_435 : i1 to i32
      %cond3A_437 = arith.constant 0 : i32
      %cond3A_438 = arith.cmpi ne, %convert_element_type3A_436, %cond3A_437 : i32
      scf.if %cond3A_438 {
        %add3A_501 = arith.constant 3 : i32
        %add3A_502 = arith.addi %add3A_418, %add3A_501 : i32
        %dma_start3A_503 = arith.constant 0 : i32
        %dma_start3A_504 = arith.constant 0 : i32
        %dma_start3A_505 = tpu.memref_slice %arg5[%add3A_502, %dma_start3A_503, %dma_start3A_504] : memref<128x2x100xi32, #tpu.memory_space<vmem>> -> memref<1x1x100xi32, #tpu.memory_space<vmem>>
        %dma_start3A_506 = tpu.memref_squeeze %dma_start3A_505 : memref<1x1x100xi32, #tpu.memory_space<vmem>> -> memref<100xi32, #tpu.memory_space<vmem>>
        %dma_start3A_507 = arith.constant 0 : i32
        %dma_start3A_508 = arith.constant 0 : i32
        %dma_start3A_509 = tpu.memref_slice %arg2[%dma_start3A_507, %dma_start3A_508] : memref<100000x128xf32, #tpu.memory_space<hbm>> -> memref<100000x128xf32, #tpu.memory_space<hbm>>
        tpu.enqueue_indirect_dma source(%dma_start3A_509 : memref<100000x128xf32, #tpu.memory_space<hbm>>) target(%arg10 : memref<100x128xf32, #tpu.memory_space<vmem>>) offsets(%dma_start3A_506 : memref<100xi32, #tpu.memory_space<vmem>>) semaphore(%arg17 : memref<!tpu.dma_semaphore, #tpu.memory_space<semaphore_mem>>)
      } else {
      }
      %add3A_439 = arith.constant 2 : i32
      %add3A_440 = arith.addi %mul3A_251, %add3A_439 : i32
      %dma_wait3A_441 = arith.constant 1 : i32
      %dma_wait3A_442 = arith.constant 0 : i32
      %dma_wait3A_443 = tpu.memref_slice %arg5[%add3A_440, %dma_wait3A_441, %dma_wait3A_442] : memref<128x2x100xi32, #tpu.memory_space<vmem>> -> memref<1x1x100xi32, #tpu.memory_space<vmem>>
      %dma_wait3A_444 = tpu.memref_squeeze %dma_wait3A_443 : memref<1x1x100xi32, #tpu.memory_space<vmem>> -> memref<100xi32, #tpu.memory_space<vmem>>
      %dma_wait3A_445 = arith.constant 0 : i32
      %dma_wait3A_446 = arith.constant 0 : i32
      %dma_wait3A_447 = tpu.memref_slice %arg2[%dma_wait3A_445, %dma_wait3A_446] : memref<100000x128xf32, #tpu.memory_space<hbm>> -> memref<100000x128xf32, #tpu.memory_space<hbm>>
      tpu.wait_indirect_dma semaphore(%arg18 : memref<!tpu.dma_semaphore, #tpu.memory_space<semaphore_mem>>) src(%dma_wait3A_447 : memref<100000x128xf32, #tpu.memory_space<hbm>>) dst(%arg11 : memref<100x128xf32, #tpu.memory_space<vmem>>)
      %scan3A_448 = arith.constant 0 : i32
      %scan3A_449 = arith.constant 25 : i32
      %scan3A_450 = arith.addi %scan3A_448, %scan3A_449 : i32
      %scan3A_451 = arith.constant 1 : i32
      %scan3A_452:8 = scf.for %scan3A_501 = %scan3A_448 to %scan3A_450 step %scan3A_451 iter_args(%scan3A_502 = %scan3A_430#0, %scan3A_503 = %scan3A_430#1, %scan3A_504 = %scan3A_430#2, %scan3A_505 = %scan3A_430#3, %scan3A_506 = %scan3A_430#4, %scan3A_507 = %scan3A_430#5, %scan3A_508 = %scan3A_430#6, %scan3A_509 = %scan3A_430#7) -> (vector<16xf32>, vector<16xf32>, vector<16xf32>, vector<16xf32>, vector<16xf32>, vector<16xf32>, vector<16xf32>, vector<16xf32>)  : i32 {
        %mul3A_510 = arith.constant 4 : i32
        %mul3A_511 = arith.muli %scan3A_501, %mul3A_510 : i32
        %add3A_512 = arith.constant 0 : i32
        %add3A_513 = arith.addi %mul3A_511, %add3A_512 : i32
        %get3A = arith.index_cast %add3A_513 : i32 to index
        %get3A_514 = arith.constant 0 : index
        %get3A_515 = tpu.vector_load %arg11[%get3A, %get3A_514] {strides = array<i32>} : memref<100x128xf32, #tpu.memory_space<vmem>>, vector<1x16xf32>,
        %get3A_516 = vector.shape_cast %get3A_515 : vector<1x16xf32> to vector<16xf32>
        %add3A_517 = arith.constant 1 : i32
        %add3A_518 = arith.addi %mul3A_511, %add3A_517 : i32
        %get3A_519 = arith.index_cast %add3A_518 : i32 to index
        %get3A_520 = arith.constant 0 : index
        %get3A_521 = tpu.vector_load %arg11[%get3A_519, %get3A_520] {strides = array<i32>} : memref<100x128xf32, #tpu.memory_space<vmem>>, vector<1x16xf32>,
        %get3A_522 = vector.shape_cast %get3A_521 : vector<1x16xf32> to vector<16xf32>
        %add3A_523 = arith.constant 2 : i32
        %add3A_524 = arith.addi %mul3A_511, %add3A_523 : i32
        %get3A_525 = arith.index_cast %add3A_524 : i32 to index
        %get3A_526 = arith.constant 0 : index
        %get3A_527 = tpu.vector_load %arg11[%get3A_525, %get3A_526] {strides = array<i32>} : memref<100x128xf32, #tpu.memory_space<vmem>>, vector<1x16xf32>,
        %get3A_528 = vector.shape_cast %get3A_527 : vector<1x16xf32> to vector<16xf32>
        %add3A_529 = arith.constant 3 : i32
        %add3A_530 = arith.addi %mul3A_511, %add3A_529 : i32
        %get3A_531 = arith.index_cast %add3A_530 : i32 to index
        %get3A_532 = arith.constant 0 : index
        %get3A_533 = tpu.vector_load %arg11[%get3A_531, %get3A_532] {strides = array<i32>} : memref<100x128xf32, #tpu.memory_space<vmem>>, vector<1x16xf32>,
        %get3A_534 = vector.shape_cast %get3A_533 : vector<1x16xf32> to vector<16xf32>
        %max3A = arith.maximumf %get3A_516, %get3A_522 : vector<16xf32>
        %max3A_535 = arith.maximumf %get3A_528, %get3A_534 : vector<16xf32>
        %max3A_536 = arith.maximumf %max3A, %max3A_535 : vector<16xf32>
        %max3A_537 = arith.maximumf %scan3A_502, %max3A_536 : vector<16xf32>
        %add3A_538 = arith.constant 0 : i32
        %add3A_539 = arith.addi %mul3A_511, %add3A_538 : i32
        %get3A_540 = arith.index_cast %add3A_539 : i32 to index
        %get3A_541 = arith.constant 16 : index
        %get3A_542 = tpu.vector_load %arg11[%get3A_540, %get3A_541] {strides = array<i32>} : memref<100x128xf32, #tpu.memory_space<vmem>>, vector<1x16xf32>,
        %get3A_543 = vector.shape_cast %get3A_542 : vector<1x16xf32> to vector<16xf32>
        %add3A_544 = arith.constant 1 : i32
        %add3A_545 = arith.addi %mul3A_511, %add3A_544 : i32
        %get3A_546 = arith.index_cast %add3A_545 : i32 to index
        %get3A_547 = arith.constant 16 : index
        %get3A_548 = tpu.vector_load %arg11[%get3A_546, %get3A_547] {strides = array<i32>} : memref<100x128xf32, #tpu.memory_space<vmem>>, vector<1x16xf32>,
        %get3A_549 = vector.shape_cast %get3A_548 : vector<1x16xf32> to vector<16xf32>
        %add3A_550 = arith.constant 2 : i32
        %add3A_551 = arith.addi %mul3A_511, %add3A_550 : i32
        %get3A_552 = arith.index_cast %add3A_551 : i32 to index
        %get3A_553 = arith.constant 16 : index
        %get3A_554 = tpu.vector_load %arg11[%get3A_552, %get3A_553] {strides = array<i32>} : memref<100x128xf32, #tpu.memory_space<vmem>>, vector<1x16xf32>,
        %get3A_555 = vector.shape_cast %get3A_554 : vector<1x16xf32> to vector<16xf32>
        %add3A_556 = arith.constant 3 : i32
        %add3A_557 = arith.addi %mul3A_511, %add3A_556 : i32
        %get3A_558 = arith.index_cast %add3A_557 : i32 to index
        %get3A_559 = arith.constant 16 : index
        %get3A_560 = tpu.vector_load %arg11[%get3A_558, %get3A_559] {strides = array<i32>} : memref<100x128xf32, #tpu.memory_space<vmem>>, vector<1x16xf32>,
        %get3A_561 = vector.shape_cast %get3A_560 : vector<1x16xf32> to vector<16xf32>
        %max3A_562 = arith.maximumf %get3A_543, %get3A_549 : vector<16xf32>
        %max3A_563 = arith.maximumf %get3A_555, %get3A_561 : vector<16xf32>
        %max3A_564 = arith.maximumf %max3A_562, %max3A_563 : vector<16xf32>
        %max3A_565 = arith.maximumf %scan3A_503, %max3A_564 : vector<16xf32>
        %add3A_566 = arith.constant 0 : i32
        %add3A_567 = arith.addi %mul3A_511, %add3A_566 : i32
        %get3A_568 = arith.index_cast %add3A_567 : i32 to index
        %get3A_569 = arith.constant 32 : index
        %get3A_570 = tpu.vector_load %arg11[%get3A_568, %get3A_569] {strides = array<i32>} : memref<100x128xf32, #tpu.memory_space<vmem>>, vector<1x16xf32>,
        %get3A_571 = vector.shape_cast %get3A_570 : vector<1x16xf32> to vector<16xf32>
        %add3A_572 = arith.constant 1 : i32
        %add3A_573 = arith.addi %mul3A_511, %add3A_572 : i32
        %get3A_574 = arith.index_cast %add3A_573 : i32 to index
        %get3A_575 = arith.constant 32 : index
        %get3A_576 = tpu.vector_load %arg11[%get3A_574, %get3A_575] {strides = array<i32>} : memref<100x128xf32, #tpu.memory_space<vmem>>, vector<1x16xf32>,
        %get3A_577 = vector.shape_cast %get3A_576 : vector<1x16xf32> to vector<16xf32>
        %add3A_578 = arith.constant 2 : i32
        %add3A_579 = arith.addi %mul3A_511, %add3A_578 : i32
        %get3A_580 = arith.index_cast %add3A_579 : i32 to index
        %get3A_581 = arith.constant 32 : index
        %get3A_582 = tpu.vector_load %arg11[%get3A_580, %get3A_581] {strides = array<i32>} : memref<100x128xf32, #tpu.memory_space<vmem>>, vector<1x16xf32>,
        %get3A_583 = vector.shape_cast %get3A_582 : vector<1x16xf32> to vector<16xf32>
        %add3A_584 = arith.constant 3 : i32
        %add3A_585 = arith.addi %mul3A_511, %add3A_584 : i32
        %get3A_586 = arith.index_cast %add3A_585 : i32 to index
        %get3A_587 = arith.constant 32 : index
        %get3A_588 = tpu.vector_load %arg11[%get3A_586, %get3A_587] {strides = array<i32>} : memref<100x128xf32, #tpu.memory_space<vmem>>, vector<1x16xf32>,
        %get3A_589 = vector.shape_cast %get3A_588 : vector<1x16xf32> to vector<16xf32>
        %max3A_590 = arith.maximumf %get3A_571, %get3A_577 : vector<16xf32>
        %max3A_591 = arith.maximumf %get3A_583, %get3A_589 : vector<16xf32>
        %max3A_592 = arith.maximumf %max3A_590, %max3A_591 : vector<16xf32>
        %max3A_593 = arith.maximumf %scan3A_504, %max3A_592 : vector<16xf32>
        %add3A_594 = arith.constant 0 : i32
        %add3A_595 = arith.addi %mul3A_511, %add3A_594 : i32
        %get3A_596 = arith.index_cast %add3A_595 : i32 to index
        %get3A_597 = arith.constant 48 : index
        %get3A_598 = tpu.vector_load %arg11[%get3A_596, %get3A_597] {strides = array<i32>} : memref<100x128xf32, #tpu.memory_space<vmem>>, vector<1x16xf32>,
        %get3A_599 = vector.shape_cast %get3A_598 : vector<1x16xf32> to vector<16xf32>
        %add3A_600 = arith.constant 1 : i32
        %add3A_601 = arith.addi %mul3A_511, %add3A_600 : i32
        %get3A_602 = arith.index_cast %add3A_601 : i32 to index
        %get3A_603 = arith.constant 48 : index
        %get3A_604 = tpu.vector_load %arg11[%get3A_602, %get3A_603] {strides = array<i32>} : memref<100x128xf32, #tpu.memory_space<vmem>>, vector<1x16xf32>,
        %get3A_605 = vector.shape_cast %get3A_604 : vector<1x16xf32> to vector<16xf32>
        %add3A_606 = arith.constant 2 : i32
        %add3A_607 = arith.addi %mul3A_511, %add3A_606 : i32
        %get3A_608 = arith.index_cast %add3A_607 : i32 to index
        %get3A_609 = arith.constant 48 : index
        %get3A_610 = tpu.vector_load %arg11[%get3A_608, %get3A_609] {strides = array<i32>} : memref<100x128xf32, #tpu.memory_space<vmem>>, vector<1x16xf32>,
        %get3A_611 = vector.shape_cast %get3A_610 : vector<1x16xf32> to vector<16xf32>
        %add3A_612 = arith.constant 3 : i32
        %add3A_613 = arith.addi %mul3A_511, %add3A_612 : i32
        %get3A_614 = arith.index_cast %add3A_613 : i32 to index
        %get3A_615 = arith.constant 48 : index
        %get3A_616 = tpu.vector_load %arg11[%get3A_614, %get3A_615] {strides = array<i32>} : memref<100x128xf32, #tpu.memory_space<vmem>>, vector<1x16xf32>,
        %get3A_617 = vector.shape_cast %get3A_616 : vector<1x16xf32> to vector<16xf32>
        %max3A_618 = arith.maximumf %get3A_599, %get3A_605 : vector<16xf32>
        %max3A_619 = arith.maximumf %get3A_611, %get3A_617 : vector<16xf32>
        %max3A_620 = arith.maximumf %max3A_618, %max3A_619 : vector<16xf32>
        %max3A_621 = arith.maximumf %scan3A_505, %max3A_620 : vector<16xf32>
        %add3A_622 = arith.constant 0 : i32
        %add3A_623 = arith.addi %mul3A_511, %add3A_622 : i32
        %get3A_624 = arith.index_cast %add3A_623 : i32 to index
        %get3A_625 = arith.constant 64 : index
        %get3A_626 = tpu.vector_load %arg11[%get3A_624, %get3A_625] {strides = array<i32>} : memref<100x128xf32, #tpu.memory_space<vmem>>, vector<1x16xf32>,
        %get3A_627 = vector.shape_cast %get3A_626 : vector<1x16xf32> to vector<16xf32>
        %add3A_628 = arith.constant 1 : i32
        %add3A_629 = arith.addi %mul3A_511, %add3A_628 : i32
        %get3A_630 = arith.index_cast %add3A_629 : i32 to index
        %get3A_631 = arith.constant 64 : index
        %get3A_632 = tpu.vector_load %arg11[%get3A_630, %get3A_631] {strides = array<i32>} : memref<100x128xf32, #tpu.memory_space<vmem>>, vector<1x16xf32>,
        %get3A_633 = vector.shape_cast %get3A_632 : vector<1x16xf32> to vector<16xf32>
        %add3A_634 = arith.constant 2 : i32
        %add3A_635 = arith.addi %mul3A_511, %add3A_634 : i32
        %get3A_636 = arith.index_cast %add3A_635 : i32 to index
        %get3A_637 = arith.constant 64 : index
        %get3A_638 = tpu.vector_load %arg11[%get3A_636, %get3A_637] {strides = array<i32>} : memref<100x128xf32, #tpu.memory_space<vmem>>, vector<1x16xf32>,
        %get3A_639 = vector.shape_cast %get3A_638 : vector<1x16xf32> to vector<16xf32>
        %add3A_640 = arith.constant 3 : i32
        %add3A_641 = arith.addi %mul3A_511, %add3A_640 : i32
        %get3A_642 = arith.index_cast %add3A_641 : i32 to index
        %get3A_643 = arith.constant 64 : index
        %get3A_644 = tpu.vector_load %arg11[%get3A_642, %get3A_643] {strides = array<i32>} : memref<100x128xf32, #tpu.memory_space<vmem>>, vector<1x16xf32>,
        %get3A_645 = vector.shape_cast %get3A_644 : vector<1x16xf32> to vector<16xf32>
        %max3A_646 = arith.maximumf %get3A_627, %get3A_633 : vector<16xf32>
        %max3A_647 = arith.maximumf %get3A_639, %get3A_645 : vector<16xf32>
        %max3A_648 = arith.maximumf %max3A_646, %max3A_647 : vector<16xf32>
        %max3A_649 = arith.maximumf %scan3A_506, %max3A_648 : vector<16xf32>
        %add3A_650 = arith.constant 0 : i32
        %add3A_651 = arith.addi %mul3A_511, %add3A_650 : i32
        %get3A_652 = arith.index_cast %add3A_651 : i32 to index
        %get3A_653 = arith.constant 80 : index
        %get3A_654 = tpu.vector_load %arg11[%get3A_652, %get3A_653] {strides = array<i32>} : memref<100x128xf32, #tpu.memory_space<vmem>>, vector<1x16xf32>,
        %get3A_655 = vector.shape_cast %get3A_654 : vector<1x16xf32> to vector<16xf32>
        %add3A_656 = arith.constant 1 : i32
        %add3A_657 = arith.addi %mul3A_511, %add3A_656 : i32
        %get3A_658 = arith.index_cast %add3A_657 : i32 to index
        %get3A_659 = arith.constant 80 : index
        %get3A_660 = tpu.vector_load %arg11[%get3A_658, %get3A_659] {strides = array<i32>} : memref<100x128xf32, #tpu.memory_space<vmem>>, vector<1x16xf32>,
        %get3A_661 = vector.shape_cast %get3A_660 : vector<1x16xf32> to vector<16xf32>
        %add3A_662 = arith.constant 2 : i32
        %add3A_663 = arith.addi %mul3A_511, %add3A_662 : i32
        %get3A_664 = arith.index_cast %add3A_663 : i32 to index
        %get3A_665 = arith.constant 80 : index
        %get3A_666 = tpu.vector_load %arg11[%get3A_664, %get3A_665] {strides = array<i32>} : memref<100x128xf32, #tpu.memory_space<vmem>>, vector<1x16xf32>,
        %get3A_667 = vector.shape_cast %get3A_666 : vector<1x16xf32> to vector<16xf32>
        %add3A_668 = arith.constant 3 : i32
        %add3A_669 = arith.addi %mul3A_511, %add3A_668 : i32
        %get3A_670 = arith.index_cast %add3A_669 : i32 to index
        %get3A_671 = arith.constant 80 : index
        %get3A_672 = tpu.vector_load %arg11[%get3A_670, %get3A_671] {strides = array<i32>} : memref<100x128xf32, #tpu.memory_space<vmem>>, vector<1x16xf32>,
        %get3A_673 = vector.shape_cast %get3A_672 : vector<1x16xf32> to vector<16xf32>
        %max3A_674 = arith.maximumf %get3A_655, %get3A_661 : vector<16xf32>
        %max3A_675 = arith.maximumf %get3A_667, %get3A_673 : vector<16xf32>
        %max3A_676 = arith.maximumf %max3A_674, %max3A_675 : vector<16xf32>
        %max3A_677 = arith.maximumf %scan3A_507, %max3A_676 : vector<16xf32>
        %add3A_678 = arith.constant 0 : i32
        %add3A_679 = arith.addi %mul3A_511, %add3A_678 : i32
        %get3A_680 = arith.index_cast %add3A_679 : i32 to index
        %get3A_681 = arith.constant 96 : index
        %get3A_682 = tpu.vector_load %arg11[%get3A_680, %get3A_681] {strides = array<i32>} : memref<100x128xf32, #tpu.memory_space<vmem>>, vector<1x16xf32>,
        %get3A_683 = vector.shape_cast %get3A_682 : vector<1x16xf32> to vector<16xf32>
        %add3A_684 = arith.constant 1 : i32
        %add3A_685 = arith.addi %mul3A_511, %add3A_684 : i32
        %get3A_686 = arith.index_cast %add3A_685 : i32 to index
        %get3A_687 = arith.constant 96 : index
        %get3A_688 = tpu.vector_load %arg11[%get3A_686, %get3A_687] {strides = array<i32>} : memref<100x128xf32, #tpu.memory_space<vmem>>, vector<1x16xf32>,
        %get3A_689 = vector.shape_cast %get3A_688 : vector<1x16xf32> to vector<16xf32>
        %add3A_690 = arith.constant 2 : i32
        %add3A_691 = arith.addi %mul3A_511, %add3A_690 : i32
        %get3A_692 = arith.index_cast %add3A_691 : i32 to index
        %get3A_693 = arith.constant 96 : index
        %get3A_694 = tpu.vector_load %arg11[%get3A_692, %get3A_693] {strides = array<i32>} : memref<100x128xf32, #tpu.memory_space<vmem>>, vector<1x16xf32>,
        %get3A_695 = vector.shape_cast %get3A_694 : vector<1x16xf32> to vector<16xf32>
        %add3A_696 = arith.constant 3 : i32
        %add3A_697 = arith.addi %mul3A_511, %add3A_696 : i32
        %get3A_698 = arith.index_cast %add3A_697 : i32 to index
        %get3A_699 = arith.constant 96 : index
        %get3A_700 = tpu.vector_load %arg11[%get3A_698, %get3A_699] {strides = array<i32>} : memref<100x128xf32, #tpu.memory_space<vmem>>, vector<1x16xf32>,
        %get3A_701 = vector.shape_cast %get3A_700 : vector<1x16xf32> to vector<16xf32>
        %max3A_702 = arith.maximumf %get3A_683, %get3A_689 : vector<16xf32>
        %max3A_703 = arith.maximumf %get3A_695, %get3A_701 : vector<16xf32>
        %max3A_704 = arith.maximumf %max3A_702, %max3A_703 : vector<16xf32>
        %max3A_705 = arith.maximumf %scan3A_508, %max3A_704 : vector<16xf32>
        %add3A_706 = arith.constant 0 : i32
        %add3A_707 = arith.addi %mul3A_511, %add3A_706 : i32
        %get3A_708 = arith.index_cast %add3A_707 : i32 to index
        %get3A_709 = arith.constant 112 : index
        %get3A_710 = tpu.vector_load %arg11[%get3A_708, %get3A_709] {strides = array<i32>} : memref<100x128xf32, #tpu.memory_space<vmem>>, vector<1x16xf32>,
        %get3A_711 = vector.shape_cast %get3A_710 : vector<1x16xf32> to vector<16xf32>
        %add3A_712 = arith.constant 1 : i32
        %add3A_713 = arith.addi %mul3A_511, %add3A_712 : i32
        %get3A_714 = arith.index_cast %add3A_713 : i32 to index
        %get3A_715 = arith.constant 112 : index
        %get3A_716 = tpu.vector_load %arg11[%get3A_714, %get3A_715] {strides = array<i32>} : memref<100x128xf32, #tpu.memory_space<vmem>>, vector<1x16xf32>,
        %get3A_717 = vector.shape_cast %get3A_716 : vector<1x16xf32> to vector<16xf32>
        %add3A_718 = arith.constant 2 : i32
        %add3A_719 = arith.addi %mul3A_511, %add3A_718 : i32
        %get3A_720 = arith.index_cast %add3A_719 : i32 to index
        %get3A_721 = arith.constant 112 : index
        %get3A_722 = tpu.vector_load %arg11[%get3A_720, %get3A_721] {strides = array<i32>} : memref<100x128xf32, #tpu.memory_space<vmem>>, vector<1x16xf32>,
        %get3A_723 = vector.shape_cast %get3A_722 : vector<1x16xf32> to vector<16xf32>
        %add3A_724 = arith.constant 3 : i32
        %add3A_725 = arith.addi %mul3A_511, %add3A_724 : i32
        %get3A_726 = arith.index_cast %add3A_725 : i32 to index
        %get3A_727 = arith.constant 112 : index
        %get3A_728 = tpu.vector_load %arg11[%get3A_726, %get3A_727] {strides = array<i32>} : memref<100x128xf32, #tpu.memory_space<vmem>>, vector<1x16xf32>,
        %get3A_729 = vector.shape_cast %get3A_728 : vector<1x16xf32> to vector<16xf32>
        %max3A_730 = arith.maximumf %get3A_711, %get3A_717 : vector<16xf32>
        %max3A_731 = arith.maximumf %get3A_723, %get3A_729 : vector<16xf32>
        %max3A_732 = arith.maximumf %max3A_730, %max3A_731 : vector<16xf32>
        %max3A_733 = arith.maximumf %scan3A_509, %max3A_732 : vector<16xf32>
        scf.yield %max3A_537, %max3A_565, %max3A_593, %max3A_621, %max3A_649, %max3A_677, %max3A_705, %max3A_733 : vector<16xf32>, vector<16xf32>, vector<16xf32>, vector<16xf32>, vector<16xf32>, vector<16xf32>, vector<16xf32>, vector<16xf32>
      }
      %scan3A_453 = arith.constant 25 : i32
      %swap3A_454 = arith.index_cast %add3A_440 : i32 to index
      %swap3A_455 = arith.constant 0 : index
      %swap3A_456 = tpu.vector_load %arg12[%swap3A_454, %swap3A_455] {strides = array<i32>} : memref<128x128xf32, #tpu.memory_space<vmem>>, vector<1x16xf32>,
      %swap3A_457 = vector.shape_cast %swap3A_456 : vector<1x16xf32> to vector<16xf32>
      %swap3A_458 = vector.shape_cast %scan3A_452#0 : vector<16xf32> to vector<1x16xf32>
      tpu.vector_store %arg12[%swap3A_454, %swap3A_455], %swap3A_458 {strides = array<i32>} : memref<128x128xf32, #tpu.memory_space<vmem>>, vector<1x16xf32>,
      %swap3A_459 = arith.index_cast %add3A_440 : i32 to index
      %swap3A_460 = arith.constant 16 : index
      %swap3A_461 = tpu.vector_load %arg12[%swap3A_459, %swap3A_460] {strides = array<i32>} : memref<128x128xf32, #tpu.memory_space<vmem>>, vector<1x16xf32>,
      %swap3A_462 = vector.shape_cast %swap3A_461 : vector<1x16xf32> to vector<16xf32>
      %swap3A_463 = vector.shape_cast %scan3A_452#1 : vector<16xf32> to vector<1x16xf32>
      tpu.vector_store %arg12[%swap3A_459, %swap3A_460], %swap3A_463 {strides = array<i32>} : memref<128x128xf32, #tpu.memory_space<vmem>>, vector<1x16xf32>,
      %swap3A_464 = arith.index_cast %add3A_440 : i32 to index
      %swap3A_465 = arith.constant 32 : index
      %swap3A_466 = tpu.vector_load %arg12[%swap3A_464, %swap3A_465] {strides = array<i32>} : memref<128x128xf32, #tpu.memory_space<vmem>>, vector<1x16xf32>,
      %swap3A_467 = vector.shape_cast %swap3A_466 : vector<1x16xf32> to vector<16xf32>
      %swap3A_468 = vector.shape_cast %scan3A_452#2 : vector<16xf32> to vector<1x16xf32>
      tpu.vector_store %arg12[%swap3A_464, %swap3A_465], %swap3A_468 {strides = array<i32>} : memref<128x128xf32, #tpu.memory_space<vmem>>, vector<1x16xf32>,
      %swap3A_469 = arith.index_cast %add3A_440 : i32 to index
      %swap3A_470 = arith.constant 48 : index
      %swap3A_471 = tpu.vector_load %arg12[%swap3A_469, %swap3A_470] {strides = array<i32>} : memref<128x128xf32, #tpu.memory_space<vmem>>, vector<1x16xf32>,
      %swap3A_472 = vector.shape_cast %swap3A_471 : vector<1x16xf32> to vector<16xf32>
      %swap3A_473 = vector.shape_cast %scan3A_452#3 : vector<16xf32> to vector<1x16xf32>
      tpu.vector_store %arg12[%swap3A_469, %swap3A_470], %swap3A_473 {strides = array<i32>} : memref<128x128xf32, #tpu.memory_space<vmem>>, vector<1x16xf32>,
      %swap3A_474 = arith.index_cast %add3A_440 : i32 to index
      %swap3A_475 = arith.constant 64 : index
      %swap3A_476 = tpu.vector_load %arg12[%swap3A_474, %swap3A_475] {strides = array<i32>} : memref<128x128xf32, #tpu.memory_space<vmem>>, vector<1x16xf32>,
      %swap3A_477 = vector.shape_cast %swap3A_476 : vector<1x16xf32> to vector<16xf32>
      %swap3A_478 = vector.shape_cast %scan3A_452#4 : vector<16xf32> to vector<1x16xf32>
      tpu.vector_store %arg12[%swap3A_474, %swap3A_475], %swap3A_478 {strides = array<i32>} : memref<128x128xf32, #tpu.memory_space<vmem>>, vector<1x16xf32>,
      %swap3A_479 = arith.index_cast %add3A_440 : i32 to index
      %swap3A_480 = arith.constant 80 : index
      %swap3A_481 = tpu.vector_load %arg12[%swap3A_479, %swap3A_480] {strides = array<i32>} : memref<128x128xf32, #tpu.memory_space<vmem>>, vector<1x16xf32>,
      %swap3A_482 = vector.shape_cast %swap3A_481 : vector<1x16xf32> to vector<16xf32>
      %swap3A_483 = vector.shape_cast %scan3A_452#5 : vector<16xf32> to vector<1x16xf32>
      tpu.vector_store %arg12[%swap3A_479, %swap3A_480], %swap3A_483 {strides = array<i32>} : memref<128x128xf32, #tpu.memory_space<vmem>>, vector<1x16xf32>,
      %swap3A_484 = arith.index_cast %add3A_440 : i32 to index
      %swap3A_485 = arith.constant 96 : index
      %swap3A_486 = tpu.vector_load %arg12[%swap3A_484, %swap3A_485] {strides = array<i32>} : memref<128x128xf32, #tpu.memory_space<vmem>>, vector<1x16xf32>,
      %swap3A_487 = vector.shape_cast %swap3A_486 : vector<1x16xf32> to vector<16xf32>
      %swap3A_488 = vector.shape_cast %scan3A_452#6 : vector<16xf32> to vector<1x16xf32>
      tpu.vector_store %arg12[%swap3A_484, %swap3A_485], %swap3A_488 {strides = array<i32>} : memref<128x128xf32, #tpu.memory_space<vmem>>, vector<1x16xf32>,
      %swap3A_489 = arith.index_cast %add3A_440 : i32 to index
      %swap3A_490 = arith.constant 112 : index
      %swap3A_491 = tpu.vector_load %arg12[%swap3A_489, %swap3A_490] {strides = array<i32>} : memref<128x128xf32, #tpu.memory_space<vmem>>, vector<1x16xf32>,
      %swap3A_492 = vector.shape_cast %swap3A_491 : vector<1x16xf32> to vector<16xf32>
      %swap3A_493 = vector.shape_cast %scan3A_452#7 : vector<16xf32> to vector<1x16xf32>
      tpu.vector_store %arg12[%swap3A_489, %swap3A_490], %swap3A_493 {strides = array<i32>} : memref<128x128xf32, #tpu.memory_space<vmem>>, vector<1x16xf32>,
      %add3A_494 = arith.constant 3 : i32
      %add3A_495 = arith.addi %add3A_440, %add3A_494 : i32
      %lt3A_496 = arith.constant 128 : i32
      %lt3A_497 = arith.cmpi slt, %add3A_495, %lt3A_496 : i32
      %convert_element_type3A_498 = arith.extui %lt3A_497 : i1 to i32
      %cond3A_499 = arith.constant 0 : i32
      %cond3A_500 = arith.cmpi ne, %convert_element_type3A_498, %cond3A_499 : i32
      scf.if %cond3A_500 {
        %add3A_501 = arith.constant 3 : i32
        %add3A_502 = arith.addi %add3A_440, %add3A_501 : i32
        %dma_start3A_503 = arith.constant 1 : i32
        %dma_start3A_504 = arith.constant 0 : i32
        %dma_start3A_505 = tpu.memref_slice %arg5[%add3A_502, %dma_start3A_503, %dma_start3A_504] : memref<128x2x100xi32, #tpu.memory_space<vmem>> -> memref<1x1x100xi32, #tpu.memory_space<vmem>>
        %dma_start3A_506 = tpu.memref_squeeze %dma_start3A_505 : memref<1x1x100xi32, #tpu.memory_space<vmem>> -> memref<100xi32, #tpu.memory_space<vmem>>
        %dma_start3A_507 = arith.constant 0 : i32
        %dma_start3A_508 = arith.constant 0 : i32
        %dma_start3A_509 = tpu.memref_slice %arg2[%dma_start3A_507, %dma_start3A_508] : memref<100000x128xf32, #tpu.memory_space<hbm>> -> memref<100000x128xf32, #tpu.memory_space<hbm>>
        tpu.enqueue_indirect_dma source(%dma_start3A_509 : memref<100000x128xf32, #tpu.memory_space<hbm>>) target(%arg11 : memref<100x128xf32, #tpu.memory_space<vmem>>) offsets(%dma_start3A_506 : memref<100xi32, #tpu.memory_space<vmem>>) semaphore(%arg18 : memref<!tpu.dma_semaphore, #tpu.memory_space<semaphore_mem>>)
      } else {
      }
    }
    %scan3A_97 = arith.constant 42 : i32
    %dma_wait3A_98 = arith.constant 126 : i32
    %dma_wait3A_99 = arith.constant 0 : i32
    %dma_wait3A_100 = arith.constant 0 : i32
    %dma_wait3A_101 = tpu.memref_slice %arg5[%dma_wait3A_98, %dma_wait3A_99, %dma_wait3A_100] : memref<128x2x100xi32, #tpu.memory_space<vmem>> -> memref<1x1x100xi32, #tpu.memory_space<vmem>>
    %dma_wait3A_102 = tpu.memref_squeeze %dma_wait3A_101 : memref<1x1x100xi32, #tpu.memory_space<vmem>> -> memref<100xi32, #tpu.memory_space<vmem>>
    %dma_wait3A_103 = arith.constant 0 : i32
    %dma_wait3A_104 = arith.constant 0 : i32
    %dma_wait3A_105 = tpu.memref_slice %arg2[%dma_wait3A_103, %dma_wait3A_104] : memref<100000x128xf32, #tpu.memory_space<hbm>> -> memref<100000x128xf32, #tpu.memory_space<hbm>>
    tpu.wait_indirect_dma semaphore(%arg13 : memref<!tpu.dma_semaphore, #tpu.memory_space<semaphore_mem>>) src(%dma_wait3A_105 : memref<100000x128xf32, #tpu.memory_space<hbm>>) dst(%arg6 : memref<100x128xf32, #tpu.memory_space<vmem>>)
    %scan3A_106 = arith.constant 0 : i32
    %scan3A_107 = arith.constant 25 : i32
    %scan3A_108 = arith.addi %scan3A_106, %scan3A_107 : i32
    %scan3A_109 = arith.constant 1 : i32
    %scan3A_110:8 = scf.for %scan3A_249 = %scan3A_106 to %scan3A_108 step %scan3A_109 iter_args(%scan3A_250 = %broadcast_in_dim3A_18, %scan3A_251 = %broadcast_in_dim3A_20, %scan3A_252 = %broadcast_in_dim3A_22, %scan3A_253 = %broadcast_in_dim3A_24, %scan3A_254 = %broadcast_in_dim3A_26, %scan3A_255 = %broadcast_in_dim3A_28, %scan3A_256 = %broadcast_in_dim3A_30, %scan3A_257 = %broadcast_in_dim3A_32) -> (vector<16xf32>, vector<16xf32>, vector<16xf32>, vector<16xf32>, vector<16xf32>, vector<16xf32>, vector<16xf32>, vector<16xf32>)  : i32 {
      %mul3A_258 = arith.constant 4 : i32
      %mul3A_259 = arith.muli %scan3A_249, %mul3A_258 : i32
      %add3A_260 = arith.constant 0 : i32
      %add3A_261 = arith.addi %mul3A_259, %add3A_260 : i32
      %get3A = arith.index_cast %add3A_261 : i32 to index
      %get3A_262 = arith.constant 0 : index
      %get3A_263 = tpu.vector_load %arg6[%get3A, %get3A_262] {strides = array<i32>} : memref<100x128xf32, #tpu.memory_space<vmem>>, vector<1x16xf32>,
      %get3A_264 = vector.shape_cast %get3A_263 : vector<1x16xf32> to vector<16xf32>
      %add3A_265 = arith.constant 1 : i32
      %add3A_266 = arith.addi %mul3A_259, %add3A_265 : i32
      %get3A_267 = arith.index_cast %add3A_266 : i32 to index
      %get3A_268 = arith.constant 0 : index
      %get3A_269 = tpu.vector_load %arg6[%get3A_267, %get3A_268] {strides = array<i32>} : memref<100x128xf32, #tpu.memory_space<vmem>>, vector<1x16xf32>,
      %get3A_270 = vector.shape_cast %get3A_269 : vector<1x16xf32> to vector<16xf32>
      %add3A_271 = arith.constant 2 : i32
      %add3A_272 = arith.addi %mul3A_259, %add3A_271 : i32
      %get3A_273 = arith.index_cast %add3A_272 : i32 to index
      %get3A_274 = arith.constant 0 : index
      %get3A_275 = tpu.vector_load %arg6[%get3A_273, %get3A_274] {strides = array<i32>} : memref<100x128xf32, #tpu.memory_space<vmem>>, vector<1x16xf32>,
      %get3A_276 = vector.shape_cast %get3A_275 : vector<1x16xf32> to vector<16xf32>
      %add3A_277 = arith.constant 3 : i32
      %add3A_278 = arith.addi %mul3A_259, %add3A_277 : i32
      %get3A_279 = arith.index_cast %add3A_278 : i32 to index
      %get3A_280 = arith.constant 0 : index
      %get3A_281 = tpu.vector_load %arg6[%get3A_279, %get3A_280] {strides = array<i32>} : memref<100x128xf32, #tpu.memory_space<vmem>>, vector<1x16xf32>,
      %get3A_282 = vector.shape_cast %get3A_281 : vector<1x16xf32> to vector<16xf32>
      %max3A = arith.maximumf %get3A_264, %get3A_270 : vector<16xf32>
      %max3A_283 = arith.maximumf %get3A_276, %get3A_282 : vector<16xf32>
      %max3A_284 = arith.maximumf %max3A, %max3A_283 : vector<16xf32>
      %max3A_285 = arith.maximumf %scan3A_250, %max3A_284 : vector<16xf32>
      %add3A_286 = arith.constant 0 : i32
      %add3A_287 = arith.addi %mul3A_259, %add3A_286 : i32
      %get3A_288 = arith.index_cast %add3A_287 : i32 to index
      %get3A_289 = arith.constant 16 : index
      %get3A_290 = tpu.vector_load %arg6[%get3A_288, %get3A_289] {strides = array<i32>} : memref<100x128xf32, #tpu.memory_space<vmem>>, vector<1x16xf32>,
      %get3A_291 = vector.shape_cast %get3A_290 : vector<1x16xf32> to vector<16xf32>
      %add3A_292 = arith.constant 1 : i32
      %add3A_293 = arith.addi %mul3A_259, %add3A_292 : i32
      %get3A_294 = arith.index_cast %add3A_293 : i32 to index
      %get3A_295 = arith.constant 16 : index
      %get3A_296 = tpu.vector_load %arg6[%get3A_294, %get3A_295] {strides = array<i32>} : memref<100x128xf32, #tpu.memory_space<vmem>>, vector<1x16xf32>,
      %get3A_297 = vector.shape_cast %get3A_296 : vector<1x16xf32> to vector<16xf32>
      %add3A_298 = arith.constant 2 : i32
      %add3A_299 = arith.addi %mul3A_259, %add3A_298 : i32
      %get3A_300 = arith.index_cast %add3A_299 : i32 to index
      %get3A_301 = arith.constant 16 : index
      %get3A_302 = tpu.vector_load %arg6[%get3A_300, %get3A_301] {strides = array<i32>} : memref<100x128xf32, #tpu.memory_space<vmem>>, vector<1x16xf32>,
      %get3A_303 = vector.shape_cast %get3A_302 : vector<1x16xf32> to vector<16xf32>
      %add3A_304 = arith.constant 3 : i32
      %add3A_305 = arith.addi %mul3A_259, %add3A_304 : i32
      %get3A_306 = arith.index_cast %add3A_305 : i32 to index
      %get3A_307 = arith.constant 16 : index
      %get3A_308 = tpu.vector_load %arg6[%get3A_306, %get3A_307] {strides = array<i32>} : memref<100x128xf32, #tpu.memory_space<vmem>>, vector<1x16xf32>,
      %get3A_309 = vector.shape_cast %get3A_308 : vector<1x16xf32> to vector<16xf32>
      %max3A_310 = arith.maximumf %get3A_291, %get3A_297 : vector<16xf32>
      %max3A_311 = arith.maximumf %get3A_303, %get3A_309 : vector<16xf32>
      %max3A_312 = arith.maximumf %max3A_310, %max3A_311 : vector<16xf32>
      %max3A_313 = arith.maximumf %scan3A_251, %max3A_312 : vector<16xf32>
      %add3A_314 = arith.constant 0 : i32
      %add3A_315 = arith.addi %mul3A_259, %add3A_314 : i32
      %get3A_316 = arith.index_cast %add3A_315 : i32 to index
      %get3A_317 = arith.constant 32 : index
      %get3A_318 = tpu.vector_load %arg6[%get3A_316, %get3A_317] {strides = array<i32>} : memref<100x128xf32, #tpu.memory_space<vmem>>, vector<1x16xf32>,
      %get3A_319 = vector.shape_cast %get3A_318 : vector<1x16xf32> to vector<16xf32>
      %add3A_320 = arith.constant 1 : i32
      %add3A_321 = arith.addi %mul3A_259, %add3A_320 : i32
      %get3A_322 = arith.index_cast %add3A_321 : i32 to index
      %get3A_323 = arith.constant 32 : index
      %get3A_324 = tpu.vector_load %arg6[%get3A_322, %get3A_323] {strides = array<i32>} : memref<100x128xf32, #tpu.memory_space<vmem>>, vector<1x16xf32>,
      %get3A_325 = vector.shape_cast %get3A_324 : vector<1x16xf32> to vector<16xf32>
      %add3A_326 = arith.constant 2 : i32
      %add3A_327 = arith.addi %mul3A_259, %add3A_326 : i32
      %get3A_328 = arith.index_cast %add3A_327 : i32 to index
      %get3A_329 = arith.constant 32 : index
      %get3A_330 = tpu.vector_load %arg6[%get3A_328, %get3A_329] {strides = array<i32>} : memref<100x128xf32, #tpu.memory_space<vmem>>, vector<1x16xf32>,
      %get3A_331 = vector.shape_cast %get3A_330 : vector<1x16xf32> to vector<16xf32>
      %add3A_332 = arith.constant 3 : i32
      %add3A_333 = arith.addi %mul3A_259, %add3A_332 : i32
      %get3A_334 = arith.index_cast %add3A_333 : i32 to index
      %get3A_335 = arith.constant 32 : index
      %get3A_336 = tpu.vector_load %arg6[%get3A_334, %get3A_335] {strides = array<i32>} : memref<100x128xf32, #tpu.memory_space<vmem>>, vector<1x16xf32>,
      %get3A_337 = vector.shape_cast %get3A_336 : vector<1x16xf32> to vector<16xf32>
      %max3A_338 = arith.maximumf %get3A_319, %get3A_325 : vector<16xf32>
      %max3A_339 = arith.maximumf %get3A_331, %get3A_337 : vector<16xf32>
      %max3A_340 = arith.maximumf %max3A_338, %max3A_339 : vector<16xf32>
      %max3A_341 = arith.maximumf %scan3A_252, %max3A_340 : vector<16xf32>
      %add3A_342 = arith.constant 0 : i32
      %add3A_343 = arith.addi %mul3A_259, %add3A_342 : i32
      %get3A_344 = arith.index_cast %add3A_343 : i32 to index
      %get3A_345 = arith.constant 48 : index
      %get3A_346 = tpu.vector_load %arg6[%get3A_344, %get3A_345] {strides = array<i32>} : memref<100x128xf32, #tpu.memory_space<vmem>>, vector<1x16xf32>,
      %get3A_347 = vector.shape_cast %get3A_346 : vector<1x16xf32> to vector<16xf32>
      %add3A_348 = arith.constant 1 : i32
      %add3A_349 = arith.addi %mul3A_259, %add3A_348 : i32
      %get3A_350 = arith.index_cast %add3A_349 : i32 to index
      %get3A_351 = arith.constant 48 : index
      %get3A_352 = tpu.vector_load %arg6[%get3A_350, %get3A_351] {strides = array<i32>} : memref<100x128xf32, #tpu.memory_space<vmem>>, vector<1x16xf32>,
      %get3A_353 = vector.shape_cast %get3A_352 : vector<1x16xf32> to vector<16xf32>
      %add3A_354 = arith.constant 2 : i32
      %add3A_355 = arith.addi %mul3A_259, %add3A_354 : i32
      %get3A_356 = arith.index_cast %add3A_355 : i32 to index
      %get3A_357 = arith.constant 48 : index
      %get3A_358 = tpu.vector_load %arg6[%get3A_356, %get3A_357] {strides = array<i32>} : memref<100x128xf32, #tpu.memory_space<vmem>>, vector<1x16xf32>,
      %get3A_359 = vector.shape_cast %get3A_358 : vector<1x16xf32> to vector<16xf32>
      %add3A_360 = arith.constant 3 : i32
      %add3A_361 = arith.addi %mul3A_259, %add3A_360 : i32
      %get3A_362 = arith.index_cast %add3A_361 : i32 to index
      %get3A_363 = arith.constant 48 : index
      %get3A_364 = tpu.vector_load %arg6[%get3A_362, %get3A_363] {strides = array<i32>} : memref<100x128xf32, #tpu.memory_space<vmem>>, vector<1x16xf32>,
      %get3A_365 = vector.shape_cast %get3A_364 : vector<1x16xf32> to vector<16xf32>
      %max3A_366 = arith.maximumf %get3A_347, %get3A_353 : vector<16xf32>
      %max3A_367 = arith.maximumf %get3A_359, %get3A_365 : vector<16xf32>
      %max3A_368 = arith.maximumf %max3A_366, %max3A_367 : vector<16xf32>
      %max3A_369 = arith.maximumf %scan3A_253, %max3A_368 : vector<16xf32>
      %add3A_370 = arith.constant 0 : i32
      %add3A_371 = arith.addi %mul3A_259, %add3A_370 : i32
      %get3A_372 = arith.index_cast %add3A_371 : i32 to index
      %get3A_373 = arith.constant 64 : index
      %get3A_374 = tpu.vector_load %arg6[%get3A_372, %get3A_373] {strides = array<i32>} : memref<100x128xf32, #tpu.memory_space<vmem>>, vector<1x16xf32>,
      %get3A_375 = vector.shape_cast %get3A_374 : vector<1x16xf32> to vector<16xf32>
      %add3A_376 = arith.constant 1 : i32
      %add3A_377 = arith.addi %mul3A_259, %add3A_376 : i32
      %get3A_378 = arith.index_cast %add3A_377 : i32 to index
      %get3A_379 = arith.constant 64 : index
      %get3A_380 = tpu.vector_load %arg6[%get3A_378, %get3A_379] {strides = array<i32>} : memref<100x128xf32, #tpu.memory_space<vmem>>, vector<1x16xf32>,
      %get3A_381 = vector.shape_cast %get3A_380 : vector<1x16xf32> to vector<16xf32>
      %add3A_382 = arith.constant 2 : i32
      %add3A_383 = arith.addi %mul3A_259, %add3A_382 : i32
      %get3A_384 = arith.index_cast %add3A_383 : i32 to index
      %get3A_385 = arith.constant 64 : index
      %get3A_386 = tpu.vector_load %arg6[%get3A_384, %get3A_385] {strides = array<i32>} : memref<100x128xf32, #tpu.memory_space<vmem>>, vector<1x16xf32>,
      %get3A_387 = vector.shape_cast %get3A_386 : vector<1x16xf32> to vector<16xf32>
      %add3A_388 = arith.constant 3 : i32
      %add3A_389 = arith.addi %mul3A_259, %add3A_388 : i32
      %get3A_390 = arith.index_cast %add3A_389 : i32 to index
      %get3A_391 = arith.constant 64 : index
      %get3A_392 = tpu.vector_load %arg6[%get3A_390, %get3A_391] {strides = array<i32>} : memref<100x128xf32, #tpu.memory_space<vmem>>, vector<1x16xf32>,
      %get3A_393 = vector.shape_cast %get3A_392 : vector<1x16xf32> to vector<16xf32>
      %max3A_394 = arith.maximumf %get3A_375, %get3A_381 : vector<16xf32>
      %max3A_395 = arith.maximumf %get3A_387, %get3A_393 : vector<16xf32>
      %max3A_396 = arith.maximumf %max3A_394, %max3A_395 : vector<16xf32>
      %max3A_397 = arith.maximumf %scan3A_254, %max3A_396 : vector<16xf32>
      %add3A_398 = arith.constant 0 : i32
      %add3A_399 = arith.addi %mul3A_259, %add3A_398 : i32
      %get3A_400 = arith.index_cast %add3A_399 : i32 to index
      %get3A_401 = arith.constant 80 : index
      %get3A_402 = tpu.vector_load %arg6[%get3A_400, %get3A_401] {strides = array<i32>} : memref<100x128xf32, #tpu.memory_space<vmem>>, vector<1x16xf32>,
      %get3A_403 = vector.shape_cast %get3A_402 : vector<1x16xf32> to vector<16xf32>
      %add3A_404 = arith.constant 1 : i32
      %add3A_405 = arith.addi %mul3A_259, %add3A_404 : i32
      %get3A_406 = arith.index_cast %add3A_405 : i32 to index
      %get3A_407 = arith.constant 80 : index
      %get3A_408 = tpu.vector_load %arg6[%get3A_406, %get3A_407] {strides = array<i32>} : memref<100x128xf32, #tpu.memory_space<vmem>>, vector<1x16xf32>,
      %get3A_409 = vector.shape_cast %get3A_408 : vector<1x16xf32> to vector<16xf32>
      %add3A_410 = arith.constant 2 : i32
      %add3A_411 = arith.addi %mul3A_259, %add3A_410 : i32
      %get3A_412 = arith.index_cast %add3A_411 : i32 to index
      %get3A_413 = arith.constant 80 : index
      %get3A_414 = tpu.vector_load %arg6[%get3A_412, %get3A_413] {strides = array<i32>} : memref<100x128xf32, #tpu.memory_space<vmem>>, vector<1x16xf32>,
      %get3A_415 = vector.shape_cast %get3A_414 : vector<1x16xf32> to vector<16xf32>
      %add3A_416 = arith.constant 3 : i32
      %add3A_417 = arith.addi %mul3A_259, %add3A_416 : i32
      %get3A_418 = arith.index_cast %add3A_417 : i32 to index
      %get3A_419 = arith.constant 80 : index
      %get3A_420 = tpu.vector_load %arg6[%get3A_418, %get3A_419] {strides = array<i32>} : memref<100x128xf32, #tpu.memory_space<vmem>>, vector<1x16xf32>,
      %get3A_421 = vector.shape_cast %get3A_420 : vector<1x16xf32> to vector<16xf32>
      %max3A_422 = arith.maximumf %get3A_403, %get3A_409 : vector<16xf32>
      %max3A_423 = arith.maximumf %get3A_415, %get3A_421 : vector<16xf32>
      %max3A_424 = arith.maximumf %max3A_422, %max3A_423 : vector<16xf32>
      %max3A_425 = arith.maximumf %scan3A_255, %max3A_424 : vector<16xf32>
      %add3A_426 = arith.constant 0 : i32
      %add3A_427 = arith.addi %mul3A_259, %add3A_426 : i32
      %get3A_428 = arith.index_cast %add3A_427 : i32 to index
      %get3A_429 = arith.constant 96 : index
      %get3A_430 = tpu.vector_load %arg6[%get3A_428, %get3A_429] {strides = array<i32>} : memref<100x128xf32, #tpu.memory_space<vmem>>, vector<1x16xf32>,
      %get3A_431 = vector.shape_cast %get3A_430 : vector<1x16xf32> to vector<16xf32>
      %add3A_432 = arith.constant 1 : i32
      %add3A_433 = arith.addi %mul3A_259, %add3A_432 : i32
      %get3A_434 = arith.index_cast %add3A_433 : i32 to index
      %get3A_435 = arith.constant 96 : index
      %get3A_436 = tpu.vector_load %arg6[%get3A_434, %get3A_435] {strides = array<i32>} : memref<100x128xf32, #tpu.memory_space<vmem>>, vector<1x16xf32>,
      %get3A_437 = vector.shape_cast %get3A_436 : vector<1x16xf32> to vector<16xf32>
      %add3A_438 = arith.constant 2 : i32
      %add3A_439 = arith.addi %mul3A_259, %add3A_438 : i32
      %get3A_440 = arith.index_cast %add3A_439 : i32 to index
      %get3A_441 = arith.constant 96 : index
      %get3A_442 = tpu.vector_load %arg6[%get3A_440, %get3A_441] {strides = array<i32>} : memref<100x128xf32, #tpu.memory_space<vmem>>, vector<1x16xf32>,
      %get3A_443 = vector.shape_cast %get3A_442 : vector<1x16xf32> to vector<16xf32>
      %add3A_444 = arith.constant 3 : i32
      %add3A_445 = arith.addi %mul3A_259, %add3A_444 : i32
      %get3A_446 = arith.index_cast %add3A_445 : i32 to index
      %get3A_447 = arith.constant 96 : index
      %get3A_448 = tpu.vector_load %arg6[%get3A_446, %get3A_447] {strides = array<i32>} : memref<100x128xf32, #tpu.memory_space<vmem>>, vector<1x16xf32>,
      %get3A_449 = vector.shape_cast %get3A_448 : vector<1x16xf32> to vector<16xf32>
      %max3A_450 = arith.maximumf %get3A_431, %get3A_437 : vector<16xf32>
      %max3A_451 = arith.maximumf %get3A_443, %get3A_449 : vector<16xf32>
      %max3A_452 = arith.maximumf %max3A_450, %max3A_451 : vector<16xf32>
      %max3A_453 = arith.maximumf %scan3A_256, %max3A_452 : vector<16xf32>
      %add3A_454 = arith.constant 0 : i32
      %add3A_455 = arith.addi %mul3A_259, %add3A_454 : i32
      %get3A_456 = arith.index_cast %add3A_455 : i32 to index
      %get3A_457 = arith.constant 112 : index
      %get3A_458 = tpu.vector_load %arg6[%get3A_456, %get3A_457] {strides = array<i32>} : memref<100x128xf32, #tpu.memory_space<vmem>>, vector<1x16xf32>,
      %get3A_459 = vector.shape_cast %get3A_458 : vector<1x16xf32> to vector<16xf32>
      %add3A_460 = arith.constant 1 : i32
      %add3A_461 = arith.addi %mul3A_259, %add3A_460 : i32
      %get3A_462 = arith.index_cast %add3A_461 : i32 to index
      %get3A_463 = arith.constant 112 : index
      %get3A_464 = tpu.vector_load %arg6[%get3A_462, %get3A_463] {strides = array<i32>} : memref<100x128xf32, #tpu.memory_space<vmem>>, vector<1x16xf32>,
      %get3A_465 = vector.shape_cast %get3A_464 : vector<1x16xf32> to vector<16xf32>
      %add3A_466 = arith.constant 2 : i32
      %add3A_467 = arith.addi %mul3A_259, %add3A_466 : i32
      %get3A_468 = arith.index_cast %add3A_467 : i32 to index
      %get3A_469 = arith.constant 112 : index
      %get3A_470 = tpu.vector_load %arg6[%get3A_468, %get3A_469] {strides = array<i32>} : memref<100x128xf32, #tpu.memory_space<vmem>>, vector<1x16xf32>,
      %get3A_471 = vector.shape_cast %get3A_470 : vector<1x16xf32> to vector<16xf32>
      %add3A_472 = arith.constant 3 : i32
      %add3A_473 = arith.addi %mul3A_259, %add3A_472 : i32
      %get3A_474 = arith.index_cast %add3A_473 : i32 to index
      %get3A_475 = arith.constant 112 : index
      %get3A_476 = tpu.vector_load %arg6[%get3A_474, %get3A_475] {strides = array<i32>} : memref<100x128xf32, #tpu.memory_space<vmem>>, vector<1x16xf32>,
      %get3A_477 = vector.shape_cast %get3A_476 : vector<1x16xf32> to vector<16xf32>
      %max3A_478 = arith.maximumf %get3A_459, %get3A_465 : vector<16xf32>
      %max3A_479 = arith.maximumf %get3A_471, %get3A_477 : vector<16xf32>
      %max3A_480 = arith.maximumf %max3A_478, %max3A_479 : vector<16xf32>
      %max3A_481 = arith.maximumf %scan3A_257, %max3A_480 : vector<16xf32>
      scf.yield %max3A_285, %max3A_313, %max3A_341, %max3A_369, %max3A_397, %max3A_425, %max3A_453, %max3A_481 : vector<16xf32>, vector<16xf32>, vector<16xf32>, vector<16xf32>, vector<16xf32>, vector<16xf32>, vector<16xf32>, vector<16xf32>
    }
    %scan3A_111 = arith.constant 25 : i32
    %dma_wait3A_112 = arith.constant 126 : i32
    %dma_wait3A_113 = arith.constant 1 : i32
    %dma_wait3A_114 = arith.constant 0 : i32
    %dma_wait3A_115 = tpu.memref_slice %arg5[%dma_wait3A_112, %dma_wait3A_113, %dma_wait3A_114] : memref<128x2x100xi32, #tpu.memory_space<vmem>> -> memref<1x1x100xi32, #tpu.memory_space<vmem>>
    %dma_wait3A_116 = tpu.memref_squeeze %dma_wait3A_115 : memref<1x1x100xi32, #tpu.memory_space<vmem>> -> memref<100xi32, #tpu.memory_space<vmem>>
    %dma_wait3A_117 = arith.constant 0 : i32
    %dma_wait3A_118 = arith.constant 0 : i32
    %dma_wait3A_119 = tpu.memref_slice %arg2[%dma_wait3A_117, %dma_wait3A_118] : memref<100000x128xf32, #tpu.memory_space<hbm>> -> memref<100000x128xf32, #tpu.memory_space<hbm>>
    tpu.wait_indirect_dma semaphore(%arg14 : memref<!tpu.dma_semaphore, #tpu.memory_space<semaphore_mem>>) src(%dma_wait3A_119 : memref<100000x128xf32, #tpu.memory_space<hbm>>) dst(%arg7 : memref<100x128xf32, #tpu.memory_space<vmem>>)
    %scan3A_120 = arith.constant 0 : i32
    %scan3A_121 = arith.constant 25 : i32
    %scan3A_122 = arith.addi %scan3A_120, %scan3A_121 : i32
    %scan3A_123 = arith.constant 1 : i32
    %scan3A_124:8 = scf.for %scan3A_249 = %scan3A_120 to %scan3A_122 step %scan3A_123 iter_args(%scan3A_250 = %scan3A_110#0, %scan3A_251 = %scan3A_110#1, %scan3A_252 = %scan3A_110#2, %scan3A_253 = %scan3A_110#3, %scan3A_254 = %scan3A_110#4, %scan3A_255 = %scan3A_110#5, %scan3A_256 = %scan3A_110#6, %scan3A_257 = %scan3A_110#7) -> (vector<16xf32>, vector<16xf32>, vector<16xf32>, vector<16xf32>, vector<16xf32>, vector<16xf32>, vector<16xf32>, vector<16xf32>)  : i32 {
      %mul3A_258 = arith.constant 4 : i32
      %mul3A_259 = arith.muli %scan3A_249, %mul3A_258 : i32
      %add3A_260 = arith.constant 0 : i32
      %add3A_261 = arith.addi %mul3A_259, %add3A_260 : i32
      %get3A = arith.index_cast %add3A_261 : i32 to index
      %get3A_262 = arith.constant 0 : index
      %get3A_263 = tpu.vector_load %arg7[%get3A, %get3A_262] {strides = array<i32>} : memref<100x128xf32, #tpu.memory_space<vmem>>, vector<1x16xf32>,
      %get3A_264 = vector.shape_cast %get3A_263 : vector<1x16xf32> to vector<16xf32>
      %add3A_265 = arith.constant 1 : i32
      %add3A_266 = arith.addi %mul3A_259, %add3A_265 : i32
      %get3A_267 = arith.index_cast %add3A_266 : i32 to index
      %get3A_268 = arith.constant 0 : index
      %get3A_269 = tpu.vector_load %arg7[%get3A_267, %get3A_268] {strides = array<i32>} : memref<100x128xf32, #tpu.memory_space<vmem>>, vector<1x16xf32>,
      %get3A_270 = vector.shape_cast %get3A_269 : vector<1x16xf32> to vector<16xf32>
      %add3A_271 = arith.constant 2 : i32
      %add3A_272 = arith.addi %mul3A_259, %add3A_271 : i32
      %get3A_273 = arith.index_cast %add3A_272 : i32 to index
      %get3A_274 = arith.constant 0 : index
      %get3A_275 = tpu.vector_load %arg7[%get3A_273, %get3A_274] {strides = array<i32>} : memref<100x128xf32, #tpu.memory_space<vmem>>, vector<1x16xf32>,
      %get3A_276 = vector.shape_cast %get3A_275 : vector<1x16xf32> to vector<16xf32>
      %add3A_277 = arith.constant 3 : i32
      %add3A_278 = arith.addi %mul3A_259, %add3A_277 : i32
      %get3A_279 = arith.index_cast %add3A_278 : i32 to index
      %get3A_280 = arith.constant 0 : index
      %get3A_281 = tpu.vector_load %arg7[%get3A_279, %get3A_280] {strides = array<i32>} : memref<100x128xf32, #tpu.memory_space<vmem>>, vector<1x16xf32>,
      %get3A_282 = vector.shape_cast %get3A_281 : vector<1x16xf32> to vector<16xf32>
      %max3A = arith.maximumf %get3A_264, %get3A_270 : vector<16xf32>
      %max3A_283 = arith.maximumf %get3A_276, %get3A_282 : vector<16xf32>
      %max3A_284 = arith.maximumf %max3A, %max3A_283 : vector<16xf32>
      %max3A_285 = arith.maximumf %scan3A_250, %max3A_284 : vector<16xf32>
      %add3A_286 = arith.constant 0 : i32
      %add3A_287 = arith.addi %mul3A_259, %add3A_286 : i32
      %get3A_288 = arith.index_cast %add3A_287 : i32 to index
      %get3A_289 = arith.constant 16 : index
      %get3A_290 = tpu.vector_load %arg7[%get3A_288, %get3A_289] {strides = array<i32>} : memref<100x128xf32, #tpu.memory_space<vmem>>, vector<1x16xf32>,
      %get3A_291 = vector.shape_cast %get3A_290 : vector<1x16xf32> to vector<16xf32>
      %add3A_292 = arith.constant 1 : i32
      %add3A_293 = arith.addi %mul3A_259, %add3A_292 : i32
      %get3A_294 = arith.index_cast %add3A_293 : i32 to index
      %get3A_295 = arith.constant 16 : index
      %get3A_296 = tpu.vector_load %arg7[%get3A_294, %get3A_295] {strides = array<i32>} : memref<100x128xf32, #tpu.memory_space<vmem>>, vector<1x16xf32>,
      %get3A_297 = vector.shape_cast %get3A_296 : vector<1x16xf32> to vector<16xf32>
      %add3A_298 = arith.constant 2 : i32
      %add3A_299 = arith.addi %mul3A_259, %add3A_298 : i32
      %get3A_300 = arith.index_cast %add3A_299 : i32 to index
      %get3A_301 = arith.constant 16 : index
      %get3A_302 = tpu.vector_load %arg7[%get3A_300, %get3A_301] {strides = array<i32>} : memref<100x128xf32, #tpu.memory_space<vmem>>, vector<1x16xf32>,
      %get3A_303 = vector.shape_cast %get3A_302 : vector<1x16xf32> to vector<16xf32>
      %add3A_304 = arith.constant 3 : i32
      %add3A_305 = arith.addi %mul3A_259, %add3A_304 : i32
      %get3A_306 = arith.index_cast %add3A_305 : i32 to index
      %get3A_307 = arith.constant 16 : index
      %get3A_308 = tpu.vector_load %arg7[%get3A_306, %get3A_307] {strides = array<i32>} : memref<100x128xf32, #tpu.memory_space<vmem>>, vector<1x16xf32>,
      %get3A_309 = vector.shape_cast %get3A_308 : vector<1x16xf32> to vector<16xf32>
      %max3A_310 = arith.maximumf %get3A_291, %get3A_297 : vector<16xf32>
      %max3A_311 = arith.maximumf %get3A_303, %get3A_309 : vector<16xf32>
      %max3A_312 = arith.maximumf %max3A_310, %max3A_311 : vector<16xf32>
      %max3A_313 = arith.maximumf %scan3A_251, %max3A_312 : vector<16xf32>
      %add3A_314 = arith.constant 0 : i32
      %add3A_315 = arith.addi %mul3A_259, %add3A_314 : i32
      %get3A_316 = arith.index_cast %add3A_315 : i32 to index
      %get3A_317 = arith.constant 32 : index
      %get3A_318 = tpu.vector_load %arg7[%get3A_316, %get3A_317] {strides = array<i32>} : memref<100x128xf32, #tpu.memory_space<vmem>>, vector<1x16xf32>,
      %get3A_319 = vector.shape_cast %get3A_318 : vector<1x16xf32> to vector<16xf32>
      %add3A_320 = arith.constant 1 : i32
      %add3A_321 = arith.addi %mul3A_259, %add3A_320 : i32
      %get3A_322 = arith.index_cast %add3A_321 : i32 to index
      %get3A_323 = arith.constant 32 : index
      %get3A_324 = tpu.vector_load %arg7[%get3A_322, %get3A_323] {strides = array<i32>} : memref<100x128xf32, #tpu.memory_space<vmem>>, vector<1x16xf32>,
      %get3A_325 = vector.shape_cast %get3A_324 : vector<1x16xf32> to vector<16xf32>
      %add3A_326 = arith.constant 2 : i32
      %add3A_327 = arith.addi %mul3A_259, %add3A_326 : i32
      %get3A_328 = arith.index_cast %add3A_327 : i32 to index
      %get3A_329 = arith.constant 32 : index
      %get3A_330 = tpu.vector_load %arg7[%get3A_328, %get3A_329] {strides = array<i32>} : memref<100x128xf32, #tpu.memory_space<vmem>>, vector<1x16xf32>,
      %get3A_331 = vector.shape_cast %get3A_330 : vector<1x16xf32> to vector<16xf32>
      %add3A_332 = arith.constant 3 : i32
      %add3A_333 = arith.addi %mul3A_259, %add3A_332 : i32
      %get3A_334 = arith.index_cast %add3A_333 : i32 to index
      %get3A_335 = arith.constant 32 : index
      %get3A_336 = tpu.vector_load %arg7[%get3A_334, %get3A_335] {strides = array<i32>} : memref<100x128xf32, #tpu.memory_space<vmem>>, vector<1x16xf32>,
      %get3A_337 = vector.shape_cast %get3A_336 : vector<1x16xf32> to vector<16xf32>
      %max3A_338 = arith.maximumf %get3A_319, %get3A_325 : vector<16xf32>
      %max3A_339 = arith.maximumf %get3A_331, %get3A_337 : vector<16xf32>
      %max3A_340 = arith.maximumf %max3A_338, %max3A_339 : vector<16xf32>
      %max3A_341 = arith.maximumf %scan3A_252, %max3A_340 : vector<16xf32>
      %add3A_342 = arith.constant 0 : i32
      %add3A_343 = arith.addi %mul3A_259, %add3A_342 : i32
      %get3A_344 = arith.index_cast %add3A_343 : i32 to index
      %get3A_345 = arith.constant 48 : index
      %get3A_346 = tpu.vector_load %arg7[%get3A_344, %get3A_345] {strides = array<i32>} : memref<100x128xf32, #tpu.memory_space<vmem>>, vector<1x16xf32>,
      %get3A_347 = vector.shape_cast %get3A_346 : vector<1x16xf32> to vector<16xf32>
      %add3A_348 = arith.constant 1 : i32
      %add3A_349 = arith.addi %mul3A_259, %add3A_348 : i32
      %get3A_350 = arith.index_cast %add3A_349 : i32 to index
      %get3A_351 = arith.constant 48 : index
      %get3A_352 = tpu.vector_load %arg7[%get3A_350, %get3A_351] {strides = array<i32>} : memref<100x128xf32, #tpu.memory_space<vmem>>, vector<1x16xf32>,
      %get3A_353 = vector.shape_cast %get3A_352 : vector<1x16xf32> to vector<16xf32>
      %add3A_354 = arith.constant 2 : i32
      %add3A_355 = arith.addi %mul3A_259, %add3A_354 : i32
      %get3A_356 = arith.index_cast %add3A_355 : i32 to index
      %get3A_357 = arith.constant 48 : index
      %get3A_358 = tpu.vector_load %arg7[%get3A_356, %get3A_357] {strides = array<i32>} : memref<100x128xf32, #tpu.memory_space<vmem>>, vector<1x16xf32>,
      %get3A_359 = vector.shape_cast %get3A_358 : vector<1x16xf32> to vector<16xf32>
      %add3A_360 = arith.constant 3 : i32
      %add3A_361 = arith.addi %mul3A_259, %add3A_360 : i32
      %get3A_362 = arith.index_cast %add3A_361 : i32 to index
      %get3A_363 = arith.constant 48 : index
      %get3A_364 = tpu.vector_load %arg7[%get3A_362, %get3A_363] {strides = array<i32>} : memref<100x128xf32, #tpu.memory_space<vmem>>, vector<1x16xf32>,
      %get3A_365 = vector.shape_cast %get3A_364 : vector<1x16xf32> to vector<16xf32>
      %max3A_366 = arith.maximumf %get3A_347, %get3A_353 : vector<16xf32>
      %max3A_367 = arith.maximumf %get3A_359, %get3A_365 : vector<16xf32>
      %max3A_368 = arith.maximumf %max3A_366, %max3A_367 : vector<16xf32>
      %max3A_369 = arith.maximumf %scan3A_253, %max3A_368 : vector<16xf32>
      %add3A_370 = arith.constant 0 : i32
      %add3A_371 = arith.addi %mul3A_259, %add3A_370 : i32
      %get3A_372 = arith.index_cast %add3A_371 : i32 to index
      %get3A_373 = arith.constant 64 : index
      %get3A_374 = tpu.vector_load %arg7[%get3A_372, %get3A_373] {strides = array<i32>} : memref<100x128xf32, #tpu.memory_space<vmem>>, vector<1x16xf32>,
      %get3A_375 = vector.shape_cast %get3A_374 : vector<1x16xf32> to vector<16xf32>
      %add3A_376 = arith.constant 1 : i32
      %add3A_377 = arith.addi %mul3A_259, %add3A_376 : i32
      %get3A_378 = arith.index_cast %add3A_377 : i32 to index
      %get3A_379 = arith.constant 64 : index
      %get3A_380 = tpu.vector_load %arg7[%get3A_378, %get3A_379] {strides = array<i32>} : memref<100x128xf32, #tpu.memory_space<vmem>>, vector<1x16xf32>,
      %get3A_381 = vector.shape_cast %get3A_380 : vector<1x16xf32> to vector<16xf32>
      %add3A_382 = arith.constant 2 : i32
      %add3A_383 = arith.addi %mul3A_259, %add3A_382 : i32
      %get3A_384 = arith.index_cast %add3A_383 : i32 to index
      %get3A_385 = arith.constant 64 : index
      %get3A_386 = tpu.vector_load %arg7[%get3A_384, %get3A_385] {strides = array<i32>} : memref<100x128xf32, #tpu.memory_space<vmem>>, vector<1x16xf32>,
      %get3A_387 = vector.shape_cast %get3A_386 : vector<1x16xf32> to vector<16xf32>
      %add3A_388 = arith.constant 3 : i32
      %add3A_389 = arith.addi %mul3A_259, %add3A_388 : i32
      %get3A_390 = arith.index_cast %add3A_389 : i32 to index
      %get3A_391 = arith.constant 64 : index
      %get3A_392 = tpu.vector_load %arg7[%get3A_390, %get3A_391] {strides = array<i32>} : memref<100x128xf32, #tpu.memory_space<vmem>>, vector<1x16xf32>,
      %get3A_393 = vector.shape_cast %get3A_392 : vector<1x16xf32> to vector<16xf32>
      %max3A_394 = arith.maximumf %get3A_375, %get3A_381 : vector<16xf32>
      %max3A_395 = arith.maximumf %get3A_387, %get3A_393 : vector<16xf32>
      %max3A_396 = arith.maximumf %max3A_394, %max3A_395 : vector<16xf32>
      %max3A_397 = arith.maximumf %scan3A_254, %max3A_396 : vector<16xf32>
      %add3A_398 = arith.constant 0 : i32
      %add3A_399 = arith.addi %mul3A_259, %add3A_398 : i32
      %get3A_400 = arith.index_cast %add3A_399 : i32 to index
      %get3A_401 = arith.constant 80 : index
      %get3A_402 = tpu.vector_load %arg7[%get3A_400, %get3A_401] {strides = array<i32>} : memref<100x128xf32, #tpu.memory_space<vmem>>, vector<1x16xf32>,
      %get3A_403 = vector.shape_cast %get3A_402 : vector<1x16xf32> to vector<16xf32>
      %add3A_404 = arith.constant 1 : i32
      %add3A_405 = arith.addi %mul3A_259, %add3A_404 : i32
      %get3A_406 = arith.index_cast %add3A_405 : i32 to index
      %get3A_407 = arith.constant 80 : index
      %get3A_408 = tpu.vector_load %arg7[%get3A_406, %get3A_407] {strides = array<i32>} : memref<100x128xf32, #tpu.memory_space<vmem>>, vector<1x16xf32>,
      %get3A_409 = vector.shape_cast %get3A_408 : vector<1x16xf32> to vector<16xf32>
      %add3A_410 = arith.constant 2 : i32
      %add3A_411 = arith.addi %mul3A_259, %add3A_410 : i32
      %get3A_412 = arith.index_cast %add3A_411 : i32 to index
      %get3A_413 = arith.constant 80 : index
      %get3A_414 = tpu.vector_load %arg7[%get3A_412, %get3A_413] {strides = array<i32>} : memref<100x128xf32, #tpu.memory_space<vmem>>, vector<1x16xf32>,
      %get3A_415 = vector.shape_cast %get3A_414 : vector<1x16xf32> to vector<16xf32>
      %add3A_416 = arith.constant 3 : i32
      %add3A_417 = arith.addi %mul3A_259, %add3A_416 : i32
      %get3A_418 = arith.index_cast %add3A_417 : i32 to index
      %get3A_419 = arith.constant 80 : index
      %get3A_420 = tpu.vector_load %arg7[%get3A_418, %get3A_419] {strides = array<i32>} : memref<100x128xf32, #tpu.memory_space<vmem>>, vector<1x16xf32>,
      %get3A_421 = vector.shape_cast %get3A_420 : vector<1x16xf32> to vector<16xf32>
      %max3A_422 = arith.maximumf %get3A_403, %get3A_409 : vector<16xf32>
      %max3A_423 = arith.maximumf %get3A_415, %get3A_421 : vector<16xf32>
      %max3A_424 = arith.maximumf %max3A_422, %max3A_423 : vector<16xf32>
      %max3A_425 = arith.maximumf %scan3A_255, %max3A_424 : vector<16xf32>
      %add3A_426 = arith.constant 0 : i32
      %add3A_427 = arith.addi %mul3A_259, %add3A_426 : i32
      %get3A_428 = arith.index_cast %add3A_427 : i32 to index
      %get3A_429 = arith.constant 96 : index
      %get3A_430 = tpu.vector_load %arg7[%get3A_428, %get3A_429] {strides = array<i32>} : memref<100x128xf32, #tpu.memory_space<vmem>>, vector<1x16xf32>,
      %get3A_431 = vector.shape_cast %get3A_430 : vector<1x16xf32> to vector<16xf32>
      %add3A_432 = arith.constant 1 : i32
      %add3A_433 = arith.addi %mul3A_259, %add3A_432 : i32
      %get3A_434 = arith.index_cast %add3A_433 : i32 to index
      %get3A_435 = arith.constant 96 : index
      %get3A_436 = tpu.vector_load %arg7[%get3A_434, %get3A_435] {strides = array<i32>} : memref<100x128xf32, #tpu.memory_space<vmem>>, vector<1x16xf32>,
      %get3A_437 = vector.shape_cast %get3A_436 : vector<1x16xf32> to vector<16xf32>
      %add3A_438 = arith.constant 2 : i32
      %add3A_439 = arith.addi %mul3A_259, %add3A_438 : i32
      %get3A_440 = arith.index_cast %add3A_439 : i32 to index
      %get3A_441 = arith.constant 96 : index
      %get3A_442 = tpu.vector_load %arg7[%get3A_440, %get3A_441] {strides = array<i32>} : memref<100x128xf32, #tpu.memory_space<vmem>>, vector<1x16xf32>,
      %get3A_443 = vector.shape_cast %get3A_442 : vector<1x16xf32> to vector<16xf32>
      %add3A_444 = arith.constant 3 : i32
      %add3A_445 = arith.addi %mul3A_259, %add3A_444 : i32
      %get3A_446 = arith.index_cast %add3A_445 : i32 to index
      %get3A_447 = arith.constant 96 : index
      %get3A_448 = tpu.vector_load %arg7[%get3A_446, %get3A_447] {strides = array<i32>} : memref<100x128xf32, #tpu.memory_space<vmem>>, vector<1x16xf32>,
      %get3A_449 = vector.shape_cast %get3A_448 : vector<1x16xf32> to vector<16xf32>
      %max3A_450 = arith.maximumf %get3A_431, %get3A_437 : vector<16xf32>
      %max3A_451 = arith.maximumf %get3A_443, %get3A_449 : vector<16xf32>
      %max3A_452 = arith.maximumf %max3A_450, %max3A_451 : vector<16xf32>
      %max3A_453 = arith.maximumf %scan3A_256, %max3A_452 : vector<16xf32>
      %add3A_454 = arith.constant 0 : i32
      %add3A_455 = arith.addi %mul3A_259, %add3A_454 : i32
      %get3A_456 = arith.index_cast %add3A_455 : i32 to index
      %get3A_457 = arith.constant 112 : index
      %get3A_458 = tpu.vector_load %arg7[%get3A_456, %get3A_457] {strides = array<i32>} : memref<100x128xf32, #tpu.memory_space<vmem>>, vector<1x16xf32>,
      %get3A_459 = vector.shape_cast %get3A_458 : vector<1x16xf32> to vector<16xf32>
      %add3A_460 = arith.constant 1 : i32
      %add3A_461 = arith.addi %mul3A_259, %add3A_460 : i32
      %get3A_462 = arith.index_cast %add3A_461 : i32 to index
      %get3A_463 = arith.constant 112 : index
      %get3A_464 = tpu.vector_load %arg7[%get3A_462, %get3A_463] {strides = array<i32>} : memref<100x128xf32, #tpu.memory_space<vmem>>, vector<1x16xf32>,
      %get3A_465 = vector.shape_cast %get3A_464 : vector<1x16xf32> to vector<16xf32>
      %add3A_466 = arith.constant 2 : i32
      %add3A_467 = arith.addi %mul3A_259, %add3A_466 : i32
      %get3A_468 = arith.index_cast %add3A_467 : i32 to index
      %get3A_469 = arith.constant 112 : index
      %get3A_470 = tpu.vector_load %arg7[%get3A_468, %get3A_469] {strides = array<i32>} : memref<100x128xf32, #tpu.memory_space<vmem>>, vector<1x16xf32>,
      %get3A_471 = vector.shape_cast %get3A_470 : vector<1x16xf32> to vector<16xf32>
      %add3A_472 = arith.constant 3 : i32
      %add3A_473 = arith.addi %mul3A_259, %add3A_472 : i32
      %get3A_474 = arith.index_cast %add3A_473 : i32 to index
      %get3A_475 = arith.constant 112 : index
      %get3A_476 = tpu.vector_load %arg7[%get3A_474, %get3A_475] {strides = array<i32>} : memref<100x128xf32, #tpu.memory_space<vmem>>, vector<1x16xf32>,
      %get3A_477 = vector.shape_cast %get3A_476 : vector<1x16xf32> to vector<16xf32>
      %max3A_478 = arith.maximumf %get3A_459, %get3A_465 : vector<16xf32>
      %max3A_479 = arith.maximumf %get3A_471, %get3A_477 : vector<16xf32>
      %max3A_480 = arith.maximumf %max3A_478, %max3A_479 : vector<16xf32>
      %max3A_481 = arith.maximumf %scan3A_257, %max3A_480 : vector<16xf32>
      scf.yield %max3A_285, %max3A_313, %max3A_341, %max3A_369, %max3A_397, %max3A_425, %max3A_453, %max3A_481 : vector<16xf32>, vector<16xf32>, vector<16xf32>, vector<16xf32>, vector<16xf32>, vector<16xf32>, vector<16xf32>, vector<16xf32>
    }
    %scan3A_125 = arith.constant 25 : i32
    %swap3A = arith.constant 126 : i32
    %swap3A_126 = arith.index_cast %swap3A : i32 to index
    %swap3A_127 = arith.constant 0 : index
    %swap3A_128 = tpu.vector_load %arg12[%swap3A_126, %swap3A_127] {strides = array<i32>} : memref<128x128xf32, #tpu.memory_space<vmem>>, vector<1x16xf32>,
    %swap3A_129 = vector.shape_cast %swap3A_128 : vector<1x16xf32> to vector<16xf32>
    %swap3A_130 = vector.shape_cast %scan3A_124#0 : vector<16xf32> to vector<1x16xf32>
    tpu.vector_store %arg12[%swap3A_126, %swap3A_127], %swap3A_130 {strides = array<i32>} : memref<128x128xf32, #tpu.memory_space<vmem>>, vector<1x16xf32>,
    %swap3A_131 = arith.constant 126 : i32
    %swap3A_132 = arith.index_cast %swap3A_131 : i32 to index
    %swap3A_133 = arith.constant 16 : index
    %swap3A_134 = tpu.vector_load %arg12[%swap3A_132, %swap3A_133] {strides = array<i32>} : memref<128x128xf32, #tpu.memory_space<vmem>>, vector<1x16xf32>,
    %swap3A_135 = vector.shape_cast %swap3A_134 : vector<1x16xf32> to vector<16xf32>
    %swap3A_136 = vector.shape_cast %scan3A_124#1 : vector<16xf32> to vector<1x16xf32>
    tpu.vector_store %arg12[%swap3A_132, %swap3A_133], %swap3A_136 {strides = array<i32>} : memref<128x128xf32, #tpu.memory_space<vmem>>, vector<1x16xf32>,
    %swap3A_137 = arith.constant 126 : i32
    %swap3A_138 = arith.index_cast %swap3A_137 : i32 to index
    %swap3A_139 = arith.constant 32 : index
    %swap3A_140 = tpu.vector_load %arg12[%swap3A_138, %swap3A_139] {strides = array<i32>} : memref<128x128xf32, #tpu.memory_space<vmem>>, vector<1x16xf32>,
    %swap3A_141 = vector.shape_cast %swap3A_140 : vector<1x16xf32> to vector<16xf32>
    %swap3A_142 = vector.shape_cast %scan3A_124#2 : vector<16xf32> to vector<1x16xf32>
    tpu.vector_store %arg12[%swap3A_138, %swap3A_139], %swap3A_142 {strides = array<i32>} : memref<128x128xf32, #tpu.memory_space<vmem>>, vector<1x16xf32>,
    %swap3A_143 = arith.constant 126 : i32
    %swap3A_144 = arith.index_cast %swap3A_143 : i32 to index
    %swap3A_145 = arith.constant 48 : index
    %swap3A_146 = tpu.vector_load %arg12[%swap3A_144, %swap3A_145] {strides = array<i32>} : memref<128x128xf32, #tpu.memory_space<vmem>>, vector<1x16xf32>,
    %swap3A_147 = vector.shape_cast %swap3A_146 : vector<1x16xf32> to vector<16xf32>
    %swap3A_148 = vector.shape_cast %scan3A_124#3 : vector<16xf32> to vector<1x16xf32>
    tpu.vector_store %arg12[%swap3A_144, %swap3A_145], %swap3A_148 {strides = array<i32>} : memref<128x128xf32, #tpu.memory_space<vmem>>, vector<1x16xf32>,
    %swap3A_149 = arith.constant 126 : i32
    %swap3A_150 = arith.index_cast %swap3A_149 : i32 to index
    %swap3A_151 = arith.constant 64 : index
    %swap3A_152 = tpu.vector_load %arg12[%swap3A_150, %swap3A_151] {strides = array<i32>} : memref<128x128xf32, #tpu.memory_space<vmem>>, vector<1x16xf32>,
    %swap3A_153 = vector.shape_cast %swap3A_152 : vector<1x16xf32> to vector<16xf32>
    %swap3A_154 = vector.shape_cast %scan3A_124#4 : vector<16xf32> to vector<1x16xf32>
    tpu.vector_store %arg12[%swap3A_150, %swap3A_151], %swap3A_154 {strides = array<i32>} : memref<128x128xf32, #tpu.memory_space<vmem>>, vector<1x16xf32>,
    %swap3A_155 = arith.constant 126 : i32
    %swap3A_156 = arith.index_cast %swap3A_155 : i32 to index
    %swap3A_157 = arith.constant 80 : index
    %swap3A_158 = tpu.vector_load %arg12[%swap3A_156, %swap3A_157] {strides = array<i32>} : memref<128x128xf32, #tpu.memory_space<vmem>>, vector<1x16xf32>,
    %swap3A_159 = vector.shape_cast %swap3A_158 : vector<1x16xf32> to vector<16xf32>
    %swap3A_160 = vector.shape_cast %scan3A_124#5 : vector<16xf32> to vector<1x16xf32>
    tpu.vector_store %arg12[%swap3A_156, %swap3A_157], %swap3A_160 {strides = array<i32>} : memref<128x128xf32, #tpu.memory_space<vmem>>, vector<1x16xf32>,
    %swap3A_161 = arith.constant 126 : i32
    %swap3A_162 = arith.index_cast %swap3A_161 : i32 to index
    %swap3A_163 = arith.constant 96 : index
    %swap3A_164 = tpu.vector_load %arg12[%swap3A_162, %swap3A_163] {strides = array<i32>} : memref<128x128xf32, #tpu.memory_space<vmem>>, vector<1x16xf32>,
    %swap3A_165 = vector.shape_cast %swap3A_164 : vector<1x16xf32> to vector<16xf32>
    %swap3A_166 = vector.shape_cast %scan3A_124#6 : vector<16xf32> to vector<1x16xf32>
    tpu.vector_store %arg12[%swap3A_162, %swap3A_163], %swap3A_166 {strides = array<i32>} : memref<128x128xf32, #tpu.memory_space<vmem>>, vector<1x16xf32>,
    %swap3A_167 = arith.constant 126 : i32
    %swap3A_168 = arith.index_cast %swap3A_167 : i32 to index
    %swap3A_169 = arith.constant 112 : index
    %swap3A_170 = tpu.vector_load %arg12[%swap3A_168, %swap3A_169] {strides = array<i32>} : memref<128x128xf32, #tpu.memory_space<vmem>>, vector<1x16xf32>,
    %swap3A_171 = vector.shape_cast %swap3A_170 : vector<1x16xf32> to vector<16xf32>
    %swap3A_172 = vector.shape_cast %scan3A_124#7 : vector<16xf32> to vector<1x16xf32>
    tpu.vector_store %arg12[%swap3A_168, %swap3A_169], %swap3A_172 {strides = array<i32>} : memref<128x128xf32, #tpu.memory_space<vmem>>, vector<1x16xf32>,
    %dma_wait3A_173 = arith.constant 127 : i32
    %dma_wait3A_174 = arith.constant 0 : i32
    %dma_wait3A_175 = arith.constant 0 : i32
    %dma_wait3A_176 = tpu.memref_slice %arg5[%dma_wait3A_173, %dma_wait3A_174, %dma_wait3A_175] : memref<128x2x100xi32, #tpu.memory_space<vmem>> -> memref<1x1x100xi32, #tpu.memory_space<vmem>>
    %dma_wait3A_177 = tpu.memref_squeeze %dma_wait3A_176 : memref<1x1x100xi32, #tpu.memory_space<vmem>> -> memref<100xi32, #tpu.memory_space<vmem>>
    %dma_wait3A_178 = arith.constant 0 : i32
    %dma_wait3A_179 = arith.constant 0 : i32
    %dma_wait3A_180 = tpu.memref_slice %arg2[%dma_wait3A_178, %dma_wait3A_179] : memref<100000x128xf32, #tpu.memory_space<hbm>> -> memref<100000x128xf32, #tpu.memory_space<hbm>>
    tpu.wait_indirect_dma semaphore(%arg15 : memref<!tpu.dma_semaphore, #tpu.memory_space<semaphore_mem>>) src(%dma_wait3A_180 : memref<100000x128xf32, #tpu.memory_space<hbm>>) dst(%arg8 : memref<100x128xf32, #tpu.memory_space<vmem>>)
    %scan3A_181 = arith.constant 0 : i32
    %scan3A_182 = arith.constant 25 : i32
    %scan3A_183 = arith.addi %scan3A_181, %scan3A_182 : i32
    %scan3A_184 = arith.constant 1 : i32
    %scan3A_185:8 = scf.for %scan3A_249 = %scan3A_181 to %scan3A_183 step %scan3A_184 iter_args(%scan3A_250 = %broadcast_in_dim3A_18, %scan3A_251 = %broadcast_in_dim3A_20, %scan3A_252 = %broadcast_in_dim3A_22, %scan3A_253 = %broadcast_in_dim3A_24, %scan3A_254 = %broadcast_in_dim3A_26, %scan3A_255 = %broadcast_in_dim3A_28, %scan3A_256 = %broadcast_in_dim3A_30, %scan3A_257 = %broadcast_in_dim3A_32) -> (vector<16xf32>, vector<16xf32>, vector<16xf32>, vector<16xf32>, vector<16xf32>, vector<16xf32>, vector<16xf32>, vector<16xf32>)  : i32 {
      %mul3A_258 = arith.constant 4 : i32
      %mul3A_259 = arith.muli %scan3A_249, %mul3A_258 : i32
      %add3A_260 = arith.constant 0 : i32
      %add3A_261 = arith.addi %mul3A_259, %add3A_260 : i32
      %get3A = arith.index_cast %add3A_261 : i32 to index
      %get3A_262 = arith.constant 0 : index
      %get3A_263 = tpu.vector_load %arg8[%get3A, %get3A_262] {strides = array<i32>} : memref<100x128xf32, #tpu.memory_space<vmem>>, vector<1x16xf32>,
      %get3A_264 = vector.shape_cast %get3A_263 : vector<1x16xf32> to vector<16xf32>
      %add3A_265 = arith.constant 1 : i32
      %add3A_266 = arith.addi %mul3A_259, %add3A_265 : i32
      %get3A_267 = arith.index_cast %add3A_266 : i32 to index
      %get3A_268 = arith.constant 0 : index
      %get3A_269 = tpu.vector_load %arg8[%get3A_267, %get3A_268] {strides = array<i32>} : memref<100x128xf32, #tpu.memory_space<vmem>>, vector<1x16xf32>,
      %get3A_270 = vector.shape_cast %get3A_269 : vector<1x16xf32> to vector<16xf32>
      %add3A_271 = arith.constant 2 : i32
      %add3A_272 = arith.addi %mul3A_259, %add3A_271 : i32
      %get3A_273 = arith.index_cast %add3A_272 : i32 to index
      %get3A_274 = arith.constant 0 : index
      %get3A_275 = tpu.vector_load %arg8[%get3A_273, %get3A_274] {strides = array<i32>} : memref<100x128xf32, #tpu.memory_space<vmem>>, vector<1x16xf32>,
      %get3A_276 = vector.shape_cast %get3A_275 : vector<1x16xf32> to vector<16xf32>
      %add3A_277 = arith.constant 3 : i32
      %add3A_278 = arith.addi %mul3A_259, %add3A_277 : i32
      %get3A_279 = arith.index_cast %add3A_278 : i32 to index
      %get3A_280 = arith.constant 0 : index
      %get3A_281 = tpu.vector_load %arg8[%get3A_279, %get3A_280] {strides = array<i32>} : memref<100x128xf32, #tpu.memory_space<vmem>>, vector<1x16xf32>,
      %get3A_282 = vector.shape_cast %get3A_281 : vector<1x16xf32> to vector<16xf32>
      %max3A = arith.maximumf %get3A_264, %get3A_270 : vector<16xf32>
      %max3A_283 = arith.maximumf %get3A_276, %get3A_282 : vector<16xf32>
      %max3A_284 = arith.maximumf %max3A, %max3A_283 : vector<16xf32>
      %max3A_285 = arith.maximumf %scan3A_250, %max3A_284 : vector<16xf32>
      %add3A_286 = arith.constant 0 : i32
      %add3A_287 = arith.addi %mul3A_259, %add3A_286 : i32
      %get3A_288 = arith.index_cast %add3A_287 : i32 to index
      %get3A_289 = arith.constant 16 : index
      %get3A_290 = tpu.vector_load %arg8[%get3A_288, %get3A_289] {strides = array<i32>} : memref<100x128xf32, #tpu.memory_space<vmem>>, vector<1x16xf32>,
      %get3A_291 = vector.shape_cast %get3A_290 : vector<1x16xf32> to vector<16xf32>
      %add3A_292 = arith.constant 1 : i32
      %add3A_293 = arith.addi %mul3A_259, %add3A_292 : i32
      %get3A_294 = arith.index_cast %add3A_293 : i32 to index
      %get3A_295 = arith.constant 16 : index
      %get3A_296 = tpu.vector_load %arg8[%get3A_294, %get3A_295] {strides = array<i32>} : memref<100x128xf32, #tpu.memory_space<vmem>>, vector<1x16xf32>,
      %get3A_297 = vector.shape_cast %get3A_296 : vector<1x16xf32> to vector<16xf32>
      %add3A_298 = arith.constant 2 : i32
      %add3A_299 = arith.addi %mul3A_259, %add3A_298 : i32
      %get3A_300 = arith.index_cast %add3A_299 : i32 to index
      %get3A_301 = arith.constant 16 : index
      %get3A_302 = tpu.vector_load %arg8[%get3A_300, %get3A_301] {strides = array<i32>} : memref<100x128xf32, #tpu.memory_space<vmem>>, vector<1x16xf32>,
      %get3A_303 = vector.shape_cast %get3A_302 : vector<1x16xf32> to vector<16xf32>
      %add3A_304 = arith.constant 3 : i32
      %add3A_305 = arith.addi %mul3A_259, %add3A_304 : i32
      %get3A_306 = arith.index_cast %add3A_305 : i32 to index
      %get3A_307 = arith.constant 16 : index
      %get3A_308 = tpu.vector_load %arg8[%get3A_306, %get3A_307] {strides = array<i32>} : memref<100x128xf32, #tpu.memory_space<vmem>>, vector<1x16xf32>,
      %get3A_309 = vector.shape_cast %get3A_308 : vector<1x16xf32> to vector<16xf32>
      %max3A_310 = arith.maximumf %get3A_291, %get3A_297 : vector<16xf32>
      %max3A_311 = arith.maximumf %get3A_303, %get3A_309 : vector<16xf32>
      %max3A_312 = arith.maximumf %max3A_310, %max3A_311 : vector<16xf32>
      %max3A_313 = arith.maximumf %scan3A_251, %max3A_312 : vector<16xf32>
      %add3A_314 = arith.constant 0 : i32
      %add3A_315 = arith.addi %mul3A_259, %add3A_314 : i32
      %get3A_316 = arith.index_cast %add3A_315 : i32 to index
      %get3A_317 = arith.constant 32 : index
      %get3A_318 = tpu.vector_load %arg8[%get3A_316, %get3A_317] {strides = array<i32>} : memref<100x128xf32, #tpu.memory_space<vmem>>, vector<1x16xf32>,
      %get3A_319 = vector.shape_cast %get3A_318 : vector<1x16xf32> to vector<16xf32>
      %add3A_320 = arith.constant 1 : i32
      %add3A_321 = arith.addi %mul3A_259, %add3A_320 : i32
      %get3A_322 = arith.index_cast %add3A_321 : i32 to index
      %get3A_323 = arith.constant 32 : index
      %get3A_324 = tpu.vector_load %arg8[%get3A_322, %get3A_323] {strides = array<i32>} : memref<100x128xf32, #tpu.memory_space<vmem>>, vector<1x16xf32>,
      %get3A_325 = vector.shape_cast %get3A_324 : vector<1x16xf32> to vector<16xf32>
      %add3A_326 = arith.constant 2 : i32
      %add3A_327 = arith.addi %mul3A_259, %add3A_326 : i32
      %get3A_328 = arith.index_cast %add3A_327 : i32 to index
      %get3A_329 = arith.constant 32 : index
      %get3A_330 = tpu.vector_load %arg8[%get3A_328, %get3A_329] {strides = array<i32>} : memref<100x128xf32, #tpu.memory_space<vmem>>, vector<1x16xf32>,
      %get3A_331 = vector.shape_cast %get3A_330 : vector<1x16xf32> to vector<16xf32>
      %add3A_332 = arith.constant 3 : i32
      %add3A_333 = arith.addi %mul3A_259, %add3A_332 : i32
      %get3A_334 = arith.index_cast %add3A_333 : i32 to index
      %get3A_335 = arith.constant 32 : index
      %get3A_336 = tpu.vector_load %arg8[%get3A_334, %get3A_335] {strides = array<i32>} : memref<100x128xf32, #tpu.memory_space<vmem>>, vector<1x16xf32>,
      %get3A_337 = vector.shape_cast %get3A_336 : vector<1x16xf32> to vector<16xf32>
      %max3A_338 = arith.maximumf %get3A_319, %get3A_325 : vector<16xf32>
      %max3A_339 = arith.maximumf %get3A_331, %get3A_337 : vector<16xf32>
      %max3A_340 = arith.maximumf %max3A_338, %max3A_339 : vector<16xf32>
      %max3A_341 = arith.maximumf %scan3A_252, %max3A_340 : vector<16xf32>
      %add3A_342 = arith.constant 0 : i32
      %add3A_343 = arith.addi %mul3A_259, %add3A_342 : i32
      %get3A_344 = arith.index_cast %add3A_343 : i32 to index
      %get3A_345 = arith.constant 48 : index
      %get3A_346 = tpu.vector_load %arg8[%get3A_344, %get3A_345] {strides = array<i32>} : memref<100x128xf32, #tpu.memory_space<vmem>>, vector<1x16xf32>,
      %get3A_347 = vector.shape_cast %get3A_346 : vector<1x16xf32> to vector<16xf32>
      %add3A_348 = arith.constant 1 : i32
      %add3A_349 = arith.addi %mul3A_259, %add3A_348 : i32
      %get3A_350 = arith.index_cast %add3A_349 : i32 to index
      %get3A_351 = arith.constant 48 : index
      %get3A_352 = tpu.vector_load %arg8[%get3A_350, %get3A_351] {strides = array<i32>} : memref<100x128xf32, #tpu.memory_space<vmem>>, vector<1x16xf32>,
      %get3A_353 = vector.shape_cast %get3A_352 : vector<1x16xf32> to vector<16xf32>
      %add3A_354 = arith.constant 2 : i32
      %add3A_355 = arith.addi %mul3A_259, %add3A_354 : i32
      %get3A_356 = arith.index_cast %add3A_355 : i32 to index
      %get3A_357 = arith.constant 48 : index
      %get3A_358 = tpu.vector_load %arg8[%get3A_356, %get3A_357] {strides = array<i32>} : memref<100x128xf32, #tpu.memory_space<vmem>>, vector<1x16xf32>,
      %get3A_359 = vector.shape_cast %get3A_358 : vector<1x16xf32> to vector<16xf32>
      %add3A_360 = arith.constant 3 : i32
      %add3A_361 = arith.addi %mul3A_259, %add3A_360 : i32
      %get3A_362 = arith.index_cast %add3A_361 : i32 to index
      %get3A_363 = arith.constant 48 : index
      %get3A_364 = tpu.vector_load %arg8[%get3A_362, %get3A_363] {strides = array<i32>} : memref<100x128xf32, #tpu.memory_space<vmem>>, vector<1x16xf32>,
      %get3A_365 = vector.shape_cast %get3A_364 : vector<1x16xf32> to vector<16xf32>
      %max3A_366 = arith.maximumf %get3A_347, %get3A_353 : vector<16xf32>
      %max3A_367 = arith.maximumf %get3A_359, %get3A_365 : vector<16xf32>
      %max3A_368 = arith.maximumf %max3A_366, %max3A_367 : vector<16xf32>
      %max3A_369 = arith.maximumf %scan3A_253, %max3A_368 : vector<16xf32>
      %add3A_370 = arith.constant 0 : i32
      %add3A_371 = arith.addi %mul3A_259, %add3A_370 : i32
      %get3A_372 = arith.index_cast %add3A_371 : i32 to index
      %get3A_373 = arith.constant 64 : index
      %get3A_374 = tpu.vector_load %arg8[%get3A_372, %get3A_373] {strides = array<i32>} : memref<100x128xf32, #tpu.memory_space<vmem>>, vector<1x16xf32>,
      %get3A_375 = vector.shape_cast %get3A_374 : vector<1x16xf32> to vector<16xf32>
      %add3A_376 = arith.constant 1 : i32
      %add3A_377 = arith.addi %mul3A_259, %add3A_376 : i32
      %get3A_378 = arith.index_cast %add3A_377 : i32 to index
      %get3A_379 = arith.constant 64 : index
      %get3A_380 = tpu.vector_load %arg8[%get3A_378, %get3A_379] {strides = array<i32>} : memref<100x128xf32, #tpu.memory_space<vmem>>, vector<1x16xf32>,
      %get3A_381 = vector.shape_cast %get3A_380 : vector<1x16xf32> to vector<16xf32>
      %add3A_382 = arith.constant 2 : i32
      %add3A_383 = arith.addi %mul3A_259, %add3A_382 : i32
      %get3A_384 = arith.index_cast %add3A_383 : i32 to index
      %get3A_385 = arith.constant 64 : index
      %get3A_386 = tpu.vector_load %arg8[%get3A_384, %get3A_385] {strides = array<i32>} : memref<100x128xf32, #tpu.memory_space<vmem>>, vector<1x16xf32>,
      %get3A_387 = vector.shape_cast %get3A_386 : vector<1x16xf32> to vector<16xf32>
      %add3A_388 = arith.constant 3 : i32
      %add3A_389 = arith.addi %mul3A_259, %add3A_388 : i32
      %get3A_390 = arith.index_cast %add3A_389 : i32 to index
      %get3A_391 = arith.constant 64 : index
      %get3A_392 = tpu.vector_load %arg8[%get3A_390, %get3A_391] {strides = array<i32>} : memref<100x128xf32, #tpu.memory_space<vmem>>, vector<1x16xf32>,
      %get3A_393 = vector.shape_cast %get3A_392 : vector<1x16xf32> to vector<16xf32>
      %max3A_394 = arith.maximumf %get3A_375, %get3A_381 : vector<16xf32>
      %max3A_395 = arith.maximumf %get3A_387, %get3A_393 : vector<16xf32>
      %max3A_396 = arith.maximumf %max3A_394, %max3A_395 : vector<16xf32>
      %max3A_397 = arith.maximumf %scan3A_254, %max3A_396 : vector<16xf32>
      %add3A_398 = arith.constant 0 : i32
      %add3A_399 = arith.addi %mul3A_259, %add3A_398 : i32
      %get3A_400 = arith.index_cast %add3A_399 : i32 to index
      %get3A_401 = arith.constant 80 : index
      %get3A_402 = tpu.vector_load %arg8[%get3A_400, %get3A_401] {strides = array<i32>} : memref<100x128xf32, #tpu.memory_space<vmem>>, vector<1x16xf32>,
      %get3A_403 = vector.shape_cast %get3A_402 : vector<1x16xf32> to vector<16xf32>
      %add3A_404 = arith.constant 1 : i32
      %add3A_405 = arith.addi %mul3A_259, %add3A_404 : i32
      %get3A_406 = arith.index_cast %add3A_405 : i32 to index
      %get3A_407 = arith.constant 80 : index
      %get3A_408 = tpu.vector_load %arg8[%get3A_406, %get3A_407] {strides = array<i32>} : memref<100x128xf32, #tpu.memory_space<vmem>>, vector<1x16xf32>,
      %get3A_409 = vector.shape_cast %get3A_408 : vector<1x16xf32> to vector<16xf32>
      %add3A_410 = arith.constant 2 : i32
      %add3A_411 = arith.addi %mul3A_259, %add3A_410 : i32
      %get3A_412 = arith.index_cast %add3A_411 : i32 to index
      %get3A_413 = arith.constant 80 : index
      %get3A_414 = tpu.vector_load %arg8[%get3A_412, %get3A_413] {strides = array<i32>} : memref<100x128xf32, #tpu.memory_space<vmem>>, vector<1x16xf32>,
      %get3A_415 = vector.shape_cast %get3A_414 : vector<1x16xf32> to vector<16xf32>
      %add3A_416 = arith.constant 3 : i32
      %add3A_417 = arith.addi %mul3A_259, %add3A_416 : i32
      %get3A_418 = arith.index_cast %add3A_417 : i32 to index
      %get3A_419 = arith.constant 80 : index
      %get3A_420 = tpu.vector_load %arg8[%get3A_418, %get3A_419] {strides = array<i32>} : memref<100x128xf32, #tpu.memory_space<vmem>>, vector<1x16xf32>,
      %get3A_421 = vector.shape_cast %get3A_420 : vector<1x16xf32> to vector<16xf32>
      %max3A_422 = arith.maximumf %get3A_403, %get3A_409 : vector<16xf32>
      %max3A_423 = arith.maximumf %get3A_415, %get3A_421 : vector<16xf32>
      %max3A_424 = arith.maximumf %max3A_422, %max3A_423 : vector<16xf32>
      %max3A_425 = arith.maximumf %scan3A_255, %max3A_424 : vector<16xf32>
      %add3A_426 = arith.constant 0 : i32
      %add3A_427 = arith.addi %mul3A_259, %add3A_426 : i32
      %get3A_428 = arith.index_cast %add3A_427 : i32 to index
      %get3A_429 = arith.constant 96 : index
      %get3A_430 = tpu.vector_load %arg8[%get3A_428, %get3A_429] {strides = array<i32>} : memref<100x128xf32, #tpu.memory_space<vmem>>, vector<1x16xf32>,
      %get3A_431 = vector.shape_cast %get3A_430 : vector<1x16xf32> to vector<16xf32>
      %add3A_432 = arith.constant 1 : i32
      %add3A_433 = arith.addi %mul3A_259, %add3A_432 : i32
      %get3A_434 = arith.index_cast %add3A_433 : i32 to index
      %get3A_435 = arith.constant 96 : index
      %get3A_436 = tpu.vector_load %arg8[%get3A_434, %get3A_435] {strides = array<i32>} : memref<100x128xf32, #tpu.memory_space<vmem>>, vector<1x16xf32>,
      %get3A_437 = vector.shape_cast %get3A_436 : vector<1x16xf32> to vector<16xf32>
      %add3A_438 = arith.constant 2 : i32
      %add3A_439 = arith.addi %mul3A_259, %add3A_438 : i32
      %get3A_440 = arith.index_cast %add3A_439 : i32 to index
      %get3A_441 = arith.constant 96 : index
      %get3A_442 = tpu.vector_load %arg8[%get3A_440, %get3A_441] {strides = array<i32>} : memref<100x128xf32, #tpu.memory_space<vmem>>, vector<1x16xf32>,
      %get3A_443 = vector.shape_cast %get3A_442 : vector<1x16xf32> to vector<16xf32>
      %add3A_444 = arith.constant 3 : i32
      %add3A_445 = arith.addi %mul3A_259, %add3A_444 : i32
      %get3A_446 = arith.index_cast %add3A_445 : i32 to index
      %get3A_447 = arith.constant 96 : index
      %get3A_448 = tpu.vector_load %arg8[%get3A_446, %get3A_447] {strides = array<i32>} : memref<100x128xf32, #tpu.memory_space<vmem>>, vector<1x16xf32>,
      %get3A_449 = vector.shape_cast %get3A_448 : vector<1x16xf32> to vector<16xf32>
      %max3A_450 = arith.maximumf %get3A_431, %get3A_437 : vector<16xf32>
      %max3A_451 = arith.maximumf %get3A_443, %get3A_449 : vector<16xf32>
      %max3A_452 = arith.maximumf %max3A_450, %max3A_451 : vector<16xf32>
      %max3A_453 = arith.maximumf %scan3A_256, %max3A_452 : vector<16xf32>
      %add3A_454 = arith.constant 0 : i32
      %add3A_455 = arith.addi %mul3A_259, %add3A_454 : i32
      %get3A_456 = arith.index_cast %add3A_455 : i32 to index
      %get3A_457 = arith.constant 112 : index
      %get3A_458 = tpu.vector_load %arg8[%get3A_456, %get3A_457] {strides = array<i32>} : memref<100x128xf32, #tpu.memory_space<vmem>>, vector<1x16xf32>,
      %get3A_459 = vector.shape_cast %get3A_458 : vector<1x16xf32> to vector<16xf32>
      %add3A_460 = arith.constant 1 : i32
      %add3A_461 = arith.addi %mul3A_259, %add3A_460 : i32
      %get3A_462 = arith.index_cast %add3A_461 : i32 to index
      %get3A_463 = arith.constant 112 : index
      %get3A_464 = tpu.vector_load %arg8[%get3A_462, %get3A_463] {strides = array<i32>} : memref<100x128xf32, #tpu.memory_space<vmem>>, vector<1x16xf32>,
      %get3A_465 = vector.shape_cast %get3A_464 : vector<1x16xf32> to vector<16xf32>
      %add3A_466 = arith.constant 2 : i32
      %add3A_467 = arith.addi %mul3A_259, %add3A_466 : i32
      %get3A_468 = arith.index_cast %add3A_467 : i32 to index
      %get3A_469 = arith.constant 112 : index
      %get3A_470 = tpu.vector_load %arg8[%get3A_468, %get3A_469] {strides = array<i32>} : memref<100x128xf32, #tpu.memory_space<vmem>>, vector<1x16xf32>,
      %get3A_471 = vector.shape_cast %get3A_470 : vector<1x16xf32> to vector<16xf32>
      %add3A_472 = arith.constant 3 : i32
      %add3A_473 = arith.addi %mul3A_259, %add3A_472 : i32
      %get3A_474 = arith.index_cast %add3A_473 : i32 to index
      %get3A_475 = arith.constant 112 : index
      %get3A_476 = tpu.vector_load %arg8[%get3A_474, %get3A_475] {strides = array<i32>} : memref<100x128xf32, #tpu.memory_space<vmem>>, vector<1x16xf32>,
      %get3A_477 = vector.shape_cast %get3A_476 : vector<1x16xf32> to vector<16xf32>
      %max3A_478 = arith.maximumf %get3A_459, %get3A_465 : vector<16xf32>
      %max3A_479 = arith.maximumf %get3A_471, %get3A_477 : vector<16xf32>
      %max3A_480 = arith.maximumf %max3A_478, %max3A_479 : vector<16xf32>
      %max3A_481 = arith.maximumf %scan3A_257, %max3A_480 : vector<16xf32>
      scf.yield %max3A_285, %max3A_313, %max3A_341, %max3A_369, %max3A_397, %max3A_425, %max3A_453, %max3A_481 : vector<16xf32>, vector<16xf32>, vector<16xf32>, vector<16xf32>, vector<16xf32>, vector<16xf32>, vector<16xf32>, vector<16xf32>
    }
    %scan3A_186 = arith.constant 25 : i32
    %dma_wait3A_187 = arith.constant 127 : i32
    %dma_wait3A_188 = arith.constant 1 : i32
    %dma_wait3A_189 = arith.constant 0 : i32
    %dma_wait3A_190 = tpu.memref_slice %arg5[%dma_wait3A_187, %dma_wait3A_188, %dma_wait3A_189] : memref<128x2x100xi32, #tpu.memory_space<vmem>> -> memref<1x1x100xi32, #tpu.memory_space<vmem>>
    %dma_wait3A_191 = tpu.memref_squeeze %dma_wait3A_190 : memref<1x1x100xi32, #tpu.memory_space<vmem>> -> memref<100xi32, #tpu.memory_space<vmem>>
    %dma_wait3A_192 = arith.constant 0 : i32
    %dma_wait3A_193 = arith.constant 0 : i32
    %dma_wait3A_194 = tpu.memref_slice %arg2[%dma_wait3A_192, %dma_wait3A_193] : memref<100000x128xf32, #tpu.memory_space<hbm>> -> memref<100000x128xf32, #tpu.memory_space<hbm>>
    tpu.wait_indirect_dma semaphore(%arg16 : memref<!tpu.dma_semaphore, #tpu.memory_space<semaphore_mem>>) src(%dma_wait3A_194 : memref<100000x128xf32, #tpu.memory_space<hbm>>) dst(%arg9 : memref<100x128xf32, #tpu.memory_space<vmem>>)
    %scan3A_195 = arith.constant 0 : i32
    %scan3A_196 = arith.constant 25 : i32
    %scan3A_197 = arith.addi %scan3A_195, %scan3A_196 : i32
    %scan3A_198 = arith.constant 1 : i32
    %scan3A_199:8 = scf.for %scan3A_249 = %scan3A_195 to %scan3A_197 step %scan3A_198 iter_args(%scan3A_250 = %scan3A_185#0, %scan3A_251 = %scan3A_185#1, %scan3A_252 = %scan3A_185#2, %scan3A_253 = %scan3A_185#3, %scan3A_254 = %scan3A_185#4, %scan3A_255 = %scan3A_185#5, %scan3A_256 = %scan3A_185#6, %scan3A_257 = %scan3A_185#7) -> (vector<16xf32>, vector<16xf32>, vector<16xf32>, vector<16xf32>, vector<16xf32>, vector<16xf32>, vector<16xf32>, vector<16xf32>)  : i32 {
      %mul3A_258 = arith.constant 4 : i32
      %mul3A_259 = arith.muli %scan3A_249, %mul3A_258 : i32
      %add3A_260 = arith.constant 0 : i32
      %add3A_261 = arith.addi %mul3A_259, %add3A_260 : i32
      %get3A = arith.index_cast %add3A_261 : i32 to index
      %get3A_262 = arith.constant 0 : index
      %get3A_263 = tpu.vector_load %arg9[%get3A, %get3A_262] {strides = array<i32>} : memref<100x128xf32, #tpu.memory_space<vmem>>, vector<1x16xf32>,
      %get3A_264 = vector.shape_cast %get3A_263 : vector<1x16xf32> to vector<16xf32>
      %add3A_265 = arith.constant 1 : i32
      %add3A_266 = arith.addi %mul3A_259, %add3A_265 : i32
      %get3A_267 = arith.index_cast %add3A_266 : i32 to index
      %get3A_268 = arith.constant 0 : index
      %get3A_269 = tpu.vector_load %arg9[%get3A_267, %get3A_268] {strides = array<i32>} : memref<100x128xf32, #tpu.memory_space<vmem>>, vector<1x16xf32>,
      %get3A_270 = vector.shape_cast %get3A_269 : vector<1x16xf32> to vector<16xf32>
      %add3A_271 = arith.constant 2 : i32
      %add3A_272 = arith.addi %mul3A_259, %add3A_271 : i32
      %get3A_273 = arith.index_cast %add3A_272 : i32 to index
      %get3A_274 = arith.constant 0 : index
      %get3A_275 = tpu.vector_load %arg9[%get3A_273, %get3A_274] {strides = array<i32>} : memref<100x128xf32, #tpu.memory_space<vmem>>, vector<1x16xf32>,
      %get3A_276 = vector.shape_cast %get3A_275 : vector<1x16xf32> to vector<16xf32>
      %add3A_277 = arith.constant 3 : i32
      %add3A_278 = arith.addi %mul3A_259, %add3A_277 : i32
      %get3A_279 = arith.index_cast %add3A_278 : i32 to index
      %get3A_280 = arith.constant 0 : index
      %get3A_281 = tpu.vector_load %arg9[%get3A_279, %get3A_280] {strides = array<i32>} : memref<100x128xf32, #tpu.memory_space<vmem>>, vector<1x16xf32>,
      %get3A_282 = vector.shape_cast %get3A_281 : vector<1x16xf32> to vector<16xf32>
      %max3A = arith.maximumf %get3A_264, %get3A_270 : vector<16xf32>
      %max3A_283 = arith.maximumf %get3A_276, %get3A_282 : vector<16xf32>
      %max3A_284 = arith.maximumf %max3A, %max3A_283 : vector<16xf32>
      %max3A_285 = arith.maximumf %scan3A_250, %max3A_284 : vector<16xf32>
      %add3A_286 = arith.constant 0 : i32
      %add3A_287 = arith.addi %mul3A_259, %add3A_286 : i32
      %get3A_288 = arith.index_cast %add3A_287 : i32 to index
      %get3A_289 = arith.constant 16 : index
      %get3A_290 = tpu.vector_load %arg9[%get3A_288, %get3A_289] {strides = array<i32>} : memref<100x128xf32, #tpu.memory_space<vmem>>, vector<1x16xf32>,
      %get3A_291 = vector.shape_cast %get3A_290 : vector<1x16xf32> to vector<16xf32>
      %add3A_292 = arith.constant 1 : i32
      %add3A_293 = arith.addi %mul3A_259, %add3A_292 : i32
      %get3A_294 = arith.index_cast %add3A_293 : i32 to index
      %get3A_295 = arith.constant 16 : index
      %get3A_296 = tpu.vector_load %arg9[%get3A_294, %get3A_295] {strides = array<i32>} : memref<100x128xf32, #tpu.memory_space<vmem>>, vector<1x16xf32>,
      %get3A_297 = vector.shape_cast %get3A_296 : vector<1x16xf32> to vector<16xf32>
      %add3A_298 = arith.constant 2 : i32
      %add3A_299 = arith.addi %mul3A_259, %add3A_298 : i32
      %get3A_300 = arith.index_cast %add3A_299 : i32 to index
      %get3A_301 = arith.constant 16 : index
      %get3A_302 = tpu.vector_load %arg9[%get3A_300, %get3A_301] {strides = array<i32>} : memref<100x128xf32, #tpu.memory_space<vmem>>, vector<1x16xf32>,
      %get3A_303 = vector.shape_cast %get3A_302 : vector<1x16xf32> to vector<16xf32>
      %add3A_304 = arith.constant 3 : i32
      %add3A_305 = arith.addi %mul3A_259, %add3A_304 : i32
      %get3A_306 = arith.index_cast %add3A_305 : i32 to index
      %get3A_307 = arith.constant 16 : index
      %get3A_308 = tpu.vector_load %arg9[%get3A_306, %get3A_307] {strides = array<i32>} : memref<100x128xf32, #tpu.memory_space<vmem>>, vector<1x16xf32>,
      %get3A_309 = vector.shape_cast %get3A_308 : vector<1x16xf32> to vector<16xf32>
      %max3A_310 = arith.maximumf %get3A_291, %get3A_297 : vector<16xf32>
      %max3A_311 = arith.maximumf %get3A_303, %get3A_309 : vector<16xf32>
      %max3A_312 = arith.maximumf %max3A_310, %max3A_311 : vector<16xf32>
      %max3A_313 = arith.maximumf %scan3A_251, %max3A_312 : vector<16xf32>
      %add3A_314 = arith.constant 0 : i32
      %add3A_315 = arith.addi %mul3A_259, %add3A_314 : i32
      %get3A_316 = arith.index_cast %add3A_315 : i32 to index
      %get3A_317 = arith.constant 32 : index
      %get3A_318 = tpu.vector_load %arg9[%get3A_316, %get3A_317] {strides = array<i32>} : memref<100x128xf32, #tpu.memory_space<vmem>>, vector<1x16xf32>,
      %get3A_319 = vector.shape_cast %get3A_318 : vector<1x16xf32> to vector<16xf32>
      %add3A_320 = arith.constant 1 : i32
      %add3A_321 = arith.addi %mul3A_259, %add3A_320 : i32
      %get3A_322 = arith.index_cast %add3A_321 : i32 to index
      %get3A_323 = arith.constant 32 : index
      %get3A_324 = tpu.vector_load %arg9[%get3A_322, %get3A_323] {strides = array<i32>} : memref<100x128xf32, #tpu.memory_space<vmem>>, vector<1x16xf32>,
      %get3A_325 = vector.shape_cast %get3A_324 : vector<1x16xf32> to vector<16xf32>
      %add3A_326 = arith.constant 2 : i32
      %add3A_327 = arith.addi %mul3A_259, %add3A_326 : i32
      %get3A_328 = arith.index_cast %add3A_327 : i32 to index
      %get3A_329 = arith.constant 32 : index
      %get3A_330 = tpu.vector_load %arg9[%get3A_328, %get3A_329] {strides = array<i32>} : memref<100x128xf32, #tpu.memory_space<vmem>>, vector<1x16xf32>,
      %get3A_331 = vector.shape_cast %get3A_330 : vector<1x16xf32> to vector<16xf32>
      %add3A_332 = arith.constant 3 : i32
      %add3A_333 = arith.addi %mul3A_259, %add3A_332 : i32
      %get3A_334 = arith.index_cast %add3A_333 : i32 to index
      %get3A_335 = arith.constant 32 : index
      %get3A_336 = tpu.vector_load %arg9[%get3A_334, %get3A_335] {strides = array<i32>} : memref<100x128xf32, #tpu.memory_space<vmem>>, vector<1x16xf32>,
      %get3A_337 = vector.shape_cast %get3A_336 : vector<1x16xf32> to vector<16xf32>
      %max3A_338 = arith.maximumf %get3A_319, %get3A_325 : vector<16xf32>
      %max3A_339 = arith.maximumf %get3A_331, %get3A_337 : vector<16xf32>
      %max3A_340 = arith.maximumf %max3A_338, %max3A_339 : vector<16xf32>
      %max3A_341 = arith.maximumf %scan3A_252, %max3A_340 : vector<16xf32>
      %add3A_342 = arith.constant 0 : i32
      %add3A_343 = arith.addi %mul3A_259, %add3A_342 : i32
      %get3A_344 = arith.index_cast %add3A_343 : i32 to index
      %get3A_345 = arith.constant 48 : index
      %get3A_346 = tpu.vector_load %arg9[%get3A_344, %get3A_345] {strides = array<i32>} : memref<100x128xf32, #tpu.memory_space<vmem>>, vector<1x16xf32>,
      %get3A_347 = vector.shape_cast %get3A_346 : vector<1x16xf32> to vector<16xf32>
      %add3A_348 = arith.constant 1 : i32
      %add3A_349 = arith.addi %mul3A_259, %add3A_348 : i32
      %get3A_350 = arith.index_cast %add3A_349 : i32 to index
      %get3A_351 = arith.constant 48 : index
      %get3A_352 = tpu.vector_load %arg9[%get3A_350, %get3A_351] {strides = array<i32>} : memref<100x128xf32, #tpu.memory_space<vmem>>, vector<1x16xf32>,
      %get3A_353 = vector.shape_cast %get3A_352 : vector<1x16xf32> to vector<16xf32>
      %add3A_354 = arith.constant 2 : i32
      %add3A_355 = arith.addi %mul3A_259, %add3A_354 : i32
      %get3A_356 = arith.index_cast %add3A_355 : i32 to index
      %get3A_357 = arith.constant 48 : index
      %get3A_358 = tpu.vector_load %arg9[%get3A_356, %get3A_357] {strides = array<i32>} : memref<100x128xf32, #tpu.memory_space<vmem>>, vector<1x16xf32>,
      %get3A_359 = vector.shape_cast %get3A_358 : vector<1x16xf32> to vector<16xf32>
      %add3A_360 = arith.constant 3 : i32
      %add3A_361 = arith.addi %mul3A_259, %add3A_360 : i32
      %get3A_362 = arith.index_cast %add3A_361 : i32 to index
      %get3A_363 = arith.constant 48 : index
      %get3A_364 = tpu.vector_load %arg9[%get3A_362, %get3A_363] {strides = array<i32>} : memref<100x128xf32, #tpu.memory_space<vmem>>, vector<1x16xf32>,
      %get3A_365 = vector.shape_cast %get3A_364 : vector<1x16xf32> to vector<16xf32>
      %max3A_366 = arith.maximumf %get3A_347, %get3A_353 : vector<16xf32>
      %max3A_367 = arith.maximumf %get3A_359, %get3A_365 : vector<16xf32>
      %max3A_368 = arith.maximumf %max3A_366, %max3A_367 : vector<16xf32>
      %max3A_369 = arith.maximumf %scan3A_253, %max3A_368 : vector<16xf32>
      %add3A_370 = arith.constant 0 : i32
      %add3A_371 = arith.addi %mul3A_259, %add3A_370 : i32
      %get3A_372 = arith.index_cast %add3A_371 : i32 to index
      %get3A_373 = arith.constant 64 : index
      %get3A_374 = tpu.vector_load %arg9[%get3A_372, %get3A_373] {strides = array<i32>} : memref<100x128xf32, #tpu.memory_space<vmem>>, vector<1x16xf32>,
      %get3A_375 = vector.shape_cast %get3A_374 : vector<1x16xf32> to vector<16xf32>
      %add3A_376 = arith.constant 1 : i32
      %add3A_377 = arith.addi %mul3A_259, %add3A_376 : i32
      %get3A_378 = arith.index_cast %add3A_377 : i32 to index
      %get3A_379 = arith.constant 64 : index
      %get3A_380 = tpu.vector_load %arg9[%get3A_378, %get3A_379] {strides = array<i32>} : memref<100x128xf32, #tpu.memory_space<vmem>>, vector<1x16xf32>,
      %get3A_381 = vector.shape_cast %get3A_380 : vector<1x16xf32> to vector<16xf32>
      %add3A_382 = arith.constant 2 : i32
      %add3A_383 = arith.addi %mul3A_259, %add3A_382 : i32
      %get3A_384 = arith.index_cast %add3A_383 : i32 to index
      %get3A_385 = arith.constant 64 : index
      %get3A_386 = tpu.vector_load %arg9[%get3A_384, %get3A_385] {strides = array<i32>} : memref<100x128xf32, #tpu.memory_space<vmem>>, vector<1x16xf32>,
      %get3A_387 = vector.shape_cast %get3A_386 : vector<1x16xf32> to vector<16xf32>
      %add3A_388 = arith.constant 3 : i32
      %add3A_389 = arith.addi %mul3A_259, %add3A_388 : i32
      %get3A_390 = arith.index_cast %add3A_389 : i32 to index
      %get3A_391 = arith.constant 64 : index
      %get3A_392 = tpu.vector_load %arg9[%get3A_390, %get3A_391] {strides = array<i32>} : memref<100x128xf32, #tpu.memory_space<vmem>>, vector<1x16xf32>,
      %get3A_393 = vector.shape_cast %get3A_392 : vector<1x16xf32> to vector<16xf32>
      %max3A_394 = arith.maximumf %get3A_375, %get3A_381 : vector<16xf32>
      %max3A_395 = arith.maximumf %get3A_387, %get3A_393 : vector<16xf32>
      %max3A_396 = arith.maximumf %max3A_394, %max3A_395 : vector<16xf32>
      %max3A_397 = arith.maximumf %scan3A_254, %max3A_396 : vector<16xf32>
      %add3A_398 = arith.constant 0 : i32
      %add3A_399 = arith.addi %mul3A_259, %add3A_398 : i32
      %get3A_400 = arith.index_cast %add3A_399 : i32 to index
      %get3A_401 = arith.constant 80 : index
      %get3A_402 = tpu.vector_load %arg9[%get3A_400, %get3A_401] {strides = array<i32>} : memref<100x128xf32, #tpu.memory_space<vmem>>, vector<1x16xf32>,
      %get3A_403 = vector.shape_cast %get3A_402 : vector<1x16xf32> to vector<16xf32>
      %add3A_404 = arith.constant 1 : i32
      %add3A_405 = arith.addi %mul3A_259, %add3A_404 : i32
      %get3A_406 = arith.index_cast %add3A_405 : i32 to index
      %get3A_407 = arith.constant 80 : index
      %get3A_408 = tpu.vector_load %arg9[%get3A_406, %get3A_407] {strides = array<i32>} : memref<100x128xf32, #tpu.memory_space<vmem>>, vector<1x16xf32>,
      %get3A_409 = vector.shape_cast %get3A_408 : vector<1x16xf32> to vector<16xf32>
      %add3A_410 = arith.constant 2 : i32
      %add3A_411 = arith.addi %mul3A_259, %add3A_410 : i32
      %get3A_412 = arith.index_cast %add3A_411 : i32 to index
      %get3A_413 = arith.constant 80 : index
      %get3A_414 = tpu.vector_load %arg9[%get3A_412, %get3A_413] {strides = array<i32>} : memref<100x128xf32, #tpu.memory_space<vmem>>, vector<1x16xf32>,
      %get3A_415 = vector.shape_cast %get3A_414 : vector<1x16xf32> to vector<16xf32>
      %add3A_416 = arith.constant 3 : i32
      %add3A_417 = arith.addi %mul3A_259, %add3A_416 : i32
      %get3A_418 = arith.index_cast %add3A_417 : i32 to index
      %get3A_419 = arith.constant 80 : index
      %get3A_420 = tpu.vector_load %arg9[%get3A_418, %get3A_419] {strides = array<i32>} : memref<100x128xf32, #tpu.memory_space<vmem>>, vector<1x16xf32>,
      %get3A_421 = vector.shape_cast %get3A_420 : vector<1x16xf32> to vector<16xf32>
      %max3A_422 = arith.maximumf %get3A_403, %get3A_409 : vector<16xf32>
      %max3A_423 = arith.maximumf %get3A_415, %get3A_421 : vector<16xf32>
      %max3A_424 = arith.maximumf %max3A_422, %max3A_423 : vector<16xf32>
      %max3A_425 = arith.maximumf %scan3A_255, %max3A_424 : vector<16xf32>
      %add3A_426 = arith.constant 0 : i32
      %add3A_427 = arith.addi %mul3A_259, %add3A_426 : i32
      %get3A_428 = arith.index_cast %add3A_427 : i32 to index
      %get3A_429 = arith.constant 96 : index
      %get3A_430 = tpu.vector_load %arg9[%get3A_428, %get3A_429] {strides = array<i32>} : memref<100x128xf32, #tpu.memory_space<vmem>>, vector<1x16xf32>,
      %get3A_431 = vector.shape_cast %get3A_430 : vector<1x16xf32> to vector<16xf32>
      %add3A_432 = arith.constant 1 : i32
      %add3A_433 = arith.addi %mul3A_259, %add3A_432 : i32
      %get3A_434 = arith.index_cast %add3A_433 : i32 to index
      %get3A_435 = arith.constant 96 : index
      %get3A_436 = tpu.vector_load %arg9[%get3A_434, %get3A_435] {strides = array<i32>} : memref<100x128xf32, #tpu.memory_space<vmem>>, vector<1x16xf32>,
      %get3A_437 = vector.shape_cast %get3A_436 : vector<1x16xf32> to vector<16xf32>
      %add3A_438 = arith.constant 2 : i32
      %add3A_439 = arith.addi %mul3A_259, %add3A_438 : i32
      %get3A_440 = arith.index_cast %add3A_439 : i32 to index
      %get3A_441 = arith.constant 96 : index
      %get3A_442 = tpu.vector_load %arg9[%get3A_440, %get3A_441] {strides = array<i32>} : memref<100x128xf32, #tpu.memory_space<vmem>>, vector<1x16xf32>,
      %get3A_443 = vector.shape_cast %get3A_442 : vector<1x16xf32> to vector<16xf32>
      %add3A_444 = arith.constant 3 : i32
      %add3A_445 = arith.addi %mul3A_259, %add3A_444 : i32
      %get3A_446 = arith.index_cast %add3A_445 : i32 to index
      %get3A_447 = arith.constant 96 : index
      %get3A_448 = tpu.vector_load %arg9[%get3A_446, %get3A_447] {strides = array<i32>} : memref<100x128xf32, #tpu.memory_space<vmem>>, vector<1x16xf32>,
      %get3A_449 = vector.shape_cast %get3A_448 : vector<1x16xf32> to vector<16xf32>
      %max3A_450 = arith.maximumf %get3A_431, %get3A_437 : vector<16xf32>
      %max3A_451 = arith.maximumf %get3A_443, %get3A_449 : vector<16xf32>
      %max3A_452 = arith.maximumf %max3A_450, %max3A_451 : vector<16xf32>
      %max3A_453 = arith.maximumf %scan3A_256, %max3A_452 : vector<16xf32>
      %add3A_454 = arith.constant 0 : i32
      %add3A_455 = arith.addi %mul3A_259, %add3A_454 : i32
      %get3A_456 = arith.index_cast %add3A_455 : i32 to index
      %get3A_457 = arith.constant 112 : index
      %get3A_458 = tpu.vector_load %arg9[%get3A_456, %get3A_457] {strides = array<i32>} : memref<100x128xf32, #tpu.memory_space<vmem>>, vector<1x16xf32>,
      %get3A_459 = vector.shape_cast %get3A_458 : vector<1x16xf32> to vector<16xf32>
      %add3A_460 = arith.constant 1 : i32
      %add3A_461 = arith.addi %mul3A_259, %add3A_460 : i32
      %get3A_462 = arith.index_cast %add3A_461 : i32 to index
      %get3A_463 = arith.constant 112 : index
      %get3A_464 = tpu.vector_load %arg9[%get3A_462, %get3A_463] {strides = array<i32>} : memref<100x128xf32, #tpu.memory_space<vmem>>, vector<1x16xf32>,
      %get3A_465 = vector.shape_cast %get3A_464 : vector<1x16xf32> to vector<16xf32>
      %add3A_466 = arith.constant 2 : i32
      %add3A_467 = arith.addi %mul3A_259, %add3A_466 : i32
      %get3A_468 = arith.index_cast %add3A_467 : i32 to index
      %get3A_469 = arith.constant 112 : index
      %get3A_470 = tpu.vector_load %arg9[%get3A_468, %get3A_469] {strides = array<i32>} : memref<100x128xf32, #tpu.memory_space<vmem>>, vector<1x16xf32>,
      %get3A_471 = vector.shape_cast %get3A_470 : vector<1x16xf32> to vector<16xf32>
      %add3A_472 = arith.constant 3 : i32
      %add3A_473 = arith.addi %mul3A_259, %add3A_472 : i32
      %get3A_474 = arith.index_cast %add3A_473 : i32 to index
      %get3A_475 = arith.constant 112 : index
      %get3A_476 = tpu.vector_load %arg9[%get3A_474, %get3A_475] {strides = array<i32>} : memref<100x128xf32, #tpu.memory_space<vmem>>, vector<1x16xf32>,
      %get3A_477 = vector.shape_cast %get3A_476 : vector<1x16xf32> to vector<16xf32>
      %max3A_478 = arith.maximumf %get3A_459, %get3A_465 : vector<16xf32>
      %max3A_479 = arith.maximumf %get3A_471, %get3A_477 : vector<16xf32>
      %max3A_480 = arith.maximumf %max3A_478, %max3A_479 : vector<16xf32>
      %max3A_481 = arith.maximumf %scan3A_257, %max3A_480 : vector<16xf32>
      scf.yield %max3A_285, %max3A_313, %max3A_341, %max3A_369, %max3A_397, %max3A_425, %max3A_453, %max3A_481 : vector<16xf32>, vector<16xf32>, vector<16xf32>, vector<16xf32>, vector<16xf32>, vector<16xf32>, vector<16xf32>, vector<16xf32>
    }
    %scan3A_200 = arith.constant 25 : i32
    %swap3A_201 = arith.constant 127 : i32
    %swap3A_202 = arith.index_cast %swap3A_201 : i32 to index
    %swap3A_203 = arith.constant 0 : index
    %swap3A_204 = tpu.vector_load %arg12[%swap3A_202, %swap3A_203] {strides = array<i32>} : memref<128x128xf32, #tpu.memory_space<vmem>>, vector<1x16xf32>,
    %swap3A_205 = vector.shape_cast %swap3A_204 : vector<1x16xf32> to vector<16xf32>
    %swap3A_206 = vector.shape_cast %scan3A_199#0 : vector<16xf32> to vector<1x16xf32>
    tpu.vector_store %arg12[%swap3A_202, %swap3A_203], %swap3A_206 {strides = array<i32>} : memref<128x128xf32, #tpu.memory_space<vmem>>, vector<1x16xf32>,
    %swap3A_207 = arith.constant 127 : i32
    %swap3A_208 = arith.index_cast %swap3A_207 : i32 to index
    %swap3A_209 = arith.constant 16 : index
    %swap3A_210 = tpu.vector_load %arg12[%swap3A_208, %swap3A_209] {strides = array<i32>} : memref<128x128xf32, #tpu.memory_space<vmem>>, vector<1x16xf32>,
    %swap3A_211 = vector.shape_cast %swap3A_210 : vector<1x16xf32> to vector<16xf32>
    %swap3A_212 = vector.shape_cast %scan3A_199#1 : vector<16xf32> to vector<1x16xf32>
    tpu.vector_store %arg12[%swap3A_208, %swap3A_209], %swap3A_212 {strides = array<i32>} : memref<128x128xf32, #tpu.memory_space<vmem>>, vector<1x16xf32>,
    %swap3A_213 = arith.constant 127 : i32
    %swap3A_214 = arith.index_cast %swap3A_213 : i32 to index
    %swap3A_215 = arith.constant 32 : index
    %swap3A_216 = tpu.vector_load %arg12[%swap3A_214, %swap3A_215] {strides = array<i32>} : memref<128x128xf32, #tpu.memory_space<vmem>>, vector<1x16xf32>,
    %swap3A_217 = vector.shape_cast %swap3A_216 : vector<1x16xf32> to vector<16xf32>
    %swap3A_218 = vector.shape_cast %scan3A_199#2 : vector<16xf32> to vector<1x16xf32>
    tpu.vector_store %arg12[%swap3A_214, %swap3A_215], %swap3A_218 {strides = array<i32>} : memref<128x128xf32, #tpu.memory_space<vmem>>, vector<1x16xf32>,
    %swap3A_219 = arith.constant 127 : i32
    %swap3A_220 = arith.index_cast %swap3A_219 : i32 to index
    %swap3A_221 = arith.constant 48 : index
    %swap3A_222 = tpu.vector_load %arg12[%swap3A_220, %swap3A_221] {strides = array<i32>} : memref<128x128xf32, #tpu.memory_space<vmem>>, vector<1x16xf32>,
    %swap3A_223 = vector.shape_cast %swap3A_222 : vector<1x16xf32> to vector<16xf32>
    %swap3A_224 = vector.shape_cast %scan3A_199#3 : vector<16xf32> to vector<1x16xf32>
    tpu.vector_store %arg12[%swap3A_220, %swap3A_221], %swap3A_224 {strides = array<i32>} : memref<128x128xf32, #tpu.memory_space<vmem>>, vector<1x16xf32>,
    %swap3A_225 = arith.constant 127 : i32
    %swap3A_226 = arith.index_cast %swap3A_225 : i32 to index
    %swap3A_227 = arith.constant 64 : index
    %swap3A_228 = tpu.vector_load %arg12[%swap3A_226, %swap3A_227] {strides = array<i32>} : memref<128x128xf32, #tpu.memory_space<vmem>>, vector<1x16xf32>,
    %swap3A_229 = vector.shape_cast %swap3A_228 : vector<1x16xf32> to vector<16xf32>
    %swap3A_230 = vector.shape_cast %scan3A_199#4 : vector<16xf32> to vector<1x16xf32>
    tpu.vector_store %arg12[%swap3A_226, %swap3A_227], %swap3A_230 {strides = array<i32>} : memref<128x128xf32, #tpu.memory_space<vmem>>, vector<1x16xf32>,
    %swap3A_231 = arith.constant 127 : i32
    %swap3A_232 = arith.index_cast %swap3A_231 : i32 to index
    %swap3A_233 = arith.constant 80 : index
    %swap3A_234 = tpu.vector_load %arg12[%swap3A_232, %swap3A_233] {strides = array<i32>} : memref<128x128xf32, #tpu.memory_space<vmem>>, vector<1x16xf32>,
    %swap3A_235 = vector.shape_cast %swap3A_234 : vector<1x16xf32> to vector<16xf32>
    %swap3A_236 = vector.shape_cast %scan3A_199#5 : vector<16xf32> to vector<1x16xf32>
    tpu.vector_store %arg12[%swap3A_232, %swap3A_233], %swap3A_236 {strides = array<i32>} : memref<128x128xf32, #tpu.memory_space<vmem>>, vector<1x16xf32>,
    %swap3A_237 = arith.constant 127 : i32
    %swap3A_238 = arith.index_cast %swap3A_237 : i32 to index
    %swap3A_239 = arith.constant 96 : index
    %swap3A_240 = tpu.vector_load %arg12[%swap3A_238, %swap3A_239] {strides = array<i32>} : memref<128x128xf32, #tpu.memory_space<vmem>>, vector<1x16xf32>,
    %swap3A_241 = vector.shape_cast %swap3A_240 : vector<1x16xf32> to vector<16xf32>
    %swap3A_242 = vector.shape_cast %scan3A_199#6 : vector<16xf32> to vector<1x16xf32>
    tpu.vector_store %arg12[%swap3A_238, %swap3A_239], %swap3A_242 {strides = array<i32>} : memref<128x128xf32, #tpu.memory_space<vmem>>, vector<1x16xf32>,
    %swap3A_243 = arith.constant 127 : i32
    %swap3A_244 = arith.index_cast %swap3A_243 : i32 to index
    %swap3A_245 = arith.constant 112 : index
    %swap3A_246 = tpu.vector_load %arg12[%swap3A_244, %swap3A_245] {strides = array<i32>} : memref<128x128xf32, #tpu.memory_space<vmem>>, vector<1x16xf32>,
    %swap3A_247 = vector.shape_cast %swap3A_246 : vector<1x16xf32> to vector<16xf32>
    %swap3A_248 = vector.shape_cast %scan3A_199#7 : vector<16xf32> to vector<1x16xf32>
    tpu.vector_store %arg12[%swap3A_244, %swap3A_245], %swap3A_248 {strides = array<i32>} : memref<128x128xf32, #tpu.memory_space<vmem>>, vector<1x16xf32>,
    "tpu.region"() ({
      %run_scoped3A = tpu.sem_alloc : memref<!tpu.dma_semaphore, #tpu.memory_space<semaphore_mem>>
      %dma_start3A_249 = arith.constant 0 : i32
      %dma_start3A_250 = tpu.memref_slice %arg4[%mul3A_2, %dma_start3A_249] : memref<4096x128xf32, #tpu.memory_space<hbm>> -> memref<128x128xf32, #tpu.memory_space<hbm>>
      %dma_start3A_251 = arith.constant 0 : i32
      %dma_start3A_252 = tpu.memref_slice %arg4[%mul3A_2, %dma_start3A_251] : memref<4096x128xf32, #tpu.memory_space<hbm>> -> memref<128x128xf32, #tpu.memory_space<hbm>>
      tpu.enqueue_dma source(%arg12 : memref<128x128xf32, #tpu.memory_space<vmem>>) target(%dma_start3A_252 : memref<128x128xf32, #tpu.memory_space<hbm>>) target_semaphore(%run_scoped3A : memref<!tpu.dma_semaphore, #tpu.memory_space<semaphore_mem>>)
      %dma_wait3A_253 = arith.constant 0 : i32
      %dma_wait3A_254 = tpu.memref_slice %arg4[%mul3A_2, %dma_wait3A_253] : memref<4096x128xf32, #tpu.memory_space<hbm>> -> memref<128x128xf32, #tpu.memory_space<hbm>>
      %dma_wait3A_255 = arith.constant 0 : i32
      %dma_wait3A_256 = tpu.memref_slice %arg4[%mul3A_2, %dma_wait3A_255] : memref<4096x128xf32, #tpu.memory_space<hbm>> -> memref<128x128xf32, #tpu.memory_space<hbm>>
      tpu.wait_dma2 semaphore(%run_scoped3A : memref<!tpu.dma_semaphore, #tpu.memory_space<semaphore_mem>>) src(%arg12 : memref<128x128xf32, #tpu.memory_space<vmem>>) dst(%dma_wait3A_256 : memref<128x128xf32, #tpu.memory_space<hbm>>)
      tpu.yield
    }) : () -> ()
    return
  }
}

</mosaic_0001>

<sc_bundles>
// kernel: kernel.3.cloned.1.call-start
scs
__scs_entry_jumppad:
0x0: {  	(pc) =	sbr.rel $0x88, $3  }
0x1: {  	(tag) =	ssettag $0x0;
	lr =	simm.s32 $0x1  }
0x2: {  	[smem:$0x3F9F] =	sst lr;
	_ =	strace $0xD0000000  }
0x3: {  	_ = 	snop  }
0x4: {  	_ = 	snop  }
0x5: {  	_ = 	snop  }
0x6: {  	_ = 	snop  }
0x7: {  	_ = 	snop  }
__scs_overlays_trampoline_lowered:
0x8: {  	[smem:$0x3FAE] =	sst s0  }
0x9: {  	[smem:$0x3FAF] =	sst s1  }
0xa: {  	[smem:$0x3FB0] =	sst s2  }
0xb: {  	[smem:$0x3FB1] =	sst s3  }
0xc: {  	[smem:$0x3FB2] =	sst s4  }
0xd: {  	[smem:$0x3FB3] =	sst s5  }
0xe: {  	[smem:$0x3FB4] =	sst s6  }
0xf: {  	[smem:$0x3FB5] =	sst s7  }
0x10: {  	[smem:$0x3FB6] =	sst s8  }
0x11: {  	[smem:$0x3FB7] =	sst s9;
	s0 =	simm.s32 @!p0 $0x0  }
0x12: {  	s1 =	sld [smem:$0x3F9D];
	s0 =	simm.s32 @p0 $0x1  }
0x13: {  	[smem:$0x3FB8] =	sst s0;
	s0 =	simm.s32 @!p1 $0x0  }
0x14: {  	s2 =	sld [smem:$0x3F9C];
	s0 =	simm.s32 @p1 $0x1  }
0x15: {  	[smem:$0x3FB9] =	sst s0;
	s0 =	simm.s32 @!p2 $0x0  }
0x16: {  	s3 =	sld [smem:$0x3FDB];
	s0 =	simm.s32 @p2 $0x1  }
0x17: {  	s4 =	simm.s32 $0x1BF5;
	[smem:$0x3FBB] =	sst s0  }
0x18: {  	s0 =	sld [smem:$0x3F9E];
	_ =	swait.ge [sflag:s4], $0x0  }
0x19: {  	s7 =	sld [smem:$0x3F9F]  }
0x1a: {  	s8 =	sadd.s32 $0xFFFFE003, lr  }
0x1b: {  	s9 =	sadd.s32 $0xFFFFFEF7, lr;
	s5 =	simm.s32 $0xFFFFFFFF;
	p2 =	slt.u32 s8, $0xFFFFF086  }
0x1c: {  	p1 =	slt.u32 s9, $0xF7A;
	s5 =	simm.s32 @!p2 $0x0  }
0x1d: {  	s5 =	simm.s32 @p1 $0x1;
	p0 =	seq.s32 s7, s2  }
0x1e: {  	s7 =	smul.u32 @!p0 $0xF7A, s2;
	p2 =	seq.s32 @!p0 s5, $0x0  }
0x1f: {  	s9 =	smul.u32 $0xF7A, s1;
	s8 =	simm.s32 @!p0 $0x1BF5;
	p2 =	por !p2, p0  }
0x20: {  	[sflag:s8] =	ssyncset.s32 @!p0 $0xFFFFF086;
	s6 =	sadd.s32 @!p0 s3, s7;
	s7 =	simm.s32 @!p0 $0x108  }
0x21: {  	s3 =	sadd.s32 s3, s9;
	s6 =	sadd.s32 @!p0 $0x88, s6;
	s7 =	simm.s32 @p2 $0x1082  }
0x22: {  	[simem:s7], [sflag:s8] =	dma.local @!p0 [hbm:s6], $0xF7A  }
0x23: {  	s9 =	sor.u32 $0xD0000000, s2;
	s6 =	simm.s32 $0x108;
	_ =	swait.ge @!p0 [sflag:s8], $0x0  }
0x24: {  	s3 =	sadd.s32 $0x88, s3;
	s6 =	simm.s32 @!p1 $0x1082;
	[sflag:s4] =	ssyncset.s32 $0xFFFFF086  }
0x25: {  	[simem:s6], [sflag:s4] =	dma.local [hbm:s3], $0xF7A  }
0x26: {  	[smem:$0x3F9F] =	sst s1;
	(tag) =	ssettag s2;
	_ =	strace s9  }
0x27: {  	s1 =	sld [smem:$0x3FAF]  }
0x28: {  	s2 =	sld [smem:$0x3FB0]  }
0x29: {  	s4 =	sld [smem:$0x3FB2]  }
0x2a: {  	p0 =	seq.s32 s5, $0x0;
	s5 =	sld [smem:$0x3FB3]  }
0x2b: {  	s6 =	sld [smem:$0x3FB4]  }
0x2c: {  	s7 =	sld [smem:$0x3FB5]  }
0x2d: {  	s3 =	simm.s32 $0x108;
	s8 =	sld [smem:$0x3FB6]  }
0x2e: {  	s3 =	simm.s32 @!p0 $0x1082;
	s9 =	sld [smem:$0x3FB7]  }
0x2f: {  	lr =	sadd.s32 s0, s3;
	s0 =	sld [smem:$0x3FAE]  }
0x30: {  	s3 =	sld [smem:$0x3FB1]  }
0x31: {  	[smem:$0x3FBA] =	sst s10  }
0x32: {  	s10 =	sld [smem:$0x3FB8];
	_ =	sdelay $0x3  }
0x33: {  	p0 =	seq.s32 s10, $0x1;
	s10 =	sld [smem:$0x3FBA];
	_ =	sdelay $0x3  }
0x34: {  	[smem:$0x3FBA] =	sst s10  }
0x35: {  	s10 =	sld [smem:$0x3FB9];
	_ =	sdelay $0x3  }
0x36: {  	p1 =	seq.s32 s10, $0x1;
	s10 =	sld [smem:$0x3FBA];
	_ =	sdelay $0x3  }
0x37: {  	[smem:$0x3FBA] =	sst s10  }
0x38: {  	s10 =	sld [smem:$0x3FBB]  }
0x39: {  	_ = 	snop;
	(pc) =	sbr.ind lr, $3  }
0x3a: {  	_ = 	snop  }
0x3b: {  	_ = 	snop  }
0x3c: {  	p2 =	seq.s32 s10, $0x1;
	s10 =	sld [smem:$0x3FBA]  }
0x3d: {  	_ =	shalt  }
0x3e: {  	_ =	shalt  }
0x3f: {  	_ =	shalt  }
0x40: {  	_ =	shalt  }
0x41: {  	_ =	shalt  }
0x42: {  	_ =	shalt  }
0x43: {  	_ =	shalt  }
0x44: {  	_ =	shalt  }
0x45: {  	_ =	shalt  }
0x46: {  	_ =	shalt  }
0x47: {  	_ =	shalt  }
0x48: {  	_ =	shalt  }
0x49: {  	_ =	shalt  }
0x4a: {  	_ =	shalt  }
0x4b: {  	_ =	shalt  }
0x4c: {  	_ =	shalt  }
0x4d: {  	_ =	shalt  }
0x4e: {  	_ =	shalt  }
0x4f: {  	_ =	shalt  }
0x50: {  	_ =	shalt  }
0x51: {  	_ =	shalt  }
0x52: {  	_ =	shalt  }
0x53: {  	_ =	shalt  }
0x54: {  	_ =	shalt  }
0x55: {  	_ =	shalt  }
0x56: {  	_ =	shalt  }
0x57: {  	_ =	shalt  }
0x58: {  	_ =	shalt  }
0x59: {  	_ =	shalt  }
0x5a: {  	_ =	shalt  }
0x5b: {  	_ =	shalt  }
0x5c: {  	_ =	shalt  }
0x5d: {  	_ =	shalt  }
0x5e: {  	_ =	shalt  }
0x5f: {  	_ =	shalt  }
0x60: {  	_ =	shalt  }
0x61: {  	_ =	shalt  }
0x62: {  	_ =	shalt  }
0x63: {  	_ =	shalt  }
0x64: {  	_ =	shalt  }
0x65: {  	_ =	shalt  }
0x66: {  	_ =	shalt  }
0x67: {  	_ =	shalt  }
0x68: {  	_ =	shalt  }
0x69: {  	_ =	shalt  }
0x6a: {  	_ =	shalt  }
0x6b: {  	_ =	shalt  }
0x6c: {  	_ =	shalt  }
0x6d: {  	_ =	shalt  }
0x6e: {  	_ =	shalt  }
0x6f: {  	_ =	shalt  }
0x70: {  	_ =	shalt  }
0x71: {  	_ =	shalt  }
0x72: {  	_ =	shalt  }
0x73: {  	_ =	shalt  }
0x74: {  	_ =	shalt  }
0x75: {  	_ =	shalt  }
0x76: {  	_ =	shalt  }
0x77: {  	_ =	shalt  }
0x78: {  	_ =	shalt  }
0x79: {  	_ =	shalt  }
0x7a: {  	_ =	shalt  }
0x7b: {  	_ =	shalt  }
0x7c: {  	_ =	shalt  }
0x7d: {  	_ =	shalt  }
0x7e: {  	_ =	shalt  }
0x7f: {  	_ =	shalt  }
0x80: {  	_ =	shalt  }
0x81: {  	_ =	shalt  }
0x82: {  	_ =	shalt  }
0x83: {  	_ =	shalt  }
0x84: {  	_ =	shalt  }
0x85: {  	_ =	shalt  }
0x86: {  	_ =	shalt  }
0x87: {  	_ =	shalt  }
.Lfunc_end0:
.L_simem_size_0:
called_computation_lowered:
.L_overlay_start_0:
0x88: {  	s2 =	sld [smem:$0x3FD9]  }
0x89: {  	s3 =	sld [smem:$0x3FFE];
	_ =	sdelay $0x1  }
0x8a: {  	s1 =	srdreg.scid  }
0x8b: {  	s0 =	sand.u32 $0x1, s1  }
0x8c: {  	s17 =	sshll.u32 s0, $0xA;
	s2 =	sadd.s32 s3, s2  }
0x8d: {  	s2 =	sadd.s32 s2, s17  }
0x8e: {  	[smem:$0x3FC6] =	sst s2  }
0x8f: {  	_ = 	snop  }
0x90: {  	s2 =	sld [smem:$0x3FC8]  }
0x91: {  	s18 =	sld [smem:$0x3FD0];
	(tm) =	ssettm $0x1  }
0x92: {  	s4 =	sld [smem:$0x3FFB];
	_ =	sdelay $0x3  }
0x93: {  	_ =	strace s4  }
0x94: {  	s4 =	sld [smem:$0x3FFC];
	_ =	sdelay $0x3  }
0x95: {  	_ =	strace s4  }
0x96: {  	s4 =	sld [smem:$0x3FFD];
	_ =	sdelay $0x3  }
0x97: {  	_ =	strace s4  }
0x98: {  	_ =	strace $0x8FFFFFFF  }
0x99: {  	s19 =	sld [smem:$0x3FDB];
	_ =	sdelay $0x1  }
0x9a: {  	s5 =	simm.s32 $_scs_section_size  }
0x9b: {  	s6 =	simm.s32 $_size__tile_overlayer_lowered;
	s7 =	simm.s32 $_tile_overlayer_lowered  }
0x9c: {  	s22 =	simm.s32 $0x1BFF;
	s21 =	sshll.u32 s7, $0x1;
	s4 =	sadd.s32 s5, s19  }
0x9d: {  	s8 =	simm.s32 $0x0;
	s20 =	sshll.u32 s6, $0x1;
	s6 =	sadd.s32 s21, s4  }
0x9e: {  	[timem:s8], [sflag:s22] =	dma.local [hbm:s6], s20  }
0x9f: {  	_ =	swait.ge [sflag:s22], s20  }
0xa0: {  	s5 =	ssub.s32 $0x0, s20;
	[sflag:s22] =	ssyncset.done $0x0  }
0xa1: {  	[sflag:s22] =	ssyncadd.s32 s5;
	_ =	sdelay $0x1  }
0xa2: {  	s23 =	simm.s32 $0x1B8B  }
0xa3: {  	_ =	swait.ge [sflag:s23], $0x1  }
0xa4: {  	[sflag:s23] =	ssyncset.done $0x0  }
0xa5: {  	s25 =	simm.s32 $0x1B8E;
	s24 =	sld [smem:$0x3FFE];
	[sflag:s23] =	ssyncadd.s32 $0xFFFFFFFF  }
0xa6: {  	s26 =	simm.s32 $execute0_lowered;
	[smem:$0x3FD2] =	sst s25  }
0xa7: {  	s6 =	sshll.u32 s26, $0x1;
	_ =	strace $0x80000046;
	[dreg:$0x1] =	wrdreg $0xFFFFFFFF  }
0xa8: {  	s28 =	simm.s32 $_size_execute0_lowered;
	s4 =	sadd.s32 s4, s6;
	[dreg:$0x0] =	wrdreg $0x0  }
0xa9: {  	s6 =	sshll.u32 s28, $0x1;
	[dreg:$0x2] =	wrdreg s4  }
0xaa: {  	[dreg:$0x3] =	wrdreg s6  }
0xab: {  	[dreg:$0x4] =	wrdreg $0xC0  }
0xac: {  	_ =	task [dreg:s8], $0x5FFFF  }
0xad: {  	[dreg:$0x1] =	wrdreg $0xFFFFFFFF  }
0xae: {  	[dreg:$0x0] =	wrdreg $0x60  }
0xaf: {  	[dreg:$0x2] =	wrdreg s2  }
0xb0: {  	[dreg:$0x3] =	wrdreg s24  }
0xb1: {  	[dreg:$0x4] =	wrdreg s18  }
0xb2: {  	[dreg:$0x5] =	wrdreg $0x9  }
0xb3: {  	_ =	task.clear_ibuf [dreg:s8], $0x6FFFF;
	_ =	strace $0x90000046  }
0xb4: {  	s29 =	simm.s32 $0x9;
	_ =	strace $0x80000048  }
0xb5: {  	_ =	swait.ge [sflag:s29], $0x1  }
0xb6: {  	[sflag:s29] =	ssyncadd.s32 $0xFFFFFFFF  }
0xb7: {  	_ =	strace $0x90000048  }
0xb8: {  	_ =	sfence  }
0xb9: {  	s30 =	sld [smem:$0x0];
	_ =	sdelay $0x2  }
0xba: {  	s31 =	sshll.u32 s1, $0xD;
	s1 =	sshrl.u32 s1, $0x2  }
0xbb: {  	s3 =	sand.u32 $0x4000, s31;
	s1 =	sadd.s32 s1, s30  }
0xbc: {  	s0 =	sor.u32 s3, s0;
	s1 =	sshll.u32 s1, $0x11  }
0xbd: {  	s0 =	sor.u32 s1, s0  }
0xbe: {  	s0 =	sadd.s32 $0x8F2B, s0  }
0xbf: {  	[sflag:s0] =	ssyncadd.remote.s32 $0x1  }
0xc0: {  	_ =	sfence.sel $0xFFFF  }
0xc1: {  	[dreg:$0x0] =	wrdreg $0xFFFFFFFF;
	(pc) =	sbr.abs _section_cstart, $3  }
0xc2: {  	[dreg:$0x1] =	wrdreg $0xFFFFFFFF  }
0xc3: {  	_ =	task.clear_ibuf [dreg:s8], $0x2FFFF;
	_ =	strace $0x9FFFFFFF  }
0xc4: {  	(tm) =	ssettm $0x7FFFFFFF  }
0xc5: {  	_ =	shalt  }
tec
execute0_lowered:
.L_overlay_start_1:
0x0: {  	(tag) =	ssettag $0x1  }
0x1: {  	s1 =	rddreg [dreg:$0x0]  }
0x2: {  	s0 =	rddreg [dreg:$0x1]  }
0x3: {  	s2 =	rddreg [dreg:$0x2]  }
0x4: {  	s3 =	srdreg.scid;
	s5 =	stileid.u32  }
0x5: {  	s8 =	simm.s32 $0x8;
	s10 =	simm.s32 $0x64;
	s11 =	simm.s32 $0x8000  }
0x6: {  	s13 =	simm.s32 $0xB400;
	s15 =	simm.s32 $0xE800;
	s17 =	simm.s32 $0x11C00  }
0x7: {  	s18 =	simm.s32 $0x200;
	s19 =	simm.s32 $0x15000;
	s20 =	simm.s32 $0x280  }
0x8: {  	s21 =	simm.s32 $0x18400;
	s22 =	simm.s32 $0x7;
	s23 =	simm.s32 $0x1  }
0x9: {  	s24 =	simm.s32 $0x2;
	s25 =	simm.s32 $0x3;
	s28 =	simm.s32 $0x5  }
0xa: {  	s29 =	simm.s32 $0x6;
	s30 =	simm.s32 $0x1B800;
	s31 =	simm.s32 $0x0  }
0xb: {  	s4 =	sand.u32 $0x1, s3;
	s3 =	simm.s32 $0x0;
	s5 =	sshll.u32 s5, $0x8  }
0xc: {  	s6 =	sshll.u32 s4, $0x7;
	[smem:$0x7FF] =	sst s3;
	s4 =	ssub.s32 $0x2, s4  }
0xd: {  	s5 =	sor.u32 s6, s5;
	_ =	strace $0x80000047;
	s7 =	sshrl.u32 s4, $0x1  }
0xe: {  	s6 =	sshll.u32 s5, $0x5;
	s7 =	ssub.s32 s4, s7;
	s26 =	sshll.u32 s5, $0x4  }
0xf: {  	s0 =	sadd.s32 s6, s0;
	s6 =	sadd.s32 s2, s26;
	s7 =	smax.u32 s7, $0x1  }
0x10: {  	s26 =	simm.s32 $0x4;
	s4 =	sadd.s32 $0x400, s0;
	s5 =	sadd.s32 $0x460, s0  }
.LBB2_1:
0x11: {  	[tilespmem:s3], [sflag:$0x8] =	stream.linear.gather [hbm4b:s4+s3], $0x300, $0x38;
	[tilespmem:$0x1F800] =	vst v63  }
0x12: {  	_ =	swait.ge [sflag:s8], $0x300  }
0x13: {  	[sflag:s8] =	ssyncset.done $0x0  }
0x14: {  	s0 =	simm.s32 $0x300;
	[sflag:s8] =	ssyncadd.s32 $0xFFFFFD00  }
0x15: {  	[tilespmem:s0], [sflag:$0x7] =	stream.linear.gather [hbm4b:s5+s3], $0x7D00, $0x38;
	[tilespmem:$0x1F800] =	vst v63  }
0x16: {  	_ = 	snop  }
0x17: {  	[tilespmem:s11], [sflag:$0x1] =	stream.indirect.gather [hbm4b:s1+s10], $0x80, s3, s10, $0xb8;
	[tilespmem:$0x1F800] =	vst v63  }
0x18: {  	s12 =	simm.s32 $0x80  }
0x19: {  	[tilespmem:s13], [sflag:$0x2] =	stream.indirect.gather [hbm4b:s1+s10], $0x80, s12, s10, $0xb8;
	[tilespmem:$0x1F800] =	vst v63  }
0x1a: {  	s14 =	simm.s32 $0x100  }
0x1b: {  	[tilespmem:s15], [sflag:$0x3] =	stream.indirect.gather [hbm4b:s1+s10], $0x80, s14, s10, $0xb8;
	[tilespmem:$0x1F800] =	vst v63  }
0x1c: {  	s16 =	simm.s32 $0x180  }
0x1d: {  	[tilespmem:s17], [sflag:$0x4] =	stream.indirect.gather [hbm4b:s1+s10], $0x80, s16, s10, $0xb8;
	[tilespmem:$0x1F800] =	vst v63  }
0x1e: {  	_ = 	snop  }
0x1f: {  	[tilespmem:s19], [sflag:$0x5] =	stream.indirect.gather [hbm4b:s1+s10], $0x80, s18, s10, $0xb8;
	[tilespmem:$0x1F800] =	vst v63  }
0x20: {  	_ = 	snop  }
0x21: {  	[tilespmem:s21], [sflag:$0x6] =	stream.indirect.gather [hbm4b:s1+s10], $0x80, s20, s10, $0xb8;
	[tilespmem:$0x1F800] =	vst v63  }
0x22: {  	_ =	swait.ge [sflag:s22], $0x7D00  }
0x23: {  	[sflag:s22] =	ssyncset.done $0x0  }
0x24: {  	s0 =	simm.s32 $0x0;
	[sflag:s22] =	ssyncadd.s32 $0xFFFF8300  }
.LBB2_2:
0x25: {  	_ =	swait.ge [sflag:s23], $0x3200  }
0x26: {  	[sflag:s23] =	ssyncset.done $0x0  }
0x27: {  	s9 =	simm.s32 $0x0;
	[sflag:s23] =	ssyncadd.s32 $0xFFFFCE00  }
0x28: {  	v0 =	vld [tilespmem:s9+$0x8070]  }
0x29: {  	v1 =	vld [tilespmem:s9+$0x80F0]  }
0x2a: {  	v2 =	vld [tilespmem:s9+$0x8170]  }
0x2b: {  	v3 =	vld [tilespmem:s9+$0x81F0]  }
0x2c: {  	v4 =	vld [tilespmem:s9+$0x8000]  }
0x2d: {  	v5 =	vld [tilespmem:s9+$0x8080]  }
0x2e: {  	v6 =	vld [tilespmem:s9+$0x8100]  }
0x2f: {  	v7 =	vld [tilespmem:s9+$0x8180]  }
0x30: {  	v8 =	vld [tilespmem:s9+$0x8010]  }
0x31: {  	v9 =	vld [tilespmem:s9+$0x8090]  }
0x32: {  	v10 =	vld [tilespmem:s9+$0x8110]  }
0x33: {  	v11 =	vld [tilespmem:s9+$0x8190]  }
0x34: {  	v12 =	vld [tilespmem:s9+$0x8020]  }
0x35: {  	v13 =	vld [tilespmem:s9+$0x80A0]  }
0x36: {  	v14 =	vld [tilespmem:s9+$0x8120]  }
0x37: {  	v15 =	vld [tilespmem:s9+$0x81A0]  }
0x38: {  	v16 =	vld [tilespmem:s9+$0x8030]  }
0x39: {  	v17 =	vld [tilespmem:s9+$0x80B0]  }
0x3a: {  	v18 =	vld [tilespmem:s9+$0x8130]  }
0x3b: {  	v19 =	vld [tilespmem:s9+$0x81B0]  }
0x3c: {  	v20 =	vld [tilespmem:s9+$0x8040]  }
0x3d: {  	v21 =	vld [tilespmem:s9+$0x80C0]  }
0x3e: {  	v22 =	vld [tilespmem:s9+$0x8140]  }
0x3f: {  	v23 =	vld [tilespmem:s9+$0x81C0]  }
0x40: {  	v24 =	vld [tilespmem:s9+$0x80D0];
	v0 =	vmax.f32 v0, v1  }
0x41: {  	v1 =	vld [tilespmem:s9+$0x8050];
	v2 =	vmax.f32 v2, v3;
	v3 =	vmax.f32 v4, v5;
	v4 =	vmax.f32 v6, v7  }
0x42: {  	v0 =	vmax.f32 v0, v2;
	v2 =	vmax.f32 v3, v4;
	v4 =	vld [tilespmem:s9+$0x8150]  }
0x43: {  	v5 =	vmax.f32 v10, v11;
	v6 =	vmax.f32 v12, v13;
	v3 =	vmax.f32 v8, v9;
	v9 =	vld [tilespmem:s9+$0x81D0]  }
0x44: {  	v7 =	vmax.f32 v14, v15;
	v10 =	vmax.f32 v18, v19;
	v13 =	vld [tilespmem:s9+$0x8060];
	v15 =	vmax.f32 v20, v21  }
0x45: {  	v14 =	vld [tilespmem:s9+$0x80E0];
	v63 =	vmax.f32 v22, v23;
	v8 =	vmax.f32 v16, v17;
	v12 =	vmax.f32 v6, v7  }
0x46: {  	v11 =	vld [tilespmem:s9+$0x81E0];
	v3 =	vmax.f32 v3, v5;
	v10 =	vmax.f32 v8, v10;
	v5 =	vimm.f32 $-Inf  }
0x47: {  	s2 =	simm.s32 $0x200;
	v8 =	vld [tilespmem:s9+$0x8160];
	v7 =	vmax.f32 v5, v0;
	v6 =	vmax.f32 v5, v2;
	v2 =	vmax.f32 v5, v3  }
0x48: {  	v3 =	vmax.f32 v5, v12;
	v0 =	vmax.f32 v1, v24;
	v1 =	vmax.f32 v4, v9;
	v9 =	vld [tilespmem:s2+$0x8070]  }
0x49: {  	v12 =	vmax.f32 v15, v63;
	v4 =	vmax.f32 v5, v10;
	v10 =	vld [tilespmem:s2+$0x80F0];
	v1 =	vmax.f32 v0, v1  }
0x4a: {  	s9 =	simm.s32 $0x1000;
	v13 =	vmax.f32 v13, v14;
	v0 =	vmax.f32 v5, v12;
	v12 =	vld [tilespmem:s2+$0x8170];
	v1 =	vmax.f32 v5, v1  }
.LBB2_3:
0x4b: {  	p0 =	sne.s32 s9, $0xC000;
	v14 =	vld [tilespmem:s2+$0x81F0]  }
0x4c: {  	v15 =	vld [tilespmem:s2+$0x8000];
	v8 =	vmax.f32 v8, v11  }
0x4d: {  	v11 =	vld [tilespmem:s2+$0x8080];
	v8 =	vmax.f32 v13, v8  }
0x4e: {  	v13 =	vld [tilespmem:s2+$0x8100];
	v5 =	vmax.f32 v5, v8  }
0x4f: {  	v8 =	vld [tilespmem:s2+$0x8180]  }
0x50: {  	v9 =	vmax.f32 v9, v10;
	v16 =	vld [tilespmem:s2+$0x8010];
	v10 =	vmax.f32 v12, v14  }
0x51: {  	v12 =	vld [tilespmem:s2+$0x8090];
	v9 =	vmax.f32 v9, v10  }
0x52: {  	v10 =	vmax.f32 v15, v11;
	v11 =	vld [tilespmem:s2+$0x8110];
	v7 =	vmax.f32 v7, v9  }
0x53: {  	v9 =	vld [tilespmem:s2+$0x8190]  }
0x54: {  	v8 =	vmax.f32 v13, v8;
	v13 =	vld [tilespmem:s2+$0x8020]  }
0x55: {  	v8 =	vmax.f32 v10, v8;
	v10 =	vld [tilespmem:s2+$0x80A0]  }
0x56: {  	v6 =	vmax.f32 v6, v8;
	v8 =	vmax.f32 v16, v12;
	v12 =	vld [tilespmem:s2+$0x8120]  }
0x57: {  	v14 =	vld [tilespmem:s2+$0x81A0]  }
0x58: {  	v9 =	vmax.f32 v11, v9;
	v11 =	vld [tilespmem:s2+$0x8030]  }
0x59: {  	v8 =	vmax.f32 v8, v9;
	v9 =	vld [tilespmem:s2+$0x80B0]  }
0x5a: {  	v2 =	vmax.f32 v2, v8;
	v8 =	vmax.f32 v13, v10;
	v10 =	vld [tilespmem:s2+$0x8130]  }
0x5b: {  	v13 =	vld [tilespmem:s2+$0x81B0]  }
0x5c: {  	v12 =	vmax.f32 v12, v14;
	v14 =	vld [tilespmem:s2+$0x8040]  }
0x5d: {  	v8 =	vmax.f32 v8, v12;
	v12 =	vld [tilespmem:s2+$0x80C0]  }
0x5e: {  	v3 =	vmax.f32 v3, v8;
	v8 =	vmax.f32 v11, v9;
	v9 =	vld [tilespmem:s2+$0x8140]  }
0x5f: {  	v11 =	vld [tilespmem:s2+$0x81C0]  }
0x60: {  	v10 =	vmax.f32 v10, v13;
	v13 =	vld [tilespmem:s2+$0x8050]  }
0x61: {  	v8 =	vmax.f32 v8, v10;
	v10 =	vld [tilespmem:s2+$0x80D0]  }
0x62: {  	v4 =	vmax.f32 v4, v8;
	v8 =	vmax.f32 v14, v12;
	v12 =	vld [tilespmem:s2+$0x8150]  }
0x63: {  	v14 =	vld [tilespmem:s2+$0x81D0]  }
0x64: {  	v9 =	vmax.f32 v9, v11;
	v15 =	vld [tilespmem:s2+$0x8060]  }
0x65: {  	v8 =	vmax.f32 v8, v9;
	v16 =	vld [tilespmem:s2+$0x80E0]  }
.Ltmp0:
0x66: {  	v0 =	vmax.f32 v0, v8;
	v13 =	vmax.f32 v13, v10;
	v8 =	vld [tilespmem:s2+$0x8160];
	(pc) =	sbr.rel @p0 .LBB2_3-.Ltmp0, $4  }
0x67: {  	v11 =	vld [tilespmem:s2+$0x81E0];
	s2 =	sshra.s32 s9, $0x2  }
0x68: {  	v9 =	vld [tilespmem:s2+$0x8070];
	v12 =	vmax.f32 v12, v14  }
0x69: {  	v10 =	vld [tilespmem:s2+$0x80F0];
	v13 =	vmax.f32 v13, v12  }
0x6a: {  	s9 =	sadd.s32 $0x800, s9;
	v12 =	vld [tilespmem:s2+$0x8170];
	v1 =	vmax.f32 v1, v13;
	v13 =	vmax.f32 v15, v16  }
0x6b: {  	v14 =	vld [tilespmem:s2+$0x81F0]  }
0x6c: {  	v15 =	vld [tilespmem:s2+$0x8000]  }
0x6d: {  	v16 =	vld [tilespmem:s2+$0x8080]  }
0x6e: {  	v17 =	vld [tilespmem:s2+$0x8100]  }
0x6f: {  	v18 =	vld [tilespmem:s2+$0x8180]  }
0x70: {  	v19 =	vld [tilespmem:s2+$0x8010]  }
0x71: {  	v20 =	vld [tilespmem:s2+$0x8090]  }
0x72: {  	v21 =	vld [tilespmem:s2+$0x8110]  }
0x73: {  	v22 =	vld [tilespmem:s2+$0x8190]  }
0x74: {  	v23 =	vld [tilespmem:s2+$0x8020]  }
0x75: {  	v24 =	vld [tilespmem:s2+$0x80A0]  }
0x76: {  	v25 =	vld [tilespmem:s2+$0x8120]  }
0x77: {  	v26 =	vld [tilespmem:s2+$0x81A0]  }
0x78: {  	v27 =	vld [tilespmem:s2+$0x8030]  }
0x79: {  	v28 =	vld [tilespmem:s2+$0x80B0]  }
0x7a: {  	v29 =	vld [tilespmem:s2+$0x8130]  }
0x7b: {  	v30 =	vld [tilespmem:s2+$0x81B0]  }
0x7c: {  	v31 =	vld [tilespmem:s2+$0x8040]  }
0x7d: {  	v32 =	vld [tilespmem:s2+$0x80C0]  }
0x7e: {  	v33 =	vld [tilespmem:s2+$0x8140]  }
0x7f: {  	v34 =	vld [tilespmem:s2+$0x81C0]  }
0x80: {  	v35 =	vld [tilespmem:s2+$0x8050]  }
0x81: {  	v36 =	vld [tilespmem:s2+$0x80D0]  }
0x82: {  	v37 =	vld [tilespmem:s2+$0x8150]  }
0x83: {  	v38 =	vld [tilespmem:s2+$0x81D0];
	s9 =	smul.u32 $0xC00, s0  }
0x84: {  	v39 =	vld [tilespmem:s2+$0x8060]  }
0x85: {  	v40 =	vld [tilespmem:s2+$0x80E0];
	s9 =	sshra.s32 s9, $0x2  }
0x86: {  	v41 =	vld [tilespmem:s2+$0x8160];
	s16 =	sadd.s32 $0x300, s9  }
0x87: {  	v42 =	vld [tilespmem:s2+$0x81E0];
	[tilespmem:s11], [sflag:$0x1] =	stream.indirect.gather [hbm4b:s1+s10], $0x80, s16, s10, $0xb8  }
0x88: {  	_ =	swait.ge [sflag:s24], $0x3200  }
0x89: {  	[sflag:s24] =	ssyncset.done $0x0  }
0x8a: {  	s12 =	simm.s32 $0x0;
	[sflag:s24] =	ssyncadd.s32 $0xFFFFCE00  }
0x8b: {  	v43 =	vld [tilespmem:s12+$0xB470]  }
0x8c: {  	v44 =	vld [tilespmem:s12+$0xB4F0]  }
0x8d: {  	v45 =	vld [tilespmem:s12+$0xB570]  }
0x8e: {  	v46 =	vld [tilespmem:s12+$0xB5F0]  }
0x8f: {  	v47 =	vld [tilespmem:s12+$0xB400]  }
0x90: {  	v48 =	vld [tilespmem:s12+$0xB480]  }
0x91: {  	v49 =	vld [tilespmem:s12+$0xB500]  }
0x92: {  	v50 =	vld [tilespmem:s12+$0xB580]  }
0x93: {  	v51 =	vld [tilespmem:s12+$0xB410]  }
0x94: {  	v52 =	vld [tilespmem:s12+$0xB490]  }
0x95: {  	v53 =	vld [tilespmem:s12+$0xB510]  }
0x96: {  	v54 =	vld [tilespmem:s12+$0xB590]  }
0x97: {  	v8 =	vmax.f32 v8, v11;
	v55 =	vld [tilespmem:s12+$0xB420]  }
0x98: {  	v8 =	vmax.f32 v13, v8;
	v9 =	vmax.f32 v9, v10;
	v11 =	vld [tilespmem:s12+$0xB4A0]  }
0x99: {  	v5 =	vmax.f32 v5, v8;
	v10 =	vmax.f32 v12, v14;
	v13 =	vmax.f32 v17, v18;
	v12 =	vld [tilespmem:s12+$0xB520]  }
0x9a: {  	v29 =	vmax.f32 v29, v30;
	v9 =	vmax.f32 v9, v10;
	v10 =	vmax.f32 v15, v16;
	v14 =	vld [tilespmem:s12+$0xB5A0]  }
0x9b: {  	v37 =	vmax.f32 v37, v38;
	v7 =	vmax.f32 v7, v9;
	v8 =	vmax.f32 v10, v13;
	v9 =	vld [tilespmem:s12+$0xB430]  }
0x9c: {  	v10 =	vmax.f32 v21, v22;
	v6 =	vmax.f32 v6, v8;
	v8 =	vmax.f32 v19, v20;
	v13 =	vld [tilespmem:s12+$0xB4B0]  }
0x9d: {  	v15 =	vmax.f32 v25, v26;
	v63 =	vld [tilespmem:s12+$0xB530];
	v8 =	vmax.f32 v8, v10;
	v10 =	vmax.f32 v23, v24  }
0x9e: {  	v39 =	vmax.f32 v39, v40;
	v30 =	vld [tilespmem:s12+$0xB5B0];
	v10 =	vmax.f32 v10, v15;
	v15 =	vmax.f32 v27, v28  }
0x9f: {  	v40 =	vmax.f32 v41, v42;
	v38 =	vld [tilespmem:s12+$0xB540];
	v8 =	vmax.f32 v2, v8;
	v2 =	vmax.f32 v15, v29  }
0xa0: {  	v41 =	vld [tilespmem:s12+$0xB5C0];
	v15 =	vmax.f32 v4, v2;
	v2 =	vmax.f32 v31, v32;
	v4 =	vmax.f32 v33, v34  }
0xa1: {  	v59 =	vld [tilespmem:s12+$0xB550];
	v2 =	vmax.f32 v2, v4;
	v4 =	vmax.f32 v35, v36  }
0xa2: {  	v61 =	vld [tilespmem:s12+$0xB5D0];
	v3 =	vmax.f32 v3, v10;
	v4 =	vmax.f32 v4, v37  }
0xa3: {  	v57 =	vld [tilespmem:s12+$0xB450];
	v42 =	vmax.f32 v0, v2;
	v0 =	vmax.f32 v39, v40;
	v56 =	vmax.f32 v1, v4  }
0xa4: {  	v58 =	vld [tilespmem:s12+$0xB4D0];
	v2 =	vmax.f32 v5, v0;
	v0 =	vmax.f32 v43, v44;
	v1 =	vmax.f32 v45, v46  }
0xa5: {  	v10 =	vld [tilespmem:s12+$0xB440];
	v4 =	vmax.f32 v49, v50;
	v0 =	vmax.f32 v0, v1;
	v1 =	vmax.f32 v47, v48  }
0xa6: {  	v34 =	vld [tilespmem:s12+$0xB4C0];
	v60 =	vmax.f32 v53, v54;
	v1 =	vmax.f32 v1, v4;
	v4 =	vmax.f32 v51, v52  }
0xa7: {  	v62 =	vld [tilespmem:s12+$0xB460];
	v0 =	vmax.f32 v7, v0;
	v7 =	vmax.f32 v63, v30;
	v63 =	vmax.f32 v59, v61  }
0xa8: {  	v5 =	vmax.f32 v6, v1;
	v1 =	vmax.f32 v4, v60;
	v6 =	vmax.f32 v12, v14;
	v14 =	vld [tilespmem:s12+$0xB4E0]  }
0xa9: {  	v12 =	vld [tilespmem:s12+$0xB5E0];
	v4 =	vmax.f32 v8, v1;
	v1 =	vmax.f32 v55, v11;
	v8 =	vmax.f32 v38, v41  }
0xaa: {  	s2 =	simm.s32 $0x200;
	v11 =	vld [tilespmem:s12+$0xB560];
	v1 =	vmax.f32 v1, v6;
	v6 =	vmax.f32 v9, v13;
	v13 =	vmax.f32 v57, v58  }
0xab: {  	v9 =	vld [tilespmem:s2+$0xB470];
	v1 =	vmax.f32 v3, v1;
	v3 =	vmax.f32 v6, v7;
	v7 =	vmax.f32 v10, v34  }
0xac: {  	v10 =	vld [tilespmem:s2+$0xB4F0];
	v13 =	vmax.f32 v13, v63;
	v6 =	vmax.f32 v15, v3;
	v3 =	vmax.f32 v7, v8  }
0xad: {  	s12 =	simm.s32 $0x1000;
	v8 =	vld [tilespmem:s2+$0xB570];
	v7 =	vmax.f32 v42, v3;
	v3 =	vmax.f32 v56, v13;
	v13 =	vmax.f32 v62, v14  }
.LBB2_5:
0xae: {  	p0 =	sne.s32 s12, $0xC000;
	v14 =	vld [tilespmem:s2+$0xB5F0]  }
0xaf: {  	v15 =	vld [tilespmem:s2+$0xB400];
	v11 =	vmax.f32 v11, v12  }
0xb0: {  	v12 =	vld [tilespmem:s2+$0xB480];
	v11 =	vmax.f32 v13, v11  }
0xb1: {  	v13 =	vld [tilespmem:s2+$0xB500];
	v2 =	vmax.f32 v2, v11  }
0xb2: {  	v11 =	vld [tilespmem:s2+$0xB580]  }
0xb3: {  	v9 =	vmax.f32 v9, v10;
	v16 =	vld [tilespmem:s2+$0xB410];
	v8 =	vmax.f32 v8, v14  }
0xb4: {  	v10 =	vld [tilespmem:s2+$0xB490];
	v8 =	vmax.f32 v9, v8  }
0xb5: {  	v9 =	vmax.f32 v15, v12;
	v12 =	vld [tilespmem:s2+$0xB510];
	v0 =	vmax.f32 v0, v8  }
0xb6: {  	v8 =	vld [tilespmem:s2+$0xB590]  }
0xb7: {  	v11 =	vmax.f32 v13, v11;
	v13 =	vld [tilespmem:s2+$0xB420]  }
0xb8: {  	v9 =	vmax.f32 v9, v11;
	v11 =	vld [tilespmem:s2+$0xB4A0]  }
0xb9: {  	v5 =	vmax.f32 v5, v9;
	v9 =	vmax.f32 v16, v10;
	v10 =	vld [tilespmem:s2+$0xB520]  }
0xba: {  	v14 =	vld [tilespmem:s2+$0xB5A0]  }
0xbb: {  	v8 =	vmax.f32 v12, v8;
	v12 =	vld [tilespmem:s2+$0xB430]  }
0xbc: {  	v8 =	vmax.f32 v9, v8;
	v9 =	vld [tilespmem:s2+$0xB4B0]  }
0xbd: {  	v4 =	vmax.f32 v4, v8;
	v8 =	vmax.f32 v13, v11;
	v11 =	vld [tilespmem:s2+$0xB530]  }
0xbe: {  	v13 =	vld [tilespmem:s2+$0xB5B0]  }
0xbf: {  	v10 =	vmax.f32 v10, v14;
	v14 =	vld [tilespmem:s2+$0xB440]  }
0xc0: {  	v8 =	vmax.f32 v8, v10;
	v10 =	vld [tilespmem:s2+$0xB4C0]  }
0xc1: {  	v1 =	vmax.f32 v1, v8;
	v8 =	vmax.f32 v12, v9;
	v9 =	vld [tilespmem:s2+$0xB540]  }
0xc2: {  	v12 =	vld [tilespmem:s2+$0xB5C0]  }
0xc3: {  	v11 =	vmax.f32 v11, v13;
	v13 =	vld [tilespmem:s2+$0xB450]  }
0xc4: {  	v8 =	vmax.f32 v8, v11;
	v11 =	vld [tilespmem:s2+$0xB4D0]  }
0xc5: {  	v6 =	vmax.f32 v6, v8;
	v8 =	vmax.f32 v14, v10;
	v10 =	vld [tilespmem:s2+$0xB550]  }
0xc6: {  	v14 =	vld [tilespmem:s2+$0xB5D0]  }
0xc7: {  	v9 =	vmax.f32 v9, v12;
	v15 =	vld [tilespmem:s2+$0xB460]  }
0xc8: {  	v8 =	vmax.f32 v8, v9;
	v16 =	vld [tilespmem:s2+$0xB4E0]  }
.Ltmp1:
0xc9: {  	v7 =	vmax.f32 v7, v8;
	v8 =	vmax.f32 v13, v11;
	v11 =	vld [tilespmem:s2+$0xB560];
	(pc) =	sbr.rel @p0 .LBB2_5-.Ltmp1, $4  }
0xca: {  	v12 =	vld [tilespmem:s2+$0xB5E0];
	s2 =	sshra.s32 s12, $0x2  }
0xcb: {  	v9 =	vld [tilespmem:s2+$0xB470];
	v13 =	vmax.f32 v10, v14  }
0xcc: {  	v10 =	vld [tilespmem:s2+$0xB4F0];
	v13 =	vmax.f32 v8, v13  }
0xcd: {  	s12 =	sadd.s32 $0x800, s12;
	v8 =	vld [tilespmem:s2+$0xB570];
	v3 =	vmax.f32 v3, v13;
	v13 =	vmax.f32 v15, v16  }
0xce: {  	v14 =	vld [tilespmem:s2+$0xB400]  }
0xcf: {  	v15 =	vld [tilespmem:s2+$0xB480]  }
0xd0: {  	v16 =	vld [tilespmem:s2+$0xB500]  }
0xd1: {  	v17 =	vld [tilespmem:s2+$0xB580]  }
0xd2: {  	v18 =	vld [tilespmem:s2+$0xB410]  }
0xd3: {  	v19 =	vld [tilespmem:s2+$0xB490]  }
0xd4: {  	v20 =	vld [tilespmem:s2+$0xB510]  }
0xd5: {  	v21 =	vld [tilespmem:s2+$0xB590]  }
0xd6: {  	v22 =	vld [tilespmem:s2+$0xB420]  }
0xd7: {  	v23 =	vld [tilespmem:s2+$0xB4A0]  }
0xd8: {  	v24 =	vld [tilespmem:s2+$0xB520]  }
0xd9: {  	v25 =	vld [tilespmem:s2+$0xB5A0]  }
0xda: {  	v26 =	vld [tilespmem:s2+$0xB430]  }
0xdb: {  	v27 =	vld [tilespmem:s2+$0xB4B0]  }
0xdc: {  	v28 =	vld [tilespmem:s2+$0xB530]  }
0xdd: {  	v29 =	vld [tilespmem:s2+$0xB5B0]  }
0xde: {  	v30 =	vld [tilespmem:s2+$0xB440]  }
0xdf: {  	v31 =	vld [tilespmem:s2+$0xB4C0]  }
0xe0: {  	v32 =	vld [tilespmem:s2+$0xB540]  }
0xe1: {  	v33 =	vld [tilespmem:s2+$0xB5C0]  }
0xe2: {  	v34 =	vld [tilespmem:s2+$0xB450]  }
0xe3: {  	v35 =	vld [tilespmem:s2+$0xB4D0]  }
0xe4: {  	v47 =	vld [tilespmem:s2+$0xB4E0];
	v11 =	vmax.f32 v11, v12  }
0xe5: {  	v48 =	vld [tilespmem:s2+$0xB5E0];
	v11 =	vmax.f32 v13, v11  }
0xe6: {  	v50 =	vld [tilespmem:s2+$0xB5F0];
	v2 =	vmax.f32 v2, v11;
	v11 =	vmax.f32 v14, v15;
	v14 =	vmax.f32 v16, v17  }
0xe7: {  	v12 =	vld [tilespmem:s2+$0xB550];
	v46 =	vmax.f32 v20, v21;
	v11 =	vmax.f32 v11, v14;
	v14 =	vmax.f32 v18, v19  }
0xe8: {  	s12 =	smul.u32 $0x600, s0;
	v13 =	vld [tilespmem:s2+$0xB5D0];
	v9 =	vmax.f32 v9, v10;
	v49 =	vmax.f32 v28, v29;
	v10 =	vmax.f32 v14, v46  }
0xe9: {  	v15 =	vld [tilespmem:s2+$0xB460];
	v14 =	vmax.f32 v24, v25;
	v4 =	vmax.f32 v4, v10;
	v10 =	vmax.f32 v22, v23  }
0xea: {  	v5 =	vmax.f32 v5, v11;
	v11 =	vld [tilespmem:s2+$0xB560];
	s2 =	sshra.s32 s12, $0x2;
	v10 =	vmax.f32 v10, v14;
	v14 =	vmax.f32 v26, v27  }
0xeb: {  	v51 =	vmax.f32 v30, v31;
	v52 =	vmax.f32 v32, v33;
	[tilespmem:s2+$0x1B800] =	vst v5;
	v14 =	vmax.f32 v14, v49  }
0xec: {  	[tilespmem:s2+$0x1B810] =	vst v4;
	v1 =	vmax.f32 v1, v10;
	v5 =	vmax.f32 v6, v14;
	v6 =	vmax.f32 v51, v52  }
0xed: {  	[tilespmem:s2+$0x1B820] =	vst v1;
	v4 =	vmax.f32 v7, v6;
	v6 =	vmax.f32 v34, v35;
	v7 =	vmax.f32 v12, v13  }
0xee: {  	[tilespmem:s2+$0x1B830] =	vst v5;
	v5 =	vmax.f32 v8, v50;
	v1 =	vmax.f32 v6, v7;
	v6 =	vmax.f32 v15, v47  }
0xef: {  	v7 =	vmax.f32 v11, v48;
	[tilespmem:s2+$0x1B840] =	vst v4;
	v4 =	vmax.f32 v9, v5;
	v1 =	vmax.f32 v3, v1  }
0xf0: {  	v3 =	vmax.f32 v6, v7;
	v0 =	vmax.f32 v0, v4;
	[tilespmem:s2+$0x1B850] =	vst v1  }
0xf1: {  	v2 =	vmax.f32 v2, v3;
	[tilespmem:s2+$0x1B870] =	vst v0  }
0xf2: {  	s16 =	sadd.s32 $0x380, s9;
	[tilespmem:s2+$0x1B860] =	vst v2  }
0xf3: {  	[tilespmem:s13], [sflag:$0x2] =	stream.indirect.gather [hbm4b:s1+s10], $0x80, s16, s10, $0xb8;
	[tilespmem:$0x1F800] =	vst v63  }
0xf4: {  	_ =	swait.ge [sflag:s25], $0x3200  }
0xf5: {  	[sflag:s25] =	ssyncset.done $0x0  }
0xf6: {  	s14 =	simm.s32 $0x0;
	[sflag:s25] =	ssyncadd.s32 $0xFFFFCE00  }
0xf7: {  	v0 =	vld [tilespmem:s14+$0xE870]  }
0xf8: {  	v1 =	vld [tilespmem:s14+$0xE8F0]  }
0xf9: {  	v2 =	vld [tilespmem:s14+$0xE970]  }
0xfa: {  	v3 =	vld [tilespmem:s14+$0xE9F0]  }
0xfb: {  	v4 =	vld [tilespmem:s14+$0xE800]  }
0xfc: {  	v5 =	vld [tilespmem:s14+$0xE880]  }
0xfd: {  	v6 =	vld [tilespmem:s14+$0xE900]  }
0xfe: {  	v7 =	vld [tilespmem:s14+$0xE980]  }
0xff: {  	v8 =	vld [tilespmem:s14+$0xE810]  }
0x100: {  	v9 =	vld [tilespmem:s14+$0xE890]  }
0x101: {  	v10 =	vld [tilespmem:s14+$0xE910]  }
0x102: {  	v11 =	vld [tilespmem:s14+$0xE990]  }
0x103: {  	v12 =	vld [tilespmem:s14+$0xE820]  }
0x104: {  	v13 =	vld [tilespmem:s14+$0xE8A0]  }
0x105: {  	v14 =	vld [tilespmem:s14+$0xE920]  }
0x106: {  	v15 =	vld [tilespmem:s14+$0xE9A0]  }
0x107: {  	v53 =	vld [tilespmem:s14+$0xE830]  }
0x108: {  	v54 =	vld [tilespmem:s14+$0xE8B0]  }
0x109: {  	v55 =	vld [tilespmem:s14+$0xE930]  }
0x10a: {  	v56 =	vld [tilespmem:s14+$0xE9B0]  }
0x10b: {  	v57 =	vld [tilespmem:s14+$0xE840]  }
0x10c: {  	v58 =	vld [tilespmem:s14+$0xE8C0]  }
0x10d: {  	v59 =	vld [tilespmem:s14+$0xE940]  }
0x10e: {  	v60 =	vld [tilespmem:s14+$0xE9C0]  }
0x10f: {  	v61 =	vld [tilespmem:s14+$0xE850]  }
0x110: {  	v62 =	vld [tilespmem:s14+$0xE950];
	v0 =	vmax.f32 v0, v1;
	v1 =	vmax.f32 v2, v3;
	v2 =	vmax.f32 v4, v5  }
0x111: {  	v3 =	vmax.f32 v6, v7;
	v4 =	vmax.f32 v8, v9;
	v5 =	vmax.f32 v10, v11;
	v10 =	vld [tilespmem:s14+$0xE9D0]  }
0x112: {  	v6 =	vmax.f32 v12, v13;
	v7 =	vmax.f32 v14, v15;
	v0 =	vmax.f32 v0, v1;
	v1 =	vld [tilespmem:s14+$0xE8D0]  }
0x113: {  	v13 =	vld [tilespmem:s14+$0xE860];
	v8 =	vmax.f32 v53, v54;
	v9 =	vmax.f32 v55, v56;
	v12 =	vmax.f32 v57, v58  }
0x114: {  	v14 =	vld [tilespmem:s14+$0xE8E0];
	v2 =	vmax.f32 v2, v3;
	v3 =	vmax.f32 v4, v5;
	v5 =	vimm.f32 $-Inf  }
0x115: {  	v11 =	vld [tilespmem:s14+$0xE9E0];
	v15 =	vmax.f32 v59, v60;
	v4 =	vmax.f32 v6, v7;
	v7 =	vmax.f32 v5, v0  }
0x116: {  	s12 =	simm.s32 $0x200;
	v6 =	vmax.f32 v5, v2;
	v0 =	vmax.f32 v8, v9;
	v9 =	vld [tilespmem:s14+$0xE960];
	v2 =	vmax.f32 v5, v3  }
0x117: {  	v3 =	vmax.f32 v5, v4;
	v8 =	vld [tilespmem:s12+$0xE870];
	v63 =	vmax.f32 v62, v10;
	v1 =	vmax.f32 v61, v1  }
0x118: {  	v4 =	vmax.f32 v5, v0;
	v0 =	vmax.f32 v12, v15;
	v12 =	vld [tilespmem:s12+$0xE970];
	v1 =	vmax.f32 v1, v63  }
0x119: {  	s14 =	simm.s32 $0x1000;
	v0 =	vmax.f32 v5, v0;
	v10 =	vld [tilespmem:s12+$0xE8F0];
	v13 =	vmax.f32 v13, v14;
	v1 =	vmax.f32 v5, v1  }
.LBB2_7:
0x11a: {  	p0 =	sne.s32 s14, $0xC000;
	v14 =	vld [tilespmem:s12+$0xE9F0]  }
0x11b: {  	v15 =	vld [tilespmem:s12+$0xE800];
	v9 =	vmax.f32 v9, v11  }
0x11c: {  	v11 =	vld [tilespmem:s12+$0xE880];
	v9 =	vmax.f32 v13, v9  }
0x11d: {  	v13 =	vld [tilespmem:s12+$0xE900];
	v5 =	vmax.f32 v5, v9  }
0x11e: {  	v9 =	vld [tilespmem:s12+$0xE980]  }
0x11f: {  	v8 =	vmax.f32 v8, v10;
	v16 =	vld [tilespmem:s12+$0xE810];
	v10 =	vmax.f32 v12, v14  }
0x120: {  	v12 =	vld [tilespmem:s12+$0xE890];
	v8 =	vmax.f32 v8, v10  }
0x121: {  	v10 =	vmax.f32 v15, v11;
	v11 =	vld [tilespmem:s12+$0xE910];
	v7 =	vmax.f32 v7, v8  }
0x122: {  	v8 =	vld [tilespmem:s12+$0xE990]  }
0x123: {  	v9 =	vmax.f32 v13, v9;
	v13 =	vld [tilespmem:s12+$0xE820]  }
0x124: {  	v9 =	vmax.f32 v10, v9;
	v10 =	vld [tilespmem:s12+$0xE8A0]  }
0x125: {  	v6 =	vmax.f32 v6, v9;
	v9 =	vmax.f32 v16, v12;
	v12 =	vld [tilespmem:s12+$0xE920]  }
0x126: {  	v14 =	vld [tilespmem:s12+$0xE9A0]  }
0x127: {  	v8 =	vmax.f32 v11, v8;
	v11 =	vld [tilespmem:s12+$0xE830]  }
0x128: {  	v8 =	vmax.f32 v9, v8;
	v9 =	vld [tilespmem:s12+$0xE8B0]  }
0x129: {  	v2 =	vmax.f32 v2, v8;
	v8 =	vmax.f32 v13, v10;
	v10 =	vld [tilespmem:s12+$0xE930]  }
0x12a: {  	v13 =	vld [tilespmem:s12+$0xE9B0]  }
0x12b: {  	v12 =	vmax.f32 v12, v14;
	v14 =	vld [tilespmem:s12+$0xE840]  }
0x12c: {  	v8 =	vmax.f32 v8, v12;
	v12 =	vld [tilespmem:s12+$0xE8C0]  }
0x12d: {  	v3 =	vmax.f32 v3, v8;
	v8 =	vmax.f32 v11, v9;
	v9 =	vld [tilespmem:s12+$0xE940]  }
0x12e: {  	v11 =	vld [tilespmem:s12+$0xE9C0]  }
0x12f: {  	v10 =	vmax.f32 v10, v13;
	v13 =	vld [tilespmem:s12+$0xE850]  }
0x130: {  	v8 =	vmax.f32 v8, v10;
	v10 =	vld [tilespmem:s12+$0xE8D0]  }
0x131: {  	v4 =	vmax.f32 v4, v8;
	v8 =	vmax.f32 v14, v12;
	v12 =	vld [tilespmem:s12+$0xE950]  }
0x132: {  	v14 =	vld [tilespmem:s12+$0xE9D0]  }
0x133: {  	v9 =	vmax.f32 v9, v11;
	v15 =	vld [tilespmem:s12+$0xE860]  }
0x134: {  	v8 =	vmax.f32 v8, v9;
	v16 =	vld [tilespmem:s12+$0xE8E0]  }
.Ltmp2:
0x135: {  	v0 =	vmax.f32 v0, v8;
	v13 =	vmax.f32 v13, v10;
	v9 =	vld [tilespmem:s12+$0xE960];
	(pc) =	sbr.rel @p0 .LBB2_7-.Ltmp2, $4  }
0x136: {  	v11 =	vld [tilespmem:s12+$0xE9E0];
	s12 =	sshra.s32 s14, $0x2  }
0x137: {  	v8 =	vld [tilespmem:s12+$0xE870];
	v12 =	vmax.f32 v12, v14  }
0x138: {  	v10 =	vld [tilespmem:s12+$0xE8F0];
	v13 =	vmax.f32 v13, v12  }
0x139: {  	s14 =	sadd.s32 $0x800, s14;
	v12 =	vld [tilespmem:s12+$0xE970];
	v1 =	vmax.f32 v1, v13;
	v13 =	vmax.f32 v15, v16  }
0x13a: {  	v14 =	vld [tilespmem:s12+$0xE9F0]  }
0x13b: {  	v15 =	vld [tilespmem:s12+$0xE800]  }
0x13c: {  	v16 =	vld [tilespmem:s12+$0xE880]  }
0x13d: {  	v17 =	vld [tilespmem:s12+$0xE900]  }
0x13e: {  	v18 =	vld [tilespmem:s12+$0xE980]  }
0x13f: {  	v19 =	vld [tilespmem:s12+$0xE810]  }
0x140: {  	v20 =	vld [tilespmem:s12+$0xE890]  }
0x141: {  	v21 =	vld [tilespmem:s12+$0xE910]  }
0x142: {  	v22 =	vld [tilespmem:s12+$0xE990]  }
0x143: {  	v23 =	vld [tilespmem:s12+$0xE820]  }
0x144: {  	v24 =	vld [tilespmem:s12+$0xE8A0]  }
0x145: {  	v25 =	vld [tilespmem:s12+$0xE920]  }
0x146: {  	v26 =	vld [tilespmem:s12+$0xE9A0]  }
0x147: {  	v27 =	vld [tilespmem:s12+$0xE830]  }
0x148: {  	v28 =	vld [tilespmem:s12+$0xE8B0]  }
0x149: {  	v29 =	vld [tilespmem:s12+$0xE930]  }
0x14a: {  	v30 =	vld [tilespmem:s12+$0xE9B0]  }
0x14b: {  	v31 =	vld [tilespmem:s12+$0xE840]  }
0x14c: {  	v32 =	vld [tilespmem:s12+$0xE8C0]  }
0x14d: {  	v33 =	vld [tilespmem:s12+$0xE940]  }
0x14e: {  	v34 =	vld [tilespmem:s12+$0xE9C0]  }
0x14f: {  	v35 =	vld [tilespmem:s12+$0xE850]  }
0x150: {  	v36 =	vld [tilespmem:s12+$0xE8D0]  }
0x151: {  	v37 =	vld [tilespmem:s12+$0xE950]  }
0x152: {  	v38 =	vld [tilespmem:s12+$0xE9D0]  }
0x153: {  	v39 =	vld [tilespmem:s12+$0xE860]  }
0x154: {  	v40 =	vld [tilespmem:s12+$0xE8E0]  }
0x155: {  	v41 =	vld [tilespmem:s12+$0xE960];
	s16 =	sadd.s32 $0x400, s9  }
0x156: {  	v42 =	vld [tilespmem:s12+$0xE9E0];
	[tilespmem:s15], [sflag:$0x3] =	stream.indirect.gather [hbm4b:s1+s10], $0x80, s16, s10, $0xb8  }
0x157: {  	_ =	swait.ge [sflag:s26], $0x3200  }
0x158: {  	[sflag:s26] =	ssyncset.done $0x0  }
0x159: {  	s14 =	simm.s32 $0x0;
	[sflag:s26] =	ssyncadd.s32 $0xFFFFCE00  }
0x15a: {  	v43 =	vld [tilespmem:s14+$0x11C70]  }
0x15b: {  	v44 =	vld [tilespmem:s14+$0x11CF0]  }
0x15c: {  	v45 =	vld [tilespmem:s14+$0x11D70]  }
0x15d: {  	v46 =	vld [tilespmem:s14+$0x11DF0]  }
0x15e: {  	v47 =	vld [tilespmem:s14+$0x11C00]  }
0x15f: {  	v48 =	vld [tilespmem:s14+$0x11C80]  }
0x160: {  	v49 =	vld [tilespmem:s14+$0x11D00]  }
0x161: {  	v50 =	vld [tilespmem:s14+$0x11D80]  }
0x162: {  	v51 =	vld [tilespmem:s14+$0x11C10]  }
0x163: {  	v52 =	vld [tilespmem:s14+$0x11C90]  }
0x164: {  	v53 =	vld [tilespmem:s14+$0x11D10]  }
0x165: {  	v54 =	vld [tilespmem:s14+$0x11D90]  }
0x166: {  	v9 =	vmax.f32 v9, v11;
	v55 =	vld [tilespmem:s14+$0x11C20]  }
0x167: {  	v9 =	vmax.f32 v13, v9;
	v11 =	vld [tilespmem:s14+$0x11CA0]  }
0x168: {  	v8 =	vmax.f32 v8, v10;
	v5 =	vmax.f32 v5, v9;
	v10 =	vmax.f32 v12, v14;
	v12 =	vld [tilespmem:s14+$0x11D20]  }
0x169: {  	v13 =	vmax.f32 v17, v18;
	v14 =	vld [tilespmem:s14+$0x11DA0];
	v8 =	vmax.f32 v8, v10;
	v10 =	vmax.f32 v15, v16  }
0x16a: {  	v9 =	vld [tilespmem:s14+$0x11C30];
	v29 =	vmax.f32 v29, v30;
	v7 =	vmax.f32 v7, v8;
	v8 =	vmax.f32 v10, v13  }
0x16b: {  	v63 =	vld [tilespmem:s14+$0x11D30];
	v10 =	vmax.f32 v21, v22;
	v6 =	vmax.f32 v6, v8;
	v8 =	vmax.f32 v19, v20  }
0x16c: {  	v30 =	vld [tilespmem:s14+$0x11DB0];
	v15 =	vmax.f32 v25, v26;
	v8 =	vmax.f32 v8, v10;
	v10 =	vmax.f32 v23, v24  }
0x16d: {  	v37 =	vmax.f32 v37, v38;
	v38 =	vld [tilespmem:s14+$0x11D40];
	v10 =	vmax.f32 v10, v15;
	v15 =	vmax.f32 v27, v28  }
0x16e: {  	v41 =	vmax.f32 v41, v42;
	v42 =	vld [tilespmem:s14+$0x11DC0];
	v2 =	vmax.f32 v2, v8;
	v8 =	vmax.f32 v15, v29  }
0x16f: {  	v57 =	vld [tilespmem:s14+$0x11C50];
	v15 =	vmax.f32 v33, v34;
	v8 =	vmax.f32 v4, v8;
	v4 =	vmax.f32 v31, v32  }
0x170: {  	v58 =	vld [tilespmem:s14+$0x11CD0];
	v4 =	vmax.f32 v4, v15;
	v15 =	vmax.f32 v35, v36  }
0x171: {  	v40 =	vmax.f32 v39, v40;
	v59 =	vld [tilespmem:s14+$0x11D50];
	v3 =	vmax.f32 v3, v10;
	v15 =	vmax.f32 v15, v37  }
0x172: {  	v61 =	vld [tilespmem:s14+$0x11DD0];
	v56 =	vmax.f32 v0, v4;
	v0 =	vmax.f32 v40, v41;
	v4 =	vmax.f32 v45, v46  }
0x173: {  	v13 =	vld [tilespmem:s14+$0x11CB0];
	v15 =	vmax.f32 v1, v15;
	v1 =	vmax.f32 v5, v0;
	v0 =	vmax.f32 v43, v44  }
0x174: {  	v10 =	vld [tilespmem:s14+$0x11C40];
	v5 =	vmax.f32 v49, v50;
	v0 =	vmax.f32 v0, v4;
	v4 =	vmax.f32 v47, v48  }
0x175: {  	v60 =	vmax.f32 v53, v54;
	v34 =	vld [tilespmem:s14+$0x11CC0];
	v4 =	vmax.f32 v4, v5;
	v5 =	vmax.f32 v51, v52  }
0x176: {  	v62 =	vld [tilespmem:s14+$0x11C60];
	v0 =	vmax.f32 v7, v0;
	v4 =	vmax.f32 v6, v4;
	v5 =	vmax.f32 v5, v60  }
0x177: {  	v6 =	vmax.f32 v12, v14;
	v14 =	vld [tilespmem:s14+$0x11CE0];
	v5 =	vmax.f32 v2, v5;
	v2 =	vmax.f32 v55, v11  }
0x178: {  	v7 =	vmax.f32 v63, v30;
	v63 =	vmax.f32 v59, v61;
	v12 =	vld [tilespmem:s14+$0x11DE0];
	v2 =	vmax.f32 v2, v6  }
0x179: {  	s12 =	simm.s32 $0x200;
	v11 =	vld [tilespmem:s14+$0x11D60];
	v6 =	vmax.f32 v9, v13;
	v13 =	vmax.f32 v57, v58;
	v2 =	vmax.f32 v3, v2  }
0x17a: {  	v9 =	vld [tilespmem:s12+$0x11C70];
	v3 =	vmax.f32 v6, v7;
	v7 =	vmax.f32 v10, v34;
	v10 =	vmax.f32 v38, v42  }
0x17b: {  	v13 =	vmax.f32 v13, v63;
	v6 =	vmax.f32 v8, v3;
	v3 =	vmax.f32 v7, v10;
	v10 =	vld [tilespmem:s12+$0x11CF0]  }
0x17c: {  	s14 =	simm.s32 $0x1000;
	v8 =	vld [tilespmem:s12+$0x11D70];
	v7 =	vmax.f32 v56, v3;
	v3 =	vmax.f32 v15, v13;
	v13 =	vmax.f32 v62, v14  }
.LBB2_9:
0x17d: {  	p0 =	sne.s32 s14, $0xC000;
	v14 =	vld [tilespmem:s12+$0x11DF0]  }
0x17e: {  	v15 =	vld [tilespmem:s12+$0x11C00];
	v11 =	vmax.f32 v11, v12  }
0x17f: {  	v12 =	vld [tilespmem:s12+$0x11C80];
	v11 =	vmax.f32 v13, v11  }
0x180: {  	v13 =	vld [tilespmem:s12+$0x11D00];
	v1 =	vmax.f32 v1, v11  }
0x181: {  	v11 =	vld [tilespmem:s12+$0x11D80]  }
0x182: {  	v9 =	vmax.f32 v9, v10;
	v16 =	vld [tilespmem:s12+$0x11C10];
	v8 =	vmax.f32 v8, v14  }
0x183: {  	v10 =	vld [tilespmem:s12+$0x11C90];
	v8 =	vmax.f32 v9, v8  }
0x184: {  	v9 =	vmax.f32 v15, v12;
	v12 =	vld [tilespmem:s12+$0x11D10];
	v0 =	vmax.f32 v0, v8  }
0x185: {  	v8 =	vld [tilespmem:s12+$0x11D90]  }
0x186: {  	v11 =	vmax.f32 v13, v11;
	v13 =	vld [tilespmem:s12+$0x11C20]  }
0x187: {  	v9 =	vmax.f32 v9, v11;
	v11 =	vld [tilespmem:s12+$0x11CA0]  }
0x188: {  	v4 =	vmax.f32 v4, v9;
	v9 =	vmax.f32 v16, v10;
	v10 =	vld [tilespmem:s12+$0x11D20]  }
0x189: {  	v14 =	vld [tilespmem:s12+$0x11DA0]  }
0x18a: {  	v8 =	vmax.f32 v12, v8;
	v12 =	vld [tilespmem:s12+$0x11C30]  }
0x18b: {  	v8 =	vmax.f32 v9, v8;
	v9 =	vld [tilespmem:s12+$0x11CB0]  }
0x18c: {  	v5 =	vmax.f32 v5, v8;
	v8 =	vmax.f32 v13, v11;
	v11 =	vld [tilespmem:s12+$0x11D30]  }
0x18d: {  	v13 =	vld [tilespmem:s12+$0x11DB0]  }
0x18e: {  	v10 =	vmax.f32 v10, v14;
	v14 =	vld [tilespmem:s12+$0x11C40]  }
0x18f: {  	v8 =	vmax.f32 v8, v10;
	v10 =	vld [tilespmem:s12+$0x11CC0]  }
0x190: {  	v2 =	vmax.f32 v2, v8;
	v8 =	vmax.f32 v12, v9;
	v9 =	vld [tilespmem:s12+$0x11D40]  }
0x191: {  	v12 =	vld [tilespmem:s12+$0x11DC0]  }
0x192: {  	v11 =	vmax.f32 v11, v13;
	v13 =	vld [tilespmem:s12+$0x11C50]  }
0x193: {  	v8 =	vmax.f32 v8, v11;
	v11 =	vld [tilespmem:s12+$0x11CD0]  }
0x194: {  	v6 =	vmax.f32 v6, v8;
	v8 =	vmax.f32 v14, v10;
	v10 =	vld [tilespmem:s12+$0x11D50]  }
0x195: {  	v14 =	vld [tilespmem:s12+$0x11DD0]  }
0x196: {  	v9 =	vmax.f32 v9, v12;
	v15 =	vld [tilespmem:s12+$0x11C60]  }
0x197: {  	v8 =	vmax.f32 v8, v9;
	v16 =	vld [tilespmem:s12+$0x11CE0]  }
.Ltmp3:
0x198: {  	v7 =	vmax.f32 v7, v8;
	v8 =	vmax.f32 v13, v11;
	v11 =	vld [tilespmem:s12+$0x11D60];
	(pc) =	sbr.rel @p0 .LBB2_9-.Ltmp3, $4  }
0x199: {  	v12 =	vld [tilespmem:s12+$0x11DE0];
	s12 =	sshra.s32 s14, $0x2  }
0x19a: {  	v9 =	vld [tilespmem:s12+$0x11C70];
	v13 =	vmax.f32 v10, v14  }
0x19b: {  	v10 =	vld [tilespmem:s12+$0x11CF0];
	v13 =	vmax.f32 v8, v13  }
0x19c: {  	s14 =	sadd.s32 $0x800, s14;
	v8 =	vld [tilespmem:s12+$0x11D70];
	v3 =	vmax.f32 v3, v13;
	v13 =	vmax.f32 v15, v16  }
0x19d: {  	v14 =	vld [tilespmem:s12+$0x11C00]  }
0x19e: {  	v15 =	vld [tilespmem:s12+$0x11C80]  }
0x19f: {  	v16 =	vld [tilespmem:s12+$0x11D00]  }
0x1a0: {  	v17 =	vld [tilespmem:s12+$0x11D80]  }
0x1a1: {  	v18 =	vld [tilespmem:s12+$0x11C10]  }
0x1a2: {  	v19 =	vld [tilespmem:s12+$0x11C90]  }
0x1a3: {  	v20 =	vld [tilespmem:s12+$0x11D10]  }
0x1a4: {  	v21 =	vld [tilespmem:s12+$0x11D90]  }
0x1a5: {  	v22 =	vld [tilespmem:s12+$0x11C20]  }
0x1a6: {  	v23 =	vld [tilespmem:s12+$0x11CA0]  }
0x1a7: {  	v24 =	vld [tilespmem:s12+$0x11D20]  }
0x1a8: {  	v25 =	vld [tilespmem:s12+$0x11DA0]  }
0x1a9: {  	v26 =	vld [tilespmem:s12+$0x11C30]  }
0x1aa: {  	v27 =	vld [tilespmem:s12+$0x11CB0]  }
0x1ab: {  	v28 =	vld [tilespmem:s12+$0x11D30]  }
0x1ac: {  	v29 =	vld [tilespmem:s12+$0x11DB0]  }
0x1ad: {  	v30 =	vld [tilespmem:s12+$0x11C40]  }
0x1ae: {  	v31 =	vld [tilespmem:s12+$0x11CC0]  }
0x1af: {  	v32 =	vld [tilespmem:s12+$0x11D40]  }
0x1b0: {  	v33 =	vld [tilespmem:s12+$0x11DC0]  }
0x1b1: {  	v34 =	vld [tilespmem:s12+$0x11C50]  }
0x1b2: {  	v35 =	vld [tilespmem:s12+$0x11CD0]  }
0x1b3: {  	v47 =	vld [tilespmem:s12+$0x11CE0];
	v11 =	vmax.f32 v11, v12  }
0x1b4: {  	v48 =	vld [tilespmem:s12+$0x11DE0];
	v11 =	vmax.f32 v13, v11  }
0x1b5: {  	v50 =	vld [tilespmem:s12+$0x11DF0];
	v1 =	vmax.f32 v1, v11;
	v11 =	vmax.f32 v14, v15;
	v14 =	vmax.f32 v16, v17  }
0x1b6: {  	v12 =	vld [tilespmem:s12+$0x11D50];
	v46 =	vmax.f32 v20, v21;
	v11 =	vmax.f32 v11, v14;
	v14 =	vmax.f32 v18, v19  }
0x1b7: {  	v13 =	vld [tilespmem:s12+$0x11DD0];
	v9 =	vmax.f32 v9, v10;
	v49 =	vmax.f32 v28, v29;
	v10 =	vmax.f32 v14, v46  }
0x1b8: {  	v15 =	vld [tilespmem:s12+$0x11C60];
	v14 =	vmax.f32 v24, v25;
	v5 =	vmax.f32 v5, v10;
	v10 =	vmax.f32 v22, v23  }
0x1b9: {  	v4 =	vmax.f32 v4, v11;
	v11 =	vld [tilespmem:s12+$0x11D60];
	v10 =	vmax.f32 v10, v14;
	v14 =	vmax.f32 v26, v27  }
0x1ba: {  	v51 =	vmax.f32 v30, v31;
	v52 =	vmax.f32 v32, v33;
	[tilespmem:s2+$0x1B880] =	vst v4;
	v14 =	vmax.f32 v14, v49  }
0x1bb: {  	[tilespmem:s2+$0x1B890] =	vst v5;
	v2 =	vmax.f32 v2, v10;
	v4 =	vmax.f32 v6, v14;
	v6 =	vmax.f32 v51, v52  }
0x1bc: {  	[tilespmem:s2+$0x1B8A0] =	vst v2;
	v5 =	vmax.f32 v7, v6;
	v6 =	vmax.f32 v34, v35;
	v7 =	vmax.f32 v12, v13  }
0x1bd: {  	[tilespmem:s2+$0x1B8B0] =	vst v4;
	v4 =	vmax.f32 v8, v50;
	v2 =	vmax.f32 v6, v7;
	v6 =	vmax.f32 v15, v47  }
0x1be: {  	v7 =	vmax.f32 v11, v48;
	[tilespmem:s2+$0x1B8C0] =	vst v5;
	v4 =	vmax.f32 v9, v4;
	v2 =	vmax.f32 v3, v2  }
0x1bf: {  	v3 =	vmax.f32 v6, v7;
	v0 =	vmax.f32 v0, v4;
	[tilespmem:s2+$0x1B8D0] =	vst v2  }
0x1c0: {  	v1 =	vmax.f32 v1, v3;
	[tilespmem:s2+$0x1B8F0] =	vst v0  }
0x1c1: {  	s9 =	sadd.s32 $0x480, s9;
	[tilespmem:s2+$0x1B8E0] =	vst v1  }
0x1c2: {  	[tilespmem:s17], [sflag:$0x4] =	stream.indirect.gather [hbm4b:s1+s10], $0x80, s9, s10, $0xb8;
	[tilespmem:$0x1F800] =	vst v63  }
0x1c3: {  	_ =	swait.ge [sflag:s28], $0x3200  }
0x1c4: {  	[sflag:s28] =	ssyncset.done $0x0  }
0x1c5: {  	s16 =	simm.s32 $0x0;
	[sflag:s28] =	ssyncadd.s32 $0xFFFFCE00  }
0x1c6: {  	v0 =	vld [tilespmem:s16+$0x15070]  }
0x1c7: {  	v1 =	vld [tilespmem:s16+$0x150F0]  }
0x1c8: {  	v2 =	vld [tilespmem:s16+$0x15170]  }
0x1c9: {  	v3 =	vld [tilespmem:s16+$0x151F0]  }
0x1ca: {  	v4 =	vld [tilespmem:s16+$0x15000]  }
0x1cb: {  	v5 =	vld [tilespmem:s16+$0x15080]  }
0x1cc: {  	v6 =	vld [tilespmem:s16+$0x15100]  }
0x1cd: {  	v7 =	vld [tilespmem:s16+$0x15180]  }
0x1ce: {  	v8 =	vld [tilespmem:s16+$0x15010]  }
0x1cf: {  	v9 =	vld [tilespmem:s16+$0x15090]  }
0x1d0: {  	v10 =	vld [tilespmem:s16+$0x15110]  }
0x1d1: {  	v11 =	vld [tilespmem:s16+$0x15190]  }
0x1d2: {  	v12 =	vld [tilespmem:s16+$0x15020]  }
0x1d3: {  	v13 =	vld [tilespmem:s16+$0x150A0]  }
0x1d4: {  	v14 =	vld [tilespmem:s16+$0x15120]  }
0x1d5: {  	v15 =	vld [tilespmem:s16+$0x151A0]  }
0x1d6: {  	v53 =	vld [tilespmem:s16+$0x15030]  }
0x1d7: {  	v54 =	vld [tilespmem:s16+$0x150B0]  }
0x1d8: {  	v55 =	vld [tilespmem:s16+$0x15130]  }
0x1d9: {  	v56 =	vld [tilespmem:s16+$0x151B0]  }
0x1da: {  	v57 =	vld [tilespmem:s16+$0x15040]  }
0x1db: {  	v58 =	vld [tilespmem:s16+$0x150C0]  }
0x1dc: {  	v59 =	vld [tilespmem:s16+$0x15140]  }
0x1dd: {  	v60 =	vld [tilespmem:s16+$0x151C0]  }
0x1de: {  	v61 =	vld [tilespmem:s16+$0x15050]  }
0x1df: {  	v62 =	vld [tilespmem:s16+$0x15150];
	v0 =	vmax.f32 v0, v1;
	v1 =	vmax.f32 v2, v3;
	v2 =	vmax.f32 v4, v5  }
0x1e0: {  	v3 =	vmax.f32 v6, v7;
	v4 =	vmax.f32 v8, v9;
	v5 =	vmax.f32 v10, v11;
	v10 =	vld [tilespmem:s16+$0x151D0]  }
0x1e1: {  	v6 =	vmax.f32 v12, v13;
	v7 =	vmax.f32 v14, v15;
	v0 =	vmax.f32 v0, v1;
	v1 =	vld [tilespmem:s16+$0x150D0]  }
0x1e2: {  	v13 =	vld [tilespmem:s16+$0x15060];
	v8 =	vmax.f32 v53, v54;
	v9 =	vmax.f32 v55, v56;
	v12 =	vmax.f32 v57, v58  }
0x1e3: {  	v14 =	vld [tilespmem:s16+$0x150E0];
	v2 =	vmax.f32 v2, v3;
	v3 =	vmax.f32 v4, v5;
	v5 =	vimm.f32 $-Inf  }
0x1e4: {  	v11 =	vld [tilespmem:s16+$0x151E0];
	v15 =	vmax.f32 v59, v60;
	v4 =	vmax.f32 v6, v7;
	v7 =	vmax.f32 v5, v0  }
0x1e5: {  	s12 =	simm.s32 $0x200;
	v6 =	vmax.f32 v5, v2;
	v0 =	vmax.f32 v8, v9;
	v9 =	vld [tilespmem:s16+$0x15160];
	v2 =	vmax.f32 v5, v3  }
0x1e6: {  	v3 =	vmax.f32 v5, v4;
	v8 =	vld [tilespmem:s12+$0x15070];
	v63 =	vmax.f32 v62, v10;
	v1 =	vmax.f32 v61, v1  }
0x1e7: {  	v4 =	vmax.f32 v5, v0;
	v0 =	vmax.f32 v12, v15;
	v12 =	vld [tilespmem:s12+$0x15170];
	v1 =	vmax.f32 v1, v63  }
0x1e8: {  	s9 =	simm.s32 $0x1000;
	v0 =	vmax.f32 v5, v0;
	v10 =	vld [tilespmem:s12+$0x150F0];
	v13 =	vmax.f32 v13, v14;
	v1 =	vmax.f32 v5, v1  }
.LBB2_11:
0x1e9: {  	p0 =	sne.s32 s9, $0xC000;
	v14 =	vld [tilespmem:s12+$0x151F0]  }
0x1ea: {  	v15 =	vld [tilespmem:s12+$0x15000];
	v9 =	vmax.f32 v9, v11  }
0x1eb: {  	v11 =	vld [tilespmem:s12+$0x15080];
	v9 =	vmax.f32 v13, v9  }
0x1ec: {  	v13 =	vld [tilespmem:s12+$0x15100];
	v5 =	vmax.f32 v5, v9  }
0x1ed: {  	v9 =	vld [tilespmem:s12+$0x15180]  }
0x1ee: {  	v8 =	vmax.f32 v8, v10;
	v16 =	vld [tilespmem:s12+$0x15010];
	v10 =	vmax.f32 v12, v14  }
0x1ef: {  	v12 =	vld [tilespmem:s12+$0x15090];
	v8 =	vmax.f32 v8, v10  }
0x1f0: {  	v10 =	vmax.f32 v15, v11;
	v11 =	vld [tilespmem:s12+$0x15110];
	v7 =	vmax.f32 v7, v8  }
0x1f1: {  	v8 =	vld [tilespmem:s12+$0x15190]  }
0x1f2: {  	v9 =	vmax.f32 v13, v9;
	v13 =	vld [tilespmem:s12+$0x15020]  }
0x1f3: {  	v9 =	vmax.f32 v10, v9;
	v10 =	vld [tilespmem:s12+$0x150A0]  }
0x1f4: {  	v6 =	vmax.f32 v6, v9;
	v9 =	vmax.f32 v16, v12;
	v12 =	vld [tilespmem:s12+$0x15120]  }
0x1f5: {  	v14 =	vld [tilespmem:s12+$0x151A0]  }
0x1f6: {  	v8 =	vmax.f32 v11, v8;
	v11 =	vld [tilespmem:s12+$0x15030]  }
0x1f7: {  	v8 =	vmax.f32 v9, v8;
	v9 =	vld [tilespmem:s12+$0x150B0]  }
0x1f8: {  	v2 =	vmax.f32 v2, v8;
	v8 =	vmax.f32 v13, v10;
	v10 =	vld [tilespmem:s12+$0x15130]  }
0x1f9: {  	v13 =	vld [tilespmem:s12+$0x151B0]  }
0x1fa: {  	v12 =	vmax.f32 v12, v14;
	v14 =	vld [tilespmem:s12+$0x15040]  }
0x1fb: {  	v8 =	vmax.f32 v8, v12;
	v12 =	vld [tilespmem:s12+$0x150C0]  }
0x1fc: {  	v3 =	vmax.f32 v3, v8;
	v8 =	vmax.f32 v11, v9;
	v9 =	vld [tilespmem:s12+$0x15140]  }
0x1fd: {  	v11 =	vld [tilespmem:s12+$0x151C0]  }
0x1fe: {  	v10 =	vmax.f32 v10, v13;
	v13 =	vld [tilespmem:s12+$0x15050]  }
0x1ff: {  	v8 =	vmax.f32 v8, v10;
	v10 =	vld [tilespmem:s12+$0x150D0]  }
0x200: {  	v4 =	vmax.f32 v4, v8;
	v8 =	vmax.f32 v14, v12;
	v12 =	vld [tilespmem:s12+$0x15150]  }
0x201: {  	v14 =	vld [tilespmem:s12+$0x151D0]  }
0x202: {  	v9 =	vmax.f32 v9, v11;
	v15 =	vld [tilespmem:s12+$0x15060]  }
0x203: {  	v8 =	vmax.f32 v8, v9;
	v16 =	vld [tilespmem:s12+$0x150E0]  }
.Ltmp4:
0x204: {  	v0 =	vmax.f32 v0, v8;
	v13 =	vmax.f32 v13, v10;
	v9 =	vld [tilespmem:s12+$0x15160];
	(pc) =	sbr.rel @p0 .LBB2_11-.Ltmp4, $4  }
0x205: {  	v11 =	vld [tilespmem:s12+$0x151E0];
	s12 =	sshra.s32 s9, $0x2  }
0x206: {  	v8 =	vld [tilespmem:s12+$0x15070];
	v12 =	vmax.f32 v12, v14  }
0x207: {  	v10 =	vld [tilespmem:s12+$0x150F0];
	v13 =	vmax.f32 v13, v12  }
0x208: {  	s9 =	sadd.s32 $0x800, s9;
	v12 =	vld [tilespmem:s12+$0x15170];
	v1 =	vmax.f32 v1, v13;
	v13 =	vmax.f32 v15, v16  }
0x209: {  	v14 =	vld [tilespmem:s12+$0x151F0]  }
0x20a: {  	v15 =	vld [tilespmem:s12+$0x15000]  }
0x20b: {  	v16 =	vld [tilespmem:s12+$0x15080]  }
0x20c: {  	v17 =	vld [tilespmem:s12+$0x15100]  }
0x20d: {  	v18 =	vld [tilespmem:s12+$0x15180]  }
0x20e: {  	v19 =	vld [tilespmem:s12+$0x15010]  }
0x20f: {  	v20 =	vld [tilespmem:s12+$0x15090]  }
0x210: {  	v21 =	vld [tilespmem:s12+$0x15110]  }
0x211: {  	v22 =	vld [tilespmem:s12+$0x15190]  }
0x212: {  	v23 =	vld [tilespmem:s12+$0x15020]  }
0x213: {  	v24 =	vld [tilespmem:s12+$0x150A0]  }
0x214: {  	v25 =	vld [tilespmem:s12+$0x15120]  }
0x215: {  	v26 =	vld [tilespmem:s12+$0x151A0]  }
0x216: {  	v27 =	vld [tilespmem:s12+$0x15030]  }
0x217: {  	v28 =	vld [tilespmem:s12+$0x150B0]  }
0x218: {  	v29 =	vld [tilespmem:s12+$0x15130]  }
0x219: {  	v30 =	vld [tilespmem:s12+$0x151B0]  }
0x21a: {  	v31 =	vld [tilespmem:s12+$0x15040]  }
0x21b: {  	v32 =	vld [tilespmem:s12+$0x150C0]  }
0x21c: {  	v33 =	vld [tilespmem:s12+$0x15140]  }
0x21d: {  	v34 =	vld [tilespmem:s12+$0x151C0]  }
0x21e: {  	v35 =	vld [tilespmem:s12+$0x15050]  }
0x21f: {  	v36 =	vld [tilespmem:s12+$0x150D0]  }
0x220: {  	v37 =	vld [tilespmem:s12+$0x15150]  }
0x221: {  	v38 =	vld [tilespmem:s12+$0x151D0];
	s9 =	smul.u32 $0x3, s0  }
0x222: {  	v39 =	vld [tilespmem:s12+$0x15060]  }
0x223: {  	v40 =	vld [tilespmem:s12+$0x150E0];
	p0 =	seq.s32 s0, $0x29;
	s9 =	sadd.s32 $0x5, s9  }
0x224: {  	v41 =	vld [tilespmem:s12+$0x15160];
	s14 =	sshll.u32 @!p0 s9, $0x8  }
0x225: {  	v42 =	vld [tilespmem:s12+$0x151E0];
	s16 =	simm.s32 @!p0 $0x15000;
	s12 =	sand.u32 @!p0 $0x3FFFFF00, s14;
	s14 =	simm.s32 @!p0 $0x64  }
0x226: {  	[tilespmem:s16], [sflag:$0x5] =	stream.indirect.gather @!p0 [hbm4b:s1+s14], $0x80, s12, s14, $0xb8;
	[tilespmem:$0x1F800] =	vst v63  }
0x227: {  	_ =	swait.ge [sflag:s29], $0x3200  }
0x228: {  	[sflag:s29] =	ssyncset.done $0x0  }
0x229: {  	s16 =	simm.s32 $0x0;
	[sflag:s29] =	ssyncadd.s32 $0xFFFFCE00  }
0x22a: {  	v43 =	vld [tilespmem:s16+$0x18470]  }
0x22b: {  	v44 =	vld [tilespmem:s16+$0x184F0]  }
0x22c: {  	v45 =	vld [tilespmem:s16+$0x18570]  }
0x22d: {  	v46 =	vld [tilespmem:s16+$0x185F0]  }
0x22e: {  	v47 =	vld [tilespmem:s16+$0x18400]  }
0x22f: {  	v48 =	vld [tilespmem:s16+$0x18480]  }
0x230: {  	v49 =	vld [tilespmem:s16+$0x18500]  }
0x231: {  	v50 =	vld [tilespmem:s16+$0x18580]  }
0x232: {  	v51 =	vld [tilespmem:s16+$0x18410]  }
0x233: {  	v52 =	vld [tilespmem:s16+$0x18490]  }
0x234: {  	v53 =	vld [tilespmem:s16+$0x18510]  }
0x235: {  	v54 =	vld [tilespmem:s16+$0x18590]  }
0x236: {  	v9 =	vmax.f32 v9, v11;
	v55 =	vld [tilespmem:s16+$0x18420]  }
0x237: {  	v9 =	vmax.f32 v13, v9;
	v11 =	vld [tilespmem:s16+$0x184A0]  }
0x238: {  	v8 =	vmax.f32 v8, v10;
	v5 =	vmax.f32 v5, v9;
	v10 =	vmax.f32 v12, v14;
	v12 =	vld [tilespmem:s16+$0x18520]  }
0x239: {  	v13 =	vmax.f32 v17, v18;
	v8 =	vmax.f32 v8, v10;
	v10 =	vmax.f32 v15, v16;
	v14 =	vld [tilespmem:s16+$0x185A0]  }
0x23a: {  	v29 =	vmax.f32 v29, v30;
	v7 =	vmax.f32 v7, v8;
	v8 =	vmax.f32 v10, v13;
	v9 =	vld [tilespmem:s16+$0x18430]  }
0x23b: {  	v10 =	vmax.f32 v21, v22;
	v6 =	vmax.f32 v6, v8;
	v8 =	vmax.f32 v19, v20;
	v13 =	vld [tilespmem:s16+$0x184B0]  }
0x23c: {  	v15 =	vmax.f32 v25, v26;
	v8 =	vmax.f32 v8, v10;
	v10 =	vmax.f32 v23, v24;
	v63 =	vld [tilespmem:s16+$0x18530]  }
0x23d: {  	v37 =	vmax.f32 v37, v38;
	v30 =	vld [tilespmem:s16+$0x185B0];
	v10 =	vmax.f32 v10, v15;
	v15 =	vmax.f32 v27, v28  }
0x23e: {  	v41 =	vmax.f32 v41, v42;
	v38 =	vld [tilespmem:s16+$0x18540];
	v2 =	vmax.f32 v2, v8;
	v8 =	vmax.f32 v15, v29  }
0x23f: {  	v42 =	vld [tilespmem:s16+$0x185C0];
	v15 =	vmax.f32 v33, v34;
	v8 =	vmax.f32 v4, v8;
	v4 =	vmax.f32 v31, v32  }
0x240: {  	v57 =	vld [tilespmem:s16+$0x18450];
	v4 =	vmax.f32 v4, v15;
	v15 =	vmax.f32 v35, v36  }
0x241: {  	v40 =	vmax.f32 v39, v40;
	v58 =	vld [tilespmem:s16+$0x184D0];
	v3 =	vmax.f32 v3, v10;
	v15 =	vmax.f32 v15, v37  }
0x242: {  	v59 =	vld [tilespmem:s16+$0x18550];
	v56 =	vmax.f32 v0, v4;
	v0 =	vmax.f32 v40, v41;
	v4 =	vmax.f32 v45, v46  }
0x243: {  	v61 =	vld [tilespmem:s16+$0x185D0];
	v15 =	vmax.f32 v1, v15;
	v1 =	vmax.f32 v5, v0;
	v0 =	vmax.f32 v43, v44  }
0x244: {  	v10 =	vld [tilespmem:s16+$0x18440];
	v5 =	vmax.f32 v49, v50;
	v0 =	vmax.f32 v0, v4;
	v4 =	vmax.f32 v47, v48  }
0x245: {  	v34 =	vld [tilespmem:s16+$0x184C0];
	v60 =	vmax.f32 v53, v54;
	v4 =	vmax.f32 v4, v5;
	v5 =	vmax.f32 v51, v52  }
0x246: {  	v62 =	vld [tilespmem:s16+$0x18460];
	v0 =	vmax.f32 v7, v0;
	v4 =	vmax.f32 v6, v4;
	v5 =	vmax.f32 v5, v60  }
0x247: {  	v6 =	vmax.f32 v12, v14;
	v14 =	vld [tilespmem:s16+$0x184E0];
	v5 =	vmax.f32 v2, v5;
	v2 =	vmax.f32 v55, v11  }
0x248: {  	v7 =	vmax.f32 v63, v30;
	v63 =	vmax.f32 v59, v61;
	v12 =	vld [tilespmem:s16+$0x185E0];
	v2 =	vmax.f32 v2, v6  }
0x249: {  	s12 =	simm.s32 $0x200;
	v11 =	vld [tilespmem:s16+$0x18560];
	v6 =	vmax.f32 v9, v13;
	v13 =	vmax.f32 v57, v58;
	v2 =	vmax.f32 v3, v2  }
0x24a: {  	v9 =	vld [tilespmem:s12+$0x18470];
	v3 =	vmax.f32 v6, v7;
	v7 =	vmax.f32 v10, v34;
	v10 =	vmax.f32 v38, v42  }
0x24b: {  	v13 =	vmax.f32 v13, v63;
	v6 =	vmax.f32 v8, v3;
	v3 =	vmax.f32 v7, v10;
	v10 =	vld [tilespmem:s12+$0x184F0]  }
0x24c: {  	s14 =	simm.s32 $0x1000;
	v8 =	vld [tilespmem:s12+$0x18570];
	v7 =	vmax.f32 v56, v3;
	v3 =	vmax.f32 v15, v13;
	v13 =	vmax.f32 v62, v14  }
.LBB2_13:
0x24d: {  	p1 =	sne.s32 s14, $0xC000;
	v14 =	vld [tilespmem:s12+$0x185F0]  }
0x24e: {  	v15 =	vld [tilespmem:s12+$0x18400];
	v11 =	vmax.f32 v11, v12  }
0x24f: {  	v12 =	vld [tilespmem:s12+$0x18480];
	v11 =	vmax.f32 v13, v11  }
0x250: {  	v13 =	vld [tilespmem:s12+$0x18500];
	v1 =	vmax.f32 v1, v11  }
0x251: {  	v11 =	vld [tilespmem:s12+$0x18580]  }
0x252: {  	v9 =	vmax.f32 v9, v10;
	v16 =	vld [tilespmem:s12+$0x18410];
	v8 =	vmax.f32 v8, v14  }
0x253: {  	v10 =	vld [tilespmem:s12+$0x18490];
	v8 =	vmax.f32 v9, v8  }
0x254: {  	v9 =	vmax.f32 v15, v12;
	v12 =	vld [tilespmem:s12+$0x18510];
	v0 =	vmax.f32 v0, v8  }
0x255: {  	v8 =	vld [tilespmem:s12+$0x18590]  }
0x256: {  	v11 =	vmax.f32 v13, v11;
	v13 =	vld [tilespmem:s12+$0x18420]  }
0x257: {  	v9 =	vmax.f32 v9, v11;
	v11 =	vld [tilespmem:s12+$0x184A0]  }
0x258: {  	v4 =	vmax.f32 v4, v9;
	v9 =	vmax.f32 v16, v10;
	v10 =	vld [tilespmem:s12+$0x18520]  }
0x259: {  	v14 =	vld [tilespmem:s12+$0x185A0]  }
0x25a: {  	v8 =	vmax.f32 v12, v8;
	v12 =	vld [tilespmem:s12+$0x18430]  }
0x25b: {  	v8 =	vmax.f32 v9, v8;
	v9 =	vld [tilespmem:s12+$0x184B0]  }
0x25c: {  	v5 =	vmax.f32 v5, v8;
	v8 =	vmax.f32 v13, v11;
	v11 =	vld [tilespmem:s12+$0x18530]  }
0x25d: {  	v13 =	vld [tilespmem:s12+$0x185B0]  }
0x25e: {  	v10 =	vmax.f32 v10, v14;
	v14 =	vld [tilespmem:s12+$0x18440]  }
0x25f: {  	v8 =	vmax.f32 v8, v10;
	v10 =	vld [tilespmem:s12+$0x184C0]  }
0x260: {  	v2 =	vmax.f32 v2, v8;
	v8 =	vmax.f32 v12, v9;
	v9 =	vld [tilespmem:s12+$0x18540]  }
0x261: {  	v12 =	vld [tilespmem:s12+$0x185C0]  }
0x262: {  	v11 =	vmax.f32 v11, v13;
	v13 =	vld [tilespmem:s12+$0x18450]  }
0x263: {  	v8 =	vmax.f32 v8, v11;
	v11 =	vld [tilespmem:s12+$0x184D0]  }
0x264: {  	v6 =	vmax.f32 v6, v8;
	v8 =	vmax.f32 v14, v10;
	v10 =	vld [tilespmem:s12+$0x18550]  }
0x265: {  	v14 =	vld [tilespmem:s12+$0x185D0]  }
0x266: {  	v9 =	vmax.f32 v9, v12;
	v15 =	vld [tilespmem:s12+$0x18460]  }
0x267: {  	v8 =	vmax.f32 v8, v9;
	v16 =	vld [tilespmem:s12+$0x184E0]  }
.Ltmp5:
0x268: {  	v7 =	vmax.f32 v7, v8;
	v8 =	vmax.f32 v13, v11;
	v11 =	vld [tilespmem:s12+$0x18560];
	(pc) =	sbr.rel @p1 .LBB2_13-.Ltmp5, $4  }
0x269: {  	v12 =	vld [tilespmem:s12+$0x185E0];
	s12 =	sshra.s32 s14, $0x2  }
0x26a: {  	v9 =	vld [tilespmem:s12+$0x18470];
	v13 =	vmax.f32 v10, v14  }
0x26b: {  	v10 =	vld [tilespmem:s12+$0x184F0];
	v13 =	vmax.f32 v8, v13  }
0x26c: {  	s14 =	sadd.s32 $0x800, s14;
	v8 =	vld [tilespmem:s12+$0x18570];
	v3 =	vmax.f32 v3, v13;
	v13 =	vmax.f32 v15, v16  }
0x26d: {  	v14 =	vld [tilespmem:s12+$0x18400]  }
0x26e: {  	v15 =	vld [tilespmem:s12+$0x18480]  }
0x26f: {  	v16 =	vld [tilespmem:s12+$0x18500]  }
0x270: {  	v17 =	vld [tilespmem:s12+$0x18580]  }
0x271: {  	v18 =	vld [tilespmem:s12+$0x18410]  }
0x272: {  	v19 =	vld [tilespmem:s12+$0x18490]  }
0x273: {  	v20 =	vld [tilespmem:s12+$0x18510]  }
0x274: {  	v21 =	vld [tilespmem:s12+$0x18590]  }
0x275: {  	v22 =	vld [tilespmem:s12+$0x18420]  }
0x276: {  	v23 =	vld [tilespmem:s12+$0x184A0]  }
0x277: {  	v24 =	vld [tilespmem:s12+$0x18520]  }
0x278: {  	v25 =	vld [tilespmem:s12+$0x185A0]  }
0x279: {  	v26 =	vld [tilespmem:s12+$0x18430]  }
0x27a: {  	v27 =	vld [tilespmem:s12+$0x184B0]  }
0x27b: {  	v28 =	vld [tilespmem:s12+$0x18530]  }
0x27c: {  	v29 =	vld [tilespmem:s12+$0x185B0]  }
0x27d: {  	v30 =	vld [tilespmem:s12+$0x18440]  }
0x27e: {  	v31 =	vld [tilespmem:s12+$0x184C0]  }
0x27f: {  	v32 =	vld [tilespmem:s12+$0x18540]  }
0x280: {  	v33 =	vld [tilespmem:s12+$0x185C0]  }
0x281: {  	v34 =	vld [tilespmem:s12+$0x18450]  }
0x282: {  	v35 =	vld [tilespmem:s12+$0x184D0]  }
0x283: {  	v36 =	vld [tilespmem:s12+$0x18550];
	v11 =	vmax.f32 v11, v12  }
0x284: {  	v40 =	vld [tilespmem:s12+$0x18460];
	v11 =	vmax.f32 v13, v11  }
0x285: {  	v43 =	vld [tilespmem:s12+$0x184E0];
	v1 =	vmax.f32 v1, v11;
	v9 =	vmax.f32 v9, v10;
	v38 =	vmax.f32 v14, v15  }
0x286: {  	v45 =	vld [tilespmem:s12+$0x18560];
	v39 =	vmax.f32 v16, v17;
	v41 =	vmax.f32 v18, v19;
	v42 =	vmax.f32 v20, v21  }
0x287: {  	v48 =	vld [tilespmem:s12+$0x185E0];
	v46 =	vmax.f32 v22, v23;
	v47 =	vmax.f32 v24, v25;
	v49 =	vmax.f32 v26, v27  }
0x288: {  	v37 =	vld [tilespmem:s12+$0x185D0];
	v50 =	vmax.f32 v28, v29;
	v52 =	vmax.f32 v30, v31;
	v11 =	vmax.f32 v38, v39  }
0x289: {  	v51 =	vld [tilespmem:s12+$0x185F0];
	v53 =	vmax.f32 v32, v33;
	v44 =	vmax.f32 v41, v42;
	v4 =	vmax.f32 v4, v11  }
0x28a: {  	v57 =	vmax.f32 v34, v35;
	v10 =	vmax.f32 v46, v47;
	v5 =	vmax.f32 v5, v44;
	[tilespmem:s2+$0x1B900] =	vst v4  }
0x28b: {  	v60 =	vmax.f32 v40, v43;
	v14 =	vmax.f32 v49, v50;
	v2 =	vmax.f32 v2, v10;
	[tilespmem:s2+$0x1B910] =	vst v5  }
0x28c: {  	v61 =	vmax.f32 v45, v48;
	v55 =	vmax.f32 v52, v53;
	v54 =	vmax.f32 v6, v14;
	[tilespmem:s2+$0x1B920] =	vst v2  }
.Ltmp6:
0x28d: {  	v58 =	vmax.f32 v36, v37;
	v63 =	vmax.f32 v60, v61;
	v56 =	vmax.f32 v7, v55;
	[tilespmem:s2+$0x1B930] =	vst v54;
	(pc) =	sbr.rel @p0 .LBB2_16-.Ltmp6, $4  }
0x28e: {  	v62 =	vmax.f32 v8, v51;
	v59 =	vmax.f32 v57, v58;
	v1 =	vmax.f32 v1, v63;
	[tilespmem:s2+$0x1B940] =	vst v56  }
0x28f: {  	v2 =	vmax.f32 v3, v59;
	v4 =	vmax.f32 v9, v62;
	[tilespmem:s2+$0x1B960] =	vst v1  }
0x290: {  	[tilespmem:s2+$0x1B950] =	vst v2;
	v0 =	vmax.f32 v0, v4  }
0x291: {  	[tilespmem:s2+$0x1B970] =	vst v0  }
.Ltmp7:
0x292: {  	(pc) =	sbr.rel .LBB2_2-.Ltmp7, $4  }
0x293: {  	s2 =	sshll.u32 s9, $0x8  }
0x294: {  	s2 =	sand.u32 $0x3FFFFF00, s2  }
0x295: {  	s0 =	sadd.s32 $0x1, s0;
	s2 =	sor.u32 $0x80, s2  }
0x296: {  	[tilespmem:s21], [sflag:$0x6] =	stream.indirect.gather [hbm4b:s1+s10], $0x80, s2, s10, $0xb8;
	[tilespmem:$0x1F800] =	vst v63  }
.LBB2_16:
0x297: {  	_ =	swait.ge [sflag:s23], $0x3200  }
0x298: {  	[sflag:s23] =	ssyncset.done $0x0  }
0x299: {  	s2 =	simm.s32 $0x0;
	[sflag:s23] =	ssyncadd.s32 $0xFFFFCE00  }
0x29a: {  	v0 =	vld [tilespmem:s2+$0x8070]  }
0x29b: {  	v1 =	vld [tilespmem:s2+$0x80F0]  }
0x29c: {  	v2 =	vld [tilespmem:s2+$0x8170]  }
0x29d: {  	v3 =	vld [tilespmem:s2+$0x81F0]  }
0x29e: {  	v4 =	vld [tilespmem:s2+$0x8000]  }
0x29f: {  	v5 =	vld [tilespmem:s2+$0x8080]  }
0x2a0: {  	v6 =	vld [tilespmem:s2+$0x8100]  }
0x2a1: {  	v7 =	vld [tilespmem:s2+$0x8180]  }
0x2a2: {  	v8 =	vld [tilespmem:s2+$0x8010]  }
0x2a3: {  	v9 =	vld [tilespmem:s2+$0x8090]  }
0x2a4: {  	v10 =	vld [tilespmem:s2+$0x8110]  }
0x2a5: {  	v11 =	vld [tilespmem:s2+$0x8190]  }
0x2a6: {  	v12 =	vld [tilespmem:s2+$0x8020]  }
0x2a7: {  	v13 =	vld [tilespmem:s2+$0x80A0]  }
0x2a8: {  	v14 =	vld [tilespmem:s2+$0x8120]  }
0x2a9: {  	v15 =	vld [tilespmem:s2+$0x81A0]  }
0x2aa: {  	v16 =	vld [tilespmem:s2+$0x8030]  }
0x2ab: {  	v17 =	vld [tilespmem:s2+$0x80B0]  }
0x2ac: {  	v18 =	vld [tilespmem:s2+$0x8130]  }
0x2ad: {  	v19 =	vld [tilespmem:s2+$0x81B0]  }
0x2ae: {  	v20 =	vld [tilespmem:s2+$0x8040]  }
0x2af: {  	v21 =	vld [tilespmem:s2+$0x80C0]  }
0x2b0: {  	v22 =	vld [tilespmem:s2+$0x8140]  }
0x2b1: {  	v23 =	vld [tilespmem:s2+$0x81C0]  }
0x2b2: {  	v24 =	vld [tilespmem:s2+$0x80D0];
	v0 =	vmax.f32 v0, v1  }
0x2b3: {  	v1 =	vld [tilespmem:s2+$0x8050];
	v2 =	vmax.f32 v2, v3;
	v3 =	vmax.f32 v4, v5;
	v4 =	vmax.f32 v6, v7  }
0x2b4: {  	v0 =	vmax.f32 v0, v2;
	v2 =	vmax.f32 v3, v4;
	v4 =	vld [tilespmem:s2+$0x8150]  }
0x2b5: {  	v5 =	vmax.f32 v10, v11;
	v6 =	vmax.f32 v12, v13;
	v3 =	vmax.f32 v8, v9;
	v9 =	vld [tilespmem:s2+$0x81D0]  }
0x2b6: {  	v7 =	vmax.f32 v14, v15;
	v10 =	vmax.f32 v18, v19;
	v13 =	vld [tilespmem:s2+$0x8060];
	v15 =	vmax.f32 v20, v21  }
0x2b7: {  	v14 =	vld [tilespmem:s2+$0x80E0];
	v63 =	vmax.f32 v22, v23;
	v8 =	vmax.f32 v16, v17;
	v12 =	vmax.f32 v6, v7  }
0x2b8: {  	v11 =	vld [tilespmem:s2+$0x81E0];
	v3 =	vmax.f32 v3, v5;
	v10 =	vmax.f32 v8, v10;
	v5 =	vimm.f32 $-Inf  }
0x2b9: {  	s0 =	simm.s32 $0x200;
	v8 =	vld [tilespmem:s2+$0x8160];
	v7 =	vmax.f32 v5, v0;
	v6 =	vmax.f32 v5, v2;
	v2 =	vmax.f32 v5, v3  }
0x2ba: {  	v3 =	vmax.f32 v5, v12;
	v0 =	vmax.f32 v1, v24;
	v1 =	vmax.f32 v4, v9;
	v9 =	vld [tilespmem:s0+$0x8070]  }
0x2bb: {  	v12 =	vmax.f32 v15, v63;
	v4 =	vmax.f32 v5, v10;
	v10 =	vld [tilespmem:s0+$0x80F0];
	v1 =	vmax.f32 v0, v1  }
0x2bc: {  	s2 =	simm.s32 $0x1000;
	v13 =	vmax.f32 v13, v14;
	v0 =	vmax.f32 v5, v12;
	v12 =	vld [tilespmem:s0+$0x8170];
	v1 =	vmax.f32 v5, v1  }
.LBB2_17:
0x2bd: {  	p0 =	sne.s32 s2, $0xC000;
	v14 =	vld [tilespmem:s0+$0x81F0]  }
0x2be: {  	v15 =	vld [tilespmem:s0+$0x8000];
	v8 =	vmax.f32 v8, v11  }
0x2bf: {  	v11 =	vld [tilespmem:s0+$0x8080];
	v8 =	vmax.f32 v13, v8  }
0x2c0: {  	v13 =	vld [tilespmem:s0+$0x8100];
	v5 =	vmax.f32 v5, v8  }
0x2c1: {  	v8 =	vld [tilespmem:s0+$0x8180]  }
0x2c2: {  	v9 =	vmax.f32 v9, v10;
	v16 =	vld [tilespmem:s0+$0x8010];
	v10 =	vmax.f32 v12, v14  }
0x2c3: {  	v12 =	vld [tilespmem:s0+$0x8090];
	v9 =	vmax.f32 v9, v10  }
0x2c4: {  	v10 =	vmax.f32 v15, v11;
	v11 =	vld [tilespmem:s0+$0x8110];
	v7 =	vmax.f32 v7, v9  }
0x2c5: {  	v9 =	vld [tilespmem:s0+$0x8190]  }
0x2c6: {  	v8 =	vmax.f32 v13, v8;
	v13 =	vld [tilespmem:s0+$0x8020]  }
0x2c7: {  	v8 =	vmax.f32 v10, v8;
	v10 =	vld [tilespmem:s0+$0x80A0]  }
0x2c8: {  	v6 =	vmax.f32 v6, v8;
	v8 =	vmax.f32 v16, v12;
	v12 =	vld [tilespmem:s0+$0x8120]  }
0x2c9: {  	v14 =	vld [tilespmem:s0+$0x81A0]  }
0x2ca: {  	v9 =	vmax.f32 v11, v9;
	v11 =	vld [tilespmem:s0+$0x8030]  }
0x2cb: {  	v8 =	vmax.f32 v8, v9;
	v9 =	vld [tilespmem:s0+$0x80B0]  }
0x2cc: {  	v2 =	vmax.f32 v2, v8;
	v8 =	vmax.f32 v13, v10;
	v10 =	vld [tilespmem:s0+$0x8130]  }
0x2cd: {  	v13 =	vld [tilespmem:s0+$0x81B0]  }
0x2ce: {  	v12 =	vmax.f32 v12, v14;
	v14 =	vld [tilespmem:s0+$0x8040]  }
0x2cf: {  	v8 =	vmax.f32 v8, v12;
	v12 =	vld [tilespmem:s0+$0x80C0]  }
0x2d0: {  	v3 =	vmax.f32 v3, v8;
	v8 =	vmax.f32 v11, v9;
	v9 =	vld [tilespmem:s0+$0x8140]  }
0x2d1: {  	v11 =	vld [tilespmem:s0+$0x81C0]  }
0x2d2: {  	v10 =	vmax.f32 v10, v13;
	v13 =	vld [tilespmem:s0+$0x8050]  }
0x2d3: {  	v8 =	vmax.f32 v8, v10;
	v10 =	vld [tilespmem:s0+$0x80D0]  }
0x2d4: {  	v4 =	vmax.f32 v4, v8;
	v8 =	vmax.f32 v14, v12;
	v12 =	vld [tilespmem:s0+$0x8150]  }
0x2d5: {  	v14 =	vld [tilespmem:s0+$0x81D0]  }
0x2d6: {  	v9 =	vmax.f32 v9, v11;
	v15 =	vld [tilespmem:s0+$0x8060]  }
0x2d7: {  	v8 =	vmax.f32 v8, v9;
	v16 =	vld [tilespmem:s0+$0x80E0]  }
.Ltmp8:
0x2d8: {  	v0 =	vmax.f32 v0, v8;
	v13 =	vmax.f32 v13, v10;
	v8 =	vld [tilespmem:s0+$0x8160];
	(pc) =	sbr.rel @p0 .LBB2_17-.Ltmp8, $4  }
0x2d9: {  	v11 =	vld [tilespmem:s0+$0x81E0];
	s0 =	sshra.s32 s2, $0x2  }
0x2da: {  	v9 =	vld [tilespmem:s0+$0x8070];
	v12 =	vmax.f32 v12, v14  }
0x2db: {  	v10 =	vld [tilespmem:s0+$0x80F0];
	v13 =	vmax.f32 v13, v12  }
0x2dc: {  	s2 =	sadd.s32 $0x800, s2;
	v12 =	vld [tilespmem:s0+$0x8170];
	v1 =	vmax.f32 v1, v13;
	v13 =	vmax.f32 v15, v16  }
0x2dd: {  	v14 =	vld [tilespmem:s0+$0x81F0]  }
0x2de: {  	v15 =	vld [tilespmem:s0+$0x8000]  }
0x2df: {  	v16 =	vld [tilespmem:s0+$0x8080]  }
0x2e0: {  	v17 =	vld [tilespmem:s0+$0x8100]  }
0x2e1: {  	v18 =	vld [tilespmem:s0+$0x8180]  }
0x2e2: {  	v19 =	vld [tilespmem:s0+$0x8010]  }
0x2e3: {  	v20 =	vld [tilespmem:s0+$0x8090]  }
0x2e4: {  	v21 =	vld [tilespmem:s0+$0x8110]  }
0x2e5: {  	v22 =	vld [tilespmem:s0+$0x8190]  }
0x2e6: {  	v23 =	vld [tilespmem:s0+$0x8020]  }
0x2e7: {  	v24 =	vld [tilespmem:s0+$0x80A0]  }
0x2e8: {  	v25 =	vld [tilespmem:s0+$0x8120]  }
0x2e9: {  	v26 =	vld [tilespmem:s0+$0x81A0]  }
0x2ea: {  	v27 =	vld [tilespmem:s0+$0x8030]  }
0x2eb: {  	v28 =	vld [tilespmem:s0+$0x80B0]  }
0x2ec: {  	v29 =	vld [tilespmem:s0+$0x8130]  }
0x2ed: {  	v30 =	vld [tilespmem:s0+$0x81B0]  }
0x2ee: {  	v31 =	vld [tilespmem:s0+$0x8040]  }
0x2ef: {  	v32 =	vld [tilespmem:s0+$0x80C0]  }
0x2f0: {  	v33 =	vld [tilespmem:s0+$0x8140]  }
0x2f1: {  	v34 =	vld [tilespmem:s0+$0x81C0]  }
0x2f2: {  	v35 =	vld [tilespmem:s0+$0x8050]  }
0x2f3: {  	v36 =	vld [tilespmem:s0+$0x80D0]  }
0x2f4: {  	v37 =	vld [tilespmem:s0+$0x8150]  }
0x2f5: {  	v38 =	vld [tilespmem:s0+$0x81D0]  }
0x2f6: {  	v39 =	vld [tilespmem:s0+$0x8060]  }
0x2f7: {  	v40 =	vld [tilespmem:s0+$0x80E0]  }
0x2f8: {  	v41 =	vld [tilespmem:s0+$0x8160]  }
0x2f9: {  	v42 =	vld [tilespmem:s0+$0x81E0];
	_ =	swait.ge [sflag:s24], $0x3200  }
0x2fa: {  	[sflag:s24] =	ssyncset.done $0x0  }
0x2fb: {  	s2 =	simm.s32 $0x0;
	[sflag:s24] =	ssyncadd.s32 $0xFFFFCE00  }
0x2fc: {  	v43 =	vld [tilespmem:s2+$0xB470]  }
0x2fd: {  	v44 =	vld [tilespmem:s2+$0xB4F0]  }
0x2fe: {  	v45 =	vld [tilespmem:s2+$0xB570]  }
0x2ff: {  	v46 =	vld [tilespmem:s2+$0xB5F0]  }
0x300: {  	v47 =	vld [tilespmem:s2+$0xB400]  }
0x301: {  	v48 =	vld [tilespmem:s2+$0xB480]  }
0x302: {  	v49 =	vld [tilespmem:s2+$0xB500]  }
0x303: {  	v50 =	vld [tilespmem:s2+$0xB580]  }
0x304: {  	v51 =	vld [tilespmem:s2+$0xB410]  }
0x305: {  	v52 =	vld [tilespmem:s2+$0xB490]  }
0x306: {  	v53 =	vld [tilespmem:s2+$0xB510]  }
0x307: {  	v54 =	vld [tilespmem:s2+$0xB590]  }
0x308: {  	v55 =	vld [tilespmem:s2+$0xB420]  }
0x309: {  	v8 =	vmax.f32 v8, v11;
	v11 =	vld [tilespmem:s2+$0xB4A0]  }
0x30a: {  	v8 =	vmax.f32 v13, v8;
	v9 =	vmax.f32 v9, v10;
	v63 =	vld [tilespmem:s2+$0xB530];
	v10 =	vmax.f32 v12, v14  }
0x30b: {  	v57 =	vld [tilespmem:s2+$0xB450];
	v13 =	vmax.f32 v17, v18;
	v9 =	vmax.f32 v9, v10;
	v10 =	vmax.f32 v15, v16  }
0x30c: {  	v5 =	vmax.f32 v5, v8;
	v58 =	vld [tilespmem:s2+$0xB4D0];
	v29 =	vmax.f32 v29, v30;
	v8 =	vmax.f32 v10, v13  }
0x30d: {  	v59 =	vld [tilespmem:s2+$0xB550];
	v10 =	vmax.f32 v21, v22;
	v6 =	vmax.f32 v6, v8;
	v8 =	vmax.f32 v19, v20  }
0x30e: {  	v61 =	vld [tilespmem:s2+$0xB5D0];
	v15 =	vmax.f32 v25, v26;
	v8 =	vmax.f32 v8, v10;
	v10 =	vmax.f32 v23, v24  }
0x30f: {  	v12 =	vld [tilespmem:s2+$0xB520];
	v37 =	vmax.f32 v37, v38;
	v10 =	vmax.f32 v10, v15;
	v15 =	vmax.f32 v27, v28  }
0x310: {  	v14 =	vld [tilespmem:s2+$0xB5A0];
	v40 =	vmax.f32 v39, v40;
	v2 =	vmax.f32 v2, v8;
	v8 =	vmax.f32 v15, v29  }
0x311: {  	v30 =	vld [tilespmem:s2+$0xB5B0];
	v15 =	vmax.f32 v33, v34;
	v8 =	vmax.f32 v4, v8;
	v4 =	vmax.f32 v31, v32  }
0x312: {  	v38 =	vld [tilespmem:s2+$0xB540];
	v41 =	vmax.f32 v41, v42;
	v4 =	vmax.f32 v4, v15;
	v15 =	vmax.f32 v35, v36  }
0x313: {  	v42 =	vld [tilespmem:s2+$0xB5C0];
	v7 =	vmax.f32 v7, v9;
	v3 =	vmax.f32 v3, v10;
	v15 =	vmax.f32 v15, v37  }
0x314: {  	v9 =	vld [tilespmem:s2+$0xB430];
	v56 =	vmax.f32 v0, v4;
	v0 =	vmax.f32 v40, v41;
	v4 =	vmax.f32 v45, v46  }
0x315: {  	v13 =	vld [tilespmem:s2+$0xB4B0];
	v15 =	vmax.f32 v1, v15;
	v1 =	vmax.f32 v5, v0;
	v0 =	vmax.f32 v43, v44  }
0x316: {  	v10 =	vld [tilespmem:s2+$0xB440];
	v5 =	vmax.f32 v49, v50;
	v0 =	vmax.f32 v0, v4;
	v4 =	vmax.f32 v47, v48  }
0x317: {  	v60 =	vmax.f32 v53, v54;
	v34 =	vld [tilespmem:s2+$0xB4C0];
	v4 =	vmax.f32 v4, v5;
	v5 =	vmax.f32 v51, v52  }
0x318: {  	v62 =	vld [tilespmem:s2+$0xB460];
	v0 =	vmax.f32 v7, v0;
	v4 =	vmax.f32 v6, v4;
	v5 =	vmax.f32 v5, v60  }
0x319: {  	v6 =	vmax.f32 v12, v14;
	v14 =	vld [tilespmem:s2+$0xB4E0];
	v5 =	vmax.f32 v2, v5;
	v2 =	vmax.f32 v55, v11  }
0x31a: {  	v7 =	vmax.f32 v63, v30;
	v63 =	vmax.f32 v59, v61;
	v12 =	vld [tilespmem:s2+$0xB5E0];
	v2 =	vmax.f32 v2, v6  }
0x31b: {  	s0 =	simm.s32 $0x200;
	v11 =	vld [tilespmem:s2+$0xB560];
	v6 =	vmax.f32 v9, v13;
	v13 =	vmax.f32 v57, v58;
	v2 =	vmax.f32 v3, v2  }
0x31c: {  	v9 =	vld [tilespmem:s0+$0xB470];
	v3 =	vmax.f32 v6, v7;
	v7 =	vmax.f32 v10, v34;
	v10 =	vmax.f32 v38, v42  }
0x31d: {  	v13 =	vmax.f32 v13, v63;
	v6 =	vmax.f32 v8, v3;
	v3 =	vmax.f32 v7, v10;
	v10 =	vld [tilespmem:s0+$0xB4F0]  }
0x31e: {  	s2 =	simm.s32 $0x1000;
	v8 =	vld [tilespmem:s0+$0xB570];
	v7 =	vmax.f32 v56, v3;
	v3 =	vmax.f32 v15, v13;
	v13 =	vmax.f32 v62, v14  }
.LBB2_19:
0x31f: {  	p0 =	sne.s32 s2, $0xC000;
	v14 =	vld [tilespmem:s0+$0xB5F0]  }
0x320: {  	v15 =	vld [tilespmem:s0+$0xB400];
	v11 =	vmax.f32 v11, v12  }
0x321: {  	v12 =	vld [tilespmem:s0+$0xB480];
	v11 =	vmax.f32 v13, v11  }
0x322: {  	v13 =	vld [tilespmem:s0+$0xB500];
	v1 =	vmax.f32 v1, v11  }
0x323: {  	v11 =	vld [tilespmem:s0+$0xB580]  }
0x324: {  	v9 =	vmax.f32 v9, v10;
	v16 =	vld [tilespmem:s0+$0xB410];
	v8 =	vmax.f32 v8, v14  }
0x325: {  	v10 =	vld [tilespmem:s0+$0xB490];
	v8 =	vmax.f32 v9, v8  }
0x326: {  	v9 =	vmax.f32 v15, v12;
	v12 =	vld [tilespmem:s0+$0xB510];
	v0 =	vmax.f32 v0, v8  }
0x327: {  	v8 =	vld [tilespmem:s0+$0xB590]  }
0x328: {  	v11 =	vmax.f32 v13, v11;
	v13 =	vld [tilespmem:s0+$0xB420]  }
0x329: {  	v9 =	vmax.f32 v9, v11;
	v11 =	vld [tilespmem:s0+$0xB4A0]  }
0x32a: {  	v4 =	vmax.f32 v4, v9;
	v9 =	vmax.f32 v16, v10;
	v10 =	vld [tilespmem:s0+$0xB520]  }
0x32b: {  	v14 =	vld [tilespmem:s0+$0xB5A0]  }
0x32c: {  	v8 =	vmax.f32 v12, v8;
	v12 =	vld [tilespmem:s0+$0xB430]  }
0x32d: {  	v8 =	vmax.f32 v9, v8;
	v9 =	vld [tilespmem:s0+$0xB4B0]  }
0x32e: {  	v5 =	vmax.f32 v5, v8;
	v8 =	vmax.f32 v13, v11;
	v11 =	vld [tilespmem:s0+$0xB530]  }
0x32f: {  	v13 =	vld [tilespmem:s0+$0xB5B0]  }
0x330: {  	v10 =	vmax.f32 v10, v14;
	v14 =	vld [tilespmem:s0+$0xB440]  }
0x331: {  	v8 =	vmax.f32 v8, v10;
	v10 =	vld [tilespmem:s0+$0xB4C0]  }
0x332: {  	v2 =	vmax.f32 v2, v8;
	v8 =	vmax.f32 v12, v9;
	v9 =	vld [tilespmem:s0+$0xB540]  }
0x333: {  	v12 =	vld [tilespmem:s0+$0xB5C0]  }
0x334: {  	v11 =	vmax.f32 v11, v13;
	v13 =	vld [tilespmem:s0+$0xB450]  }
0x335: {  	v8 =	vmax.f32 v8, v11;
	v11 =	vld [tilespmem:s0+$0xB4D0]  }
0x336: {  	v6 =	vmax.f32 v6, v8;
	v8 =	vmax.f32 v14, v10;
	v10 =	vld [tilespmem:s0+$0xB550]  }
0x337: {  	v14 =	vld [tilespmem:s0+$0xB5D0]  }
0x338: {  	v9 =	vmax.f32 v9, v12;
	v15 =	vld [tilespmem:s0+$0xB460]  }
0x339: {  	v8 =	vmax.f32 v8, v9;
	v16 =	vld [tilespmem:s0+$0xB4E0]  }
.Ltmp9:
0x33a: {  	v7 =	vmax.f32 v7, v8;
	v8 =	vmax.f32 v13, v11;
	v11 =	vld [tilespmem:s0+$0xB560];
	(pc) =	sbr.rel @p0 .LBB2_19-.Ltmp9, $4  }
0x33b: {  	v12 =	vld [tilespmem:s0+$0xB5E0];
	s0 =	sshra.s32 s2, $0x2  }
0x33c: {  	v9 =	vld [tilespmem:s0+$0xB470];
	v13 =	vmax.f32 v10, v14  }
0x33d: {  	v10 =	vld [tilespmem:s0+$0xB4F0];
	v13 =	vmax.f32 v8, v13  }
0x33e: {  	s2 =	sadd.s32 $0x800, s2;
	v8 =	vld [tilespmem:s0+$0xB570];
	v3 =	vmax.f32 v3, v13;
	v13 =	vmax.f32 v15, v16  }
0x33f: {  	v14 =	vld [tilespmem:s0+$0xB400]  }
0x340: {  	v15 =	vld [tilespmem:s0+$0xB480]  }
0x341: {  	v16 =	vld [tilespmem:s0+$0xB500]  }
0x342: {  	v17 =	vld [tilespmem:s0+$0xB580]  }
0x343: {  	v18 =	vld [tilespmem:s0+$0xB410]  }
0x344: {  	v19 =	vld [tilespmem:s0+$0xB490]  }
0x345: {  	v20 =	vld [tilespmem:s0+$0xB510]  }
0x346: {  	v21 =	vld [tilespmem:s0+$0xB590]  }
0x347: {  	v22 =	vld [tilespmem:s0+$0xB420]  }
0x348: {  	v23 =	vld [tilespmem:s0+$0xB4A0]  }
0x349: {  	v24 =	vld [tilespmem:s0+$0xB520]  }
0x34a: {  	v25 =	vld [tilespmem:s0+$0xB5A0]  }
0x34b: {  	v26 =	vld [tilespmem:s0+$0xB430]  }
0x34c: {  	v27 =	vld [tilespmem:s0+$0xB4B0]  }
0x34d: {  	v28 =	vld [tilespmem:s0+$0xB530]  }
0x34e: {  	v29 =	vld [tilespmem:s0+$0xB5B0]  }
0x34f: {  	v30 =	vld [tilespmem:s0+$0xB440]  }
0x350: {  	v31 =	vld [tilespmem:s0+$0xB4C0]  }
0x351: {  	v32 =	vld [tilespmem:s0+$0xB540]  }
0x352: {  	v33 =	vld [tilespmem:s0+$0xB5C0]  }
0x353: {  	v34 =	vld [tilespmem:s0+$0xB450]  }
0x354: {  	v35 =	vld [tilespmem:s0+$0xB4D0]  }
0x355: {  	v47 =	vld [tilespmem:s0+$0xB4E0];
	v11 =	vmax.f32 v11, v12  }
0x356: {  	v48 =	vld [tilespmem:s0+$0xB5E0];
	v11 =	vmax.f32 v13, v11  }
0x357: {  	v50 =	vld [tilespmem:s0+$0xB5F0];
	v1 =	vmax.f32 v1, v11;
	v11 =	vmax.f32 v14, v15;
	v14 =	vmax.f32 v16, v17  }
0x358: {  	v12 =	vld [tilespmem:s0+$0xB550];
	v46 =	vmax.f32 v20, v21;
	v11 =	vmax.f32 v11, v14;
	v14 =	vmax.f32 v18, v19  }
0x359: {  	v13 =	vld [tilespmem:s0+$0xB5D0];
	v9 =	vmax.f32 v9, v10;
	v49 =	vmax.f32 v28, v29;
	v10 =	vmax.f32 v14, v46  }
0x35a: {  	v15 =	vld [tilespmem:s0+$0xB460];
	v14 =	vmax.f32 v24, v25;
	v5 =	vmax.f32 v5, v10;
	v10 =	vmax.f32 v22, v23  }
0x35b: {  	v4 =	vmax.f32 v4, v11;
	v11 =	vld [tilespmem:s0+$0xB560];
	v10 =	vmax.f32 v10, v14;
	v14 =	vmax.f32 v26, v27  }
0x35c: {  	v51 =	vmax.f32 v30, v31;
	v52 =	vmax.f32 v32, v33;
	[tilespmem:$0x1F700] =	vst v4;
	v14 =	vmax.f32 v14, v49  }
0x35d: {  	[tilespmem:$0x1F710] =	vst v5;
	v2 =	vmax.f32 v2, v10;
	v4 =	vmax.f32 v6, v14;
	v6 =	vmax.f32 v51, v52  }
0x35e: {  	[tilespmem:$0x1F720] =	vst v2;
	v5 =	vmax.f32 v7, v6;
	v6 =	vmax.f32 v34, v35;
	v7 =	vmax.f32 v12, v13  }
0x35f: {  	[tilespmem:$0x1F730] =	vst v4;
	v4 =	vmax.f32 v8, v50;
	v2 =	vmax.f32 v6, v7;
	v6 =	vmax.f32 v15, v47  }
0x360: {  	v7 =	vmax.f32 v11, v48;
	[tilespmem:$0x1F740] =	vst v5;
	v4 =	vmax.f32 v9, v4;
	v2 =	vmax.f32 v3, v2  }
0x361: {  	v3 =	vmax.f32 v6, v7;
	v0 =	vmax.f32 v0, v4;
	[tilespmem:$0x1F750] =	vst v2  }
0x362: {  	v1 =	vmax.f32 v1, v3;
	[tilespmem:$0x1F770] =	vst v0  }
0x363: {  	[tilespmem:$0x1F760] =	vst v1  }
0x364: {  	_ =	swait.ge [sflag:s25], $0x3200  }
0x365: {  	[sflag:s25] =	ssyncset.done $0x0  }
0x366: {  	s2 =	simm.s32 $0x0;
	[sflag:s25] =	ssyncadd.s32 $0xFFFFCE00  }
0x367: {  	v0 =	vld [tilespmem:s2+$0xE870]  }
0x368: {  	v1 =	vld [tilespmem:s2+$0xE8F0]  }
0x369: {  	v2 =	vld [tilespmem:s2+$0xE970]  }
0x36a: {  	v3 =	vld [tilespmem:s2+$0xE9F0]  }
0x36b: {  	v4 =	vld [tilespmem:s2+$0xE800]  }
0x36c: {  	v5 =	vld [tilespmem:s2+$0xE880]  }
0x36d: {  	v6 =	vld [tilespmem:s2+$0xE900]  }
0x36e: {  	v7 =	vld [tilespmem:s2+$0xE980]  }
0x36f: {  	v8 =	vld [tilespmem:s2+$0xE810]  }
0x370: {  	v9 =	vld [tilespmem:s2+$0xE890]  }
0x371: {  	v10 =	vld [tilespmem:s2+$0xE910]  }
0x372: {  	v11 =	vld [tilespmem:s2+$0xE990]  }
0x373: {  	v12 =	vld [tilespmem:s2+$0xE820]  }
0x374: {  	v13 =	vld [tilespmem:s2+$0xE8A0]  }
0x375: {  	v14 =	vld [tilespmem:s2+$0xE920]  }
0x376: {  	v15 =	vld [tilespmem:s2+$0xE9A0]  }
0x377: {  	v53 =	vld [tilespmem:s2+$0xE830]  }
0x378: {  	v54 =	vld [tilespmem:s2+$0xE8B0]  }
0x379: {  	v55 =	vld [tilespmem:s2+$0xE930]  }
0x37a: {  	v56 =	vld [tilespmem:s2+$0xE9B0]  }
0x37b: {  	v57 =	vld [tilespmem:s2+$0xE840]  }
0x37c: {  	v58 =	vld [tilespmem:s2+$0xE8C0]  }
0x37d: {  	v59 =	vld [tilespmem:s2+$0xE940]  }
0x37e: {  	v60 =	vld [tilespmem:s2+$0xE9C0]  }
0x37f: {  	v61 =	vld [tilespmem:s2+$0xE850]  }
0x380: {  	v62 =	vld [tilespmem:s2+$0xE950];
	v0 =	vmax.f32 v0, v1;
	v1 =	vmax.f32 v2, v3;
	v2 =	vmax.f32 v4, v5  }
0x381: {  	v3 =	vmax.f32 v6, v7;
	v4 =	vmax.f32 v8, v9;
	v5 =	vmax.f32 v10, v11;
	v10 =	vld [tilespmem:s2+$0xE9D0]  }
0x382: {  	v6 =	vmax.f32 v12, v13;
	v7 =	vmax.f32 v14, v15;
	v0 =	vmax.f32 v0, v1;
	v1 =	vld [tilespmem:s2+$0xE8D0]  }
0x383: {  	v13 =	vld [tilespmem:s2+$0xE860];
	v8 =	vmax.f32 v53, v54;
	v9 =	vmax.f32 v55, v56;
	v12 =	vmax.f32 v57, v58  }
0x384: {  	v14 =	vld [tilespmem:s2+$0xE8E0];
	v2 =	vmax.f32 v2, v3;
	v3 =	vmax.f32 v4, v5;
	v5 =	vimm.f32 $-Inf  }
0x385: {  	v11 =	vld [tilespmem:s2+$0xE9E0];
	v15 =	vmax.f32 v59, v60;
	v4 =	vmax.f32 v6, v7;
	v7 =	vmax.f32 v5, v0  }
0x386: {  	s0 =	simm.s32 $0x200;
	v6 =	vmax.f32 v5, v2;
	v0 =	vmax.f32 v8, v9;
	v9 =	vld [tilespmem:s2+$0xE960];
	v2 =	vmax.f32 v5, v3  }
0x387: {  	v3 =	vmax.f32 v5, v4;
	v8 =	vld [tilespmem:s0+$0xE870];
	v63 =	vmax.f32 v62, v10;
	v1 =	vmax.f32 v61, v1  }
0x388: {  	v4 =	vmax.f32 v5, v0;
	v0 =	vmax.f32 v12, v15;
	v12 =	vld [tilespmem:s0+$0xE970];
	v1 =	vmax.f32 v1, v63  }
0x389: {  	s2 =	simm.s32 $0x1000;
	v0 =	vmax.f32 v5, v0;
	v10 =	vld [tilespmem:s0+$0xE8F0];
	v13 =	vmax.f32 v13, v14;
	v1 =	vmax.f32 v5, v1  }
.LBB2_21:
0x38a: {  	p0 =	sne.s32 s2, $0xC000;
	v14 =	vld [tilespmem:s0+$0xE9F0]  }
0x38b: {  	v15 =	vld [tilespmem:s0+$0xE800];
	v9 =	vmax.f32 v9, v11  }
0x38c: {  	v11 =	vld [tilespmem:s0+$0xE880];
	v9 =	vmax.f32 v13, v9  }
0x38d: {  	v13 =	vld [tilespmem:s0+$0xE900];
	v5 =	vmax.f32 v5, v9  }
0x38e: {  	v9 =	vld [tilespmem:s0+$0xE980]  }
0x38f: {  	v8 =	vmax.f32 v8, v10;
	v16 =	vld [tilespmem:s0+$0xE810];
	v10 =	vmax.f32 v12, v14  }
0x390: {  	v12 =	vld [tilespmem:s0+$0xE890];
	v8 =	vmax.f32 v8, v10  }
0x391: {  	v10 =	vmax.f32 v15, v11;
	v11 =	vld [tilespmem:s0+$0xE910];
	v7 =	vmax.f32 v7, v8  }
0x392: {  	v8 =	vld [tilespmem:s0+$0xE990]  }
0x393: {  	v9 =	vmax.f32 v13, v9;
	v13 =	vld [tilespmem:s0+$0xE820]  }
0x394: {  	v9 =	vmax.f32 v10, v9;
	v10 =	vld [tilespmem:s0+$0xE8A0]  }
0x395: {  	v6 =	vmax.f32 v6, v9;
	v9 =	vmax.f32 v16, v12;
	v12 =	vld [tilespmem:s0+$0xE920]  }
0x396: {  	v14 =	vld [tilespmem:s0+$0xE9A0]  }
0x397: {  	v8 =	vmax.f32 v11, v8;
	v11 =	vld [tilespmem:s0+$0xE830]  }
0x398: {  	v8 =	vmax.f32 v9, v8;
	v9 =	vld [tilespmem:s0+$0xE8B0]  }
0x399: {  	v2 =	vmax.f32 v2, v8;
	v8 =	vmax.f32 v13, v10;
	v10 =	vld [tilespmem:s0+$0xE930]  }
0x39a: {  	v13 =	vld [tilespmem:s0+$0xE9B0]  }
0x39b: {  	v12 =	vmax.f32 v12, v14;
	v14 =	vld [tilespmem:s0+$0xE840]  }
0x39c: {  	v8 =	vmax.f32 v8, v12;
	v12 =	vld [tilespmem:s0+$0xE8C0]  }
0x39d: {  	v3 =	vmax.f32 v3, v8;
	v8 =	vmax.f32 v11, v9;
	v9 =	vld [tilespmem:s0+$0xE940]  }
0x39e: {  	v11 =	vld [tilespmem:s0+$0xE9C0]  }
0x39f: {  	v10 =	vmax.f32 v10, v13;
	v13 =	vld [tilespmem:s0+$0xE850]  }
0x3a0: {  	v8 =	vmax.f32 v8, v10;
	v10 =	vld [tilespmem:s0+$0xE8D0]  }
0x3a1: {  	v4 =	vmax.f32 v4, v8;
	v8 =	vmax.f32 v14, v12;
	v12 =	vld [tilespmem:s0+$0xE950]  }
0x3a2: {  	v14 =	vld [tilespmem:s0+$0xE9D0]  }
0x3a3: {  	v9 =	vmax.f32 v9, v11;
	v15 =	vld [tilespmem:s0+$0xE860]  }
0x3a4: {  	v8 =	vmax.f32 v8, v9;
	v16 =	vld [tilespmem:s0+$0xE8E0]  }
.Ltmp10:
0x3a5: {  	v0 =	vmax.f32 v0, v8;
	v13 =	vmax.f32 v13, v10;
	v9 =	vld [tilespmem:s0+$0xE960];
	(pc) =	sbr.rel @p0 .LBB2_21-.Ltmp10, $4  }
0x3a6: {  	v11 =	vld [tilespmem:s0+$0xE9E0];
	s0 =	sshra.s32 s2, $0x2  }
0x3a7: {  	v8 =	vld [tilespmem:s0+$0xE870];
	v12 =	vmax.f32 v12, v14  }
0x3a8: {  	v10 =	vld [tilespmem:s0+$0xE8F0];
	v13 =	vmax.f32 v13, v12  }
0x3a9: {  	s2 =	sadd.s32 $0x800, s2;
	v12 =	vld [tilespmem:s0+$0xE970];
	v1 =	vmax.f32 v1, v13;
	v13 =	vmax.f32 v15, v16  }
0x3aa: {  	v14 =	vld [tilespmem:s0+$0xE9F0]  }
0x3ab: {  	v15 =	vld [tilespmem:s0+$0xE800]  }
0x3ac: {  	v16 =	vld [tilespmem:s0+$0xE880]  }
0x3ad: {  	v17 =	vld [tilespmem:s0+$0xE900]  }
0x3ae: {  	v18 =	vld [tilespmem:s0+$0xE980]  }
0x3af: {  	v19 =	vld [tilespmem:s0+$0xE810]  }
0x3b0: {  	v20 =	vld [tilespmem:s0+$0xE890]  }
0x3b1: {  	v21 =	vld [tilespmem:s0+$0xE910]  }
0x3b2: {  	v22 =	vld [tilespmem:s0+$0xE990]  }
0x3b3: {  	v23 =	vld [tilespmem:s0+$0xE820]  }
0x3b4: {  	v24 =	vld [tilespmem:s0+$0xE8A0]  }
0x3b5: {  	v25 =	vld [tilespmem:s0+$0xE920]  }
0x3b6: {  	v26 =	vld [tilespmem:s0+$0xE9A0]  }
0x3b7: {  	v27 =	vld [tilespmem:s0+$0xE830]  }
0x3b8: {  	v28 =	vld [tilespmem:s0+$0xE8B0]  }
0x3b9: {  	v29 =	vld [tilespmem:s0+$0xE930]  }
0x3ba: {  	v30 =	vld [tilespmem:s0+$0xE9B0]  }
0x3bb: {  	v31 =	vld [tilespmem:s0+$0xE840]  }
0x3bc: {  	v32 =	vld [tilespmem:s0+$0xE8C0]  }
0x3bd: {  	v33 =	vld [tilespmem:s0+$0xE940]  }
0x3be: {  	v34 =	vld [tilespmem:s0+$0xE9C0]  }
0x3bf: {  	v35 =	vld [tilespmem:s0+$0xE850]  }
0x3c0: {  	v36 =	vld [tilespmem:s0+$0xE8D0]  }
0x3c1: {  	v37 =	vld [tilespmem:s0+$0xE950]  }
0x3c2: {  	v38 =	vld [tilespmem:s0+$0xE9D0]  }
0x3c3: {  	v39 =	vld [tilespmem:s0+$0xE860]  }
0x3c4: {  	v40 =	vld [tilespmem:s0+$0xE8E0]  }
0x3c5: {  	v41 =	vld [tilespmem:s0+$0xE960]  }
0x3c6: {  	v42 =	vld [tilespmem:s0+$0xE9E0];
	_ =	swait.ge [sflag:s26], $0x3200  }
0x3c7: {  	[sflag:s26] =	ssyncset.done $0x0  }
0x3c8: {  	s2 =	simm.s32 $0x0;
	[sflag:s26] =	ssyncadd.s32 $0xFFFFCE00  }
0x3c9: {  	v43 =	vld [tilespmem:s2+$0x11C70]  }
0x3ca: {  	v44 =	vld [tilespmem:s2+$0x11CF0]  }
0x3cb: {  	v45 =	vld [tilespmem:s2+$0x11D70]  }
0x3cc: {  	v46 =	vld [tilespmem:s2+$0x11DF0]  }
0x3cd: {  	v47 =	vld [tilespmem:s2+$0x11C00]  }
0x3ce: {  	v48 =	vld [tilespmem:s2+$0x11C80]  }
0x3cf: {  	v49 =	vld [tilespmem:s2+$0x11D00]  }
0x3d0: {  	v50 =	vld [tilespmem:s2+$0x11D80]  }
0x3d1: {  	v51 =	vld [tilespmem:s2+$0x11C10]  }
0x3d2: {  	v52 =	vld [tilespmem:s2+$0x11C90]  }
0x3d3: {  	v53 =	vld [tilespmem:s2+$0x11D10]  }
0x3d4: {  	v54 =	vld [tilespmem:s2+$0x11D90]  }
0x3d5: {  	v9 =	vmax.f32 v9, v11;
	v55 =	vld [tilespmem:s2+$0x11C20]  }
0x3d6: {  	v9 =	vmax.f32 v13, v9;
	v11 =	vld [tilespmem:s2+$0x11CA0]  }
0x3d7: {  	v8 =	vmax.f32 v8, v10;
	v5 =	vmax.f32 v5, v9;
	v9 =	vld [tilespmem:s2+$0x11C30];
	v10 =	vmax.f32 v12, v14  }
0x3d8: {  	v63 =	vld [tilespmem:s2+$0x11D30];
	v13 =	vmax.f32 v17, v18;
	v8 =	vmax.f32 v8, v10;
	v10 =	vmax.f32 v15, v16  }
0x3d9: {  	v57 =	vld [tilespmem:s2+$0x11C50];
	v7 =	vmax.f32 v7, v8;
	v8 =	vmax.f32 v10, v13  }
0x3da: {  	v58 =	vld [tilespmem:s2+$0x11CD0];
	v10 =	vmax.f32 v21, v22;
	v6 =	vmax.f32 v6, v8;
	v8 =	vmax.f32 v19, v20  }
0x3db: {  	v59 =	vld [tilespmem:s2+$0x11D50];
	v15 =	vmax.f32 v25, v26;
	v8 =	vmax.f32 v8, v10;
	v10 =	vmax.f32 v23, v24  }
0x3dc: {  	v61 =	vld [tilespmem:s2+$0x11DD0];
	v29 =	vmax.f32 v29, v30;
	v10 =	vmax.f32 v10, v15;
	v15 =	vmax.f32 v27, v28  }
0x3dd: {  	v12 =	vld [tilespmem:s2+$0x11D20];
	v37 =	vmax.f32 v37, v38;
	v2 =	vmax.f32 v2, v8;
	v8 =	vmax.f32 v15, v29  }
0x3de: {  	v14 =	vld [tilespmem:s2+$0x11DA0];
	v15 =	vmax.f32 v33, v34;
	v8 =	vmax.f32 v4, v8;
	v4 =	vmax.f32 v31, v32  }
0x3df: {  	v30 =	vld [tilespmem:s2+$0x11DB0];
	v40 =	vmax.f32 v39, v40;
	v4 =	vmax.f32 v4, v15;
	v15 =	vmax.f32 v35, v36  }
0x3e0: {  	v38 =	vld [tilespmem:s2+$0x11D40];
	v41 =	vmax.f32 v41, v42;
	v3 =	vmax.f32 v3, v10;
	v15 =	vmax.f32 v15, v37  }
0x3e1: {  	v42 =	vld [tilespmem:s2+$0x11DC0];
	v56 =	vmax.f32 v0, v4;
	v0 =	vmax.f32 v40, v41;
	v4 =	vmax.f32 v45, v46  }
0x3e2: {  	v13 =	vld [tilespmem:s2+$0x11CB0];
	v15 =	vmax.f32 v1, v15;
	v1 =	vmax.f32 v5, v0;
	v0 =	vmax.f32 v43, v44  }
0x3e3: {  	v10 =	vld [tilespmem:s2+$0x11C40];
	v5 =	vmax.f32 v49, v50;
	v0 =	vmax.f32 v0, v4;
	v4 =	vmax.f32 v47, v48  }
0x3e4: {  	v60 =	vmax.f32 v53, v54;
	v34 =	vld [tilespmem:s2+$0x11CC0];
	v4 =	vmax.f32 v4, v5;
	v5 =	vmax.f32 v51, v52  }
0x3e5: {  	v62 =	vld [tilespmem:s2+$0x11C60];
	v0 =	vmax.f32 v7, v0;
	v4 =	vmax.f32 v6, v4;
	v5 =	vmax.f32 v5, v60  }
0x3e6: {  	v6 =	vmax.f32 v12, v14;
	v14 =	vld [tilespmem:s2+$0x11CE0];
	v5 =	vmax.f32 v2, v5;
	v2 =	vmax.f32 v55, v11  }
0x3e7: {  	v7 =	vmax.f32 v63, v30;
	v63 =	vmax.f32 v59, v61;
	v12 =	vld [tilespmem:s2+$0x11DE0];
	v2 =	vmax.f32 v2, v6  }
0x3e8: {  	s0 =	simm.s32 $0x200;
	v11 =	vld [tilespmem:s2+$0x11D60];
	v6 =	vmax.f32 v9, v13;
	v13 =	vmax.f32 v57, v58;
	v2 =	vmax.f32 v3, v2  }
0x3e9: {  	v9 =	vld [tilespmem:s0+$0x11C70];
	v3 =	vmax.f32 v6, v7;
	v7 =	vmax.f32 v10, v34;
	v10 =	vmax.f32 v38, v42  }
0x3ea: {  	v13 =	vmax.f32 v13, v63;
	v6 =	vmax.f32 v8, v3;
	v3 =	vmax.f32 v7, v10;
	v10 =	vld [tilespmem:s0+$0x11CF0]  }
0x3eb: {  	s2 =	simm.s32 $0x1000;
	v8 =	vld [tilespmem:s0+$0x11D70];
	v7 =	vmax.f32 v56, v3;
	v3 =	vmax.f32 v15, v13;
	v13 =	vmax.f32 v62, v14  }
.LBB2_23:
0x3ec: {  	p0 =	sne.s32 s2, $0xC000;
	v14 =	vld [tilespmem:s0+$0x11DF0]  }
0x3ed: {  	v15 =	vld [tilespmem:s0+$0x11C00];
	v11 =	vmax.f32 v11, v12  }
0x3ee: {  	v12 =	vld [tilespmem:s0+$0x11C80];
	v11 =	vmax.f32 v13, v11  }
0x3ef: {  	v13 =	vld [tilespmem:s0+$0x11D00];
	v1 =	vmax.f32 v1, v11  }
0x3f0: {  	v11 =	vld [tilespmem:s0+$0x11D80]  }
0x3f1: {  	v9 =	vmax.f32 v9, v10;
	v16 =	vld [tilespmem:s0+$0x11C10];
	v8 =	vmax.f32 v8, v14  }
0x3f2: {  	v10 =	vld [tilespmem:s0+$0x11C90];
	v8 =	vmax.f32 v9, v8  }
0x3f3: {  	v9 =	vmax.f32 v15, v12;
	v12 =	vld [tilespmem:s0+$0x11D10];
	v0 =	vmax.f32 v0, v8  }
0x3f4: {  	v8 =	vld [tilespmem:s0+$0x11D90]  }
0x3f5: {  	v11 =	vmax.f32 v13, v11;
	v13 =	vld [tilespmem:s0+$0x11C20]  }
0x3f6: {  	v9 =	vmax.f32 v9, v11;
	v11 =	vld [tilespmem:s0+$0x11CA0]  }
0x3f7: {  	v4 =	vmax.f32 v4, v9;
	v9 =	vmax.f32 v16, v10;
	v10 =	vld [tilespmem:s0+$0x11D20]  }
0x3f8: {  	v14 =	vld [tilespmem:s0+$0x11DA0]  }
0x3f9: {  	v8 =	vmax.f32 v12, v8;
	v12 =	vld [tilespmem:s0+$0x11C30]  }
0x3fa: {  	v8 =	vmax.f32 v9, v8;
	v9 =	vld [tilespmem:s0+$0x11CB0]  }
0x3fb: {  	v5 =	vmax.f32 v5, v8;
	v8 =	vmax.f32 v13, v11;
	v11 =	vld [tilespmem:s0+$0x11D30]  }
0x3fc: {  	v13 =	vld [tilespmem:s0+$0x11DB0]  }
0x3fd: {  	v10 =	vmax.f32 v10, v14;
	v14 =	vld [tilespmem:s0+$0x11C40]  }
0x3fe: {  	v8 =	vmax.f32 v8, v10;
	v10 =	vld [tilespmem:s0+$0x11CC0]  }
0x3ff: {  	v2 =	vmax.f32 v2, v8;
	v8 =	vmax.f32 v12, v9;
	v9 =	vld [tilespmem:s0+$0x11D40]  }
0x400: {  	v12 =	vld [tilespmem:s0+$0x11DC0]  }
0x401: {  	v11 =	vmax.f32 v11, v13;
	v13 =	vld [tilespmem:s0+$0x11C50]  }
0x402: {  	v8 =	vmax.f32 v8, v11;
	v11 =	vld [tilespmem:s0+$0x11CD0]  }
0x403: {  	v6 =	vmax.f32 v6, v8;
	v8 =	vmax.f32 v14, v10;
	v10 =	vld [tilespmem:s0+$0x11D50]  }
0x404: {  	v14 =	vld [tilespmem:s0+$0x11DD0]  }
0x405: {  	v9 =	vmax.f32 v9, v12;
	v15 =	vld [tilespmem:s0+$0x11C60]  }
0x406: {  	v8 =	vmax.f32 v8, v9;
	v16 =	vld [tilespmem:s0+$0x11CE0]  }
.Ltmp11:
0x407: {  	v7 =	vmax.f32 v7, v8;
	v8 =	vmax.f32 v13, v11;
	v11 =	vld [tilespmem:s0+$0x11D60];
	(pc) =	sbr.rel @p0 .LBB2_23-.Ltmp11, $4  }
0x408: {  	v12 =	vld [tilespmem:s0+$0x11DE0];
	s0 =	sshra.s32 s2, $0x2  }
0x409: {  	v9 =	vld [tilespmem:s0+$0x11C70];
	v13 =	vmax.f32 v10, v14  }
0x40a: {  	v10 =	vld [tilespmem:s0+$0x11CF0];
	v13 =	vmax.f32 v8, v13  }
0x40b: {  	s2 =	sadd.s32 $0x800, s2;
	v8 =	vld [tilespmem:s0+$0x11D70];
	v3 =	vmax.f32 v3, v13;
	v13 =	vmax.f32 v15, v16  }
0x40c: {  	v14 =	vld [tilespmem:s0+$0x11C00]  }
0x40d: {  	v15 =	vld [tilespmem:s0+$0x11C80]  }
0x40e: {  	v16 =	vld [tilespmem:s0+$0x11D00]  }
0x40f: {  	v17 =	vld [tilespmem:s0+$0x11D80]  }
0x410: {  	v18 =	vld [tilespmem:s0+$0x11C10]  }
0x411: {  	v19 =	vld [tilespmem:s0+$0x11C90]  }
0x412: {  	v20 =	vld [tilespmem:s0+$0x11D10]  }
0x413: {  	v21 =	vld [tilespmem:s0+$0x11D90]  }
0x414: {  	v22 =	vld [tilespmem:s0+$0x11C20]  }
0x415: {  	v23 =	vld [tilespmem:s0+$0x11CA0]  }
0x416: {  	v24 =	vld [tilespmem:s0+$0x11D20]  }
0x417: {  	v25 =	vld [tilespmem:s0+$0x11DA0]  }
0x418: {  	v26 =	vld [tilespmem:s0+$0x11C30]  }
0x419: {  	v27 =	vld [tilespmem:s0+$0x11CB0]  }
0x41a: {  	v28 =	vld [tilespmem:s0+$0x11D30]  }
0x41b: {  	v29 =	vld [tilespmem:s0+$0x11DB0]  }
0x41c: {  	v30 =	vld [tilespmem:s0+$0x11C40]  }
0x41d: {  	v31 =	vld [tilespmem:s0+$0x11CC0]  }
0x41e: {  	v32 =	vld [tilespmem:s0+$0x11D40]  }
0x41f: {  	v33 =	vld [tilespmem:s0+$0x11DC0]  }
0x420: {  	v34 =	vld [tilespmem:s0+$0x11C50]  }
0x421: {  	v35 =	vld [tilespmem:s0+$0x11CD0]  }
0x422: {  	v36 =	vld [tilespmem:s0+$0x11D50];
	v11 =	vmax.f32 v11, v12  }
0x423: {  	v40 =	vld [tilespmem:s0+$0x11C60];
	v11 =	vmax.f32 v13, v11  }
0x424: {  	v43 =	vld [tilespmem:s0+$0x11CE0];
	v1 =	vmax.f32 v1, v11;
	v9 =	vmax.f32 v9, v10;
	v38 =	vmax.f32 v14, v15  }
0x425: {  	v45 =	vld [tilespmem:s0+$0x11D60];
	v39 =	vmax.f32 v16, v17;
	v41 =	vmax.f32 v18, v19;
	v42 =	vmax.f32 v20, v21  }
0x426: {  	v48 =	vld [tilespmem:s0+$0x11DE0];
	v46 =	vmax.f32 v22, v23;
	v47 =	vmax.f32 v24, v25;
	v49 =	vmax.f32 v26, v27  }
0x427: {  	v37 =	vld [tilespmem:s0+$0x11DD0];
	v50 =	vmax.f32 v28, v29;
	v52 =	vmax.f32 v30, v31;
	v11 =	vmax.f32 v38, v39  }
0x428: {  	v51 =	vld [tilespmem:s0+$0x11DF0];
	v53 =	vmax.f32 v32, v33;
	v44 =	vmax.f32 v41, v42;
	v4 =	vmax.f32 v4, v11  }
0x429: {  	v57 =	vmax.f32 v34, v35;
	v10 =	vmax.f32 v46, v47;
	v5 =	vmax.f32 v5, v44;
	[tilespmem:$0x1F780] =	vst v4  }
0x42a: {  	v60 =	vmax.f32 v40, v43;
	v14 =	vmax.f32 v49, v50;
	v2 =	vmax.f32 v2, v10;
	[tilespmem:$0x1F790] =	vst v5  }
0x42b: {  	v61 =	vmax.f32 v45, v48;
	v55 =	vmax.f32 v52, v53;
	v54 =	vmax.f32 v6, v14;
	[tilespmem:$0x1F7A0] =	vst v2  }
0x42c: {  	v58 =	vmax.f32 v36, v37;
	v63 =	vmax.f32 v60, v61;
	v56 =	vmax.f32 v7, v55;
	[tilespmem:$0x1F7B0] =	vst v54  }
0x42d: {  	v62 =	vmax.f32 v8, v51;
	v59 =	vmax.f32 v57, v58;
	v1 =	vmax.f32 v1, v63;
	[tilespmem:$0x1F7C0] =	vst v56  }
0x42e: {  	s31 =	sadd.s32 $0x1, s31;
	v2 =	vmax.f32 v3, v59;
	v4 =	vmax.f32 v9, v62;
	[tilespmem:$0x1F7E0] =	vst v1  }
0x42f: {  	p0 =	sne.s32 s31, s7;
	[tilespmem:$0x1F7D0] =	vst v2;
	v0 =	vmax.f32 v0, v4  }
.Ltmp12:
0x430: {  	[tilespmem:$0x1F7F0] =	vst v0;
	(pc) =	sbr.rel @p0 .LBB2_1-.Ltmp12, $4  }
0x431: {  	[hbm4b:s6+s3] =	stream.linear.scatter [tilespmem:s30], [sflag:$0x8], $0x4000, $0x38;
	[tilespmem:$0x1F800] =	vst v63  }
0x432: {  	_ =	swait.ge [sflag:s8], $0x4000  }
0x433: {  	[sflag:s8] =	ssyncset.done $0x0  }
0x434: {  	[sflag:s8] =	ssyncadd.s32 $0xFFFFC000  }
0x435: {  	_ =	sfence.sel $0x180000  }
0x436: {  	[bflag:$0x0] =	sbarrier.arrive $0xFFFF  }
0x437: {  	_ =	strace $0x90000047  }
0x438: {  	s0 =	stileid.u32;
	[bflag:$0x2] =	sbarrier.arrive $0xFFFF  }
0x439: {  	p0 =	sne.s32 s0, $0x0;
	s0 =	rddreg [dreg:$0x3]  }
0x43a: {  	s0 =	sadd.s32 @!p0 $0x100000, s0  }
0x43b: {  	[sflag:s0] =	ssyncadd.tile.s32 @!p0 $0x1;
	_ =	shalt  }
.Lfunc_end2:
_tile_overlayer_lowered:
.L_overlay_start_2:
0x43c: {  	(tag) =	ssettag $0x2  }
0x43d: {  	s0 =	rddreg [dreg:$0x0];
	s2 =	stileid.u32  }
0x43e: {  	s1 =	rddreg [dreg:$0x1];
	p0 =	sne.s32 s2, $0x0  }
0x43f: {  	s3 =	rddreg [dreg:$0x2];
	[bflag:$0x3] =	sbarrier.arrive $0xFFFF;
	s2 =	simm.s32 @!p0 $0x1C08  }
0x440: {  	[timem:s3], [sflag:s2] =	dma.local @!p0 [hbm:s0], s1  }
0x441: {  	s0 =	simm.s32 @!p0 $0x8  }
0x442: {  	_ =	swait.ge @!p0 [sflag:s0], s1  }
0x443: {  	s1 =	ssub.s32 @!p0 $0x0, s1;
	[sflag:s0] =	ssyncset.done @!p0 $0x0  }
0x444: {  	[sflag:s0] =	ssyncadd.s32 @!p0 s1  }
0x445: {  	[bflag:$0x3] =	sbarrier.arrive $0xFFFF  }
0x446: {  	_ =	shalt  }

</sc_bundles>
